<compile_context>
chip_gen: v7x
topology: tpu7x:2x2x1
jax: 0.10.2.dev20260603
libtpu: 0.0.44.dev20260713+nightly
codegen_flags: <defaults>
</compile_context>

<pallas_src>
import functools

import jax
import jax.numpy as jnp
from jax import lax
from jax.experimental import pallas as pl
from jax.experimental.pallas import tpu as pltpu
from jax.experimental.pallas import tpu_sc as plsc

_NC = 2
_NS = 16
_NW = _NC * _NS


@functools.lru_cache(maxsize=None)
def _make_gather(V, D, B, C, K):
    assert B % (_NW * C) == 0 and C % K == 0
    rows_per_worker = B // _NW
    num_chunks = rows_per_worker // C
    mesh = plsc.VectorSubcoreMesh(core_axis_name="c", subcore_axis_name="s")

    @functools.partial(
        pl.kernel,
        mesh=mesh,
        out_type=jax.ShapeDtypeStruct((B, D), jnp.float32),
        scratch_types=[
            pltpu.VMEM((C,), jnp.int32),
            pltpu.VMEM((C,), jnp.int32),
            pltpu.VMEM((C, D), jnp.float32),
            pltpu.VMEM((C, D), jnp.float32),
            pltpu.SemaphoreType.DMA,
            pltpu.SemaphoreType.DMA,
            pltpu.SemaphoreType.DMA,
            pltpu.SemaphoreType.DMA,
            pltpu.SemaphoreType.DMA,
            pltpu.SemaphoreType.DMA,
        ],
        compiler_params=pltpu.CompilerParams(use_tc_tiling_on_sc=False),
    )
    def k(t_hbm, idx_hbm, out_hbm,
          i0, i1, r0, r1, si0, si1, sg0, sg1, so0, so1):
        idx_v = (i0, i1)
        rows_v = (r0, r1)
        sem_i = (si0, si1)
        sem_o = (so0, so1)
        sem_g = (sg0, sg1)
        wid = lax.axis_index("s") * _NC + lax.axis_index("c")
        base = wid * rows_per_worker

        idx_d = {}
        out_d = {}
        for j in range(min(2, num_chunks)):
            idx_d[j] = pltpu.async_copy(
                idx_hbm.at[pl.ds(base + j * C, C)], idx_v[j % 2],
                sem_i[j % 2])
        for j in range(num_chunks):
            b = j % 2
            idx_d[j].wait()
            if j >= 2:
                out_d[j - 2].wait()
            S = C // K
            gd = [
                pltpu.async_copy(
                    t_hbm.at[idx_v[b].at[pl.ds(t * S, S)]],
                    rows_v[b].at[pl.ds(t * S, S)], sem_g[b])
                for t in range(K)
            ]
            for d in gd:
                d.wait()
            out_d[j] = pltpu.async_copy(
                rows_v[b], out_hbm.at[pl.ds(base + j * C, C)], sem_o[b])
            if j + 2 < num_chunks:
                idx_d[j + 2] = pltpu.async_copy(
                    idx_hbm.at[pl.ds(base + (j + 2) * C, C)], idx_v[b],
                    sem_i[b])
        for j in range(max(0, num_chunks - 2), num_chunks):
            out_d[j].wait()

    return k


def kernel(weight, indices):
    V, D = weight.shape
    B = indices.size
    idx = indices.reshape(-1).astype(jnp.int32)
    out = _make_gather(V, D, B, 1600, 4)(weight, idx)
    return out.reshape(indices.shape + (D,))

# --- scband reference (transcript-rebuilt; emitter-appended) ---
"""Pipeline reference for scband-embedding-test-72773925863849 (READ-ONLY COPY).

The authoritative reference and input builder live on the scoring server;
editing this copy changes nothing except your own understanding.
"""

import jax, jax.numpy as jnp
import numpy as np


def setup_inputs(seed: int = 0) -> dict:
    key = jax.random.key(seed)
    k1, k2 = jax.random.split(key)
    weight = jax.random.normal(k1, (1000000, 32), dtype=jnp.float32)
    indices = jax.random.randint(k2, (16384, 50), 0, 1000000, dtype=jnp.int64)
    return {"weight": weight, "indices": indices}


def reference(weight, indices):
    # torch.ops.aten.embedding.default(weight, indices) == weight[indices]
    return jnp.take(weight, indices, axis=0)

if __name__ == "__main__":
    import jax
    _d = setup_inputs()
    print(jax.jit(kernel)(*tuple(_d.values())))

</pallas_src>

<mosaic_0001>
#map = affine_map<(d0, d1) -> (0, 0)>
#map1 = affine_map<(d0, d1) -> (0)>
module attributes {stable_mosaic.version = 14 : i64} {
  func.func @k(%arg0: i32, %arg1: i32, %arg2: memref<1000000x32xf32, #tpu.memory_space<hbm>>, %arg3: memref<819200xi32, #tpu.memory_space<hbm>>, %arg4: memref<819200x32xf32, #tpu.memory_space<hbm>>, %arg5: memref<1600xi32, #tpu.memory_space<vmem>>, %arg6: memref<1600xi32, #tpu.memory_space<vmem>>, %arg7: memref<1600x32xf32, #tpu.memory_space<vmem>>, %arg8: memref<1600x32xf32, #tpu.memory_space<vmem>>, %arg9: memref<!tpu.dma_semaphore, #tpu.memory_space<semaphore_mem>>, %arg10: memref<!tpu.dma_semaphore, #tpu.memory_space<semaphore_mem>>, %arg11: memref<!tpu.dma_semaphore, #tpu.memory_space<semaphore_mem>>, %arg12: memref<!tpu.dma_semaphore, #tpu.memory_space<semaphore_mem>>, %arg13: memref<!tpu.dma_semaphore, #tpu.memory_space<semaphore_mem>>, %arg14: memref<!tpu.dma_semaphore, #tpu.memory_space<semaphore_mem>>) attributes {dimension_semantics = [#tpu.dimension_semantics<core_parallel>, #tpu.dimension_semantics<subcore_parallel>], iteration_bounds = array<i64: 2, 16>, scalar_prefetch = 0 : i64, scratch_operands = 10 : i64, tpu.core_type = #tpu.core_type<sc_vector_subcore>, window_params = [{transform_indices = #map}, {transform_indices = #map1}, {transform_indices = #map}]} {
    %mul3A = arith.constant 2 : i32
    %mul3A_0 = arith.muli %arg1, %mul3A : i32
    %add3A = arith.addi %mul3A_0, %arg0 : i32
    %mul3A_1 = arith.constant 25600 : i32
    %mul3A_2 = arith.muli %add3A, %mul3A_1 : i32
    %add3A_3 = arith.constant 0 : i32
    %add3A_4 = arith.addi %mul3A_2, %add3A_3 : i32
    %dma_start3A = tpu.memref_slice %arg3[%add3A_4] : memref<819200xi32, #tpu.memory_space<hbm>> -> memref<1600xi32, #tpu.memory_space<hbm>>
    %dma_start3A_5 = tpu.memref_slice %arg3[%add3A_4] : memref<819200xi32, #tpu.memory_space<hbm>> -> memref<1600xi32, #tpu.memory_space<hbm>>
    tpu.enqueue_dma source(%dma_start3A_5 : memref<1600xi32, #tpu.memory_space<hbm>>) target(%arg5 : memref<1600xi32, #tpu.memory_space<vmem>>) target_semaphore(%arg9 : memref<!tpu.dma_semaphore, #tpu.memory_space<semaphore_mem>>)
    %add3A_6 = arith.constant 1600 : i32
    %add3A_7 = arith.addi %mul3A_2, %add3A_6 : i32
    %dma_start3A_8 = tpu.memref_slice %arg3[%add3A_7] : memref<819200xi32, #tpu.memory_space<hbm>> -> memref<1600xi32, #tpu.memory_space<hbm>>
    %dma_start3A_9 = tpu.memref_slice %arg3[%add3A_7] : memref<819200xi32, #tpu.memory_space<hbm>> -> memref<1600xi32, #tpu.memory_space<hbm>>
    tpu.enqueue_dma source(%dma_start3A_9 : memref<1600xi32, #tpu.memory_space<hbm>>) target(%arg6 : memref<1600xi32, #tpu.memory_space<vmem>>) target_semaphore(%arg10 : memref<!tpu.dma_semaphore, #tpu.memory_space<semaphore_mem>>)
    %dma_wait3A = tpu.memref_slice %arg3[%add3A_4] : memref<819200xi32, #tpu.memory_space<hbm>> -> memref<1600xi32, #tpu.memory_space<hbm>>
    %dma_wait3A_10 = tpu.memref_slice %arg3[%add3A_4] : memref<819200xi32, #tpu.memory_space<hbm>> -> memref<1600xi32, #tpu.memory_space<hbm>>
    tpu.wait_dma2 semaphore(%arg9 : memref<!tpu.dma_semaphore, #tpu.memory_space<semaphore_mem>>) src(%dma_wait3A_10 : memref<1600xi32, #tpu.memory_space<hbm>>) dst(%arg5 : memref<1600xi32, #tpu.memory_space<vmem>>)
    %dma_start3A_11 = arith.constant 0 : i32
    %dma_start3A_12 = arith.constant 0 : i32
    %dma_start3A_13 = tpu.memref_slice %arg7[%dma_start3A_11, %dma_start3A_12] : memref<1600x32xf32, #tpu.memory_space<vmem>> -> memref<400x32xf32, #tpu.memory_space<vmem>>
    %dma_start3A_14 = arith.constant 0 : i32
    %dma_start3A_15 = tpu.memref_slice %arg5[%dma_start3A_14] : memref<1600xi32, #tpu.memory_space<vmem>> -> memref<400xi32, #tpu.memory_space<vmem>>
    %dma_start3A_16 = arith.constant 0 : i32
    %dma_start3A_17 = arith.constant 0 : i32
    %dma_start3A_18 = tpu.memref_slice %arg2[%dma_start3A_16, %dma_start3A_17] : memref<1000000x32xf32, #tpu.memory_space<hbm>> -> memref<1000000x32xf32, #tpu.memory_space<hbm>>
    tpu.enqueue_indirect_dma source(%dma_start3A_18 : memref<1000000x32xf32, #tpu.memory_space<hbm>>) target(%dma_start3A_13 : memref<400x32xf32, #tpu.memory_space<vmem>>) offsets(%dma_start3A_15 : memref<400xi32, #tpu.memory_space<vmem>>) semaphore(%arg11 : memref<!tpu.dma_semaphore, #tpu.memory_space<semaphore_mem>>)
    %dma_start3A_19 = arith.constant 400 : i32
    %dma_start3A_20 = arith.constant 0 : i32
    %dma_start3A_21 = tpu.memref_slice %arg7[%dma_start3A_19, %dma_start3A_20] : memref<1600x32xf32, #tpu.memory_space<vmem>> -> memref<400x32xf32, #tpu.memory_space<vmem>>
    %dma_start3A_22 = arith.constant 400 : i32
    %dma_start3A_23 = tpu.memref_slice %arg5[%dma_start3A_22] : memref<1600xi32, #tpu.memory_space<vmem>> -> memref<400xi32, #tpu.memory_space<vmem>>
    %dma_start3A_24 = arith.constant 0 : i32
    %dma_start3A_25 = arith.constant 0 : i32
    %dma_start3A_26 = tpu.memref_slice %arg2[%dma_start3A_24, %dma_start3A_25] : memref<1000000x32xf32, #tpu.memory_space<hbm>> -> memref<1000000x32xf32, #tpu.memory_space<hbm>>
    tpu.enqueue_indirect_dma source(%dma_start3A_26 : memref<1000000x32xf32, #tpu.memory_space<hbm>>) target(%dma_start3A_21 : memref<400x32xf32, #tpu.memory_space<vmem>>) offsets(%dma_start3A_23 : memref<400xi32, #tpu.memory_space<vmem>>) semaphore(%arg11 : memref<!tpu.dma_semaphore, #tpu.memory_space<semaphore_mem>>)
    %dma_start3A_27 = arith.constant 800 : i32
    %dma_start3A_28 = arith.constant 0 : i32
    %dma_start3A_29 = tpu.memref_slice %arg7[%dma_start3A_27, %dma_start3A_28] : memref<1600x32xf32, #tpu.memory_space<vmem>> -> memref<400x32xf32, #tpu.memory_space<vmem>>
    %dma_start3A_30 = arith.constant 800 : i32
    %dma_start3A_31 = tpu.memref_slice %arg5[%dma_start3A_30] : memref<1600xi32, #tpu.memory_space<vmem>> -> memref<400xi32, #tpu.memory_space<vmem>>
    %dma_start3A_32 = arith.constant 0 : i32
    %dma_start3A_33 = arith.constant 0 : i32
    %dma_start3A_34 = tpu.memref_slice %arg2[%dma_start3A_32, %dma_start3A_33] : memref<1000000x32xf32, #tpu.memory_space<hbm>> -> memref<1000000x32xf32, #tpu.memory_space<hbm>>
    tpu.enqueue_indirect_dma source(%dma_start3A_34 : memref<1000000x32xf32, #tpu.memory_space<hbm>>) target(%dma_start3A_29 : memref<400x32xf32, #tpu.memory_space<vmem>>) offsets(%dma_start3A_31 : memref<400xi32, #tpu.memory_space<vmem>>) semaphore(%arg11 : memref<!tpu.dma_semaphore, #tpu.memory_space<semaphore_mem>>)
    %dma_start3A_35 = arith.constant 1200 : i32
    %dma_start3A_36 = arith.constant 0 : i32
    %dma_start3A_37 = tpu.memref_slice %arg7[%dma_start3A_35, %dma_start3A_36] : memref<1600x32xf32, #tpu.memory_space<vmem>> -> memref<400x32xf32, #tpu.memory_space<vmem>>
    %dma_start3A_38 = arith.constant 1200 : i32
    %dma_start3A_39 = tpu.memref_slice %arg5[%dma_start3A_38] : memref<1600xi32, #tpu.memory_space<vmem>> -> memref<400xi32, #tpu.memory_space<vmem>>
    %dma_start3A_40 = arith.constant 0 : i32
    %dma_start3A_41 = arith.constant 0 : i32
    %dma_start3A_42 = tpu.memref_slice %arg2[%dma_start3A_40, %dma_start3A_41] : memref<1000000x32xf32, #tpu.memory_space<hbm>> -> memref<1000000x32xf32, #tpu.memory_space<hbm>>
    tpu.enqueue_indirect_dma source(%dma_start3A_42 : memref<1000000x32xf32, #tpu.memory_space<hbm>>) target(%dma_start3A_37 : memref<400x32xf32, #tpu.memory_space<vmem>>) offsets(%dma_start3A_39 : memref<400xi32, #tpu.memory_space<vmem>>) semaphore(%arg11 : memref<!tpu.dma_semaphore, #tpu.memory_space<semaphore_mem>>)
    %dma_wait3A_43 = arith.constant 0 : i32
    %dma_wait3A_44 = arith.constant 0 : i32
    %dma_wait3A_45 = tpu.memref_slice %arg7[%dma_wait3A_43, %dma_wait3A_44] : memref<1600x32xf32, #tpu.memory_space<vmem>> -> memref<400x32xf32, #tpu.memory_space<vmem>>
    %dma_wait3A_46 = arith.constant 0 : i32
    %dma_wait3A_47 = tpu.memref_slice %arg5[%dma_wait3A_46] : memref<1600xi32, #tpu.memory_space<vmem>> -> memref<400xi32, #tpu.memory_space<vmem>>
    %dma_wait3A_48 = arith.constant 0 : i32
    %dma_wait3A_49 = arith.constant 0 : i32
    %dma_wait3A_50 = tpu.memref_slice %arg2[%dma_wait3A_48, %dma_wait3A_49] : memref<1000000x32xf32, #tpu.memory_space<hbm>> -> memref<1000000x32xf32, #tpu.memory_space<hbm>>
    tpu.wait_indirect_dma semaphore(%arg11 : memref<!tpu.dma_semaphore, #tpu.memory_space<semaphore_mem>>) src(%dma_wait3A_50 : memref<1000000x32xf32, #tpu.memory_space<hbm>>) dst(%dma_wait3A_45 : memref<400x32xf32, #tpu.memory_space<vmem>>)
    %dma_wait3A_51 = arith.constant 400 : i32
    %dma_wait3A_52 = arith.constant 0 : i32
    %dma_wait3A_53 = tpu.memref_slice %arg7[%dma_wait3A_51, %dma_wait3A_52] : memref<1600x32xf32, #tpu.memory_space<vmem>> -> memref<400x32xf32, #tpu.memory_space<vmem>>
    %dma_wait3A_54 = arith.constant 400 : i32
    %dma_wait3A_55 = tpu.memref_slice %arg5[%dma_wait3A_54] : memref<1600xi32, #tpu.memory_space<vmem>> -> memref<400xi32, #tpu.memory_space<vmem>>
    %dma_wait3A_56 = arith.constant 0 : i32
    %dma_wait3A_57 = arith.constant 0 : i32
    %dma_wait3A_58 = tpu.memref_slice %arg2[%dma_wait3A_56, %dma_wait3A_57] : memref<1000000x32xf32, #tpu.memory_space<hbm>> -> memref<1000000x32xf32, #tpu.memory_space<hbm>>
    tpu.wait_indirect_dma semaphore(%arg11 : memref<!tpu.dma_semaphore, #tpu.memory_space<semaphore_mem>>) src(%dma_wait3A_58 : memref<1000000x32xf32, #tpu.memory_space<hbm>>) dst(%dma_wait3A_53 : memref<400x32xf32, #tpu.memory_space<vmem>>)
    %dma_wait3A_59 = arith.constant 800 : i32
    %dma_wait3A_60 = arith.constant 0 : i32
    %dma_wait3A_61 = tpu.memref_slice %arg7[%dma_wait3A_59, %dma_wait3A_60] : memref<1600x32xf32, #tpu.memory_space<vmem>> -> memref<400x32xf32, #tpu.memory_space<vmem>>
    %dma_wait3A_62 = arith.constant 800 : i32
    %dma_wait3A_63 = tpu.memref_slice %arg5[%dma_wait3A_62] : memref<1600xi32, #tpu.memory_space<vmem>> -> memref<400xi32, #tpu.memory_space<vmem>>
    %dma_wait3A_64 = arith.constant 0 : i32
    %dma_wait3A_65 = arith.constant 0 : i32
    %dma_wait3A_66 = tpu.memref_slice %arg2[%dma_wait3A_64, %dma_wait3A_65] : memref<1000000x32xf32, #tpu.memory_space<hbm>> -> memref<1000000x32xf32, #tpu.memory_space<hbm>>
    tpu.wait_indirect_dma semaphore(%arg11 : memref<!tpu.dma_semaphore, #tpu.memory_space<semaphore_mem>>) src(%dma_wait3A_66 : memref<1000000x32xf32, #tpu.memory_space<hbm>>) dst(%dma_wait3A_61 : memref<400x32xf32, #tpu.memory_space<vmem>>)
    %dma_wait3A_67 = arith.constant 1200 : i32
    %dma_wait3A_68 = arith.constant 0 : i32
    %dma_wait3A_69 = tpu.memref_slice %arg7[%dma_wait3A_67, %dma_wait3A_68] : memref<1600x32xf32, #tpu.memory_space<vmem>> -> memref<400x32xf32, #tpu.memory_space<vmem>>
    %dma_wait3A_70 = arith.constant 1200 : i32
    %dma_wait3A_71 = tpu.memref_slice %arg5[%dma_wait3A_70] : memref<1600xi32, #tpu.memory_space<vmem>> -> memref<400xi32, #tpu.memory_space<vmem>>
    %dma_wait3A_72 = arith.constant 0 : i32
    %dma_wait3A_73 = arith.constant 0 : i32
    %dma_wait3A_74 = tpu.memref_slice %arg2[%dma_wait3A_72, %dma_wait3A_73] : memref<1000000x32xf32, #tpu.memory_space<hbm>> -> memref<1000000x32xf32, #tpu.memory_space<hbm>>
    tpu.wait_indirect_dma semaphore(%arg11 : memref<!tpu.dma_semaphore, #tpu.memory_space<semaphore_mem>>) src(%dma_wait3A_74 : memref<1000000x32xf32, #tpu.memory_space<hbm>>) dst(%dma_wait3A_69 : memref<400x32xf32, #tpu.memory_space<vmem>>)
    %add3A_75 = arith.constant 0 : i32
    %add3A_76 = arith.addi %mul3A_2, %add3A_75 : i32
    %dma_start3A_77 = arith.constant 0 : i32
    %dma_start3A_78 = tpu.memref_slice %arg4[%add3A_76, %dma_start3A_77] : memref<819200x32xf32, #tpu.memory_space<hbm>> -> memref<1600x32xf32, #tpu.memory_space<hbm>>
    %dma_start3A_79 = arith.constant 0 : i32
    %dma_start3A_80 = tpu.memref_slice %arg4[%add3A_76, %dma_start3A_79] : memref<819200x32xf32, #tpu.memory_space<hbm>> -> memref<1600x32xf32, #tpu.memory_space<hbm>>
    tpu.enqueue_dma source(%arg7 : memref<1600x32xf32, #tpu.memory_space<vmem>>) target(%dma_start3A_80 : memref<1600x32xf32, #tpu.memory_space<hbm>>) target_semaphore(%arg13 : memref<!tpu.dma_semaphore, #tpu.memory_space<semaphore_mem>>)
    %add3A_81 = arith.constant 3200 : i32
    %add3A_82 = arith.addi %mul3A_2, %add3A_81 : i32
    %dma_start3A_83 = tpu.memref_slice %arg3[%add3A_82] : memref<819200xi32, #tpu.memory_space<hbm>> -> memref<1600xi32, #tpu.memory_space<hbm>>
    %dma_start3A_84 = tpu.memref_slice %arg3[%add3A_82] : memref<819200xi32, #tpu.memory_space<hbm>> -> memref<1600xi32, #tpu.memory_space<hbm>>
    tpu.enqueue_dma source(%dma_start3A_84 : memref<1600xi32, #tpu.memory_space<hbm>>) target(%arg5 : memref<1600xi32, #tpu.memory_space<vmem>>) target_semaphore(%arg9 : memref<!tpu.dma_semaphore, #tpu.memory_space<semaphore_mem>>)
    %dma_wait3A_85 = tpu.memref_slice %arg3[%add3A_7] : memref<819200xi32, #tpu.memory_space<hbm>> -> memref<1600xi32, #tpu.memory_space<hbm>>
    %dma_wait3A_86 = tpu.memref_slice %arg3[%add3A_7] : memref<819200xi32, #tpu.memory_space<hbm>> -> memref<1600xi32, #tpu.memory_space<hbm>>
    tpu.wait_dma2 semaphore(%arg10 : memref<!tpu.dma_semaphore, #tpu.memory_space<semaphore_mem>>) src(%dma_wait3A_86 : memref<1600xi32, #tpu.memory_space<hbm>>) dst(%arg6 : memref<1600xi32, #tpu.memory_space<vmem>>)
    %dma_start3A_87 = arith.constant 0 : i32
    %dma_start3A_88 = arith.constant 0 : i32
    %dma_start3A_89 = tpu.memref_slice %arg8[%dma_start3A_87, %dma_start3A_88] : memref<1600x32xf32, #tpu.memory_space<vmem>> -> memref<400x32xf32, #tpu.memory_space<vmem>>
    %dma_start3A_90 = arith.constant 0 : i32
    %dma_start3A_91 = tpu.memref_slice %arg6[%dma_start3A_90] : memref<1600xi32, #tpu.memory_space<vmem>> -> memref<400xi32, #tpu.memory_space<vmem>>
    %dma_start3A_92 = arith.constant 0 : i32
    %dma_start3A_93 = arith.constant 0 : i32
    %dma_start3A_94 = tpu.memref_slice %arg2[%dma_start3A_92, %dma_start3A_93] : memref<1000000x32xf32, #tpu.memory_space<hbm>> -> memref<1000000x32xf32, #tpu.memory_space<hbm>>
    tpu.enqueue_indirect_dma source(%dma_start3A_94 : memref<1000000x32xf32, #tpu.memory_space<hbm>>) target(%dma_start3A_89 : memref<400x32xf32, #tpu.memory_space<vmem>>) offsets(%dma_start3A_91 : memref<400xi32, #tpu.memory_space<vmem>>) semaphore(%arg12 : memref<!tpu.dma_semaphore, #tpu.memory_space<semaphore_mem>>)
    %dma_start3A_95 = arith.constant 400 : i32
    %dma_start3A_96 = arith.constant 0 : i32
    %dma_start3A_97 = tpu.memref_slice %arg8[%dma_start3A_95, %dma_start3A_96] : memref<1600x32xf32, #tpu.memory_space<vmem>> -> memref<400x32xf32, #tpu.memory_space<vmem>>
    %dma_start3A_98 = arith.constant 400 : i32
    %dma_start3A_99 = tpu.memref_slice %arg6[%dma_start3A_98] : memref<1600xi32, #tpu.memory_space<vmem>> -> memref<400xi32, #tpu.memory_space<vmem>>
    %dma_start3A_100 = arith.constant 0 : i32
    %dma_start3A_101 = arith.constant 0 : i32
    %dma_start3A_102 = tpu.memref_slice %arg2[%dma_start3A_100, %dma_start3A_101] : memref<1000000x32xf32, #tpu.memory_space<hbm>> -> memref<1000000x32xf32, #tpu.memory_space<hbm>>
    tpu.enqueue_indirect_dma source(%dma_start3A_102 : memref<1000000x32xf32, #tpu.memory_space<hbm>>) target(%dma_start3A_97 : memref<400x32xf32, #tpu.memory_space<vmem>>) offsets(%dma_start3A_99 : memref<400xi32, #tpu.memory_space<vmem>>) semaphore(%arg12 : memref<!tpu.dma_semaphore, #tpu.memory_space<semaphore_mem>>)
    %dma_start3A_103 = arith.constant 800 : i32
    %dma_start3A_104 = arith.constant 0 : i32
    %dma_start3A_105 = tpu.memref_slice %arg8[%dma_start3A_103, %dma_start3A_104] : memref<1600x32xf32, #tpu.memory_space<vmem>> -> memref<400x32xf32, #tpu.memory_space<vmem>>
    %dma_start3A_106 = arith.constant 800 : i32
    %dma_start3A_107 = tpu.memref_slice %arg6[%dma_start3A_106] : memref<1600xi32, #tpu.memory_space<vmem>> -> memref<400xi32, #tpu.memory_space<vmem>>
    %dma_start3A_108 = arith.constant 0 : i32
    %dma_start3A_109 = arith.constant 0 : i32
    %dma_start3A_110 = tpu.memref_slice %arg2[%dma_start3A_108, %dma_start3A_109] : memref<1000000x32xf32, #tpu.memory_space<hbm>> -> memref<1000000x32xf32, #tpu.memory_space<hbm>>
    tpu.enqueue_indirect_dma source(%dma_start3A_110 : memref<1000000x32xf32, #tpu.memory_space<hbm>>) target(%dma_start3A_105 : memref<400x32xf32, #tpu.memory_space<vmem>>) offsets(%dma_start3A_107 : memref<400xi32, #tpu.memory_space<vmem>>) semaphore(%arg12 : memref<!tpu.dma_semaphore, #tpu.memory_space<semaphore_mem>>)
    %dma_start3A_111 = arith.constant 1200 : i32
    %dma_start3A_112 = arith.constant 0 : i32
    %dma_start3A_113 = tpu.memref_slice %arg8[%dma_start3A_111, %dma_start3A_112] : memref<1600x32xf32, #tpu.memory_space<vmem>> -> memref<400x32xf32, #tpu.memory_space<vmem>>
    %dma_start3A_114 = arith.constant 1200 : i32
    %dma_start3A_115 = tpu.memref_slice %arg6[%dma_start3A_114] : memref<1600xi32, #tpu.memory_space<vmem>> -> memref<400xi32, #tpu.memory_space<vmem>>
    %dma_start3A_116 = arith.constant 0 : i32
    %dma_start3A_117 = arith.constant 0 : i32
    %dma_start3A_118 = tpu.memref_slice %arg2[%dma_start3A_116, %dma_start3A_117] : memref<1000000x32xf32, #tpu.memory_space<hbm>> -> memref<1000000x32xf32, #tpu.memory_space<hbm>>
    tpu.enqueue_indirect_dma source(%dma_start3A_118 : memref<1000000x32xf32, #tpu.memory_space<hbm>>) target(%dma_start3A_113 : memref<400x32xf32, #tpu.memory_space<vmem>>) offsets(%dma_start3A_115 : memref<400xi32, #tpu.memory_space<vmem>>) semaphore(%arg12 : memref<!tpu.dma_semaphore, #tpu.memory_space<semaphore_mem>>)
    %dma_wait3A_119 = arith.constant 0 : i32
    %dma_wait3A_120 = arith.constant 0 : i32
    %dma_wait3A_121 = tpu.memref_slice %arg8[%dma_wait3A_119, %dma_wait3A_120] : memref<1600x32xf32, #tpu.memory_space<vmem>> -> memref<400x32xf32, #tpu.memory_space<vmem>>
    %dma_wait3A_122 = arith.constant 0 : i32
    %dma_wait3A_123 = tpu.memref_slice %arg6[%dma_wait3A_122] : memref<1600xi32, #tpu.memory_space<vmem>> -> memref<400xi32, #tpu.memory_space<vmem>>
    %dma_wait3A_124 = arith.constant 0 : i32
    %dma_wait3A_125 = arith.constant 0 : i32
    %dma_wait3A_126 = tpu.memref_slice %arg2[%dma_wait3A_124, %dma_wait3A_125] : memref<1000000x32xf32, #tpu.memory_space<hbm>> -> memref<1000000x32xf32, #tpu.memory_space<hbm>>
    tpu.wait_indirect_dma semaphore(%arg12 : memref<!tpu.dma_semaphore, #tpu.memory_space<semaphore_mem>>) src(%dma_wait3A_126 : memref<1000000x32xf32, #tpu.memory_space<hbm>>) dst(%dma_wait3A_121 : memref<400x32xf32, #tpu.memory_space<vmem>>)
    %dma_wait3A_127 = arith.constant 400 : i32
    %dma_wait3A_128 = arith.constant 0 : i32
    %dma_wait3A_129 = tpu.memref_slice %arg8[%dma_wait3A_127, %dma_wait3A_128] : memref<1600x32xf32, #tpu.memory_space<vmem>> -> memref<400x32xf32, #tpu.memory_space<vmem>>
    %dma_wait3A_130 = arith.constant 400 : i32
    %dma_wait3A_131 = tpu.memref_slice %arg6[%dma_wait3A_130] : memref<1600xi32, #tpu.memory_space<vmem>> -> memref<400xi32, #tpu.memory_space<vmem>>
    %dma_wait3A_132 = arith.constant 0 : i32
    %dma_wait3A_133 = arith.constant 0 : i32
    %dma_wait3A_134 = tpu.memref_slice %arg2[%dma_wait3A_132, %dma_wait3A_133] : memref<1000000x32xf32, #tpu.memory_space<hbm>> -> memref<1000000x32xf32, #tpu.memory_space<hbm>>
    tpu.wait_indirect_dma semaphore(%arg12 : memref<!tpu.dma_semaphore, #tpu.memory_space<semaphore_mem>>) src(%dma_wait3A_134 : memref<1000000x32xf32, #tpu.memory_space<hbm>>) dst(%dma_wait3A_129 : memref<400x32xf32, #tpu.memory_space<vmem>>)
    %dma_wait3A_135 = arith.constant 800 : i32
    %dma_wait3A_136 = arith.constant 0 : i32
    %dma_wait3A_137 = tpu.memref_slice %arg8[%dma_wait3A_135, %dma_wait3A_136] : memref<1600x32xf32, #tpu.memory_space<vmem>> -> memref<400x32xf32, #tpu.memory_space<vmem>>
    %dma_wait3A_138 = arith.constant 800 : i32
    %dma_wait3A_139 = tpu.memref_slice %arg6[%dma_wait3A_138] : memref<1600xi32, #tpu.memory_space<vmem>> -> memref<400xi32, #tpu.memory_space<vmem>>
    %dma_wait3A_140 = arith.constant 0 : i32
    %dma_wait3A_141 = arith.constant 0 : i32
    %dma_wait3A_142 = tpu.memref_slice %arg2[%dma_wait3A_140, %dma_wait3A_141] : memref<1000000x32xf32, #tpu.memory_space<hbm>> -> memref<1000000x32xf32, #tpu.memory_space<hbm>>
    tpu.wait_indirect_dma semaphore(%arg12 : memref<!tpu.dma_semaphore, #tpu.memory_space<semaphore_mem>>) src(%dma_wait3A_142 : memref<1000000x32xf32, #tpu.memory_space<hbm>>) dst(%dma_wait3A_137 : memref<400x32xf32, #tpu.memory_space<vmem>>)
    %dma_wait3A_143 = arith.constant 1200 : i32
    %dma_wait3A_144 = arith.constant 0 : i32
    %dma_wait3A_145 = tpu.memref_slice %arg8[%dma_wait3A_143, %dma_wait3A_144] : memref<1600x32xf32, #tpu.memory_space<vmem>> -> memref<400x32xf32, #tpu.memory_space<vmem>>
    %dma_wait3A_146 = arith.constant 1200 : i32
    %dma_wait3A_147 = tpu.memref_slice %arg6[%dma_wait3A_146] : memref<1600xi32, #tpu.memory_space<vmem>> -> memref<400xi32, #tpu.memory_space<vmem>>
    %dma_wait3A_148 = arith.constant 0 : i32
    %dma_wait3A_149 = arith.constant 0 : i32
    %dma_wait3A_150 = tpu.memref_slice %arg2[%dma_wait3A_148, %dma_wait3A_149] : memref<1000000x32xf32, #tpu.memory_space<hbm>> -> memref<1000000x32xf32, #tpu.memory_space<hbm>>
    tpu.wait_indirect_dma semaphore(%arg12 : memref<!tpu.dma_semaphore, #tpu.memory_space<semaphore_mem>>) src(%dma_wait3A_150 : memref<1000000x32xf32, #tpu.memory_space<hbm>>) dst(%dma_wait3A_145 : memref<400x32xf32, #tpu.memory_space<vmem>>)
    %add3A_151 = arith.constant 1600 : i32
    %add3A_152 = arith.addi %mul3A_2, %add3A_151 : i32
    %dma_start3A_153 = arith.constant 0 : i32
    %dma_start3A_154 = tpu.memref_slice %arg4[%add3A_152, %dma_start3A_153] : memref<819200x32xf32, #tpu.memory_space<hbm>> -> memref<1600x32xf32, #tpu.memory_space<hbm>>
    %dma_start3A_155 = arith.constant 0 : i32
    %dma_start3A_156 = tpu.memref_slice %arg4[%add3A_152, %dma_start3A_155] : memref<819200x32xf32, #tpu.memory_space<hbm>> -> memref<1600x32xf32, #tpu.memory_space<hbm>>
    tpu.enqueue_dma source(%arg8 : memref<1600x32xf32, #tpu.memory_space<vmem>>) target(%dma_start3A_156 : memref<1600x32xf32, #tpu.memory_space<hbm>>) target_semaphore(%arg14 : memref<!tpu.dma_semaphore, #tpu.memory_space<semaphore_mem>>)
    %add3A_157 = arith.constant 4800 : i32
    %add3A_158 = arith.addi %mul3A_2, %add3A_157 : i32
    %dma_start3A_159 = tpu.memref_slice %arg3[%add3A_158] : memref<819200xi32, #tpu.memory_space<hbm>> -> memref<1600xi32, #tpu.memory_space<hbm>>
    %dma_start3A_160 = tpu.memref_slice %arg3[%add3A_158] : memref<819200xi32, #tpu.memory_space<hbm>> -> memref<1600xi32, #tpu.memory_space<hbm>>
    tpu.enqueue_dma source(%dma_start3A_160 : memref<1600xi32, #tpu.memory_space<hbm>>) target(%arg6 : memref<1600xi32, #tpu.memory_space<vmem>>) target_semaphore(%arg10 : memref<!tpu.dma_semaphore, #tpu.memory_space<semaphore_mem>>)
    %dma_wait3A_161 = tpu.memref_slice %arg3[%add3A_82] : memref<819200xi32, #tpu.memory_space<hbm>> -> memref<1600xi32, #tpu.memory_space<hbm>>
    %dma_wait3A_162 = tpu.memref_slice %arg3[%add3A_82] : memref<819200xi32, #tpu.memory_space<hbm>> -> memref<1600xi32, #tpu.memory_space<hbm>>
    tpu.wait_dma2 semaphore(%arg9 : memref<!tpu.dma_semaphore, #tpu.memory_space<semaphore_mem>>) src(%dma_wait3A_162 : memref<1600xi32, #tpu.memory_space<hbm>>) dst(%arg5 : memref<1600xi32, #tpu.memory_space<vmem>>)
    %dma_wait3A_163 = arith.constant 0 : i32
    %dma_wait3A_164 = tpu.memref_slice %arg4[%add3A_76, %dma_wait3A_163] : memref<819200x32xf32, #tpu.memory_space<hbm>> -> memref<1600x32xf32, #tpu.memory_space<hbm>>
    %dma_wait3A_165 = arith.constant 0 : i32
    %dma_wait3A_166 = tpu.memref_slice %arg4[%add3A_76, %dma_wait3A_165] : memref<819200x32xf32, #tpu.memory_space<hbm>> -> memref<1600x32xf32, #tpu.memory_space<hbm>>
    tpu.wait_dma2 semaphore(%arg13 : memref<!tpu.dma_semaphore, #tpu.memory_space<semaphore_mem>>) src(%arg7 : memref<1600x32xf32, #tpu.memory_space<vmem>>) dst(%dma_wait3A_166 : memref<1600x32xf32, #tpu.memory_space<hbm>>)
    %dma_start3A_167 = arith.constant 0 : i32
    %dma_start3A_168 = arith.constant 0 : i32
    %dma_start3A_169 = tpu.memref_slice %arg7[%dma_start3A_167, %dma_start3A_168] : memref<1600x32xf32, #tpu.memory_space<vmem>> -> memref<400x32xf32, #tpu.memory_space<vmem>>
    %dma_start3A_170 = arith.constant 0 : i32
    %dma_start3A_171 = tpu.memref_slice %arg5[%dma_start3A_170] : memref<1600xi32, #tpu.memory_space<vmem>> -> memref<400xi32, #tpu.memory_space<vmem>>
    %dma_start3A_172 = arith.constant 0 : i32
    %dma_start3A_173 = arith.constant 0 : i32
    %dma_start3A_174 = tpu.memref_slice %arg2[%dma_start3A_172, %dma_start3A_173] : memref<1000000x32xf32, #tpu.memory_space<hbm>> -> memref<1000000x32xf32, #tpu.memory_space<hbm>>
    tpu.enqueue_indirect_dma source(%dma_start3A_174 : memref<1000000x32xf32, #tpu.memory_space<hbm>>) target(%dma_start3A_169 : memref<400x32xf32, #tpu.memory_space<vmem>>) offsets(%dma_start3A_171 : memref<400xi32, #tpu.memory_space<vmem>>) semaphore(%arg11 : memref<!tpu.dma_semaphore, #tpu.memory_space<semaphore_mem>>)
    %dma_start3A_175 = arith.constant 400 : i32
    %dma_start3A_176 = arith.constant 0 : i32
    %dma_start3A_177 = tpu.memref_slice %arg7[%dma_start3A_175, %dma_start3A_176] : memref<1600x32xf32, #tpu.memory_space<vmem>> -> memref<400x32xf32, #tpu.memory_space<vmem>>
    %dma_start3A_178 = arith.constant 400 : i32
    %dma_start3A_179 = tpu.memref_slice %arg5[%dma_start3A_178] : memref<1600xi32, #tpu.memory_space<vmem>> -> memref<400xi32, #tpu.memory_space<vmem>>
    %dma_start3A_180 = arith.constant 0 : i32
    %dma_start3A_181 = arith.constant 0 : i32
    %dma_start3A_182 = tpu.memref_slice %arg2[%dma_start3A_180, %dma_start3A_181] : memref<1000000x32xf32, #tpu.memory_space<hbm>> -> memref<1000000x32xf32, #tpu.memory_space<hbm>>
    tpu.enqueue_indirect_dma source(%dma_start3A_182 : memref<1000000x32xf32, #tpu.memory_space<hbm>>) target(%dma_start3A_177 : memref<400x32xf32, #tpu.memory_space<vmem>>) offsets(%dma_start3A_179 : memref<400xi32, #tpu.memory_space<vmem>>) semaphore(%arg11 : memref<!tpu.dma_semaphore, #tpu.memory_space<semaphore_mem>>)
    %dma_start3A_183 = arith.constant 800 : i32
    %dma_start3A_184 = arith.constant 0 : i32
    %dma_start3A_185 = tpu.memref_slice %arg7[%dma_start3A_183, %dma_start3A_184] : memref<1600x32xf32, #tpu.memory_space<vmem>> -> memref<400x32xf32, #tpu.memory_space<vmem>>
    %dma_start3A_186 = arith.constant 800 : i32
    %dma_start3A_187 = tpu.memref_slice %arg5[%dma_start3A_186] : memref<1600xi32, #tpu.memory_space<vmem>> -> memref<400xi32, #tpu.memory_space<vmem>>
    %dma_start3A_188 = arith.constant 0 : i32
    %dma_start3A_189 = arith.constant 0 : i32
    %dma_start3A_190 = tpu.memref_slice %arg2[%dma_start3A_188, %dma_start3A_189] : memref<1000000x32xf32, #tpu.memory_space<hbm>> -> memref<1000000x32xf32, #tpu.memory_space<hbm>>
    tpu.enqueue_indirect_dma source(%dma_start3A_190 : memref<1000000x32xf32, #tpu.memory_space<hbm>>) target(%dma_start3A_185 : memref<400x32xf32, #tpu.memory_space<vmem>>) offsets(%dma_start3A_187 : memref<400xi32, #tpu.memory_space<vmem>>) semaphore(%arg11 : memref<!tpu.dma_semaphore, #tpu.memory_space<semaphore_mem>>)
    %dma_start3A_191 = arith.constant 1200 : i32
    %dma_start3A_192 = arith.constant 0 : i32
    %dma_start3A_193 = tpu.memref_slice %arg7[%dma_start3A_191, %dma_start3A_192] : memref<1600x32xf32, #tpu.memory_space<vmem>> -> memref<400x32xf32, #tpu.memory_space<vmem>>
    %dma_start3A_194 = arith.constant 1200 : i32
    %dma_start3A_195 = tpu.memref_slice %arg5[%dma_start3A_194] : memref<1600xi32, #tpu.memory_space<vmem>> -> memref<400xi32, #tpu.memory_space<vmem>>
    %dma_start3A_196 = arith.constant 0 : i32
    %dma_start3A_197 = arith.constant 0 : i32
    %dma_start3A_198 = tpu.memref_slice %arg2[%dma_start3A_196, %dma_start3A_197] : memref<1000000x32xf32, #tpu.memory_space<hbm>> -> memref<1000000x32xf32, #tpu.memory_space<hbm>>
    tpu.enqueue_indirect_dma source(%dma_start3A_198 : memref<1000000x32xf32, #tpu.memory_space<hbm>>) target(%dma_start3A_193 : memref<400x32xf32, #tpu.memory_space<vmem>>) offsets(%dma_start3A_195 : memref<400xi32, #tpu.memory_space<vmem>>) semaphore(%arg11 : memref<!tpu.dma_semaphore, #tpu.memory_space<semaphore_mem>>)
    %dma_wait3A_199 = arith.constant 0 : i32
    %dma_wait3A_200 = arith.constant 0 : i32
    %dma_wait3A_201 = tpu.memref_slice %arg7[%dma_wait3A_199, %dma_wait3A_200] : memref<1600x32xf32, #tpu.memory_space<vmem>> -> memref<400x32xf32, #tpu.memory_space<vmem>>
    %dma_wait3A_202 = arith.constant 0 : i32
    %dma_wait3A_203 = tpu.memref_slice %arg5[%dma_wait3A_202] : memref<1600xi32, #tpu.memory_space<vmem>> -> memref<400xi32, #tpu.memory_space<vmem>>
    %dma_wait3A_204 = arith.constant 0 : i32
    %dma_wait3A_205 = arith.constant 0 : i32
    %dma_wait3A_206 = tpu.memref_slice %arg2[%dma_wait3A_204, %dma_wait3A_205] : memref<1000000x32xf32, #tpu.memory_space<hbm>> -> memref<1000000x32xf32, #tpu.memory_space<hbm>>
    tpu.wait_indirect_dma semaphore(%arg11 : memref<!tpu.dma_semaphore, #tpu.memory_space<semaphore_mem>>) src(%dma_wait3A_206 : memref<1000000x32xf32, #tpu.memory_space<hbm>>) dst(%dma_wait3A_201 : memref<400x32xf32, #tpu.memory_space<vmem>>)
    %dma_wait3A_207 = arith.constant 400 : i32
    %dma_wait3A_208 = arith.constant 0 : i32
    %dma_wait3A_209 = tpu.memref_slice %arg7[%dma_wait3A_207, %dma_wait3A_208] : memref<1600x32xf32, #tpu.memory_space<vmem>> -> memref<400x32xf32, #tpu.memory_space<vmem>>
    %dma_wait3A_210 = arith.constant 400 : i32
    %dma_wait3A_211 = tpu.memref_slice %arg5[%dma_wait3A_210] : memref<1600xi32, #tpu.memory_space<vmem>> -> memref<400xi32, #tpu.memory_space<vmem>>
    %dma_wait3A_212 = arith.constant 0 : i32
    %dma_wait3A_213 = arith.constant 0 : i32
    %dma_wait3A_214 = tpu.memref_slice %arg2[%dma_wait3A_212, %dma_wait3A_213] : memref<1000000x32xf32, #tpu.memory_space<hbm>> -> memref<1000000x32xf32, #tpu.memory_space<hbm>>
    tpu.wait_indirect_dma semaphore(%arg11 : memref<!tpu.dma_semaphore, #tpu.memory_space<semaphore_mem>>) src(%dma_wait3A_214 : memref<1000000x32xf32, #tpu.memory_space<hbm>>) dst(%dma_wait3A_209 : memref<400x32xf32, #tpu.memory_space<vmem>>)
    %dma_wait3A_215 = arith.constant 800 : i32
    %dma_wait3A_216 = arith.constant 0 : i32
    %dma_wait3A_217 = tpu.memref_slice %arg7[%dma_wait3A_215, %dma_wait3A_216] : memref<1600x32xf32, #tpu.memory_space<vmem>> -> memref<400x32xf32, #tpu.memory_space<vmem>>
    %dma_wait3A_218 = arith.constant 800 : i32
    %dma_wait3A_219 = tpu.memref_slice %arg5[%dma_wait3A_218] : memref<1600xi32, #tpu.memory_space<vmem>> -> memref<400xi32, #tpu.memory_space<vmem>>
    %dma_wait3A_220 = arith.constant 0 : i32
    %dma_wait3A_221 = arith.constant 0 : i32
    %dma_wait3A_222 = tpu.memref_slice %arg2[%dma_wait3A_220, %dma_wait3A_221] : memref<1000000x32xf32, #tpu.memory_space<hbm>> -> memref<1000000x32xf32, #tpu.memory_space<hbm>>
    tpu.wait_indirect_dma semaphore(%arg11 : memref<!tpu.dma_semaphore, #tpu.memory_space<semaphore_mem>>) src(%dma_wait3A_222 : memref<1000000x32xf32, #tpu.memory_space<hbm>>) dst(%dma_wait3A_217 : memref<400x32xf32, #tpu.memory_space<vmem>>)
    %dma_wait3A_223 = arith.constant 1200 : i32
    %dma_wait3A_224 = arith.constant 0 : i32
    %dma_wait3A_225 = tpu.memref_slice %arg7[%dma_wait3A_223, %dma_wait3A_224] : memref<1600x32xf32, #tpu.memory_space<vmem>> -> memref<400x32xf32, #tpu.memory_space<vmem>>
    %dma_wait3A_226 = arith.constant 1200 : i32
    %dma_wait3A_227 = tpu.memref_slice %arg5[%dma_wait3A_226] : memref<1600xi32, #tpu.memory_space<vmem>> -> memref<400xi32, #tpu.memory_space<vmem>>
    %dma_wait3A_228 = arith.constant 0 : i32
    %dma_wait3A_229 = arith.constant 0 : i32
    %dma_wait3A_230 = tpu.memref_slice %arg2[%dma_wait3A_228, %dma_wait3A_229] : memref<1000000x32xf32, #tpu.memory_space<hbm>> -> memref<1000000x32xf32, #tpu.memory_space<hbm>>
    tpu.wait_indirect_dma semaphore(%arg11 : memref<!tpu.dma_semaphore, #tpu.memory_space<semaphore_mem>>) src(%dma_wait3A_230 : memref<1000000x32xf32, #tpu.memory_space<hbm>>) dst(%dma_wait3A_225 : memref<400x32xf32, #tpu.memory_space<vmem>>)
    %add3A_231 = arith.constant 3200 : i32
    %add3A_232 = arith.addi %mul3A_2, %add3A_231 : i32
    %dma_start3A_233 = arith.constant 0 : i32
    %dma_start3A_234 = tpu.memref_slice %arg4[%add3A_232, %dma_start3A_233] : memref<819200x32xf32, #tpu.memory_space<hbm>> -> memref<1600x32xf32, #tpu.memory_space<hbm>>
    %dma_start3A_235 = arith.constant 0 : i32
    %dma_start3A_236 = tpu.memref_slice %arg4[%add3A_232, %dma_start3A_235] : memref<819200x32xf32, #tpu.memory_space<hbm>> -> memref<1600x32xf32, #tpu.memory_space<hbm>>
    tpu.enqueue_dma source(%arg7 : memref<1600x32xf32, #tpu.memory_space<vmem>>) target(%dma_start3A_236 : memref<1600x32xf32, #tpu.memory_space<hbm>>) target_semaphore(%arg13 : memref<!tpu.dma_semaphore, #tpu.memory_space<semaphore_mem>>)
    %add3A_237 = arith.constant 6400 : i32
    %add3A_238 = arith.addi %mul3A_2, %add3A_237 : i32
    %dma_start3A_239 = tpu.memref_slice %arg3[%add3A_238] : memref<819200xi32, #tpu.memory_space<hbm>> -> memref<1600xi32, #tpu.memory_space<hbm>>
    %dma_start3A_240 = tpu.memref_slice %arg3[%add3A_238] : memref<819200xi32, #tpu.memory_space<hbm>> -> memref<1600xi32, #tpu.memory_space<hbm>>
    tpu.enqueue_dma source(%dma_start3A_240 : memref<1600xi32, #tpu.memory_space<hbm>>) target(%arg5 : memref<1600xi32, #tpu.memory_space<vmem>>) target_semaphore(%arg9 : memref<!tpu.dma_semaphore, #tpu.memory_space<semaphore_mem>>)
    %dma_wait3A_241 = tpu.memref_slice %arg3[%add3A_158] : memref<819200xi32, #tpu.memory_space<hbm>> -> memref<1600xi32, #tpu.memory_space<hbm>>
    %dma_wait3A_242 = tpu.memref_slice %arg3[%add3A_158] : memref<819200xi32, #tpu.memory_space<hbm>> -> memref<1600xi32, #tpu.memory_space<hbm>>
    tpu.wait_dma2 semaphore(%arg10 : memref<!tpu.dma_semaphore, #tpu.memory_space<semaphore_mem>>) src(%dma_wait3A_242 : memref<1600xi32, #tpu.memory_space<hbm>>) dst(%arg6 : memref<1600xi32, #tpu.memory_space<vmem>>)
    %dma_wait3A_243 = arith.constant 0 : i32
    %dma_wait3A_244 = tpu.memref_slice %arg4[%add3A_152, %dma_wait3A_243] : memref<819200x32xf32, #tpu.memory_space<hbm>> -> memref<1600x32xf32, #tpu.memory_space<hbm>>
    %dma_wait3A_245 = arith.constant 0 : i32
    %dma_wait3A_246 = tpu.memref_slice %arg4[%add3A_152, %dma_wait3A_245] : memref<819200x32xf32, #tpu.memory_space<hbm>> -> memref<1600x32xf32, #tpu.memory_space<hbm>>
    tpu.wait_dma2 semaphore(%arg14 : memref<!tpu.dma_semaphore, #tpu.memory_space<semaphore_mem>>) src(%arg8 : memref<1600x32xf32, #tpu.memory_space<vmem>>) dst(%dma_wait3A_246 : memref<1600x32xf32, #tpu.memory_space<hbm>>)
    %dma_start3A_247 = arith.constant 0 : i32
    %dma_start3A_248 = arith.constant 0 : i32
    %dma_start3A_249 = tpu.memref_slice %arg8[%dma_start3A_247, %dma_start3A_248] : memref<1600x32xf32, #tpu.memory_space<vmem>> -> memref<400x32xf32, #tpu.memory_space<vmem>>
    %dma_start3A_250 = arith.constant 0 : i32
    %dma_start3A_251 = tpu.memref_slice %arg6[%dma_start3A_250] : memref<1600xi32, #tpu.memory_space<vmem>> -> memref<400xi32, #tpu.memory_space<vmem>>
    %dma_start3A_252 = arith.constant 0 : i32
    %dma_start3A_253 = arith.constant 0 : i32
    %dma_start3A_254 = tpu.memref_slice %arg2[%dma_start3A_252, %dma_start3A_253] : memref<1000000x32xf32, #tpu.memory_space<hbm>> -> memref<1000000x32xf32, #tpu.memory_space<hbm>>
    tpu.enqueue_indirect_dma source(%dma_start3A_254 : memref<1000000x32xf32, #tpu.memory_space<hbm>>) target(%dma_start3A_249 : memref<400x32xf32, #tpu.memory_space<vmem>>) offsets(%dma_start3A_251 : memref<400xi32, #tpu.memory_space<vmem>>) semaphore(%arg12 : memref<!tpu.dma_semaphore, #tpu.memory_space<semaphore_mem>>)
    %dma_start3A_255 = arith.constant 400 : i32
    %dma_start3A_256 = arith.constant 0 : i32
    %dma_start3A_257 = tpu.memref_slice %arg8[%dma_start3A_255, %dma_start3A_256] : memref<1600x32xf32, #tpu.memory_space<vmem>> -> memref<400x32xf32, #tpu.memory_space<vmem>>
    %dma_start3A_258 = arith.constant 400 : i32
    %dma_start3A_259 = tpu.memref_slice %arg6[%dma_start3A_258] : memref<1600xi32, #tpu.memory_space<vmem>> -> memref<400xi32, #tpu.memory_space<vmem>>
    %dma_start3A_260 = arith.constant 0 : i32
    %dma_start3A_261 = arith.constant 0 : i32
    %dma_start3A_262 = tpu.memref_slice %arg2[%dma_start3A_260, %dma_start3A_261] : memref<1000000x32xf32, #tpu.memory_space<hbm>> -> memref<1000000x32xf32, #tpu.memory_space<hbm>>
    tpu.enqueue_indirect_dma source(%dma_start3A_262 : memref<1000000x32xf32, #tpu.memory_space<hbm>>) target(%dma_start3A_257 : memref<400x32xf32, #tpu.memory_space<vmem>>) offsets(%dma_start3A_259 : memref<400xi32, #tpu.memory_space<vmem>>) semaphore(%arg12 : memref<!tpu.dma_semaphore, #tpu.memory_space<semaphore_mem>>)
    %dma_start3A_263 = arith.constant 800 : i32
    %dma_start3A_264 = arith.constant 0 : i32
    %dma_start3A_265 = tpu.memref_slice %arg8[%dma_start3A_263, %dma_start3A_264] : memref<1600x32xf32, #tpu.memory_space<vmem>> -> memref<400x32xf32, #tpu.memory_space<vmem>>
    %dma_start3A_266 = arith.constant 800 : i32
    %dma_start3A_267 = tpu.memref_slice %arg6[%dma_start3A_266] : memref<1600xi32, #tpu.memory_space<vmem>> -> memref<400xi32, #tpu.memory_space<vmem>>
    %dma_start3A_268 = arith.constant 0 : i32
    %dma_start3A_269 = arith.constant 0 : i32
    %dma_start3A_270 = tpu.memref_slice %arg2[%dma_start3A_268, %dma_start3A_269] : memref<1000000x32xf32, #tpu.memory_space<hbm>> -> memref<1000000x32xf32, #tpu.memory_space<hbm>>
    tpu.enqueue_indirect_dma source(%dma_start3A_270 : memref<1000000x32xf32, #tpu.memory_space<hbm>>) target(%dma_start3A_265 : memref<400x32xf32, #tpu.memory_space<vmem>>) offsets(%dma_start3A_267 : memref<400xi32, #tpu.memory_space<vmem>>) semaphore(%arg12 : memref<!tpu.dma_semaphore, #tpu.memory_space<semaphore_mem>>)
    %dma_start3A_271 = arith.constant 1200 : i32
    %dma_start3A_272 = arith.constant 0 : i32
    %dma_start3A_273 = tpu.memref_slice %arg8[%dma_start3A_271, %dma_start3A_272] : memref<1600x32xf32, #tpu.memory_space<vmem>> -> memref<400x32xf32, #tpu.memory_space<vmem>>
    %dma_start3A_274 = arith.constant 1200 : i32
    %dma_start3A_275 = tpu.memref_slice %arg6[%dma_start3A_274] : memref<1600xi32, #tpu.memory_space<vmem>> -> memref<400xi32, #tpu.memory_space<vmem>>
    %dma_start3A_276 = arith.constant 0 : i32
    %dma_start3A_277 = arith.constant 0 : i32
    %dma_start3A_278 = tpu.memref_slice %arg2[%dma_start3A_276, %dma_start3A_277] : memref<1000000x32xf32, #tpu.memory_space<hbm>> -> memref<1000000x32xf32, #tpu.memory_space<hbm>>
    tpu.enqueue_indirect_dma source(%dma_start3A_278 : memref<1000000x32xf32, #tpu.memory_space<hbm>>) target(%dma_start3A_273 : memref<400x32xf32, #tpu.memory_space<vmem>>) offsets(%dma_start3A_275 : memref<400xi32, #tpu.memory_space<vmem>>) semaphore(%arg12 : memref<!tpu.dma_semaphore, #tpu.memory_space<semaphore_mem>>)
    %dma_wait3A_279 = arith.constant 0 : i32
    %dma_wait3A_280 = arith.constant 0 : i32
    %dma_wait3A_281 = tpu.memref_slice %arg8[%dma_wait3A_279, %dma_wait3A_280] : memref<1600x32xf32, #tpu.memory_space<vmem>> -> memref<400x32xf32, #tpu.memory_space<vmem>>
    %dma_wait3A_282 = arith.constant 0 : i32
    %dma_wait3A_283 = tpu.memref_slice %arg6[%dma_wait3A_282] : memref<1600xi32, #tpu.memory_space<vmem>> -> memref<400xi32, #tpu.memory_space<vmem>>
    %dma_wait3A_284 = arith.constant 0 : i32
    %dma_wait3A_285 = arith.constant 0 : i32
    %dma_wait3A_286 = tpu.memref_slice %arg2[%dma_wait3A_284, %dma_wait3A_285] : memref<1000000x32xf32, #tpu.memory_space<hbm>> -> memref<1000000x32xf32, #tpu.memory_space<hbm>>
    tpu.wait_indirect_dma semaphore(%arg12 : memref<!tpu.dma_semaphore, #tpu.memory_space<semaphore_mem>>) src(%dma_wait3A_286 : memref<1000000x32xf32, #tpu.memory_space<hbm>>) dst(%dma_wait3A_281 : memref<400x32xf32, #tpu.memory_space<vmem>>)
    %dma_wait3A_287 = arith.constant 400 : i32
    %dma_wait3A_288 = arith.constant 0 : i32
    %dma_wait3A_289 = tpu.memref_slice %arg8[%dma_wait3A_287, %dma_wait3A_288] : memref<1600x32xf32, #tpu.memory_space<vmem>> -> memref<400x32xf32, #tpu.memory_space<vmem>>
    %dma_wait3A_290 = arith.constant 400 : i32
    %dma_wait3A_291 = tpu.memref_slice %arg6[%dma_wait3A_290] : memref<1600xi32, #tpu.memory_space<vmem>> -> memref<400xi32, #tpu.memory_space<vmem>>
    %dma_wait3A_292 = arith.constant 0 : i32
    %dma_wait3A_293 = arith.constant 0 : i32
    %dma_wait3A_294 = tpu.memref_slice %arg2[%dma_wait3A_292, %dma_wait3A_293] : memref<1000000x32xf32, #tpu.memory_space<hbm>> -> memref<1000000x32xf32, #tpu.memory_space<hbm>>
    tpu.wait_indirect_dma semaphore(%arg12 : memref<!tpu.dma_semaphore, #tpu.memory_space<semaphore_mem>>) src(%dma_wait3A_294 : memref<1000000x32xf32, #tpu.memory_space<hbm>>) dst(%dma_wait3A_289 : memref<400x32xf32, #tpu.memory_space<vmem>>)
    %dma_wait3A_295 = arith.constant 800 : i32
    %dma_wait3A_296 = arith.constant 0 : i32
    %dma_wait3A_297 = tpu.memref_slice %arg8[%dma_wait3A_295, %dma_wait3A_296] : memref<1600x32xf32, #tpu.memory_space<vmem>> -> memref<400x32xf32, #tpu.memory_space<vmem>>
    %dma_wait3A_298 = arith.constant 800 : i32
    %dma_wait3A_299 = tpu.memref_slice %arg6[%dma_wait3A_298] : memref<1600xi32, #tpu.memory_space<vmem>> -> memref<400xi32, #tpu.memory_space<vmem>>
    %dma_wait3A_300 = arith.constant 0 : i32
    %dma_wait3A_301 = arith.constant 0 : i32
    %dma_wait3A_302 = tpu.memref_slice %arg2[%dma_wait3A_300, %dma_wait3A_301] : memref<1000000x32xf32, #tpu.memory_space<hbm>> -> memref<1000000x32xf32, #tpu.memory_space<hbm>>
    tpu.wait_indirect_dma semaphore(%arg12 : memref<!tpu.dma_semaphore, #tpu.memory_space<semaphore_mem>>) src(%dma_wait3A_302 : memref<1000000x32xf32, #tpu.memory_space<hbm>>) dst(%dma_wait3A_297 : memref<400x32xf32, #tpu.memory_space<vmem>>)
    %dma_wait3A_303 = arith.constant 1200 : i32
    %dma_wait3A_304 = arith.constant 0 : i32
    %dma_wait3A_305 = tpu.memref_slice %arg8[%dma_wait3A_303, %dma_wait3A_304] : memref<1600x32xf32, #tpu.memory_space<vmem>> -> memref<400x32xf32, #tpu.memory_space<vmem>>
    %dma_wait3A_306 = arith.constant 1200 : i32
    %dma_wait3A_307 = tpu.memref_slice %arg6[%dma_wait3A_306] : memref<1600xi32, #tpu.memory_space<vmem>> -> memref<400xi32, #tpu.memory_space<vmem>>
    %dma_wait3A_308 = arith.constant 0 : i32
    %dma_wait3A_309 = arith.constant 0 : i32
    %dma_wait3A_310 = tpu.memref_slice %arg2[%dma_wait3A_308, %dma_wait3A_309] : memref<1000000x32xf32, #tpu.memory_space<hbm>> -> memref<1000000x32xf32, #tpu.memory_space<hbm>>
    tpu.wait_indirect_dma semaphore(%arg12 : memref<!tpu.dma_semaphore, #tpu.memory_space<semaphore_mem>>) src(%dma_wait3A_310 : memref<1000000x32xf32, #tpu.memory_space<hbm>>) dst(%dma_wait3A_305 : memref<400x32xf32, #tpu.memory_space<vmem>>)
    %add3A_311 = arith.constant 4800 : i32
    %add3A_312 = arith.addi %mul3A_2, %add3A_311 : i32
    %dma_start3A_313 = arith.constant 0 : i32
    %dma_start3A_314 = tpu.memref_slice %arg4[%add3A_312, %dma_start3A_313] : memref<819200x32xf32, #tpu.memory_space<hbm>> -> memref<1600x32xf32, #tpu.memory_space<hbm>>
    %dma_start3A_315 = arith.constant 0 : i32
    %dma_start3A_316 = tpu.memref_slice %arg4[%add3A_312, %dma_start3A_315] : memref<819200x32xf32, #tpu.memory_space<hbm>> -> memref<1600x32xf32, #tpu.memory_space<hbm>>
    tpu.enqueue_dma source(%arg8 : memref<1600x32xf32, #tpu.memory_space<vmem>>) target(%dma_start3A_316 : memref<1600x32xf32, #tpu.memory_space<hbm>>) target_semaphore(%arg14 : memref<!tpu.dma_semaphore, #tpu.memory_space<semaphore_mem>>)
    %add3A_317 = arith.constant 8000 : i32
    %add3A_318 = arith.addi %mul3A_2, %add3A_317 : i32
    %dma_start3A_319 = tpu.memref_slice %arg3[%add3A_318] : memref<819200xi32, #tpu.memory_space<hbm>> -> memref<1600xi32, #tpu.memory_space<hbm>>
    %dma_start3A_320 = tpu.memref_slice %arg3[%add3A_318] : memref<819200xi32, #tpu.memory_space<hbm>> -> memref<1600xi32, #tpu.memory_space<hbm>>
    tpu.enqueue_dma source(%dma_start3A_320 : memref<1600xi32, #tpu.memory_space<hbm>>) target(%arg6 : memref<1600xi32, #tpu.memory_space<vmem>>) target_semaphore(%arg10 : memref<!tpu.dma_semaphore, #tpu.memory_space<semaphore_mem>>)
    %dma_wait3A_321 = tpu.memref_slice %arg3[%add3A_238] : memref<819200xi32, #tpu.memory_space<hbm>> -> memref<1600xi32, #tpu.memory_space<hbm>>
    %dma_wait3A_322 = tpu.memref_slice %arg3[%add3A_238] : memref<819200xi32, #tpu.memory_space<hbm>> -> memref<1600xi32, #tpu.memory_space<hbm>>
    tpu.wait_dma2 semaphore(%arg9 : memref<!tpu.dma_semaphore, #tpu.memory_space<semaphore_mem>>) src(%dma_wait3A_322 : memref<1600xi32, #tpu.memory_space<hbm>>) dst(%arg5 : memref<1600xi32, #tpu.memory_space<vmem>>)
    %dma_wait3A_323 = arith.constant 0 : i32
    %dma_wait3A_324 = tpu.memref_slice %arg4[%add3A_232, %dma_wait3A_323] : memref<819200x32xf32, #tpu.memory_space<hbm>> -> memref<1600x32xf32, #tpu.memory_space<hbm>>
    %dma_wait3A_325 = arith.constant 0 : i32
    %dma_wait3A_326 = tpu.memref_slice %arg4[%add3A_232, %dma_wait3A_325] : memref<819200x32xf32, #tpu.memory_space<hbm>> -> memref<1600x32xf32, #tpu.memory_space<hbm>>
    tpu.wait_dma2 semaphore(%arg13 : memref<!tpu.dma_semaphore, #tpu.memory_space<semaphore_mem>>) src(%arg7 : memref<1600x32xf32, #tpu.memory_space<vmem>>) dst(%dma_wait3A_326 : memref<1600x32xf32, #tpu.memory_space<hbm>>)
    %dma_start3A_327 = arith.constant 0 : i32
    %dma_start3A_328 = arith.constant 0 : i32
    %dma_start3A_329 = tpu.memref_slice %arg7[%dma_start3A_327, %dma_start3A_328] : memref<1600x32xf32, #tpu.memory_space<vmem>> -> memref<400x32xf32, #tpu.memory_space<vmem>>
    %dma_start3A_330 = arith.constant 0 : i32
    %dma_start3A_331 = tpu.memref_slice %arg5[%dma_start3A_330] : memref<1600xi32, #tpu.memory_space<vmem>> -> memref<400xi32, #tpu.memory_space<vmem>>
    %dma_start3A_332 = arith.constant 0 : i32
    %dma_start3A_333 = arith.constant 0 : i32
    %dma_start3A_334 = tpu.memref_slice %arg2[%dma_start3A_332, %dma_start3A_333] : memref<1000000x32xf32, #tpu.memory_space<hbm>> -> memref<1000000x32xf32, #tpu.memory_space<hbm>>
    tpu.enqueue_indirect_dma source(%dma_start3A_334 : memref<1000000x32xf32, #tpu.memory_space<hbm>>) target(%dma_start3A_329 : memref<400x32xf32, #tpu.memory_space<vmem>>) offsets(%dma_start3A_331 : memref<400xi32, #tpu.memory_space<vmem>>) semaphore(%arg11 : memref<!tpu.dma_semaphore, #tpu.memory_space<semaphore_mem>>)
    %dma_start3A_335 = arith.constant 400 : i32
    %dma_start3A_336 = arith.constant 0 : i32
    %dma_start3A_337 = tpu.memref_slice %arg7[%dma_start3A_335, %dma_start3A_336] : memref<1600x32xf32, #tpu.memory_space<vmem>> -> memref<400x32xf32, #tpu.memory_space<vmem>>
    %dma_start3A_338 = arith.constant 400 : i32
    %dma_start3A_339 = tpu.memref_slice %arg5[%dma_start3A_338] : memref<1600xi32, #tpu.memory_space<vmem>> -> memref<400xi32, #tpu.memory_space<vmem>>
    %dma_start3A_340 = arith.constant 0 : i32
    %dma_start3A_341 = arith.constant 0 : i32
    %dma_start3A_342 = tpu.memref_slice %arg2[%dma_start3A_340, %dma_start3A_341] : memref<1000000x32xf32, #tpu.memory_space<hbm>> -> memref<1000000x32xf32, #tpu.memory_space<hbm>>
    tpu.enqueue_indirect_dma source(%dma_start3A_342 : memref<1000000x32xf32, #tpu.memory_space<hbm>>) target(%dma_start3A_337 : memref<400x32xf32, #tpu.memory_space<vmem>>) offsets(%dma_start3A_339 : memref<400xi32, #tpu.memory_space<vmem>>) semaphore(%arg11 : memref<!tpu.dma_semaphore, #tpu.memory_space<semaphore_mem>>)
    %dma_start3A_343 = arith.constant 800 : i32
    %dma_start3A_344 = arith.constant 0 : i32
    %dma_start3A_345 = tpu.memref_slice %arg7[%dma_start3A_343, %dma_start3A_344] : memref<1600x32xf32, #tpu.memory_space<vmem>> -> memref<400x32xf32, #tpu.memory_space<vmem>>
    %dma_start3A_346 = arith.constant 800 : i32
    %dma_start3A_347 = tpu.memref_slice %arg5[%dma_start3A_346] : memref<1600xi32, #tpu.memory_space<vmem>> -> memref<400xi32, #tpu.memory_space<vmem>>
    %dma_start3A_348 = arith.constant 0 : i32
    %dma_start3A_349 = arith.constant 0 : i32
    %dma_start3A_350 = tpu.memref_slice %arg2[%dma_start3A_348, %dma_start3A_349] : memref<1000000x32xf32, #tpu.memory_space<hbm>> -> memref<1000000x32xf32, #tpu.memory_space<hbm>>
    tpu.enqueue_indirect_dma source(%dma_start3A_350 : memref<1000000x32xf32, #tpu.memory_space<hbm>>) target(%dma_start3A_345 : memref<400x32xf32, #tpu.memory_space<vmem>>) offsets(%dma_start3A_347 : memref<400xi32, #tpu.memory_space<vmem>>) semaphore(%arg11 : memref<!tpu.dma_semaphore, #tpu.memory_space<semaphore_mem>>)
    %dma_start3A_351 = arith.constant 1200 : i32
    %dma_start3A_352 = arith.constant 0 : i32
    %dma_start3A_353 = tpu.memref_slice %arg7[%dma_start3A_351, %dma_start3A_352] : memref<1600x32xf32, #tpu.memory_space<vmem>> -> memref<400x32xf32, #tpu.memory_space<vmem>>
    %dma_start3A_354 = arith.constant 1200 : i32
    %dma_start3A_355 = tpu.memref_slice %arg5[%dma_start3A_354] : memref<1600xi32, #tpu.memory_space<vmem>> -> memref<400xi32, #tpu.memory_space<vmem>>
    %dma_start3A_356 = arith.constant 0 : i32
    %dma_start3A_357 = arith.constant 0 : i32
    %dma_start3A_358 = tpu.memref_slice %arg2[%dma_start3A_356, %dma_start3A_357] : memref<1000000x32xf32, #tpu.memory_space<hbm>> -> memref<1000000x32xf32, #tpu.memory_space<hbm>>
    tpu.enqueue_indirect_dma source(%dma_start3A_358 : memref<1000000x32xf32, #tpu.memory_space<hbm>>) target(%dma_start3A_353 : memref<400x32xf32, #tpu.memory_space<vmem>>) offsets(%dma_start3A_355 : memref<400xi32, #tpu.memory_space<vmem>>) semaphore(%arg11 : memref<!tpu.dma_semaphore, #tpu.memory_space<semaphore_mem>>)
    %dma_wait3A_359 = arith.constant 0 : i32
    %dma_wait3A_360 = arith.constant 0 : i32
    %dma_wait3A_361 = tpu.memref_slice %arg7[%dma_wait3A_359, %dma_wait3A_360] : memref<1600x32xf32, #tpu.memory_space<vmem>> -> memref<400x32xf32, #tpu.memory_space<vmem>>
    %dma_wait3A_362 = arith.constant 0 : i32
    %dma_wait3A_363 = tpu.memref_slice %arg5[%dma_wait3A_362] : memref<1600xi32, #tpu.memory_space<vmem>> -> memref<400xi32, #tpu.memory_space<vmem>>
    %dma_wait3A_364 = arith.constant 0 : i32
    %dma_wait3A_365 = arith.constant 0 : i32
    %dma_wait3A_366 = tpu.memref_slice %arg2[%dma_wait3A_364, %dma_wait3A_365] : memref<1000000x32xf32, #tpu.memory_space<hbm>> -> memref<1000000x32xf32, #tpu.memory_space<hbm>>
    tpu.wait_indirect_dma semaphore(%arg11 : memref<!tpu.dma_semaphore, #tpu.memory_space<semaphore_mem>>) src(%dma_wait3A_366 : memref<1000000x32xf32, #tpu.memory_space<hbm>>) dst(%dma_wait3A_361 : memref<400x32xf32, #tpu.memory_space<vmem>>)
    %dma_wait3A_367 = arith.constant 400 : i32
    %dma_wait3A_368 = arith.constant 0 : i32
    %dma_wait3A_369 = tpu.memref_slice %arg7[%dma_wait3A_367, %dma_wait3A_368] : memref<1600x32xf32, #tpu.memory_space<vmem>> -> memref<400x32xf32, #tpu.memory_space<vmem>>
    %dma_wait3A_370 = arith.constant 400 : i32
    %dma_wait3A_371 = tpu.memref_slice %arg5[%dma_wait3A_370] : memref<1600xi32, #tpu.memory_space<vmem>> -> memref<400xi32, #tpu.memory_space<vmem>>
    %dma_wait3A_372 = arith.constant 0 : i32
    %dma_wait3A_373 = arith.constant 0 : i32
    %dma_wait3A_374 = tpu.memref_slice %arg2[%dma_wait3A_372, %dma_wait3A_373] : memref<1000000x32xf32, #tpu.memory_space<hbm>> -> memref<1000000x32xf32, #tpu.memory_space<hbm>>
    tpu.wait_indirect_dma semaphore(%arg11 : memref<!tpu.dma_semaphore, #tpu.memory_space<semaphore_mem>>) src(%dma_wait3A_374 : memref<1000000x32xf32, #tpu.memory_space<hbm>>) dst(%dma_wait3A_369 : memref<400x32xf32, #tpu.memory_space<vmem>>)
    %dma_wait3A_375 = arith.constant 800 : i32
    %dma_wait3A_376 = arith.constant 0 : i32
    %dma_wait3A_377 = tpu.memref_slice %arg7[%dma_wait3A_375, %dma_wait3A_376] : memref<1600x32xf32, #tpu.memory_space<vmem>> -> memref<400x32xf32, #tpu.memory_space<vmem>>
    %dma_wait3A_378 = arith.constant 800 : i32
    %dma_wait3A_379 = tpu.memref_slice %arg5[%dma_wait3A_378] : memref<1600xi32, #tpu.memory_space<vmem>> -> memref<400xi32, #tpu.memory_space<vmem>>
    %dma_wait3A_380 = arith.constant 0 : i32
    %dma_wait3A_381 = arith.constant 0 : i32
    %dma_wait3A_382 = tpu.memref_slice %arg2[%dma_wait3A_380, %dma_wait3A_381] : memref<1000000x32xf32, #tpu.memory_space<hbm>> -> memref<1000000x32xf32, #tpu.memory_space<hbm>>
    tpu.wait_indirect_dma semaphore(%arg11 : memref<!tpu.dma_semaphore, #tpu.memory_space<semaphore_mem>>) src(%dma_wait3A_382 : memref<1000000x32xf32, #tpu.memory_space<hbm>>) dst(%dma_wait3A_377 : memref<400x32xf32, #tpu.memory_space<vmem>>)
    %dma_wait3A_383 = arith.constant 1200 : i32
    %dma_wait3A_384 = arith.constant 0 : i32
    %dma_wait3A_385 = tpu.memref_slice %arg7[%dma_wait3A_383, %dma_wait3A_384] : memref<1600x32xf32, #tpu.memory_space<vmem>> -> memref<400x32xf32, #tpu.memory_space<vmem>>
    %dma_wait3A_386 = arith.constant 1200 : i32
    %dma_wait3A_387 = tpu.memref_slice %arg5[%dma_wait3A_386] : memref<1600xi32, #tpu.memory_space<vmem>> -> memref<400xi32, #tpu.memory_space<vmem>>
    %dma_wait3A_388 = arith.constant 0 : i32
    %dma_wait3A_389 = arith.constant 0 : i32
    %dma_wait3A_390 = tpu.memref_slice %arg2[%dma_wait3A_388, %dma_wait3A_389] : memref<1000000x32xf32, #tpu.memory_space<hbm>> -> memref<1000000x32xf32, #tpu.memory_space<hbm>>
    tpu.wait_indirect_dma semaphore(%arg11 : memref<!tpu.dma_semaphore, #tpu.memory_space<semaphore_mem>>) src(%dma_wait3A_390 : memref<1000000x32xf32, #tpu.memory_space<hbm>>) dst(%dma_wait3A_385 : memref<400x32xf32, #tpu.memory_space<vmem>>)
    %add3A_391 = arith.constant 6400 : i32
    %add3A_392 = arith.addi %mul3A_2, %add3A_391 : i32
    %dma_start3A_393 = arith.constant 0 : i32
    %dma_start3A_394 = tpu.memref_slice %arg4[%add3A_392, %dma_start3A_393] : memref<819200x32xf32, #tpu.memory_space<hbm>> -> memref<1600x32xf32, #tpu.memory_space<hbm>>
    %dma_start3A_395 = arith.constant 0 : i32
    %dma_start3A_396 = tpu.memref_slice %arg4[%add3A_392, %dma_start3A_395] : memref<819200x32xf32, #tpu.memory_space<hbm>> -> memref<1600x32xf32, #tpu.memory_space<hbm>>
    tpu.enqueue_dma source(%arg7 : memref<1600x32xf32, #tpu.memory_space<vmem>>) target(%dma_start3A_396 : memref<1600x32xf32, #tpu.memory_space<hbm>>) target_semaphore(%arg13 : memref<!tpu.dma_semaphore, #tpu.memory_space<semaphore_mem>>)
    %add3A_397 = arith.constant 9600 : i32
    %add3A_398 = arith.addi %mul3A_2, %add3A_397 : i32
    %dma_start3A_399 = tpu.memref_slice %arg3[%add3A_398] : memref<819200xi32, #tpu.memory_space<hbm>> -> memref<1600xi32, #tpu.memory_space<hbm>>
    %dma_start3A_400 = tpu.memref_slice %arg3[%add3A_398] : memref<819200xi32, #tpu.memory_space<hbm>> -> memref<1600xi32, #tpu.memory_space<hbm>>
    tpu.enqueue_dma source(%dma_start3A_400 : memref<1600xi32, #tpu.memory_space<hbm>>) target(%arg5 : memref<1600xi32, #tpu.memory_space<vmem>>) target_semaphore(%arg9 : memref<!tpu.dma_semaphore, #tpu.memory_space<semaphore_mem>>)
    %dma_wait3A_401 = tpu.memref_slice %arg3[%add3A_318] : memref<819200xi32, #tpu.memory_space<hbm>> -> memref<1600xi32, #tpu.memory_space<hbm>>
    %dma_wait3A_402 = tpu.memref_slice %arg3[%add3A_318] : memref<819200xi32, #tpu.memory_space<hbm>> -> memref<1600xi32, #tpu.memory_space<hbm>>
    tpu.wait_dma2 semaphore(%arg10 : memref<!tpu.dma_semaphore, #tpu.memory_space<semaphore_mem>>) src(%dma_wait3A_402 : memref<1600xi32, #tpu.memory_space<hbm>>) dst(%arg6 : memref<1600xi32, #tpu.memory_space<vmem>>)
    %dma_wait3A_403 = arith.constant 0 : i32
    %dma_wait3A_404 = tpu.memref_slice %arg4[%add3A_312, %dma_wait3A_403] : memref<819200x32xf32, #tpu.memory_space<hbm>> -> memref<1600x32xf32, #tpu.memory_space<hbm>>
    %dma_wait3A_405 = arith.constant 0 : i32
    %dma_wait3A_406 = tpu.memref_slice %arg4[%add3A_312, %dma_wait3A_405] : memref<819200x32xf32, #tpu.memory_space<hbm>> -> memref<1600x32xf32, #tpu.memory_space<hbm>>
    tpu.wait_dma2 semaphore(%arg14 : memref<!tpu.dma_semaphore, #tpu.memory_space<semaphore_mem>>) src(%arg8 : memref<1600x32xf32, #tpu.memory_space<vmem>>) dst(%dma_wait3A_406 : memref<1600x32xf32, #tpu.memory_space<hbm>>)
    %dma_start3A_407 = arith.constant 0 : i32
    %dma_start3A_408 = arith.constant 0 : i32
    %dma_start3A_409 = tpu.memref_slice %arg8[%dma_start3A_407, %dma_start3A_408] : memref<1600x32xf32, #tpu.memory_space<vmem>> -> memref<400x32xf32, #tpu.memory_space<vmem>>
    %dma_start3A_410 = arith.constant 0 : i32
    %dma_start3A_411 = tpu.memref_slice %arg6[%dma_start3A_410] : memref<1600xi32, #tpu.memory_space<vmem>> -> memref<400xi32, #tpu.memory_space<vmem>>
    %dma_start3A_412 = arith.constant 0 : i32
    %dma_start3A_413 = arith.constant 0 : i32
    %dma_start3A_414 = tpu.memref_slice %arg2[%dma_start3A_412, %dma_start3A_413] : memref<1000000x32xf32, #tpu.memory_space<hbm>> -> memref<1000000x32xf32, #tpu.memory_space<hbm>>
    tpu.enqueue_indirect_dma source(%dma_start3A_414 : memref<1000000x32xf32, #tpu.memory_space<hbm>>) target(%dma_start3A_409 : memref<400x32xf32, #tpu.memory_space<vmem>>) offsets(%dma_start3A_411 : memref<400xi32, #tpu.memory_space<vmem>>) semaphore(%arg12 : memref<!tpu.dma_semaphore, #tpu.memory_space<semaphore_mem>>)
    %dma_start3A_415 = arith.constant 400 : i32
    %dma_start3A_416 = arith.constant 0 : i32
    %dma_start3A_417 = tpu.memref_slice %arg8[%dma_start3A_415, %dma_start3A_416] : memref<1600x32xf32, #tpu.memory_space<vmem>> -> memref<400x32xf32, #tpu.memory_space<vmem>>
    %dma_start3A_418 = arith.constant 400 : i32
    %dma_start3A_419 = tpu.memref_slice %arg6[%dma_start3A_418] : memref<1600xi32, #tpu.memory_space<vmem>> -> memref<400xi32, #tpu.memory_space<vmem>>
    %dma_start3A_420 = arith.constant 0 : i32
    %dma_start3A_421 = arith.constant 0 : i32
    %dma_start3A_422 = tpu.memref_slice %arg2[%dma_start3A_420, %dma_start3A_421] : memref<1000000x32xf32, #tpu.memory_space<hbm>> -> memref<1000000x32xf32, #tpu.memory_space<hbm>>
    tpu.enqueue_indirect_dma source(%dma_start3A_422 : memref<1000000x32xf32, #tpu.memory_space<hbm>>) target(%dma_start3A_417 : memref<400x32xf32, #tpu.memory_space<vmem>>) offsets(%dma_start3A_419 : memref<400xi32, #tpu.memory_space<vmem>>) semaphore(%arg12 : memref<!tpu.dma_semaphore, #tpu.memory_space<semaphore_mem>>)
    %dma_start3A_423 = arith.constant 800 : i32
    %dma_start3A_424 = arith.constant 0 : i32
    %dma_start3A_425 = tpu.memref_slice %arg8[%dma_start3A_423, %dma_start3A_424] : memref<1600x32xf32, #tpu.memory_space<vmem>> -> memref<400x32xf32, #tpu.memory_space<vmem>>
    %dma_start3A_426 = arith.constant 800 : i32
    %dma_start3A_427 = tpu.memref_slice %arg6[%dma_start3A_426] : memref<1600xi32, #tpu.memory_space<vmem>> -> memref<400xi32, #tpu.memory_space<vmem>>
    %dma_start3A_428 = arith.constant 0 : i32
    %dma_start3A_429 = arith.constant 0 : i32
    %dma_start3A_430 = tpu.memref_slice %arg2[%dma_start3A_428, %dma_start3A_429] : memref<1000000x32xf32, #tpu.memory_space<hbm>> -> memref<1000000x32xf32, #tpu.memory_space<hbm>>
    tpu.enqueue_indirect_dma source(%dma_start3A_430 : memref<1000000x32xf32, #tpu.memory_space<hbm>>) target(%dma_start3A_425 : memref<400x32xf32, #tpu.memory_space<vmem>>) offsets(%dma_start3A_427 : memref<400xi32, #tpu.memory_space<vmem>>) semaphore(%arg12 : memref<!tpu.dma_semaphore, #tpu.memory_space<semaphore_mem>>)
    %dma_start3A_431 = arith.constant 1200 : i32
    %dma_start3A_432 = arith.constant 0 : i32
    %dma_start3A_433 = tpu.memref_slice %arg8[%dma_start3A_431, %dma_start3A_432] : memref<1600x32xf32, #tpu.memory_space<vmem>> -> memref<400x32xf32, #tpu.memory_space<vmem>>
    %dma_start3A_434 = arith.constant 1200 : i32
    %dma_start3A_435 = tpu.memref_slice %arg6[%dma_start3A_434] : memref<1600xi32, #tpu.memory_space<vmem>> -> memref<400xi32, #tpu.memory_space<vmem>>
    %dma_start3A_436 = arith.constant 0 : i32
    %dma_start3A_437 = arith.constant 0 : i32
    %dma_start3A_438 = tpu.memref_slice %arg2[%dma_start3A_436, %dma_start3A_437] : memref<1000000x32xf32, #tpu.memory_space<hbm>> -> memref<1000000x32xf32, #tpu.memory_space<hbm>>
    tpu.enqueue_indirect_dma source(%dma_start3A_438 : memref<1000000x32xf32, #tpu.memory_space<hbm>>) target(%dma_start3A_433 : memref<400x32xf32, #tpu.memory_space<vmem>>) offsets(%dma_start3A_435 : memref<400xi32, #tpu.memory_space<vmem>>) semaphore(%arg12 : memref<!tpu.dma_semaphore, #tpu.memory_space<semaphore_mem>>)
    %dma_wait3A_439 = arith.constant 0 : i32
    %dma_wait3A_440 = arith.constant 0 : i32
    %dma_wait3A_441 = tpu.memref_slice %arg8[%dma_wait3A_439, %dma_wait3A_440] : memref<1600x32xf32, #tpu.memory_space<vmem>> -> memref<400x32xf32, #tpu.memory_space<vmem>>
    %dma_wait3A_442 = arith.constant 0 : i32
    %dma_wait3A_443 = tpu.memref_slice %arg6[%dma_wait3A_442] : memref<1600xi32, #tpu.memory_space<vmem>> -> memref<400xi32, #tpu.memory_space<vmem>>
    %dma_wait3A_444 = arith.constant 0 : i32
    %dma_wait3A_445 = arith.constant 0 : i32
    %dma_wait3A_446 = tpu.memref_slice %arg2[%dma_wait3A_444, %dma_wait3A_445] : memref<1000000x32xf32, #tpu.memory_space<hbm>> -> memref<1000000x32xf32, #tpu.memory_space<hbm>>
    tpu.wait_indirect_dma semaphore(%arg12 : memref<!tpu.dma_semaphore, #tpu.memory_space<semaphore_mem>>) src(%dma_wait3A_446 : memref<1000000x32xf32, #tpu.memory_space<hbm>>) dst(%dma_wait3A_441 : memref<400x32xf32, #tpu.memory_space<vmem>>)
    %dma_wait3A_447 = arith.constant 400 : i32
    %dma_wait3A_448 = arith.constant 0 : i32
    %dma_wait3A_449 = tpu.memref_slice %arg8[%dma_wait3A_447, %dma_wait3A_448] : memref<1600x32xf32, #tpu.memory_space<vmem>> -> memref<400x32xf32, #tpu.memory_space<vmem>>
    %dma_wait3A_450 = arith.constant 400 : i32
    %dma_wait3A_451 = tpu.memref_slice %arg6[%dma_wait3A_450] : memref<1600xi32, #tpu.memory_space<vmem>> -> memref<400xi32, #tpu.memory_space<vmem>>
    %dma_wait3A_452 = arith.constant 0 : i32
    %dma_wait3A_453 = arith.constant 0 : i32
    %dma_wait3A_454 = tpu.memref_slice %arg2[%dma_wait3A_452, %dma_wait3A_453] : memref<1000000x32xf32, #tpu.memory_space<hbm>> -> memref<1000000x32xf32, #tpu.memory_space<hbm>>
    tpu.wait_indirect_dma semaphore(%arg12 : memref<!tpu.dma_semaphore, #tpu.memory_space<semaphore_mem>>) src(%dma_wait3A_454 : memref<1000000x32xf32, #tpu.memory_space<hbm>>) dst(%dma_wait3A_449 : memref<400x32xf32, #tpu.memory_space<vmem>>)
    %dma_wait3A_455 = arith.constant 800 : i32
    %dma_wait3A_456 = arith.constant 0 : i32
    %dma_wait3A_457 = tpu.memref_slice %arg8[%dma_wait3A_455, %dma_wait3A_456] : memref<1600x32xf32, #tpu.memory_space<vmem>> -> memref<400x32xf32, #tpu.memory_space<vmem>>
    %dma_wait3A_458 = arith.constant 800 : i32
    %dma_wait3A_459 = tpu.memref_slice %arg6[%dma_wait3A_458] : memref<1600xi32, #tpu.memory_space<vmem>> -> memref<400xi32, #tpu.memory_space<vmem>>
    %dma_wait3A_460 = arith.constant 0 : i32
    %dma_wait3A_461 = arith.constant 0 : i32
    %dma_wait3A_462 = tpu.memref_slice %arg2[%dma_wait3A_460, %dma_wait3A_461] : memref<1000000x32xf32, #tpu.memory_space<hbm>> -> memref<1000000x32xf32, #tpu.memory_space<hbm>>
    tpu.wait_indirect_dma semaphore(%arg12 : memref<!tpu.dma_semaphore, #tpu.memory_space<semaphore_mem>>) src(%dma_wait3A_462 : memref<1000000x32xf32, #tpu.memory_space<hbm>>) dst(%dma_wait3A_457 : memref<400x32xf32, #tpu.memory_space<vmem>>)
    %dma_wait3A_463 = arith.constant 1200 : i32
    %dma_wait3A_464 = arith.constant 0 : i32
    %dma_wait3A_465 = tpu.memref_slice %arg8[%dma_wait3A_463, %dma_wait3A_464] : memref<1600x32xf32, #tpu.memory_space<vmem>> -> memref<400x32xf32, #tpu.memory_space<vmem>>
    %dma_wait3A_466 = arith.constant 1200 : i32
    %dma_wait3A_467 = tpu.memref_slice %arg6[%dma_wait3A_466] : memref<1600xi32, #tpu.memory_space<vmem>> -> memref<400xi32, #tpu.memory_space<vmem>>
    %dma_wait3A_468 = arith.constant 0 : i32
    %dma_wait3A_469 = arith.constant 0 : i32
    %dma_wait3A_470 = tpu.memref_slice %arg2[%dma_wait3A_468, %dma_wait3A_469] : memref<1000000x32xf32, #tpu.memory_space<hbm>> -> memref<1000000x32xf32, #tpu.memory_space<hbm>>
    tpu.wait_indirect_dma semaphore(%arg12 : memref<!tpu.dma_semaphore, #tpu.memory_space<semaphore_mem>>) src(%dma_wait3A_470 : memref<1000000x32xf32, #tpu.memory_space<hbm>>) dst(%dma_wait3A_465 : memref<400x32xf32, #tpu.memory_space<vmem>>)
    %add3A_471 = arith.constant 8000 : i32
    %add3A_472 = arith.addi %mul3A_2, %add3A_471 : i32
    %dma_start3A_473 = arith.constant 0 : i32
    %dma_start3A_474 = tpu.memref_slice %arg4[%add3A_472, %dma_start3A_473] : memref<819200x32xf32, #tpu.memory_space<hbm>> -> memref<1600x32xf32, #tpu.memory_space<hbm>>
    %dma_start3A_475 = arith.constant 0 : i32
    %dma_start3A_476 = tpu.memref_slice %arg4[%add3A_472, %dma_start3A_475] : memref<819200x32xf32, #tpu.memory_space<hbm>> -> memref<1600x32xf32, #tpu.memory_space<hbm>>
    tpu.enqueue_dma source(%arg8 : memref<1600x32xf32, #tpu.memory_space<vmem>>) target(%dma_start3A_476 : memref<1600x32xf32, #tpu.memory_space<hbm>>) target_semaphore(%arg14 : memref<!tpu.dma_semaphore, #tpu.memory_space<semaphore_mem>>)
    %add3A_477 = arith.constant 11200 : i32
    %add3A_478 = arith.addi %mul3A_2, %add3A_477 : i32
    %dma_start3A_479 = tpu.memref_slice %arg3[%add3A_478] : memref<819200xi32, #tpu.memory_space<hbm>> -> memref<1600xi32, #tpu.memory_space<hbm>>
    %dma_start3A_480 = tpu.memref_slice %arg3[%add3A_478] : memref<819200xi32, #tpu.memory_space<hbm>> -> memref<1600xi32, #tpu.memory_space<hbm>>
    tpu.enqueue_dma source(%dma_start3A_480 : memref<1600xi32, #tpu.memory_space<hbm>>) target(%arg6 : memref<1600xi32, #tpu.memory_space<vmem>>) target_semaphore(%arg10 : memref<!tpu.dma_semaphore, #tpu.memory_space<semaphore_mem>>)
    %dma_wait3A_481 = tpu.memref_slice %arg3[%add3A_398] : memref<819200xi32, #tpu.memory_space<hbm>> -> memref<1600xi32, #tpu.memory_space<hbm>>
    %dma_wait3A_482 = tpu.memref_slice %arg3[%add3A_398] : memref<819200xi32, #tpu.memory_space<hbm>> -> memref<1600xi32, #tpu.memory_space<hbm>>
    tpu.wait_dma2 semaphore(%arg9 : memref<!tpu.dma_semaphore, #tpu.memory_space<semaphore_mem>>) src(%dma_wait3A_482 : memref<1600xi32, #tpu.memory_space<hbm>>) dst(%arg5 : memref<1600xi32, #tpu.memory_space<vmem>>)
    %dma_wait3A_483 = arith.constant 0 : i32
    %dma_wait3A_484 = tpu.memref_slice %arg4[%add3A_392, %dma_wait3A_483] : memref<819200x32xf32, #tpu.memory_space<hbm>> -> memref<1600x32xf32, #tpu.memory_space<hbm>>
    %dma_wait3A_485 = arith.constant 0 : i32
    %dma_wait3A_486 = tpu.memref_slice %arg4[%add3A_392, %dma_wait3A_485] : memref<819200x32xf32, #tpu.memory_space<hbm>> -> memref<1600x32xf32, #tpu.memory_space<hbm>>
    tpu.wait_dma2 semaphore(%arg13 : memref<!tpu.dma_semaphore, #tpu.memory_space<semaphore_mem>>) src(%arg7 : memref<1600x32xf32, #tpu.memory_space<vmem>>) dst(%dma_wait3A_486 : memref<1600x32xf32, #tpu.memory_space<hbm>>)
    %dma_start3A_487 = arith.constant 0 : i32
    %dma_start3A_488 = arith.constant 0 : i32
    %dma_start3A_489 = tpu.memref_slice %arg7[%dma_start3A_487, %dma_start3A_488] : memref<1600x32xf32, #tpu.memory_space<vmem>> -> memref<400x32xf32, #tpu.memory_space<vmem>>
    %dma_start3A_490 = arith.constant 0 : i32
    %dma_start3A_491 = tpu.memref_slice %arg5[%dma_start3A_490] : memref<1600xi32, #tpu.memory_space<vmem>> -> memref<400xi32, #tpu.memory_space<vmem>>
    %dma_start3A_492 = arith.constant 0 : i32
    %dma_start3A_493 = arith.constant 0 : i32
    %dma_start3A_494 = tpu.memref_slice %arg2[%dma_start3A_492, %dma_start3A_493] : memref<1000000x32xf32, #tpu.memory_space<hbm>> -> memref<1000000x32xf32, #tpu.memory_space<hbm>>
    tpu.enqueue_indirect_dma source(%dma_start3A_494 : memref<1000000x32xf32, #tpu.memory_space<hbm>>) target(%dma_start3A_489 : memref<400x32xf32, #tpu.memory_space<vmem>>) offsets(%dma_start3A_491 : memref<400xi32, #tpu.memory_space<vmem>>) semaphore(%arg11 : memref<!tpu.dma_semaphore, #tpu.memory_space<semaphore_mem>>)
    %dma_start3A_495 = arith.constant 400 : i32
    %dma_start3A_496 = arith.constant 0 : i32
    %dma_start3A_497 = tpu.memref_slice %arg7[%dma_start3A_495, %dma_start3A_496] : memref<1600x32xf32, #tpu.memory_space<vmem>> -> memref<400x32xf32, #tpu.memory_space<vmem>>
    %dma_start3A_498 = arith.constant 400 : i32
    %dma_start3A_499 = tpu.memref_slice %arg5[%dma_start3A_498] : memref<1600xi32, #tpu.memory_space<vmem>> -> memref<400xi32, #tpu.memory_space<vmem>>
    %dma_start3A_500 = arith.constant 0 : i32
    %dma_start3A_501 = arith.constant 0 : i32
    %dma_start3A_502 = tpu.memref_slice %arg2[%dma_start3A_500, %dma_start3A_501] : memref<1000000x32xf32, #tpu.memory_space<hbm>> -> memref<1000000x32xf32, #tpu.memory_space<hbm>>
    tpu.enqueue_indirect_dma source(%dma_start3A_502 : memref<1000000x32xf32, #tpu.memory_space<hbm>>) target(%dma_start3A_497 : memref<400x32xf32, #tpu.memory_space<vmem>>) offsets(%dma_start3A_499 : memref<400xi32, #tpu.memory_space<vmem>>) semaphore(%arg11 : memref<!tpu.dma_semaphore, #tpu.memory_space<semaphore_mem>>)
    %dma_start3A_503 = arith.constant 800 : i32
    %dma_start3A_504 = arith.constant 0 : i32
    %dma_start3A_505 = tpu.memref_slice %arg7[%dma_start3A_503, %dma_start3A_504] : memref<1600x32xf32, #tpu.memory_space<vmem>> -> memref<400x32xf32, #tpu.memory_space<vmem>>
    %dma_start3A_506 = arith.constant 800 : i32
    %dma_start3A_507 = tpu.memref_slice %arg5[%dma_start3A_506] : memref<1600xi32, #tpu.memory_space<vmem>> -> memref<400xi32, #tpu.memory_space<vmem>>
    %dma_start3A_508 = arith.constant 0 : i32
    %dma_start3A_509 = arith.constant 0 : i32
    %dma_start3A_510 = tpu.memref_slice %arg2[%dma_start3A_508, %dma_start3A_509] : memref<1000000x32xf32, #tpu.memory_space<hbm>> -> memref<1000000x32xf32, #tpu.memory_space<hbm>>
    tpu.enqueue_indirect_dma source(%dma_start3A_510 : memref<1000000x32xf32, #tpu.memory_space<hbm>>) target(%dma_start3A_505 : memref<400x32xf32, #tpu.memory_space<vmem>>) offsets(%dma_start3A_507 : memref<400xi32, #tpu.memory_space<vmem>>) semaphore(%arg11 : memref<!tpu.dma_semaphore, #tpu.memory_space<semaphore_mem>>)
    %dma_start3A_511 = arith.constant 1200 : i32
    %dma_start3A_512 = arith.constant 0 : i32
    %dma_start3A_513 = tpu.memref_slice %arg7[%dma_start3A_511, %dma_start3A_512] : memref<1600x32xf32, #tpu.memory_space<vmem>> -> memref<400x32xf32, #tpu.memory_space<vmem>>
    %dma_start3A_514 = arith.constant 1200 : i32
    %dma_start3A_515 = tpu.memref_slice %arg5[%dma_start3A_514] : memref<1600xi32, #tpu.memory_space<vmem>> -> memref<400xi32, #tpu.memory_space<vmem>>
    %dma_start3A_516 = arith.constant 0 : i32
    %dma_start3A_517 = arith.constant 0 : i32
    %dma_start3A_518 = tpu.memref_slice %arg2[%dma_start3A_516, %dma_start3A_517] : memref<1000000x32xf32, #tpu.memory_space<hbm>> -> memref<1000000x32xf32, #tpu.memory_space<hbm>>
    tpu.enqueue_indirect_dma source(%dma_start3A_518 : memref<1000000x32xf32, #tpu.memory_space<hbm>>) target(%dma_start3A_513 : memref<400x32xf32, #tpu.memory_space<vmem>>) offsets(%dma_start3A_515 : memref<400xi32, #tpu.memory_space<vmem>>) semaphore(%arg11 : memref<!tpu.dma_semaphore, #tpu.memory_space<semaphore_mem>>)
    %dma_wait3A_519 = arith.constant 0 : i32
    %dma_wait3A_520 = arith.constant 0 : i32
    %dma_wait3A_521 = tpu.memref_slice %arg7[%dma_wait3A_519, %dma_wait3A_520] : memref<1600x32xf32, #tpu.memory_space<vmem>> -> memref<400x32xf32, #tpu.memory_space<vmem>>
    %dma_wait3A_522 = arith.constant 0 : i32
    %dma_wait3A_523 = tpu.memref_slice %arg5[%dma_wait3A_522] : memref<1600xi32, #tpu.memory_space<vmem>> -> memref<400xi32, #tpu.memory_space<vmem>>
    %dma_wait3A_524 = arith.constant 0 : i32
    %dma_wait3A_525 = arith.constant 0 : i32
    %dma_wait3A_526 = tpu.memref_slice %arg2[%dma_wait3A_524, %dma_wait3A_525] : memref<1000000x32xf32, #tpu.memory_space<hbm>> -> memref<1000000x32xf32, #tpu.memory_space<hbm>>
    tpu.wait_indirect_dma semaphore(%arg11 : memref<!tpu.dma_semaphore, #tpu.memory_space<semaphore_mem>>) src(%dma_wait3A_526 : memref<1000000x32xf32, #tpu.memory_space<hbm>>) dst(%dma_wait3A_521 : memref<400x32xf32, #tpu.memory_space<vmem>>)
    %dma_wait3A_527 = arith.constant 400 : i32
    %dma_wait3A_528 = arith.constant 0 : i32
    %dma_wait3A_529 = tpu.memref_slice %arg7[%dma_wait3A_527, %dma_wait3A_528] : memref<1600x32xf32, #tpu.memory_space<vmem>> -> memref<400x32xf32, #tpu.memory_space<vmem>>
    %dma_wait3A_530 = arith.constant 400 : i32
    %dma_wait3A_531 = tpu.memref_slice %arg5[%dma_wait3A_530] : memref<1600xi32, #tpu.memory_space<vmem>> -> memref<400xi32, #tpu.memory_space<vmem>>
    %dma_wait3A_532 = arith.constant 0 : i32
    %dma_wait3A_533 = arith.constant 0 : i32
    %dma_wait3A_534 = tpu.memref_slice %arg2[%dma_wait3A_532, %dma_wait3A_533] : memref<1000000x32xf32, #tpu.memory_space<hbm>> -> memref<1000000x32xf32, #tpu.memory_space<hbm>>
    tpu.wait_indirect_dma semaphore(%arg11 : memref<!tpu.dma_semaphore, #tpu.memory_space<semaphore_mem>>) src(%dma_wait3A_534 : memref<1000000x32xf32, #tpu.memory_space<hbm>>) dst(%dma_wait3A_529 : memref<400x32xf32, #tpu.memory_space<vmem>>)
    %dma_wait3A_535 = arith.constant 800 : i32
    %dma_wait3A_536 = arith.constant 0 : i32
    %dma_wait3A_537 = tpu.memref_slice %arg7[%dma_wait3A_535, %dma_wait3A_536] : memref<1600x32xf32, #tpu.memory_space<vmem>> -> memref<400x32xf32, #tpu.memory_space<vmem>>
    %dma_wait3A_538 = arith.constant 800 : i32
    %dma_wait3A_539 = tpu.memref_slice %arg5[%dma_wait3A_538] : memref<1600xi32, #tpu.memory_space<vmem>> -> memref<400xi32, #tpu.memory_space<vmem>>
    %dma_wait3A_540 = arith.constant 0 : i32
    %dma_wait3A_541 = arith.constant 0 : i32
    %dma_wait3A_542 = tpu.memref_slice %arg2[%dma_wait3A_540, %dma_wait3A_541] : memref<1000000x32xf32, #tpu.memory_space<hbm>> -> memref<1000000x32xf32, #tpu.memory_space<hbm>>
    tpu.wait_indirect_dma semaphore(%arg11 : memref<!tpu.dma_semaphore, #tpu.memory_space<semaphore_mem>>) src(%dma_wait3A_542 : memref<1000000x32xf32, #tpu.memory_space<hbm>>) dst(%dma_wait3A_537 : memref<400x32xf32, #tpu.memory_space<vmem>>)
    %dma_wait3A_543 = arith.constant 1200 : i32
    %dma_wait3A_544 = arith.constant 0 : i32
    %dma_wait3A_545 = tpu.memref_slice %arg7[%dma_wait3A_543, %dma_wait3A_544] : memref<1600x32xf32, #tpu.memory_space<vmem>> -> memref<400x32xf32, #tpu.memory_space<vmem>>
    %dma_wait3A_546 = arith.constant 1200 : i32
    %dma_wait3A_547 = tpu.memref_slice %arg5[%dma_wait3A_546] : memref<1600xi32, #tpu.memory_space<vmem>> -> memref<400xi32, #tpu.memory_space<vmem>>
    %dma_wait3A_548 = arith.constant 0 : i32
    %dma_wait3A_549 = arith.constant 0 : i32
    %dma_wait3A_550 = tpu.memref_slice %arg2[%dma_wait3A_548, %dma_wait3A_549] : memref<1000000x32xf32, #tpu.memory_space<hbm>> -> memref<1000000x32xf32, #tpu.memory_space<hbm>>
    tpu.wait_indirect_dma semaphore(%arg11 : memref<!tpu.dma_semaphore, #tpu.memory_space<semaphore_mem>>) src(%dma_wait3A_550 : memref<1000000x32xf32, #tpu.memory_space<hbm>>) dst(%dma_wait3A_545 : memref<400x32xf32, #tpu.memory_space<vmem>>)
    %add3A_551 = arith.constant 9600 : i32
    %add3A_552 = arith.addi %mul3A_2, %add3A_551 : i32
    %dma_start3A_553 = arith.constant 0 : i32
    %dma_start3A_554 = tpu.memref_slice %arg4[%add3A_552, %dma_start3A_553] : memref<819200x32xf32, #tpu.memory_space<hbm>> -> memref<1600x32xf32, #tpu.memory_space<hbm>>
    %dma_start3A_555 = arith.constant 0 : i32
    %dma_start3A_556 = tpu.memref_slice %arg4[%add3A_552, %dma_start3A_555] : memref<819200x32xf32, #tpu.memory_space<hbm>> -> memref<1600x32xf32, #tpu.memory_space<hbm>>
    tpu.enqueue_dma source(%arg7 : memref<1600x32xf32, #tpu.memory_space<vmem>>) target(%dma_start3A_556 : memref<1600x32xf32, #tpu.memory_space<hbm>>) target_semaphore(%arg13 : memref<!tpu.dma_semaphore, #tpu.memory_space<semaphore_mem>>)
    %add3A_557 = arith.constant 12800 : i32
    %add3A_558 = arith.addi %mul3A_2, %add3A_557 : i32
    %dma_start3A_559 = tpu.memref_slice %arg3[%add3A_558] : memref<819200xi32, #tpu.memory_space<hbm>> -> memref<1600xi32, #tpu.memory_space<hbm>>
    %dma_start3A_560 = tpu.memref_slice %arg3[%add3A_558] : memref<819200xi32, #tpu.memory_space<hbm>> -> memref<1600xi32, #tpu.memory_space<hbm>>
    tpu.enqueue_dma source(%dma_start3A_560 : memref<1600xi32, #tpu.memory_space<hbm>>) target(%arg5 : memref<1600xi32, #tpu.memory_space<vmem>>) target_semaphore(%arg9 : memref<!tpu.dma_semaphore, #tpu.memory_space<semaphore_mem>>)
    %dma_wait3A_561 = tpu.memref_slice %arg3[%add3A_478] : memref<819200xi32, #tpu.memory_space<hbm>> -> memref<1600xi32, #tpu.memory_space<hbm>>
    %dma_wait3A_562 = tpu.memref_slice %arg3[%add3A_478] : memref<819200xi32, #tpu.memory_space<hbm>> -> memref<1600xi32, #tpu.memory_space<hbm>>
    tpu.wait_dma2 semaphore(%arg10 : memref<!tpu.dma_semaphore, #tpu.memory_space<semaphore_mem>>) src(%dma_wait3A_562 : memref<1600xi32, #tpu.memory_space<hbm>>) dst(%arg6 : memref<1600xi32, #tpu.memory_space<vmem>>)
    %dma_wait3A_563 = arith.constant 0 : i32
    %dma_wait3A_564 = tpu.memref_slice %arg4[%add3A_472, %dma_wait3A_563] : memref<819200x32xf32, #tpu.memory_space<hbm>> -> memref<1600x32xf32, #tpu.memory_space<hbm>>
    %dma_wait3A_565 = arith.constant 0 : i32
    %dma_wait3A_566 = tpu.memref_slice %arg4[%add3A_472, %dma_wait3A_565] : memref<819200x32xf32, #tpu.memory_space<hbm>> -> memref<1600x32xf32, #tpu.memory_space<hbm>>
    tpu.wait_dma2 semaphore(%arg14 : memref<!tpu.dma_semaphore, #tpu.memory_space<semaphore_mem>>) src(%arg8 : memref<1600x32xf32, #tpu.memory_space<vmem>>) dst(%dma_wait3A_566 : memref<1600x32xf32, #tpu.memory_space<hbm>>)
    %dma_start3A_567 = arith.constant 0 : i32
    %dma_start3A_568 = arith.constant 0 : i32
    %dma_start3A_569 = tpu.memref_slice %arg8[%dma_start3A_567, %dma_start3A_568] : memref<1600x32xf32, #tpu.memory_space<vmem>> -> memref<400x32xf32, #tpu.memory_space<vmem>>
    %dma_start3A_570 = arith.constant 0 : i32
    %dma_start3A_571 = tpu.memref_slice %arg6[%dma_start3A_570] : memref<1600xi32, #tpu.memory_space<vmem>> -> memref<400xi32, #tpu.memory_space<vmem>>
    %dma_start3A_572 = arith.constant 0 : i32
    %dma_start3A_573 = arith.constant 0 : i32
    %dma_start3A_574 = tpu.memref_slice %arg2[%dma_start3A_572, %dma_start3A_573] : memref<1000000x32xf32, #tpu.memory_space<hbm>> -> memref<1000000x32xf32, #tpu.memory_space<hbm>>
    tpu.enqueue_indirect_dma source(%dma_start3A_574 : memref<1000000x32xf32, #tpu.memory_space<hbm>>) target(%dma_start3A_569 : memref<400x32xf32, #tpu.memory_space<vmem>>) offsets(%dma_start3A_571 : memref<400xi32, #tpu.memory_space<vmem>>) semaphore(%arg12 : memref<!tpu.dma_semaphore, #tpu.memory_space<semaphore_mem>>)
    %dma_start3A_575 = arith.constant 400 : i32
    %dma_start3A_576 = arith.constant 0 : i32
    %dma_start3A_577 = tpu.memref_slice %arg8[%dma_start3A_575, %dma_start3A_576] : memref<1600x32xf32, #tpu.memory_space<vmem>> -> memref<400x32xf32, #tpu.memory_space<vmem>>
    %dma_start3A_578 = arith.constant 400 : i32
    %dma_start3A_579 = tpu.memref_slice %arg6[%dma_start3A_578] : memref<1600xi32, #tpu.memory_space<vmem>> -> memref<400xi32, #tpu.memory_space<vmem>>
    %dma_start3A_580 = arith.constant 0 : i32
    %dma_start3A_581 = arith.constant 0 : i32
    %dma_start3A_582 = tpu.memref_slice %arg2[%dma_start3A_580, %dma_start3A_581] : memref<1000000x32xf32, #tpu.memory_space<hbm>> -> memref<1000000x32xf32, #tpu.memory_space<hbm>>
    tpu.enqueue_indirect_dma source(%dma_start3A_582 : memref<1000000x32xf32, #tpu.memory_space<hbm>>) target(%dma_start3A_577 : memref<400x32xf32, #tpu.memory_space<vmem>>) offsets(%dma_start3A_579 : memref<400xi32, #tpu.memory_space<vmem>>) semaphore(%arg12 : memref<!tpu.dma_semaphore, #tpu.memory_space<semaphore_mem>>)
    %dma_start3A_583 = arith.constant 800 : i32
    %dma_start3A_584 = arith.constant 0 : i32
    %dma_start3A_585 = tpu.memref_slice %arg8[%dma_start3A_583, %dma_start3A_584] : memref<1600x32xf32, #tpu.memory_space<vmem>> -> memref<400x32xf32, #tpu.memory_space<vmem>>
    %dma_start3A_586 = arith.constant 800 : i32
    %dma_start3A_587 = tpu.memref_slice %arg6[%dma_start3A_586] : memref<1600xi32, #tpu.memory_space<vmem>> -> memref<400xi32, #tpu.memory_space<vmem>>
    %dma_start3A_588 = arith.constant 0 : i32
    %dma_start3A_589 = arith.constant 0 : i32
    %dma_start3A_590 = tpu.memref_slice %arg2[%dma_start3A_588, %dma_start3A_589] : memref<1000000x32xf32, #tpu.memory_space<hbm>> -> memref<1000000x32xf32, #tpu.memory_space<hbm>>
    tpu.enqueue_indirect_dma source(%dma_start3A_590 : memref<1000000x32xf32, #tpu.memory_space<hbm>>) target(%dma_start3A_585 : memref<400x32xf32, #tpu.memory_space<vmem>>) offsets(%dma_start3A_587 : memref<400xi32, #tpu.memory_space<vmem>>) semaphore(%arg12 : memref<!tpu.dma_semaphore, #tpu.memory_space<semaphore_mem>>)
    %dma_start3A_591 = arith.constant 1200 : i32
    %dma_start3A_592 = arith.constant 0 : i32
    %dma_start3A_593 = tpu.memref_slice %arg8[%dma_start3A_591, %dma_start3A_592] : memref<1600x32xf32, #tpu.memory_space<vmem>> -> memref<400x32xf32, #tpu.memory_space<vmem>>
    %dma_start3A_594 = arith.constant 1200 : i32
    %dma_start3A_595 = tpu.memref_slice %arg6[%dma_start3A_594] : memref<1600xi32, #tpu.memory_space<vmem>> -> memref<400xi32, #tpu.memory_space<vmem>>
    %dma_start3A_596 = arith.constant 0 : i32
    %dma_start3A_597 = arith.constant 0 : i32
    %dma_start3A_598 = tpu.memref_slice %arg2[%dma_start3A_596, %dma_start3A_597] : memref<1000000x32xf32, #tpu.memory_space<hbm>> -> memref<1000000x32xf32, #tpu.memory_space<hbm>>
    tpu.enqueue_indirect_dma source(%dma_start3A_598 : memref<1000000x32xf32, #tpu.memory_space<hbm>>) target(%dma_start3A_593 : memref<400x32xf32, #tpu.memory_space<vmem>>) offsets(%dma_start3A_595 : memref<400xi32, #tpu.memory_space<vmem>>) semaphore(%arg12 : memref<!tpu.dma_semaphore, #tpu.memory_space<semaphore_mem>>)
    %dma_wait3A_599 = arith.constant 0 : i32
    %dma_wait3A_600 = arith.constant 0 : i32
    %dma_wait3A_601 = tpu.memref_slice %arg8[%dma_wait3A_599, %dma_wait3A_600] : memref<1600x32xf32, #tpu.memory_space<vmem>> -> memref<400x32xf32, #tpu.memory_space<vmem>>
    %dma_wait3A_602 = arith.constant 0 : i32
    %dma_wait3A_603 = tpu.memref_slice %arg6[%dma_wait3A_602] : memref<1600xi32, #tpu.memory_space<vmem>> -> memref<400xi32, #tpu.memory_space<vmem>>
    %dma_wait3A_604 = arith.constant 0 : i32
    %dma_wait3A_605 = arith.constant 0 : i32
    %dma_wait3A_606 = tpu.memref_slice %arg2[%dma_wait3A_604, %dma_wait3A_605] : memref<1000000x32xf32, #tpu.memory_space<hbm>> -> memref<1000000x32xf32, #tpu.memory_space<hbm>>
    tpu.wait_indirect_dma semaphore(%arg12 : memref<!tpu.dma_semaphore, #tpu.memory_space<semaphore_mem>>) src(%dma_wait3A_606 : memref<1000000x32xf32, #tpu.memory_space<hbm>>) dst(%dma_wait3A_601 : memref<400x32xf32, #tpu.memory_space<vmem>>)
    %dma_wait3A_607 = arith.constant 400 : i32
    %dma_wait3A_608 = arith.constant 0 : i32
    %dma_wait3A_609 = tpu.memref_slice %arg8[%dma_wait3A_607, %dma_wait3A_608] : memref<1600x32xf32, #tpu.memory_space<vmem>> -> memref<400x32xf32, #tpu.memory_space<vmem>>
    %dma_wait3A_610 = arith.constant 400 : i32
    %dma_wait3A_611 = tpu.memref_slice %arg6[%dma_wait3A_610] : memref<1600xi32, #tpu.memory_space<vmem>> -> memref<400xi32, #tpu.memory_space<vmem>>
    %dma_wait3A_612 = arith.constant 0 : i32
    %dma_wait3A_613 = arith.constant 0 : i32
    %dma_wait3A_614 = tpu.memref_slice %arg2[%dma_wait3A_612, %dma_wait3A_613] : memref<1000000x32xf32, #tpu.memory_space<hbm>> -> memref<1000000x32xf32, #tpu.memory_space<hbm>>
    tpu.wait_indirect_dma semaphore(%arg12 : memref<!tpu.dma_semaphore, #tpu.memory_space<semaphore_mem>>) src(%dma_wait3A_614 : memref<1000000x32xf32, #tpu.memory_space<hbm>>) dst(%dma_wait3A_609 : memref<400x32xf32, #tpu.memory_space<vmem>>)
    %dma_wait3A_615 = arith.constant 800 : i32
    %dma_wait3A_616 = arith.constant 0 : i32
    %dma_wait3A_617 = tpu.memref_slice %arg8[%dma_wait3A_615, %dma_wait3A_616] : memref<1600x32xf32, #tpu.memory_space<vmem>> -> memref<400x32xf32, #tpu.memory_space<vmem>>
    %dma_wait3A_618 = arith.constant 800 : i32
    %dma_wait3A_619 = tpu.memref_slice %arg6[%dma_wait3A_618] : memref<1600xi32, #tpu.memory_space<vmem>> -> memref<400xi32, #tpu.memory_space<vmem>>
    %dma_wait3A_620 = arith.constant 0 : i32
    %dma_wait3A_621 = arith.constant 0 : i32
    %dma_wait3A_622 = tpu.memref_slice %arg2[%dma_wait3A_620, %dma_wait3A_621] : memref<1000000x32xf32, #tpu.memory_space<hbm>> -> memref<1000000x32xf32, #tpu.memory_space<hbm>>
    tpu.wait_indirect_dma semaphore(%arg12 : memref<!tpu.dma_semaphore, #tpu.memory_space<semaphore_mem>>) src(%dma_wait3A_622 : memref<1000000x32xf32, #tpu.memory_space<hbm>>) dst(%dma_wait3A_617 : memref<400x32xf32, #tpu.memory_space<vmem>>)
    %dma_wait3A_623 = arith.constant 1200 : i32
    %dma_wait3A_624 = arith.constant 0 : i32
    %dma_wait3A_625 = tpu.memref_slice %arg8[%dma_wait3A_623, %dma_wait3A_624] : memref<1600x32xf32, #tpu.memory_space<vmem>> -> memref<400x32xf32, #tpu.memory_space<vmem>>
    %dma_wait3A_626 = arith.constant 1200 : i32
    %dma_wait3A_627 = tpu.memref_slice %arg6[%dma_wait3A_626] : memref<1600xi32, #tpu.memory_space<vmem>> -> memref<400xi32, #tpu.memory_space<vmem>>
    %dma_wait3A_628 = arith.constant 0 : i32
    %dma_wait3A_629 = arith.constant 0 : i32
    %dma_wait3A_630 = tpu.memref_slice %arg2[%dma_wait3A_628, %dma_wait3A_629] : memref<1000000x32xf32, #tpu.memory_space<hbm>> -> memref<1000000x32xf32, #tpu.memory_space<hbm>>
    tpu.wait_indirect_dma semaphore(%arg12 : memref<!tpu.dma_semaphore, #tpu.memory_space<semaphore_mem>>) src(%dma_wait3A_630 : memref<1000000x32xf32, #tpu.memory_space<hbm>>) dst(%dma_wait3A_625 : memref<400x32xf32, #tpu.memory_space<vmem>>)
    %add3A_631 = arith.constant 11200 : i32
    %add3A_632 = arith.addi %mul3A_2, %add3A_631 : i32
    %dma_start3A_633 = arith.constant 0 : i32
    %dma_start3A_634 = tpu.memref_slice %arg4[%add3A_632, %dma_start3A_633] : memref<819200x32xf32, #tpu.memory_space<hbm>> -> memref<1600x32xf32, #tpu.memory_space<hbm>>
    %dma_start3A_635 = arith.constant 0 : i32
    %dma_start3A_636 = tpu.memref_slice %arg4[%add3A_632, %dma_start3A_635] : memref<819200x32xf32, #tpu.memory_space<hbm>> -> memref<1600x32xf32, #tpu.memory_space<hbm>>
    tpu.enqueue_dma source(%arg8 : memref<1600x32xf32, #tpu.memory_space<vmem>>) target(%dma_start3A_636 : memref<1600x32xf32, #tpu.memory_space<hbm>>) target_semaphore(%arg14 : memref<!tpu.dma_semaphore, #tpu.memory_space<semaphore_mem>>)
    %add3A_637 = arith.constant 14400 : i32
    %add3A_638 = arith.addi %mul3A_2, %add3A_637 : i32
    %dma_start3A_639 = tpu.memref_slice %arg3[%add3A_638] : memref<819200xi32, #tpu.memory_space<hbm>> -> memref<1600xi32, #tpu.memory_space<hbm>>
    %dma_start3A_640 = tpu.memref_slice %arg3[%add3A_638] : memref<819200xi32, #tpu.memory_space<hbm>> -> memref<1600xi32, #tpu.memory_space<hbm>>
    tpu.enqueue_dma source(%dma_start3A_640 : memref<1600xi32, #tpu.memory_space<hbm>>) target(%arg6 : memref<1600xi32, #tpu.memory_space<vmem>>) target_semaphore(%arg10 : memref<!tpu.dma_semaphore, #tpu.memory_space<semaphore_mem>>)
    %dma_wait3A_641 = tpu.memref_slice %arg3[%add3A_558] : memref<819200xi32, #tpu.memory_space<hbm>> -> memref<1600xi32, #tpu.memory_space<hbm>>
    %dma_wait3A_642 = tpu.memref_slice %arg3[%add3A_558] : memref<819200xi32, #tpu.memory_space<hbm>> -> memref<1600xi32, #tpu.memory_space<hbm>>
    tpu.wait_dma2 semaphore(%arg9 : memref<!tpu.dma_semaphore, #tpu.memory_space<semaphore_mem>>) src(%dma_wait3A_642 : memref<1600xi32, #tpu.memory_space<hbm>>) dst(%arg5 : memref<1600xi32, #tpu.memory_space<vmem>>)
    %dma_wait3A_643 = arith.constant 0 : i32
    %dma_wait3A_644 = tpu.memref_slice %arg4[%add3A_552, %dma_wait3A_643] : memref<819200x32xf32, #tpu.memory_space<hbm>> -> memref<1600x32xf32, #tpu.memory_space<hbm>>
    %dma_wait3A_645 = arith.constant 0 : i32
    %dma_wait3A_646 = tpu.memref_slice %arg4[%add3A_552, %dma_wait3A_645] : memref<819200x32xf32, #tpu.memory_space<hbm>> -> memref<1600x32xf32, #tpu.memory_space<hbm>>
    tpu.wait_dma2 semaphore(%arg13 : memref<!tpu.dma_semaphore, #tpu.memory_space<semaphore_mem>>) src(%arg7 : memref<1600x32xf32, #tpu.memory_space<vmem>>) dst(%dma_wait3A_646 : memref<1600x32xf32, #tpu.memory_space<hbm>>)
    %dma_start3A_647 = arith.constant 0 : i32
    %dma_start3A_648 = arith.constant 0 : i32
    %dma_start3A_649 = tpu.memref_slice %arg7[%dma_start3A_647, %dma_start3A_648] : memref<1600x32xf32, #tpu.memory_space<vmem>> -> memref<400x32xf32, #tpu.memory_space<vmem>>
    %dma_start3A_650 = arith.constant 0 : i32
    %dma_start3A_651 = tpu.memref_slice %arg5[%dma_start3A_650] : memref<1600xi32, #tpu.memory_space<vmem>> -> memref<400xi32, #tpu.memory_space<vmem>>
    %dma_start3A_652 = arith.constant 0 : i32
    %dma_start3A_653 = arith.constant 0 : i32
    %dma_start3A_654 = tpu.memref_slice %arg2[%dma_start3A_652, %dma_start3A_653] : memref<1000000x32xf32, #tpu.memory_space<hbm>> -> memref<1000000x32xf32, #tpu.memory_space<hbm>>
    tpu.enqueue_indirect_dma source(%dma_start3A_654 : memref<1000000x32xf32, #tpu.memory_space<hbm>>) target(%dma_start3A_649 : memref<400x32xf32, #tpu.memory_space<vmem>>) offsets(%dma_start3A_651 : memref<400xi32, #tpu.memory_space<vmem>>) semaphore(%arg11 : memref<!tpu.dma_semaphore, #tpu.memory_space<semaphore_mem>>)
    %dma_start3A_655 = arith.constant 400 : i32
    %dma_start3A_656 = arith.constant 0 : i32
    %dma_start3A_657 = tpu.memref_slice %arg7[%dma_start3A_655, %dma_start3A_656] : memref<1600x32xf32, #tpu.memory_space<vmem>> -> memref<400x32xf32, #tpu.memory_space<vmem>>
    %dma_start3A_658 = arith.constant 400 : i32
    %dma_start3A_659 = tpu.memref_slice %arg5[%dma_start3A_658] : memref<1600xi32, #tpu.memory_space<vmem>> -> memref<400xi32, #tpu.memory_space<vmem>>
    %dma_start3A_660 = arith.constant 0 : i32
    %dma_start3A_661 = arith.constant 0 : i32
    %dma_start3A_662 = tpu.memref_slice %arg2[%dma_start3A_660, %dma_start3A_661] : memref<1000000x32xf32, #tpu.memory_space<hbm>> -> memref<1000000x32xf32, #tpu.memory_space<hbm>>
    tpu.enqueue_indirect_dma source(%dma_start3A_662 : memref<1000000x32xf32, #tpu.memory_space<hbm>>) target(%dma_start3A_657 : memref<400x32xf32, #tpu.memory_space<vmem>>) offsets(%dma_start3A_659 : memref<400xi32, #tpu.memory_space<vmem>>) semaphore(%arg11 : memref<!tpu.dma_semaphore, #tpu.memory_space<semaphore_mem>>)
    %dma_start3A_663 = arith.constant 800 : i32
    %dma_start3A_664 = arith.constant 0 : i32
    %dma_start3A_665 = tpu.memref_slice %arg7[%dma_start3A_663, %dma_start3A_664] : memref<1600x32xf32, #tpu.memory_space<vmem>> -> memref<400x32xf32, #tpu.memory_space<vmem>>
    %dma_start3A_666 = arith.constant 800 : i32
    %dma_start3A_667 = tpu.memref_slice %arg5[%dma_start3A_666] : memref<1600xi32, #tpu.memory_space<vmem>> -> memref<400xi32, #tpu.memory_space<vmem>>
    %dma_start3A_668 = arith.constant 0 : i32
    %dma_start3A_669 = arith.constant 0 : i32
    %dma_start3A_670 = tpu.memref_slice %arg2[%dma_start3A_668, %dma_start3A_669] : memref<1000000x32xf32, #tpu.memory_space<hbm>> -> memref<1000000x32xf32, #tpu.memory_space<hbm>>
    tpu.enqueue_indirect_dma source(%dma_start3A_670 : memref<1000000x32xf32, #tpu.memory_space<hbm>>) target(%dma_start3A_665 : memref<400x32xf32, #tpu.memory_space<vmem>>) offsets(%dma_start3A_667 : memref<400xi32, #tpu.memory_space<vmem>>) semaphore(%arg11 : memref<!tpu.dma_semaphore, #tpu.memory_space<semaphore_mem>>)
    %dma_start3A_671 = arith.constant 1200 : i32
    %dma_start3A_672 = arith.constant 0 : i32
    %dma_start3A_673 = tpu.memref_slice %arg7[%dma_start3A_671, %dma_start3A_672] : memref<1600x32xf32, #tpu.memory_space<vmem>> -> memref<400x32xf32, #tpu.memory_space<vmem>>
    %dma_start3A_674 = arith.constant 1200 : i32
    %dma_start3A_675 = tpu.memref_slice %arg5[%dma_start3A_674] : memref<1600xi32, #tpu.memory_space<vmem>> -> memref<400xi32, #tpu.memory_space<vmem>>
    %dma_start3A_676 = arith.constant 0 : i32
    %dma_start3A_677 = arith.constant 0 : i32
    %dma_start3A_678 = tpu.memref_slice %arg2[%dma_start3A_676, %dma_start3A_677] : memref<1000000x32xf32, #tpu.memory_space<hbm>> -> memref<1000000x32xf32, #tpu.memory_space<hbm>>
    tpu.enqueue_indirect_dma source(%dma_start3A_678 : memref<1000000x32xf32, #tpu.memory_space<hbm>>) target(%dma_start3A_673 : memref<400x32xf32, #tpu.memory_space<vmem>>) offsets(%dma_start3A_675 : memref<400xi32, #tpu.memory_space<vmem>>) semaphore(%arg11 : memref<!tpu.dma_semaphore, #tpu.memory_space<semaphore_mem>>)
    %dma_wait3A_679 = arith.constant 0 : i32
    %dma_wait3A_680 = arith.constant 0 : i32
    %dma_wait3A_681 = tpu.memref_slice %arg7[%dma_wait3A_679, %dma_wait3A_680] : memref<1600x32xf32, #tpu.memory_space<vmem>> -> memref<400x32xf32, #tpu.memory_space<vmem>>
    %dma_wait3A_682 = arith.constant 0 : i32
    %dma_wait3A_683 = tpu.memref_slice %arg5[%dma_wait3A_682] : memref<1600xi32, #tpu.memory_space<vmem>> -> memref<400xi32, #tpu.memory_space<vmem>>
    %dma_wait3A_684 = arith.constant 0 : i32
    %dma_wait3A_685 = arith.constant 0 : i32
    %dma_wait3A_686 = tpu.memref_slice %arg2[%dma_wait3A_684, %dma_wait3A_685] : memref<1000000x32xf32, #tpu.memory_space<hbm>> -> memref<1000000x32xf32, #tpu.memory_space<hbm>>
    tpu.wait_indirect_dma semaphore(%arg11 : memref<!tpu.dma_semaphore, #tpu.memory_space<semaphore_mem>>) src(%dma_wait3A_686 : memref<1000000x32xf32, #tpu.memory_space<hbm>>) dst(%dma_wait3A_681 : memref<400x32xf32, #tpu.memory_space<vmem>>)
    %dma_wait3A_687 = arith.constant 400 : i32
    %dma_wait3A_688 = arith.constant 0 : i32
    %dma_wait3A_689 = tpu.memref_slice %arg7[%dma_wait3A_687, %dma_wait3A_688] : memref<1600x32xf32, #tpu.memory_space<vmem>> -> memref<400x32xf32, #tpu.memory_space<vmem>>
    %dma_wait3A_690 = arith.constant 400 : i32
    %dma_wait3A_691 = tpu.memref_slice %arg5[%dma_wait3A_690] : memref<1600xi32, #tpu.memory_space<vmem>> -> memref<400xi32, #tpu.memory_space<vmem>>
    %dma_wait3A_692 = arith.constant 0 : i32
    %dma_wait3A_693 = arith.constant 0 : i32
    %dma_wait3A_694 = tpu.memref_slice %arg2[%dma_wait3A_692, %dma_wait3A_693] : memref<1000000x32xf32, #tpu.memory_space<hbm>> -> memref<1000000x32xf32, #tpu.memory_space<hbm>>
    tpu.wait_indirect_dma semaphore(%arg11 : memref<!tpu.dma_semaphore, #tpu.memory_space<semaphore_mem>>) src(%dma_wait3A_694 : memref<1000000x32xf32, #tpu.memory_space<hbm>>) dst(%dma_wait3A_689 : memref<400x32xf32, #tpu.memory_space<vmem>>)
    %dma_wait3A_695 = arith.constant 800 : i32
    %dma_wait3A_696 = arith.constant 0 : i32
    %dma_wait3A_697 = tpu.memref_slice %arg7[%dma_wait3A_695, %dma_wait3A_696] : memref<1600x32xf32, #tpu.memory_space<vmem>> -> memref<400x32xf32, #tpu.memory_space<vmem>>
    %dma_wait3A_698 = arith.constant 800 : i32
    %dma_wait3A_699 = tpu.memref_slice %arg5[%dma_wait3A_698] : memref<1600xi32, #tpu.memory_space<vmem>> -> memref<400xi32, #tpu.memory_space<vmem>>
    %dma_wait3A_700 = arith.constant 0 : i32
    %dma_wait3A_701 = arith.constant 0 : i32
    %dma_wait3A_702 = tpu.memref_slice %arg2[%dma_wait3A_700, %dma_wait3A_701] : memref<1000000x32xf32, #tpu.memory_space<hbm>> -> memref<1000000x32xf32, #tpu.memory_space<hbm>>
    tpu.wait_indirect_dma semaphore(%arg11 : memref<!tpu.dma_semaphore, #tpu.memory_space<semaphore_mem>>) src(%dma_wait3A_702 : memref<1000000x32xf32, #tpu.memory_space<hbm>>) dst(%dma_wait3A_697 : memref<400x32xf32, #tpu.memory_space<vmem>>)
    %dma_wait3A_703 = arith.constant 1200 : i32
    %dma_wait3A_704 = arith.constant 0 : i32
    %dma_wait3A_705 = tpu.memref_slice %arg7[%dma_wait3A_703, %dma_wait3A_704] : memref<1600x32xf32, #tpu.memory_space<vmem>> -> memref<400x32xf32, #tpu.memory_space<vmem>>
    %dma_wait3A_706 = arith.constant 1200 : i32
    %dma_wait3A_707 = tpu.memref_slice %arg5[%dma_wait3A_706] : memref<1600xi32, #tpu.memory_space<vmem>> -> memref<400xi32, #tpu.memory_space<vmem>>
    %dma_wait3A_708 = arith.constant 0 : i32
    %dma_wait3A_709 = arith.constant 0 : i32
    %dma_wait3A_710 = tpu.memref_slice %arg2[%dma_wait3A_708, %dma_wait3A_709] : memref<1000000x32xf32, #tpu.memory_space<hbm>> -> memref<1000000x32xf32, #tpu.memory_space<hbm>>
    tpu.wait_indirect_dma semaphore(%arg11 : memref<!tpu.dma_semaphore, #tpu.memory_space<semaphore_mem>>) src(%dma_wait3A_710 : memref<1000000x32xf32, #tpu.memory_space<hbm>>) dst(%dma_wait3A_705 : memref<400x32xf32, #tpu.memory_space<vmem>>)
    %add3A_711 = arith.constant 12800 : i32
    %add3A_712 = arith.addi %mul3A_2, %add3A_711 : i32
    %dma_start3A_713 = arith.constant 0 : i32
    %dma_start3A_714 = tpu.memref_slice %arg4[%add3A_712, %dma_start3A_713] : memref<819200x32xf32, #tpu.memory_space<hbm>> -> memref<1600x32xf32, #tpu.memory_space<hbm>>
    %dma_start3A_715 = arith.constant 0 : i32
    %dma_start3A_716 = tpu.memref_slice %arg4[%add3A_712, %dma_start3A_715] : memref<819200x32xf32, #tpu.memory_space<hbm>> -> memref<1600x32xf32, #tpu.memory_space<hbm>>
    tpu.enqueue_dma source(%arg7 : memref<1600x32xf32, #tpu.memory_space<vmem>>) target(%dma_start3A_716 : memref<1600x32xf32, #tpu.memory_space<hbm>>) target_semaphore(%arg13 : memref<!tpu.dma_semaphore, #tpu.memory_space<semaphore_mem>>)
    %add3A_717 = arith.constant 16000 : i32
    %add3A_718 = arith.addi %mul3A_2, %add3A_717 : i32
    %dma_start3A_719 = tpu.memref_slice %arg3[%add3A_718] : memref<819200xi32, #tpu.memory_space<hbm>> -> memref<1600xi32, #tpu.memory_space<hbm>>
    %dma_start3A_720 = tpu.memref_slice %arg3[%add3A_718] : memref<819200xi32, #tpu.memory_space<hbm>> -> memref<1600xi32, #tpu.memory_space<hbm>>
    tpu.enqueue_dma source(%dma_start3A_720 : memref<1600xi32, #tpu.memory_space<hbm>>) target(%arg5 : memref<1600xi32, #tpu.memory_space<vmem>>) target_semaphore(%arg9 : memref<!tpu.dma_semaphore, #tpu.memory_space<semaphore_mem>>)
    %dma_wait3A_721 = tpu.memref_slice %arg3[%add3A_638] : memref<819200xi32, #tpu.memory_space<hbm>> -> memref<1600xi32, #tpu.memory_space<hbm>>
    %dma_wait3A_722 = tpu.memref_slice %arg3[%add3A_638] : memref<819200xi32, #tpu.memory_space<hbm>> -> memref<1600xi32, #tpu.memory_space<hbm>>
    tpu.wait_dma2 semaphore(%arg10 : memref<!tpu.dma_semaphore, #tpu.memory_space<semaphore_mem>>) src(%dma_wait3A_722 : memref<1600xi32, #tpu.memory_space<hbm>>) dst(%arg6 : memref<1600xi32, #tpu.memory_space<vmem>>)
    %dma_wait3A_723 = arith.constant 0 : i32
    %dma_wait3A_724 = tpu.memref_slice %arg4[%add3A_632, %dma_wait3A_723] : memref<819200x32xf32, #tpu.memory_space<hbm>> -> memref<1600x32xf32, #tpu.memory_space<hbm>>
    %dma_wait3A_725 = arith.constant 0 : i32
    %dma_wait3A_726 = tpu.memref_slice %arg4[%add3A_632, %dma_wait3A_725] : memref<819200x32xf32, #tpu.memory_space<hbm>> -> memref<1600x32xf32, #tpu.memory_space<hbm>>
    tpu.wait_dma2 semaphore(%arg14 : memref<!tpu.dma_semaphore, #tpu.memory_space<semaphore_mem>>) src(%arg8 : memref<1600x32xf32, #tpu.memory_space<vmem>>) dst(%dma_wait3A_726 : memref<1600x32xf32, #tpu.memory_space<hbm>>)
    %dma_start3A_727 = arith.constant 0 : i32
    %dma_start3A_728 = arith.constant 0 : i32
    %dma_start3A_729 = tpu.memref_slice %arg8[%dma_start3A_727, %dma_start3A_728] : memref<1600x32xf32, #tpu.memory_space<vmem>> -> memref<400x32xf32, #tpu.memory_space<vmem>>
    %dma_start3A_730 = arith.constant 0 : i32
    %dma_start3A_731 = tpu.memref_slice %arg6[%dma_start3A_730] : memref<1600xi32, #tpu.memory_space<vmem>> -> memref<400xi32, #tpu.memory_space<vmem>>
    %dma_start3A_732 = arith.constant 0 : i32
    %dma_start3A_733 = arith.constant 0 : i32
    %dma_start3A_734 = tpu.memref_slice %arg2[%dma_start3A_732, %dma_start3A_733] : memref<1000000x32xf32, #tpu.memory_space<hbm>> -> memref<1000000x32xf32, #tpu.memory_space<hbm>>
    tpu.enqueue_indirect_dma source(%dma_start3A_734 : memref<1000000x32xf32, #tpu.memory_space<hbm>>) target(%dma_start3A_729 : memref<400x32xf32, #tpu.memory_space<vmem>>) offsets(%dma_start3A_731 : memref<400xi32, #tpu.memory_space<vmem>>) semaphore(%arg12 : memref<!tpu.dma_semaphore, #tpu.memory_space<semaphore_mem>>)
    %dma_start3A_735 = arith.constant 400 : i32
    %dma_start3A_736 = arith.constant 0 : i32
    %dma_start3A_737 = tpu.memref_slice %arg8[%dma_start3A_735, %dma_start3A_736] : memref<1600x32xf32, #tpu.memory_space<vmem>> -> memref<400x32xf32, #tpu.memory_space<vmem>>
    %dma_start3A_738 = arith.constant 400 : i32
    %dma_start3A_739 = tpu.memref_slice %arg6[%dma_start3A_738] : memref<1600xi32, #tpu.memory_space<vmem>> -> memref<400xi32, #tpu.memory_space<vmem>>
    %dma_start3A_740 = arith.constant 0 : i32
    %dma_start3A_741 = arith.constant 0 : i32
    %dma_start3A_742 = tpu.memref_slice %arg2[%dma_start3A_740, %dma_start3A_741] : memref<1000000x32xf32, #tpu.memory_space<hbm>> -> memref<1000000x32xf32, #tpu.memory_space<hbm>>
    tpu.enqueue_indirect_dma source(%dma_start3A_742 : memref<1000000x32xf32, #tpu.memory_space<hbm>>) target(%dma_start3A_737 : memref<400x32xf32, #tpu.memory_space<vmem>>) offsets(%dma_start3A_739 : memref<400xi32, #tpu.memory_space<vmem>>) semaphore(%arg12 : memref<!tpu.dma_semaphore, #tpu.memory_space<semaphore_mem>>)
    %dma_start3A_743 = arith.constant 800 : i32
    %dma_start3A_744 = arith.constant 0 : i32
    %dma_start3A_745 = tpu.memref_slice %arg8[%dma_start3A_743, %dma_start3A_744] : memref<1600x32xf32, #tpu.memory_space<vmem>> -> memref<400x32xf32, #tpu.memory_space<vmem>>
    %dma_start3A_746 = arith.constant 800 : i32
    %dma_start3A_747 = tpu.memref_slice %arg6[%dma_start3A_746] : memref<1600xi32, #tpu.memory_space<vmem>> -> memref<400xi32, #tpu.memory_space<vmem>>
    %dma_start3A_748 = arith.constant 0 : i32
    %dma_start3A_749 = arith.constant 0 : i32
    %dma_start3A_750 = tpu.memref_slice %arg2[%dma_start3A_748, %dma_start3A_749] : memref<1000000x32xf32, #tpu.memory_space<hbm>> -> memref<1000000x32xf32, #tpu.memory_space<hbm>>
    tpu.enqueue_indirect_dma source(%dma_start3A_750 : memref<1000000x32xf32, #tpu.memory_space<hbm>>) target(%dma_start3A_745 : memref<400x32xf32, #tpu.memory_space<vmem>>) offsets(%dma_start3A_747 : memref<400xi32, #tpu.memory_space<vmem>>) semaphore(%arg12 : memref<!tpu.dma_semaphore, #tpu.memory_space<semaphore_mem>>)
    %dma_start3A_751 = arith.constant 1200 : i32
    %dma_start3A_752 = arith.constant 0 : i32
    %dma_start3A_753 = tpu.memref_slice %arg8[%dma_start3A_751, %dma_start3A_752] : memref<1600x32xf32, #tpu.memory_space<vmem>> -> memref<400x32xf32, #tpu.memory_space<vmem>>
    %dma_start3A_754 = arith.constant 1200 : i32
    %dma_start3A_755 = tpu.memref_slice %arg6[%dma_start3A_754] : memref<1600xi32, #tpu.memory_space<vmem>> -> memref<400xi32, #tpu.memory_space<vmem>>
    %dma_start3A_756 = arith.constant 0 : i32
    %dma_start3A_757 = arith.constant 0 : i32
    %dma_start3A_758 = tpu.memref_slice %arg2[%dma_start3A_756, %dma_start3A_757] : memref<1000000x32xf32, #tpu.memory_space<hbm>> -> memref<1000000x32xf32, #tpu.memory_space<hbm>>
    tpu.enqueue_indirect_dma source(%dma_start3A_758 : memref<1000000x32xf32, #tpu.memory_space<hbm>>) target(%dma_start3A_753 : memref<400x32xf32, #tpu.memory_space<vmem>>) offsets(%dma_start3A_755 : memref<400xi32, #tpu.memory_space<vmem>>) semaphore(%arg12 : memref<!tpu.dma_semaphore, #tpu.memory_space<semaphore_mem>>)
    %dma_wait3A_759 = arith.constant 0 : i32
    %dma_wait3A_760 = arith.constant 0 : i32
    %dma_wait3A_761 = tpu.memref_slice %arg8[%dma_wait3A_759, %dma_wait3A_760] : memref<1600x32xf32, #tpu.memory_space<vmem>> -> memref<400x32xf32, #tpu.memory_space<vmem>>
    %dma_wait3A_762 = arith.constant 0 : i32
    %dma_wait3A_763 = tpu.memref_slice %arg6[%dma_wait3A_762] : memref<1600xi32, #tpu.memory_space<vmem>> -> memref<400xi32, #tpu.memory_space<vmem>>
    %dma_wait3A_764 = arith.constant 0 : i32
    %dma_wait3A_765 = arith.constant 0 : i32
    %dma_wait3A_766 = tpu.memref_slice %arg2[%dma_wait3A_764, %dma_wait3A_765] : memref<1000000x32xf32, #tpu.memory_space<hbm>> -> memref<1000000x32xf32, #tpu.memory_space<hbm>>
    tpu.wait_indirect_dma semaphore(%arg12 : memref<!tpu.dma_semaphore, #tpu.memory_space<semaphore_mem>>) src(%dma_wait3A_766 : memref<1000000x32xf32, #tpu.memory_space<hbm>>) dst(%dma_wait3A_761 : memref<400x32xf32, #tpu.memory_space<vmem>>)
    %dma_wait3A_767 = arith.constant 400 : i32
    %dma_wait3A_768 = arith.constant 0 : i32
    %dma_wait3A_769 = tpu.memref_slice %arg8[%dma_wait3A_767, %dma_wait3A_768] : memref<1600x32xf32, #tpu.memory_space<vmem>> -> memref<400x32xf32, #tpu.memory_space<vmem>>
    %dma_wait3A_770 = arith.constant 400 : i32
    %dma_wait3A_771 = tpu.memref_slice %arg6[%dma_wait3A_770] : memref<1600xi32, #tpu.memory_space<vmem>> -> memref<400xi32, #tpu.memory_space<vmem>>
    %dma_wait3A_772 = arith.constant 0 : i32
    %dma_wait3A_773 = arith.constant 0 : i32
    %dma_wait3A_774 = tpu.memref_slice %arg2[%dma_wait3A_772, %dma_wait3A_773] : memref<1000000x32xf32, #tpu.memory_space<hbm>> -> memref<1000000x32xf32, #tpu.memory_space<hbm>>
    tpu.wait_indirect_dma semaphore(%arg12 : memref<!tpu.dma_semaphore, #tpu.memory_space<semaphore_mem>>) src(%dma_wait3A_774 : memref<1000000x32xf32, #tpu.memory_space<hbm>>) dst(%dma_wait3A_769 : memref<400x32xf32, #tpu.memory_space<vmem>>)
    %dma_wait3A_775 = arith.constant 800 : i32
    %dma_wait3A_776 = arith.constant 0 : i32
    %dma_wait3A_777 = tpu.memref_slice %arg8[%dma_wait3A_775, %dma_wait3A_776] : memref<1600x32xf32, #tpu.memory_space<vmem>> -> memref<400x32xf32, #tpu.memory_space<vmem>>
    %dma_wait3A_778 = arith.constant 800 : i32
    %dma_wait3A_779 = tpu.memref_slice %arg6[%dma_wait3A_778] : memref<1600xi32, #tpu.memory_space<vmem>> -> memref<400xi32, #tpu.memory_space<vmem>>
    %dma_wait3A_780 = arith.constant 0 : i32
    %dma_wait3A_781 = arith.constant 0 : i32
    %dma_wait3A_782 = tpu.memref_slice %arg2[%dma_wait3A_780, %dma_wait3A_781] : memref<1000000x32xf32, #tpu.memory_space<hbm>> -> memref<1000000x32xf32, #tpu.memory_space<hbm>>
    tpu.wait_indirect_dma semaphore(%arg12 : memref<!tpu.dma_semaphore, #tpu.memory_space<semaphore_mem>>) src(%dma_wait3A_782 : memref<1000000x32xf32, #tpu.memory_space<hbm>>) dst(%dma_wait3A_777 : memref<400x32xf32, #tpu.memory_space<vmem>>)
    %dma_wait3A_783 = arith.constant 1200 : i32
    %dma_wait3A_784 = arith.constant 0 : i32
    %dma_wait3A_785 = tpu.memref_slice %arg8[%dma_wait3A_783, %dma_wait3A_784] : memref<1600x32xf32, #tpu.memory_space<vmem>> -> memref<400x32xf32, #tpu.memory_space<vmem>>
    %dma_wait3A_786 = arith.constant 1200 : i32
    %dma_wait3A_787 = tpu.memref_slice %arg6[%dma_wait3A_786] : memref<1600xi32, #tpu.memory_space<vmem>> -> memref<400xi32, #tpu.memory_space<vmem>>
    %dma_wait3A_788 = arith.constant 0 : i32
    %dma_wait3A_789 = arith.constant 0 : i32
    %dma_wait3A_790 = tpu.memref_slice %arg2[%dma_wait3A_788, %dma_wait3A_789] : memref<1000000x32xf32, #tpu.memory_space<hbm>> -> memref<1000000x32xf32, #tpu.memory_space<hbm>>
    tpu.wait_indirect_dma semaphore(%arg12 : memref<!tpu.dma_semaphore, #tpu.memory_space<semaphore_mem>>) src(%dma_wait3A_790 : memref<1000000x32xf32, #tpu.memory_space<hbm>>) dst(%dma_wait3A_785 : memref<400x32xf32, #tpu.memory_space<vmem>>)
    %add3A_791 = arith.constant 14400 : i32
    %add3A_792 = arith.addi %mul3A_2, %add3A_791 : i32
    %dma_start3A_793 = arith.constant 0 : i32
    %dma_start3A_794 = tpu.memref_slice %arg4[%add3A_792, %dma_start3A_793] : memref<819200x32xf32, #tpu.memory_space<hbm>> -> memref<1600x32xf32, #tpu.memory_space<hbm>>
    %dma_start3A_795 = arith.constant 0 : i32
    %dma_start3A_796 = tpu.memref_slice %arg4[%add3A_792, %dma_start3A_795] : memref<819200x32xf32, #tpu.memory_space<hbm>> -> memref<1600x32xf32, #tpu.memory_space<hbm>>
    tpu.enqueue_dma source(%arg8 : memref<1600x32xf32, #tpu.memory_space<vmem>>) target(%dma_start3A_796 : memref<1600x32xf32, #tpu.memory_space<hbm>>) target_semaphore(%arg14 : memref<!tpu.dma_semaphore, #tpu.memory_space<semaphore_mem>>)
    %add3A_797 = arith.constant 17600 : i32
    %add3A_798 = arith.addi %mul3A_2, %add3A_797 : i32
    %dma_start3A_799 = tpu.memref_slice %arg3[%add3A_798] : memref<819200xi32, #tpu.memory_space<hbm>> -> memref<1600xi32, #tpu.memory_space<hbm>>
    %dma_start3A_800 = tpu.memref_slice %arg3[%add3A_798] : memref<819200xi32, #tpu.memory_space<hbm>> -> memref<1600xi32, #tpu.memory_space<hbm>>
    tpu.enqueue_dma source(%dma_start3A_800 : memref<1600xi32, #tpu.memory_space<hbm>>) target(%arg6 : memref<1600xi32, #tpu.memory_space<vmem>>) target_semaphore(%arg10 : memref<!tpu.dma_semaphore, #tpu.memory_space<semaphore_mem>>)
    %dma_wait3A_801 = tpu.memref_slice %arg3[%add3A_718] : memref<819200xi32, #tpu.memory_space<hbm>> -> memref<1600xi32, #tpu.memory_space<hbm>>
    %dma_wait3A_802 = tpu.memref_slice %arg3[%add3A_718] : memref<819200xi32, #tpu.memory_space<hbm>> -> memref<1600xi32, #tpu.memory_space<hbm>>
    tpu.wait_dma2 semaphore(%arg9 : memref<!tpu.dma_semaphore, #tpu.memory_space<semaphore_mem>>) src(%dma_wait3A_802 : memref<1600xi32, #tpu.memory_space<hbm>>) dst(%arg5 : memref<1600xi32, #tpu.memory_space<vmem>>)
    %dma_wait3A_803 = arith.constant 0 : i32
    %dma_wait3A_804 = tpu.memref_slice %arg4[%add3A_712, %dma_wait3A_803] : memref<819200x32xf32, #tpu.memory_space<hbm>> -> memref<1600x32xf32, #tpu.memory_space<hbm>>
    %dma_wait3A_805 = arith.constant 0 : i32
    %dma_wait3A_806 = tpu.memref_slice %arg4[%add3A_712, %dma_wait3A_805] : memref<819200x32xf32, #tpu.memory_space<hbm>> -> memref<1600x32xf32, #tpu.memory_space<hbm>>
    tpu.wait_dma2 semaphore(%arg13 : memref<!tpu.dma_semaphore, #tpu.memory_space<semaphore_mem>>) src(%arg7 : memref<1600x32xf32, #tpu.memory_space<vmem>>) dst(%dma_wait3A_806 : memref<1600x32xf32, #tpu.memory_space<hbm>>)
    %dma_start3A_807 = arith.constant 0 : i32
    %dma_start3A_808 = arith.constant 0 : i32
    %dma_start3A_809 = tpu.memref_slice %arg7[%dma_start3A_807, %dma_start3A_808] : memref<1600x32xf32, #tpu.memory_space<vmem>> -> memref<400x32xf32, #tpu.memory_space<vmem>>
    %dma_start3A_810 = arith.constant 0 : i32
    %dma_start3A_811 = tpu.memref_slice %arg5[%dma_start3A_810] : memref<1600xi32, #tpu.memory_space<vmem>> -> memref<400xi32, #tpu.memory_space<vmem>>
    %dma_start3A_812 = arith.constant 0 : i32
    %dma_start3A_813 = arith.constant 0 : i32
    %dma_start3A_814 = tpu.memref_slice %arg2[%dma_start3A_812, %dma_start3A_813] : memref<1000000x32xf32, #tpu.memory_space<hbm>> -> memref<1000000x32xf32, #tpu.memory_space<hbm>>
    tpu.enqueue_indirect_dma source(%dma_start3A_814 : memref<1000000x32xf32, #tpu.memory_space<hbm>>) target(%dma_start3A_809 : memref<400x32xf32, #tpu.memory_space<vmem>>) offsets(%dma_start3A_811 : memref<400xi32, #tpu.memory_space<vmem>>) semaphore(%arg11 : memref<!tpu.dma_semaphore, #tpu.memory_space<semaphore_mem>>)
    %dma_start3A_815 = arith.constant 400 : i32
    %dma_start3A_816 = arith.constant 0 : i32
    %dma_start3A_817 = tpu.memref_slice %arg7[%dma_start3A_815, %dma_start3A_816] : memref<1600x32xf32, #tpu.memory_space<vmem>> -> memref<400x32xf32, #tpu.memory_space<vmem>>
    %dma_start3A_818 = arith.constant 400 : i32
    %dma_start3A_819 = tpu.memref_slice %arg5[%dma_start3A_818] : memref<1600xi32, #tpu.memory_space<vmem>> -> memref<400xi32, #tpu.memory_space<vmem>>
    %dma_start3A_820 = arith.constant 0 : i32
    %dma_start3A_821 = arith.constant 0 : i32
    %dma_start3A_822 = tpu.memref_slice %arg2[%dma_start3A_820, %dma_start3A_821] : memref<1000000x32xf32, #tpu.memory_space<hbm>> -> memref<1000000x32xf32, #tpu.memory_space<hbm>>
    tpu.enqueue_indirect_dma source(%dma_start3A_822 : memref<1000000x32xf32, #tpu.memory_space<hbm>>) target(%dma_start3A_817 : memref<400x32xf32, #tpu.memory_space<vmem>>) offsets(%dma_start3A_819 : memref<400xi32, #tpu.memory_space<vmem>>) semaphore(%arg11 : memref<!tpu.dma_semaphore, #tpu.memory_space<semaphore_mem>>)
    %dma_start3A_823 = arith.constant 800 : i32
    %dma_start3A_824 = arith.constant 0 : i32
    %dma_start3A_825 = tpu.memref_slice %arg7[%dma_start3A_823, %dma_start3A_824] : memref<1600x32xf32, #tpu.memory_space<vmem>> -> memref<400x32xf32, #tpu.memory_space<vmem>>
    %dma_start3A_826 = arith.constant 800 : i32
    %dma_start3A_827 = tpu.memref_slice %arg5[%dma_start3A_826] : memref<1600xi32, #tpu.memory_space<vmem>> -> memref<400xi32, #tpu.memory_space<vmem>>
    %dma_start3A_828 = arith.constant 0 : i32
    %dma_start3A_829 = arith.constant 0 : i32
    %dma_start3A_830 = tpu.memref_slice %arg2[%dma_start3A_828, %dma_start3A_829] : memref<1000000x32xf32, #tpu.memory_space<hbm>> -> memref<1000000x32xf32, #tpu.memory_space<hbm>>
    tpu.enqueue_indirect_dma source(%dma_start3A_830 : memref<1000000x32xf32, #tpu.memory_space<hbm>>) target(%dma_start3A_825 : memref<400x32xf32, #tpu.memory_space<vmem>>) offsets(%dma_start3A_827 : memref<400xi32, #tpu.memory_space<vmem>>) semaphore(%arg11 : memref<!tpu.dma_semaphore, #tpu.memory_space<semaphore_mem>>)
    %dma_start3A_831 = arith.constant 1200 : i32
    %dma_start3A_832 = arith.constant 0 : i32
    %dma_start3A_833 = tpu.memref_slice %arg7[%dma_start3A_831, %dma_start3A_832] : memref<1600x32xf32, #tpu.memory_space<vmem>> -> memref<400x32xf32, #tpu.memory_space<vmem>>
    %dma_start3A_834 = arith.constant 1200 : i32
    %dma_start3A_835 = tpu.memref_slice %arg5[%dma_start3A_834] : memref<1600xi32, #tpu.memory_space<vmem>> -> memref<400xi32, #tpu.memory_space<vmem>>
    %dma_start3A_836 = arith.constant 0 : i32
    %dma_start3A_837 = arith.constant 0 : i32
    %dma_start3A_838 = tpu.memref_slice %arg2[%dma_start3A_836, %dma_start3A_837] : memref<1000000x32xf32, #tpu.memory_space<hbm>> -> memref<1000000x32xf32, #tpu.memory_space<hbm>>
    tpu.enqueue_indirect_dma source(%dma_start3A_838 : memref<1000000x32xf32, #tpu.memory_space<hbm>>) target(%dma_start3A_833 : memref<400x32xf32, #tpu.memory_space<vmem>>) offsets(%dma_start3A_835 : memref<400xi32, #tpu.memory_space<vmem>>) semaphore(%arg11 : memref<!tpu.dma_semaphore, #tpu.memory_space<semaphore_mem>>)
    %dma_wait3A_839 = arith.constant 0 : i32
    %dma_wait3A_840 = arith.constant 0 : i32
    %dma_wait3A_841 = tpu.memref_slice %arg7[%dma_wait3A_839, %dma_wait3A_840] : memref<1600x32xf32, #tpu.memory_space<vmem>> -> memref<400x32xf32, #tpu.memory_space<vmem>>
    %dma_wait3A_842 = arith.constant 0 : i32
    %dma_wait3A_843 = tpu.memref_slice %arg5[%dma_wait3A_842] : memref<1600xi32, #tpu.memory_space<vmem>> -> memref<400xi32, #tpu.memory_space<vmem>>
    %dma_wait3A_844 = arith.constant 0 : i32
    %dma_wait3A_845 = arith.constant 0 : i32
    %dma_wait3A_846 = tpu.memref_slice %arg2[%dma_wait3A_844, %dma_wait3A_845] : memref<1000000x32xf32, #tpu.memory_space<hbm>> -> memref<1000000x32xf32, #tpu.memory_space<hbm>>
    tpu.wait_indirect_dma semaphore(%arg11 : memref<!tpu.dma_semaphore, #tpu.memory_space<semaphore_mem>>) src(%dma_wait3A_846 : memref<1000000x32xf32, #tpu.memory_space<hbm>>) dst(%dma_wait3A_841 : memref<400x32xf32, #tpu.memory_space<vmem>>)
    %dma_wait3A_847 = arith.constant 400 : i32
    %dma_wait3A_848 = arith.constant 0 : i32
    %dma_wait3A_849 = tpu.memref_slice %arg7[%dma_wait3A_847, %dma_wait3A_848] : memref<1600x32xf32, #tpu.memory_space<vmem>> -> memref<400x32xf32, #tpu.memory_space<vmem>>
    %dma_wait3A_850 = arith.constant 400 : i32
    %dma_wait3A_851 = tpu.memref_slice %arg5[%dma_wait3A_850] : memref<1600xi32, #tpu.memory_space<vmem>> -> memref<400xi32, #tpu.memory_space<vmem>>
    %dma_wait3A_852 = arith.constant 0 : i32
    %dma_wait3A_853 = arith.constant 0 : i32
    %dma_wait3A_854 = tpu.memref_slice %arg2[%dma_wait3A_852, %dma_wait3A_853] : memref<1000000x32xf32, #tpu.memory_space<hbm>> -> memref<1000000x32xf32, #tpu.memory_space<hbm>>
    tpu.wait_indirect_dma semaphore(%arg11 : memref<!tpu.dma_semaphore, #tpu.memory_space<semaphore_mem>>) src(%dma_wait3A_854 : memref<1000000x32xf32, #tpu.memory_space<hbm>>) dst(%dma_wait3A_849 : memref<400x32xf32, #tpu.memory_space<vmem>>)
    %dma_wait3A_855 = arith.constant 800 : i32
    %dma_wait3A_856 = arith.constant 0 : i32
    %dma_wait3A_857 = tpu.memref_slice %arg7[%dma_wait3A_855, %dma_wait3A_856] : memref<1600x32xf32, #tpu.memory_space<vmem>> -> memref<400x32xf32, #tpu.memory_space<vmem>>
    %dma_wait3A_858 = arith.constant 800 : i32
    %dma_wait3A_859 = tpu.memref_slice %arg5[%dma_wait3A_858] : memref<1600xi32, #tpu.memory_space<vmem>> -> memref<400xi32, #tpu.memory_space<vmem>>
    %dma_wait3A_860 = arith.constant 0 : i32
    %dma_wait3A_861 = arith.constant 0 : i32
    %dma_wait3A_862 = tpu.memref_slice %arg2[%dma_wait3A_860, %dma_wait3A_861] : memref<1000000x32xf32, #tpu.memory_space<hbm>> -> memref<1000000x32xf32, #tpu.memory_space<hbm>>
    tpu.wait_indirect_dma semaphore(%arg11 : memref<!tpu.dma_semaphore, #tpu.memory_space<semaphore_mem>>) src(%dma_wait3A_862 : memref<1000000x32xf32, #tpu.memory_space<hbm>>) dst(%dma_wait3A_857 : memref<400x32xf32, #tpu.memory_space<vmem>>)
    %dma_wait3A_863 = arith.constant 1200 : i32
    %dma_wait3A_864 = arith.constant 0 : i32
    %dma_wait3A_865 = tpu.memref_slice %arg7[%dma_wait3A_863, %dma_wait3A_864] : memref<1600x32xf32, #tpu.memory_space<vmem>> -> memref<400x32xf32, #tpu.memory_space<vmem>>
    %dma_wait3A_866 = arith.constant 1200 : i32
    %dma_wait3A_867 = tpu.memref_slice %arg5[%dma_wait3A_866] : memref<1600xi32, #tpu.memory_space<vmem>> -> memref<400xi32, #tpu.memory_space<vmem>>
    %dma_wait3A_868 = arith.constant 0 : i32
    %dma_wait3A_869 = arith.constant 0 : i32
    %dma_wait3A_870 = tpu.memref_slice %arg2[%dma_wait3A_868, %dma_wait3A_869] : memref<1000000x32xf32, #tpu.memory_space<hbm>> -> memref<1000000x32xf32, #tpu.memory_space<hbm>>
    tpu.wait_indirect_dma semaphore(%arg11 : memref<!tpu.dma_semaphore, #tpu.memory_space<semaphore_mem>>) src(%dma_wait3A_870 : memref<1000000x32xf32, #tpu.memory_space<hbm>>) dst(%dma_wait3A_865 : memref<400x32xf32, #tpu.memory_space<vmem>>)
    %add3A_871 = arith.constant 16000 : i32
    %add3A_872 = arith.addi %mul3A_2, %add3A_871 : i32
    %dma_start3A_873 = arith.constant 0 : i32
    %dma_start3A_874 = tpu.memref_slice %arg4[%add3A_872, %dma_start3A_873] : memref<819200x32xf32, #tpu.memory_space<hbm>> -> memref<1600x32xf32, #tpu.memory_space<hbm>>
    %dma_start3A_875 = arith.constant 0 : i32
    %dma_start3A_876 = tpu.memref_slice %arg4[%add3A_872, %dma_start3A_875] : memref<819200x32xf32, #tpu.memory_space<hbm>> -> memref<1600x32xf32, #tpu.memory_space<hbm>>
    tpu.enqueue_dma source(%arg7 : memref<1600x32xf32, #tpu.memory_space<vmem>>) target(%dma_start3A_876 : memref<1600x32xf32, #tpu.memory_space<hbm>>) target_semaphore(%arg13 : memref<!tpu.dma_semaphore, #tpu.memory_space<semaphore_mem>>)
    %add3A_877 = arith.constant 19200 : i32
    %add3A_878 = arith.addi %mul3A_2, %add3A_877 : i32
    %dma_start3A_879 = tpu.memref_slice %arg3[%add3A_878] : memref<819200xi32, #tpu.memory_space<hbm>> -> memref<1600xi32, #tpu.memory_space<hbm>>
    %dma_start3A_880 = tpu.memref_slice %arg3[%add3A_878] : memref<819200xi32, #tpu.memory_space<hbm>> -> memref<1600xi32, #tpu.memory_space<hbm>>
    tpu.enqueue_dma source(%dma_start3A_880 : memref<1600xi32, #tpu.memory_space<hbm>>) target(%arg5 : memref<1600xi32, #tpu.memory_space<vmem>>) target_semaphore(%arg9 : memref<!tpu.dma_semaphore, #tpu.memory_space<semaphore_mem>>)
    %dma_wait3A_881 = tpu.memref_slice %arg3[%add3A_798] : memref<819200xi32, #tpu.memory_space<hbm>> -> memref<1600xi32, #tpu.memory_space<hbm>>
    %dma_wait3A_882 = tpu.memref_slice %arg3[%add3A_798] : memref<819200xi32, #tpu.memory_space<hbm>> -> memref<1600xi32, #tpu.memory_space<hbm>>
    tpu.wait_dma2 semaphore(%arg10 : memref<!tpu.dma_semaphore, #tpu.memory_space<semaphore_mem>>) src(%dma_wait3A_882 : memref<1600xi32, #tpu.memory_space<hbm>>) dst(%arg6 : memref<1600xi32, #tpu.memory_space<vmem>>)
    %dma_wait3A_883 = arith.constant 0 : i32
    %dma_wait3A_884 = tpu.memref_slice %arg4[%add3A_792, %dma_wait3A_883] : memref<819200x32xf32, #tpu.memory_space<hbm>> -> memref<1600x32xf32, #tpu.memory_space<hbm>>
    %dma_wait3A_885 = arith.constant 0 : i32
    %dma_wait3A_886 = tpu.memref_slice %arg4[%add3A_792, %dma_wait3A_885] : memref<819200x32xf32, #tpu.memory_space<hbm>> -> memref<1600x32xf32, #tpu.memory_space<hbm>>
    tpu.wait_dma2 semaphore(%arg14 : memref<!tpu.dma_semaphore, #tpu.memory_space<semaphore_mem>>) src(%arg8 : memref<1600x32xf32, #tpu.memory_space<vmem>>) dst(%dma_wait3A_886 : memref<1600x32xf32, #tpu.memory_space<hbm>>)
    %dma_start3A_887 = arith.constant 0 : i32
    %dma_start3A_888 = arith.constant 0 : i32
    %dma_start3A_889 = tpu.memref_slice %arg8[%dma_start3A_887, %dma_start3A_888] : memref<1600x32xf32, #tpu.memory_space<vmem>> -> memref<400x32xf32, #tpu.memory_space<vmem>>
    %dma_start3A_890 = arith.constant 0 : i32
    %dma_start3A_891 = tpu.memref_slice %arg6[%dma_start3A_890] : memref<1600xi32, #tpu.memory_space<vmem>> -> memref<400xi32, #tpu.memory_space<vmem>>
    %dma_start3A_892 = arith.constant 0 : i32
    %dma_start3A_893 = arith.constant 0 : i32
    %dma_start3A_894 = tpu.memref_slice %arg2[%dma_start3A_892, %dma_start3A_893] : memref<1000000x32xf32, #tpu.memory_space<hbm>> -> memref<1000000x32xf32, #tpu.memory_space<hbm>>
    tpu.enqueue_indirect_dma source(%dma_start3A_894 : memref<1000000x32xf32, #tpu.memory_space<hbm>>) target(%dma_start3A_889 : memref<400x32xf32, #tpu.memory_space<vmem>>) offsets(%dma_start3A_891 : memref<400xi32, #tpu.memory_space<vmem>>) semaphore(%arg12 : memref<!tpu.dma_semaphore, #tpu.memory_space<semaphore_mem>>)
    %dma_start3A_895 = arith.constant 400 : i32
    %dma_start3A_896 = arith.constant 0 : i32
    %dma_start3A_897 = tpu.memref_slice %arg8[%dma_start3A_895, %dma_start3A_896] : memref<1600x32xf32, #tpu.memory_space<vmem>> -> memref<400x32xf32, #tpu.memory_space<vmem>>
    %dma_start3A_898 = arith.constant 400 : i32
    %dma_start3A_899 = tpu.memref_slice %arg6[%dma_start3A_898] : memref<1600xi32, #tpu.memory_space<vmem>> -> memref<400xi32, #tpu.memory_space<vmem>>
    %dma_start3A_900 = arith.constant 0 : i32
    %dma_start3A_901 = arith.constant 0 : i32
    %dma_start3A_902 = tpu.memref_slice %arg2[%dma_start3A_900, %dma_start3A_901] : memref<1000000x32xf32, #tpu.memory_space<hbm>> -> memref<1000000x32xf32, #tpu.memory_space<hbm>>
    tpu.enqueue_indirect_dma source(%dma_start3A_902 : memref<1000000x32xf32, #tpu.memory_space<hbm>>) target(%dma_start3A_897 : memref<400x32xf32, #tpu.memory_space<vmem>>) offsets(%dma_start3A_899 : memref<400xi32, #tpu.memory_space<vmem>>) semaphore(%arg12 : memref<!tpu.dma_semaphore, #tpu.memory_space<semaphore_mem>>)
    %dma_start3A_903 = arith.constant 800 : i32
    %dma_start3A_904 = arith.constant 0 : i32
    %dma_start3A_905 = tpu.memref_slice %arg8[%dma_start3A_903, %dma_start3A_904] : memref<1600x32xf32, #tpu.memory_space<vmem>> -> memref<400x32xf32, #tpu.memory_space<vmem>>
    %dma_start3A_906 = arith.constant 800 : i32
    %dma_start3A_907 = tpu.memref_slice %arg6[%dma_start3A_906] : memref<1600xi32, #tpu.memory_space<vmem>> -> memref<400xi32, #tpu.memory_space<vmem>>
    %dma_start3A_908 = arith.constant 0 : i32
    %dma_start3A_909 = arith.constant 0 : i32
    %dma_start3A_910 = tpu.memref_slice %arg2[%dma_start3A_908, %dma_start3A_909] : memref<1000000x32xf32, #tpu.memory_space<hbm>> -> memref<1000000x32xf32, #tpu.memory_space<hbm>>
    tpu.enqueue_indirect_dma source(%dma_start3A_910 : memref<1000000x32xf32, #tpu.memory_space<hbm>>) target(%dma_start3A_905 : memref<400x32xf32, #tpu.memory_space<vmem>>) offsets(%dma_start3A_907 : memref<400xi32, #tpu.memory_space<vmem>>) semaphore(%arg12 : memref<!tpu.dma_semaphore, #tpu.memory_space<semaphore_mem>>)
    %dma_start3A_911 = arith.constant 1200 : i32
    %dma_start3A_912 = arith.constant 0 : i32
    %dma_start3A_913 = tpu.memref_slice %arg8[%dma_start3A_911, %dma_start3A_912] : memref<1600x32xf32, #tpu.memory_space<vmem>> -> memref<400x32xf32, #tpu.memory_space<vmem>>
    %dma_start3A_914 = arith.constant 1200 : i32
    %dma_start3A_915 = tpu.memref_slice %arg6[%dma_start3A_914] : memref<1600xi32, #tpu.memory_space<vmem>> -> memref<400xi32, #tpu.memory_space<vmem>>
    %dma_start3A_916 = arith.constant 0 : i32
    %dma_start3A_917 = arith.constant 0 : i32
    %dma_start3A_918 = tpu.memref_slice %arg2[%dma_start3A_916, %dma_start3A_917] : memref<1000000x32xf32, #tpu.memory_space<hbm>> -> memref<1000000x32xf32, #tpu.memory_space<hbm>>
    tpu.enqueue_indirect_dma source(%dma_start3A_918 : memref<1000000x32xf32, #tpu.memory_space<hbm>>) target(%dma_start3A_913 : memref<400x32xf32, #tpu.memory_space<vmem>>) offsets(%dma_start3A_915 : memref<400xi32, #tpu.memory_space<vmem>>) semaphore(%arg12 : memref<!tpu.dma_semaphore, #tpu.memory_space<semaphore_mem>>)
    %dma_wait3A_919 = arith.constant 0 : i32
    %dma_wait3A_920 = arith.constant 0 : i32
    %dma_wait3A_921 = tpu.memref_slice %arg8[%dma_wait3A_919, %dma_wait3A_920] : memref<1600x32xf32, #tpu.memory_space<vmem>> -> memref<400x32xf32, #tpu.memory_space<vmem>>
    %dma_wait3A_922 = arith.constant 0 : i32
    %dma_wait3A_923 = tpu.memref_slice %arg6[%dma_wait3A_922] : memref<1600xi32, #tpu.memory_space<vmem>> -> memref<400xi32, #tpu.memory_space<vmem>>
    %dma_wait3A_924 = arith.constant 0 : i32
    %dma_wait3A_925 = arith.constant 0 : i32
    %dma_wait3A_926 = tpu.memref_slice %arg2[%dma_wait3A_924, %dma_wait3A_925] : memref<1000000x32xf32, #tpu.memory_space<hbm>> -> memref<1000000x32xf32, #tpu.memory_space<hbm>>
    tpu.wait_indirect_dma semaphore(%arg12 : memref<!tpu.dma_semaphore, #tpu.memory_space<semaphore_mem>>) src(%dma_wait3A_926 : memref<1000000x32xf32, #tpu.memory_space<hbm>>) dst(%dma_wait3A_921 : memref<400x32xf32, #tpu.memory_space<vmem>>)
    %dma_wait3A_927 = arith.constant 400 : i32
    %dma_wait3A_928 = arith.constant 0 : i32
    %dma_wait3A_929 = tpu.memref_slice %arg8[%dma_wait3A_927, %dma_wait3A_928] : memref<1600x32xf32, #tpu.memory_space<vmem>> -> memref<400x32xf32, #tpu.memory_space<vmem>>
    %dma_wait3A_930 = arith.constant 400 : i32
    %dma_wait3A_931 = tpu.memref_slice %arg6[%dma_wait3A_930] : memref<1600xi32, #tpu.memory_space<vmem>> -> memref<400xi32, #tpu.memory_space<vmem>>
    %dma_wait3A_932 = arith.constant 0 : i32
    %dma_wait3A_933 = arith.constant 0 : i32
    %dma_wait3A_934 = tpu.memref_slice %arg2[%dma_wait3A_932, %dma_wait3A_933] : memref<1000000x32xf32, #tpu.memory_space<hbm>> -> memref<1000000x32xf32, #tpu.memory_space<hbm>>
    tpu.wait_indirect_dma semaphore(%arg12 : memref<!tpu.dma_semaphore, #tpu.memory_space<semaphore_mem>>) src(%dma_wait3A_934 : memref<1000000x32xf32, #tpu.memory_space<hbm>>) dst(%dma_wait3A_929 : memref<400x32xf32, #tpu.memory_space<vmem>>)
    %dma_wait3A_935 = arith.constant 800 : i32
    %dma_wait3A_936 = arith.constant 0 : i32
    %dma_wait3A_937 = tpu.memref_slice %arg8[%dma_wait3A_935, %dma_wait3A_936] : memref<1600x32xf32, #tpu.memory_space<vmem>> -> memref<400x32xf32, #tpu.memory_space<vmem>>
    %dma_wait3A_938 = arith.constant 800 : i32
    %dma_wait3A_939 = tpu.memref_slice %arg6[%dma_wait3A_938] : memref<1600xi32, #tpu.memory_space<vmem>> -> memref<400xi32, #tpu.memory_space<vmem>>
    %dma_wait3A_940 = arith.constant 0 : i32
    %dma_wait3A_941 = arith.constant 0 : i32
    %dma_wait3A_942 = tpu.memref_slice %arg2[%dma_wait3A_940, %dma_wait3A_941] : memref<1000000x32xf32, #tpu.memory_space<hbm>> -> memref<1000000x32xf32, #tpu.memory_space<hbm>>
    tpu.wait_indirect_dma semaphore(%arg12 : memref<!tpu.dma_semaphore, #tpu.memory_space<semaphore_mem>>) src(%dma_wait3A_942 : memref<1000000x32xf32, #tpu.memory_space<hbm>>) dst(%dma_wait3A_937 : memref<400x32xf32, #tpu.memory_space<vmem>>)
    %dma_wait3A_943 = arith.constant 1200 : i32
    %dma_wait3A_944 = arith.constant 0 : i32
    %dma_wait3A_945 = tpu.memref_slice %arg8[%dma_wait3A_943, %dma_wait3A_944] : memref<1600x32xf32, #tpu.memory_space<vmem>> -> memref<400x32xf32, #tpu.memory_space<vmem>>
    %dma_wait3A_946 = arith.constant 1200 : i32
    %dma_wait3A_947 = tpu.memref_slice %arg6[%dma_wait3A_946] : memref<1600xi32, #tpu.memory_space<vmem>> -> memref<400xi32, #tpu.memory_space<vmem>>
    %dma_wait3A_948 = arith.constant 0 : i32
    %dma_wait3A_949 = arith.constant 0 : i32
    %dma_wait3A_950 = tpu.memref_slice %arg2[%dma_wait3A_948, %dma_wait3A_949] : memref<1000000x32xf32, #tpu.memory_space<hbm>> -> memref<1000000x32xf32, #tpu.memory_space<hbm>>
    tpu.wait_indirect_dma semaphore(%arg12 : memref<!tpu.dma_semaphore, #tpu.memory_space<semaphore_mem>>) src(%dma_wait3A_950 : memref<1000000x32xf32, #tpu.memory_space<hbm>>) dst(%dma_wait3A_945 : memref<400x32xf32, #tpu.memory_space<vmem>>)
    %add3A_951 = arith.constant 17600 : i32
    %add3A_952 = arith.addi %mul3A_2, %add3A_951 : i32
    %dma_start3A_953 = arith.constant 0 : i32
    %dma_start3A_954 = tpu.memref_slice %arg4[%add3A_952, %dma_start3A_953] : memref<819200x32xf32, #tpu.memory_space<hbm>> -> memref<1600x32xf32, #tpu.memory_space<hbm>>
    %dma_start3A_955 = arith.constant 0 : i32
    %dma_start3A_956 = tpu.memref_slice %arg4[%add3A_952, %dma_start3A_955] : memref<819200x32xf32, #tpu.memory_space<hbm>> -> memref<1600x32xf32, #tpu.memory_space<hbm>>
    tpu.enqueue_dma source(%arg8 : memref<1600x32xf32, #tpu.memory_space<vmem>>) target(%dma_start3A_956 : memref<1600x32xf32, #tpu.memory_space<hbm>>) target_semaphore(%arg14 : memref<!tpu.dma_semaphore, #tpu.memory_space<semaphore_mem>>)
    %add3A_957 = arith.constant 20800 : i32
    %add3A_958 = arith.addi %mul3A_2, %add3A_957 : i32
    %dma_start3A_959 = tpu.memref_slice %arg3[%add3A_958] : memref<819200xi32, #tpu.memory_space<hbm>> -> memref<1600xi32, #tpu.memory_space<hbm>>
    %dma_start3A_960 = tpu.memref_slice %arg3[%add3A_958] : memref<819200xi32, #tpu.memory_space<hbm>> -> memref<1600xi32, #tpu.memory_space<hbm>>
    tpu.enqueue_dma source(%dma_start3A_960 : memref<1600xi32, #tpu.memory_space<hbm>>) target(%arg6 : memref<1600xi32, #tpu.memory_space<vmem>>) target_semaphore(%arg10 : memref<!tpu.dma_semaphore, #tpu.memory_space<semaphore_mem>>)
    %dma_wait3A_961 = tpu.memref_slice %arg3[%add3A_878] : memref<819200xi32, #tpu.memory_space<hbm>> -> memref<1600xi32, #tpu.memory_space<hbm>>
    %dma_wait3A_962 = tpu.memref_slice %arg3[%add3A_878] : memref<819200xi32, #tpu.memory_space<hbm>> -> memref<1600xi32, #tpu.memory_space<hbm>>
    tpu.wait_dma2 semaphore(%arg9 : memref<!tpu.dma_semaphore, #tpu.memory_space<semaphore_mem>>) src(%dma_wait3A_962 : memref<1600xi32, #tpu.memory_space<hbm>>) dst(%arg5 : memref<1600xi32, #tpu.memory_space<vmem>>)
    %dma_wait3A_963 = arith.constant 0 : i32
    %dma_wait3A_964 = tpu.memref_slice %arg4[%add3A_872, %dma_wait3A_963] : memref<819200x32xf32, #tpu.memory_space<hbm>> -> memref<1600x32xf32, #tpu.memory_space<hbm>>
    %dma_wait3A_965 = arith.constant 0 : i32
    %dma_wait3A_966 = tpu.memref_slice %arg4[%add3A_872, %dma_wait3A_965] : memref<819200x32xf32, #tpu.memory_space<hbm>> -> memref<1600x32xf32, #tpu.memory_space<hbm>>
    tpu.wait_dma2 semaphore(%arg13 : memref<!tpu.dma_semaphore, #tpu.memory_space<semaphore_mem>>) src(%arg7 : memref<1600x32xf32, #tpu.memory_space<vmem>>) dst(%dma_wait3A_966 : memref<1600x32xf32, #tpu.memory_space<hbm>>)
    %dma_start3A_967 = arith.constant 0 : i32
    %dma_start3A_968 = arith.constant 0 : i32
    %dma_start3A_969 = tpu.memref_slice %arg7[%dma_start3A_967, %dma_start3A_968] : memref<1600x32xf32, #tpu.memory_space<vmem>> -> memref<400x32xf32, #tpu.memory_space<vmem>>
    %dma_start3A_970 = arith.constant 0 : i32
    %dma_start3A_971 = tpu.memref_slice %arg5[%dma_start3A_970] : memref<1600xi32, #tpu.memory_space<vmem>> -> memref<400xi32, #tpu.memory_space<vmem>>
    %dma_start3A_972 = arith.constant 0 : i32
    %dma_start3A_973 = arith.constant 0 : i32
    %dma_start3A_974 = tpu.memref_slice %arg2[%dma_start3A_972, %dma_start3A_973] : memref<1000000x32xf32, #tpu.memory_space<hbm>> -> memref<1000000x32xf32, #tpu.memory_space<hbm>>
    tpu.enqueue_indirect_dma source(%dma_start3A_974 : memref<1000000x32xf32, #tpu.memory_space<hbm>>) target(%dma_start3A_969 : memref<400x32xf32, #tpu.memory_space<vmem>>) offsets(%dma_start3A_971 : memref<400xi32, #tpu.memory_space<vmem>>) semaphore(%arg11 : memref<!tpu.dma_semaphore, #tpu.memory_space<semaphore_mem>>)
    %dma_start3A_975 = arith.constant 400 : i32
    %dma_start3A_976 = arith.constant 0 : i32
    %dma_start3A_977 = tpu.memref_slice %arg7[%dma_start3A_975, %dma_start3A_976] : memref<1600x32xf32, #tpu.memory_space<vmem>> -> memref<400x32xf32, #tpu.memory_space<vmem>>
    %dma_start3A_978 = arith.constant 400 : i32
    %dma_start3A_979 = tpu.memref_slice %arg5[%dma_start3A_978] : memref<1600xi32, #tpu.memory_space<vmem>> -> memref<400xi32, #tpu.memory_space<vmem>>
    %dma_start3A_980 = arith.constant 0 : i32
    %dma_start3A_981 = arith.constant 0 : i32
    %dma_start3A_982 = tpu.memref_slice %arg2[%dma_start3A_980, %dma_start3A_981] : memref<1000000x32xf32, #tpu.memory_space<hbm>> -> memref<1000000x32xf32, #tpu.memory_space<hbm>>
    tpu.enqueue_indirect_dma source(%dma_start3A_982 : memref<1000000x32xf32, #tpu.memory_space<hbm>>) target(%dma_start3A_977 : memref<400x32xf32, #tpu.memory_space<vmem>>) offsets(%dma_start3A_979 : memref<400xi32, #tpu.memory_space<vmem>>) semaphore(%arg11 : memref<!tpu.dma_semaphore, #tpu.memory_space<semaphore_mem>>)
    %dma_start3A_983 = arith.constant 800 : i32
    %dma_start3A_984 = arith.constant 0 : i32
    %dma_start3A_985 = tpu.memref_slice %arg7[%dma_start3A_983, %dma_start3A_984] : memref<1600x32xf32, #tpu.memory_space<vmem>> -> memref<400x32xf32, #tpu.memory_space<vmem>>
    %dma_start3A_986 = arith.constant 800 : i32
    %dma_start3A_987 = tpu.memref_slice %arg5[%dma_start3A_986] : memref<1600xi32, #tpu.memory_space<vmem>> -> memref<400xi32, #tpu.memory_space<vmem>>
    %dma_start3A_988 = arith.constant 0 : i32
    %dma_start3A_989 = arith.constant 0 : i32
    %dma_start3A_990 = tpu.memref_slice %arg2[%dma_start3A_988, %dma_start3A_989] : memref<1000000x32xf32, #tpu.memory_space<hbm>> -> memref<1000000x32xf32, #tpu.memory_space<hbm>>
    tpu.enqueue_indirect_dma source(%dma_start3A_990 : memref<1000000x32xf32, #tpu.memory_space<hbm>>) target(%dma_start3A_985 : memref<400x32xf32, #tpu.memory_space<vmem>>) offsets(%dma_start3A_987 : memref<400xi32, #tpu.memory_space<vmem>>) semaphore(%arg11 : memref<!tpu.dma_semaphore, #tpu.memory_space<semaphore_mem>>)
    %dma_start3A_991 = arith.constant 1200 : i32
    %dma_start3A_992 = arith.constant 0 : i32
    %dma_start3A_993 = tpu.memref_slice %arg7[%dma_start3A_991, %dma_start3A_992] : memref<1600x32xf32, #tpu.memory_space<vmem>> -> memref<400x32xf32, #tpu.memory_space<vmem>>
    %dma_start3A_994 = arith.constant 1200 : i32
    %dma_start3A_995 = tpu.memref_slice %arg5[%dma_start3A_994] : memref<1600xi32, #tpu.memory_space<vmem>> -> memref<400xi32, #tpu.memory_space<vmem>>
    %dma_start3A_996 = arith.constant 0 : i32
    %dma_start3A_997 = arith.constant 0 : i32
    %dma_start3A_998 = tpu.memref_slice %arg2[%dma_start3A_996, %dma_start3A_997] : memref<1000000x32xf32, #tpu.memory_space<hbm>> -> memref<1000000x32xf32, #tpu.memory_space<hbm>>
    tpu.enqueue_indirect_dma source(%dma_start3A_998 : memref<1000000x32xf32, #tpu.memory_space<hbm>>) target(%dma_start3A_993 : memref<400x32xf32, #tpu.memory_space<vmem>>) offsets(%dma_start3A_995 : memref<400xi32, #tpu.memory_space<vmem>>) semaphore(%arg11 : memref<!tpu.dma_semaphore, #tpu.memory_space<semaphore_mem>>)
    %dma_wait3A_999 = arith.constant 0 : i32
    %dma_wait3A_1000 = arith.constant 0 : i32
    %dma_wait3A_1001 = tpu.memref_slice %arg7[%dma_wait3A_999, %dma_wait3A_1000] : memref<1600x32xf32, #tpu.memory_space<vmem>> -> memref<400x32xf32, #tpu.memory_space<vmem>>
    %dma_wait3A_1002 = arith.constant 0 : i32
    %dma_wait3A_1003 = tpu.memref_slice %arg5[%dma_wait3A_1002] : memref<1600xi32, #tpu.memory_space<vmem>> -> memref<400xi32, #tpu.memory_space<vmem>>
    %dma_wait3A_1004 = arith.constant 0 : i32
    %dma_wait3A_1005 = arith.constant 0 : i32
    %dma_wait3A_1006 = tpu.memref_slice %arg2[%dma_wait3A_1004, %dma_wait3A_1005] : memref<1000000x32xf32, #tpu.memory_space<hbm>> -> memref<1000000x32xf32, #tpu.memory_space<hbm>>
    tpu.wait_indirect_dma semaphore(%arg11 : memref<!tpu.dma_semaphore, #tpu.memory_space<semaphore_mem>>) src(%dma_wait3A_1006 : memref<1000000x32xf32, #tpu.memory_space<hbm>>) dst(%dma_wait3A_1001 : memref<400x32xf32, #tpu.memory_space<vmem>>)
    %dma_wait3A_1007 = arith.constant 400 : i32
    %dma_wait3A_1008 = arith.constant 0 : i32
    %dma_wait3A_1009 = tpu.memref_slice %arg7[%dma_wait3A_1007, %dma_wait3A_1008] : memref<1600x32xf32, #tpu.memory_space<vmem>> -> memref<400x32xf32, #tpu.memory_space<vmem>>
    %dma_wait3A_1010 = arith.constant 400 : i32
    %dma_wait3A_1011 = tpu.memref_slice %arg5[%dma_wait3A_1010] : memref<1600xi32, #tpu.memory_space<vmem>> -> memref<400xi32, #tpu.memory_space<vmem>>
    %dma_wait3A_1012 = arith.constant 0 : i32
    %dma_wait3A_1013 = arith.constant 0 : i32
    %dma_wait3A_1014 = tpu.memref_slice %arg2[%dma_wait3A_1012, %dma_wait3A_1013] : memref<1000000x32xf32, #tpu.memory_space<hbm>> -> memref<1000000x32xf32, #tpu.memory_space<hbm>>
    tpu.wait_indirect_dma semaphore(%arg11 : memref<!tpu.dma_semaphore, #tpu.memory_space<semaphore_mem>>) src(%dma_wait3A_1014 : memref<1000000x32xf32, #tpu.memory_space<hbm>>) dst(%dma_wait3A_1009 : memref<400x32xf32, #tpu.memory_space<vmem>>)
    %dma_wait3A_1015 = arith.constant 800 : i32
    %dma_wait3A_1016 = arith.constant 0 : i32
    %dma_wait3A_1017 = tpu.memref_slice %arg7[%dma_wait3A_1015, %dma_wait3A_1016] : memref<1600x32xf32, #tpu.memory_space<vmem>> -> memref<400x32xf32, #tpu.memory_space<vmem>>
    %dma_wait3A_1018 = arith.constant 800 : i32
    %dma_wait3A_1019 = tpu.memref_slice %arg5[%dma_wait3A_1018] : memref<1600xi32, #tpu.memory_space<vmem>> -> memref<400xi32, #tpu.memory_space<vmem>>
    %dma_wait3A_1020 = arith.constant 0 : i32
    %dma_wait3A_1021 = arith.constant 0 : i32
    %dma_wait3A_1022 = tpu.memref_slice %arg2[%dma_wait3A_1020, %dma_wait3A_1021] : memref<1000000x32xf32, #tpu.memory_space<hbm>> -> memref<1000000x32xf32, #tpu.memory_space<hbm>>
    tpu.wait_indirect_dma semaphore(%arg11 : memref<!tpu.dma_semaphore, #tpu.memory_space<semaphore_mem>>) src(%dma_wait3A_1022 : memref<1000000x32xf32, #tpu.memory_space<hbm>>) dst(%dma_wait3A_1017 : memref<400x32xf32, #tpu.memory_space<vmem>>)
    %dma_wait3A_1023 = arith.constant 1200 : i32
    %dma_wait3A_1024 = arith.constant 0 : i32
    %dma_wait3A_1025 = tpu.memref_slice %arg7[%dma_wait3A_1023, %dma_wait3A_1024] : memref<1600x32xf32, #tpu.memory_space<vmem>> -> memref<400x32xf32, #tpu.memory_space<vmem>>
    %dma_wait3A_1026 = arith.constant 1200 : i32
    %dma_wait3A_1027 = tpu.memref_slice %arg5[%dma_wait3A_1026] : memref<1600xi32, #tpu.memory_space<vmem>> -> memref<400xi32, #tpu.memory_space<vmem>>
    %dma_wait3A_1028 = arith.constant 0 : i32
    %dma_wait3A_1029 = arith.constant 0 : i32
    %dma_wait3A_1030 = tpu.memref_slice %arg2[%dma_wait3A_1028, %dma_wait3A_1029] : memref<1000000x32xf32, #tpu.memory_space<hbm>> -> memref<1000000x32xf32, #tpu.memory_space<hbm>>
    tpu.wait_indirect_dma semaphore(%arg11 : memref<!tpu.dma_semaphore, #tpu.memory_space<semaphore_mem>>) src(%dma_wait3A_1030 : memref<1000000x32xf32, #tpu.memory_space<hbm>>) dst(%dma_wait3A_1025 : memref<400x32xf32, #tpu.memory_space<vmem>>)
    %add3A_1031 = arith.constant 19200 : i32
    %add3A_1032 = arith.addi %mul3A_2, %add3A_1031 : i32
    %dma_start3A_1033 = arith.constant 0 : i32
    %dma_start3A_1034 = tpu.memref_slice %arg4[%add3A_1032, %dma_start3A_1033] : memref<819200x32xf32, #tpu.memory_space<hbm>> -> memref<1600x32xf32, #tpu.memory_space<hbm>>
    %dma_start3A_1035 = arith.constant 0 : i32
    %dma_start3A_1036 = tpu.memref_slice %arg4[%add3A_1032, %dma_start3A_1035] : memref<819200x32xf32, #tpu.memory_space<hbm>> -> memref<1600x32xf32, #tpu.memory_space<hbm>>
    tpu.enqueue_dma source(%arg7 : memref<1600x32xf32, #tpu.memory_space<vmem>>) target(%dma_start3A_1036 : memref<1600x32xf32, #tpu.memory_space<hbm>>) target_semaphore(%arg13 : memref<!tpu.dma_semaphore, #tpu.memory_space<semaphore_mem>>)
    %add3A_1037 = arith.constant 22400 : i32
    %add3A_1038 = arith.addi %mul3A_2, %add3A_1037 : i32
    %dma_start3A_1039 = tpu.memref_slice %arg3[%add3A_1038] : memref<819200xi32, #tpu.memory_space<hbm>> -> memref<1600xi32, #tpu.memory_space<hbm>>
    %dma_start3A_1040 = tpu.memref_slice %arg3[%add3A_1038] : memref<819200xi32, #tpu.memory_space<hbm>> -> memref<1600xi32, #tpu.memory_space<hbm>>
    tpu.enqueue_dma source(%dma_start3A_1040 : memref<1600xi32, #tpu.memory_space<hbm>>) target(%arg5 : memref<1600xi32, #tpu.memory_space<vmem>>) target_semaphore(%arg9 : memref<!tpu.dma_semaphore, #tpu.memory_space<semaphore_mem>>)
    %dma_wait3A_1041 = tpu.memref_slice %arg3[%add3A_958] : memref<819200xi32, #tpu.memory_space<hbm>> -> memref<1600xi32, #tpu.memory_space<hbm>>
    %dma_wait3A_1042 = tpu.memref_slice %arg3[%add3A_958] : memref<819200xi32, #tpu.memory_space<hbm>> -> memref<1600xi32, #tpu.memory_space<hbm>>
    tpu.wait_dma2 semaphore(%arg10 : memref<!tpu.dma_semaphore, #tpu.memory_space<semaphore_mem>>) src(%dma_wait3A_1042 : memref<1600xi32, #tpu.memory_space<hbm>>) dst(%arg6 : memref<1600xi32, #tpu.memory_space<vmem>>)
    %dma_wait3A_1043 = arith.constant 0 : i32
    %dma_wait3A_1044 = tpu.memref_slice %arg4[%add3A_952, %dma_wait3A_1043] : memref<819200x32xf32, #tpu.memory_space<hbm>> -> memref<1600x32xf32, #tpu.memory_space<hbm>>
    %dma_wait3A_1045 = arith.constant 0 : i32
    %dma_wait3A_1046 = tpu.memref_slice %arg4[%add3A_952, %dma_wait3A_1045] : memref<819200x32xf32, #tpu.memory_space<hbm>> -> memref<1600x32xf32, #tpu.memory_space<hbm>>
    tpu.wait_dma2 semaphore(%arg14 : memref<!tpu.dma_semaphore, #tpu.memory_space<semaphore_mem>>) src(%arg8 : memref<1600x32xf32, #tpu.memory_space<vmem>>) dst(%dma_wait3A_1046 : memref<1600x32xf32, #tpu.memory_space<hbm>>)
    %dma_start3A_1047 = arith.constant 0 : i32
    %dma_start3A_1048 = arith.constant 0 : i32
    %dma_start3A_1049 = tpu.memref_slice %arg8[%dma_start3A_1047, %dma_start3A_1048] : memref<1600x32xf32, #tpu.memory_space<vmem>> -> memref<400x32xf32, #tpu.memory_space<vmem>>
    %dma_start3A_1050 = arith.constant 0 : i32
    %dma_start3A_1051 = tpu.memref_slice %arg6[%dma_start3A_1050] : memref<1600xi32, #tpu.memory_space<vmem>> -> memref<400xi32, #tpu.memory_space<vmem>>
    %dma_start3A_1052 = arith.constant 0 : i32
    %dma_start3A_1053 = arith.constant 0 : i32
    %dma_start3A_1054 = tpu.memref_slice %arg2[%dma_start3A_1052, %dma_start3A_1053] : memref<1000000x32xf32, #tpu.memory_space<hbm>> -> memref<1000000x32xf32, #tpu.memory_space<hbm>>
    tpu.enqueue_indirect_dma source(%dma_start3A_1054 : memref<1000000x32xf32, #tpu.memory_space<hbm>>) target(%dma_start3A_1049 : memref<400x32xf32, #tpu.memory_space<vmem>>) offsets(%dma_start3A_1051 : memref<400xi32, #tpu.memory_space<vmem>>) semaphore(%arg12 : memref<!tpu.dma_semaphore, #tpu.memory_space<semaphore_mem>>)
    %dma_start3A_1055 = arith.constant 400 : i32
    %dma_start3A_1056 = arith.constant 0 : i32
    %dma_start3A_1057 = tpu.memref_slice %arg8[%dma_start3A_1055, %dma_start3A_1056] : memref<1600x32xf32, #tpu.memory_space<vmem>> -> memref<400x32xf32, #tpu.memory_space<vmem>>
    %dma_start3A_1058 = arith.constant 400 : i32
    %dma_start3A_1059 = tpu.memref_slice %arg6[%dma_start3A_1058] : memref<1600xi32, #tpu.memory_space<vmem>> -> memref<400xi32, #tpu.memory_space<vmem>>
    %dma_start3A_1060 = arith.constant 0 : i32
    %dma_start3A_1061 = arith.constant 0 : i32
    %dma_start3A_1062 = tpu.memref_slice %arg2[%dma_start3A_1060, %dma_start3A_1061] : memref<1000000x32xf32, #tpu.memory_space<hbm>> -> memref<1000000x32xf32, #tpu.memory_space<hbm>>
    tpu.enqueue_indirect_dma source(%dma_start3A_1062 : memref<1000000x32xf32, #tpu.memory_space<hbm>>) target(%dma_start3A_1057 : memref<400x32xf32, #tpu.memory_space<vmem>>) offsets(%dma_start3A_1059 : memref<400xi32, #tpu.memory_space<vmem>>) semaphore(%arg12 : memref<!tpu.dma_semaphore, #tpu.memory_space<semaphore_mem>>)
    %dma_start3A_1063 = arith.constant 800 : i32
    %dma_start3A_1064 = arith.constant 0 : i32
    %dma_start3A_1065 = tpu.memref_slice %arg8[%dma_start3A_1063, %dma_start3A_1064] : memref<1600x32xf32, #tpu.memory_space<vmem>> -> memref<400x32xf32, #tpu.memory_space<vmem>>
    %dma_start3A_1066 = arith.constant 800 : i32
    %dma_start3A_1067 = tpu.memref_slice %arg6[%dma_start3A_1066] : memref<1600xi32, #tpu.memory_space<vmem>> -> memref<400xi32, #tpu.memory_space<vmem>>
    %dma_start3A_1068 = arith.constant 0 : i32
    %dma_start3A_1069 = arith.constant 0 : i32
    %dma_start3A_1070 = tpu.memref_slice %arg2[%dma_start3A_1068, %dma_start3A_1069] : memref<1000000x32xf32, #tpu.memory_space<hbm>> -> memref<1000000x32xf32, #tpu.memory_space<hbm>>
    tpu.enqueue_indirect_dma source(%dma_start3A_1070 : memref<1000000x32xf32, #tpu.memory_space<hbm>>) target(%dma_start3A_1065 : memref<400x32xf32, #tpu.memory_space<vmem>>) offsets(%dma_start3A_1067 : memref<400xi32, #tpu.memory_space<vmem>>) semaphore(%arg12 : memref<!tpu.dma_semaphore, #tpu.memory_space<semaphore_mem>>)
    %dma_start3A_1071 = arith.constant 1200 : i32
    %dma_start3A_1072 = arith.constant 0 : i32
    %dma_start3A_1073 = tpu.memref_slice %arg8[%dma_start3A_1071, %dma_start3A_1072] : memref<1600x32xf32, #tpu.memory_space<vmem>> -> memref<400x32xf32, #tpu.memory_space<vmem>>
    %dma_start3A_1074 = arith.constant 1200 : i32
    %dma_start3A_1075 = tpu.memref_slice %arg6[%dma_start3A_1074] : memref<1600xi32, #tpu.memory_space<vmem>> -> memref<400xi32, #tpu.memory_space<vmem>>
    %dma_start3A_1076 = arith.constant 0 : i32
    %dma_start3A_1077 = arith.constant 0 : i32
    %dma_start3A_1078 = tpu.memref_slice %arg2[%dma_start3A_1076, %dma_start3A_1077] : memref<1000000x32xf32, #tpu.memory_space<hbm>> -> memref<1000000x32xf32, #tpu.memory_space<hbm>>
    tpu.enqueue_indirect_dma source(%dma_start3A_1078 : memref<1000000x32xf32, #tpu.memory_space<hbm>>) target(%dma_start3A_1073 : memref<400x32xf32, #tpu.memory_space<vmem>>) offsets(%dma_start3A_1075 : memref<400xi32, #tpu.memory_space<vmem>>) semaphore(%arg12 : memref<!tpu.dma_semaphore, #tpu.memory_space<semaphore_mem>>)
    %dma_wait3A_1079 = arith.constant 0 : i32
    %dma_wait3A_1080 = arith.constant 0 : i32
    %dma_wait3A_1081 = tpu.memref_slice %arg8[%dma_wait3A_1079, %dma_wait3A_1080] : memref<1600x32xf32, #tpu.memory_space<vmem>> -> memref<400x32xf32, #tpu.memory_space<vmem>>
    %dma_wait3A_1082 = arith.constant 0 : i32
    %dma_wait3A_1083 = tpu.memref_slice %arg6[%dma_wait3A_1082] : memref<1600xi32, #tpu.memory_space<vmem>> -> memref<400xi32, #tpu.memory_space<vmem>>
    %dma_wait3A_1084 = arith.constant 0 : i32
    %dma_wait3A_1085 = arith.constant 0 : i32
    %dma_wait3A_1086 = tpu.memref_slice %arg2[%dma_wait3A_1084, %dma_wait3A_1085] : memref<1000000x32xf32, #tpu.memory_space<hbm>> -> memref<1000000x32xf32, #tpu.memory_space<hbm>>
    tpu.wait_indirect_dma semaphore(%arg12 : memref<!tpu.dma_semaphore, #tpu.memory_space<semaphore_mem>>) src(%dma_wait3A_1086 : memref<1000000x32xf32, #tpu.memory_space<hbm>>) dst(%dma_wait3A_1081 : memref<400x32xf32, #tpu.memory_space<vmem>>)
    %dma_wait3A_1087 = arith.constant 400 : i32
    %dma_wait3A_1088 = arith.constant 0 : i32
    %dma_wait3A_1089 = tpu.memref_slice %arg8[%dma_wait3A_1087, %dma_wait3A_1088] : memref<1600x32xf32, #tpu.memory_space<vmem>> -> memref<400x32xf32, #tpu.memory_space<vmem>>
    %dma_wait3A_1090 = arith.constant 400 : i32
    %dma_wait3A_1091 = tpu.memref_slice %arg6[%dma_wait3A_1090] : memref<1600xi32, #tpu.memory_space<vmem>> -> memref<400xi32, #tpu.memory_space<vmem>>
    %dma_wait3A_1092 = arith.constant 0 : i32
    %dma_wait3A_1093 = arith.constant 0 : i32
    %dma_wait3A_1094 = tpu.memref_slice %arg2[%dma_wait3A_1092, %dma_wait3A_1093] : memref<1000000x32xf32, #tpu.memory_space<hbm>> -> memref<1000000x32xf32, #tpu.memory_space<hbm>>
    tpu.wait_indirect_dma semaphore(%arg12 : memref<!tpu.dma_semaphore, #tpu.memory_space<semaphore_mem>>) src(%dma_wait3A_1094 : memref<1000000x32xf32, #tpu.memory_space<hbm>>) dst(%dma_wait3A_1089 : memref<400x32xf32, #tpu.memory_space<vmem>>)
    %dma_wait3A_1095 = arith.constant 800 : i32
    %dma_wait3A_1096 = arith.constant 0 : i32
    %dma_wait3A_1097 = tpu.memref_slice %arg8[%dma_wait3A_1095, %dma_wait3A_1096] : memref<1600x32xf32, #tpu.memory_space<vmem>> -> memref<400x32xf32, #tpu.memory_space<vmem>>
    %dma_wait3A_1098 = arith.constant 800 : i32
    %dma_wait3A_1099 = tpu.memref_slice %arg6[%dma_wait3A_1098] : memref<1600xi32, #tpu.memory_space<vmem>> -> memref<400xi32, #tpu.memory_space<vmem>>
    %dma_wait3A_1100 = arith.constant 0 : i32
    %dma_wait3A_1101 = arith.constant 0 : i32
    %dma_wait3A_1102 = tpu.memref_slice %arg2[%dma_wait3A_1100, %dma_wait3A_1101] : memref<1000000x32xf32, #tpu.memory_space<hbm>> -> memref<1000000x32xf32, #tpu.memory_space<hbm>>
    tpu.wait_indirect_dma semaphore(%arg12 : memref<!tpu.dma_semaphore, #tpu.memory_space<semaphore_mem>>) src(%dma_wait3A_1102 : memref<1000000x32xf32, #tpu.memory_space<hbm>>) dst(%dma_wait3A_1097 : memref<400x32xf32, #tpu.memory_space<vmem>>)
    %dma_wait3A_1103 = arith.constant 1200 : i32
    %dma_wait3A_1104 = arith.constant 0 : i32
    %dma_wait3A_1105 = tpu.memref_slice %arg8[%dma_wait3A_1103, %dma_wait3A_1104] : memref<1600x32xf32, #tpu.memory_space<vmem>> -> memref<400x32xf32, #tpu.memory_space<vmem>>
    %dma_wait3A_1106 = arith.constant 1200 : i32
    %dma_wait3A_1107 = tpu.memref_slice %arg6[%dma_wait3A_1106] : memref<1600xi32, #tpu.memory_space<vmem>> -> memref<400xi32, #tpu.memory_space<vmem>>
    %dma_wait3A_1108 = arith.constant 0 : i32
    %dma_wait3A_1109 = arith.constant 0 : i32
    %dma_wait3A_1110 = tpu.memref_slice %arg2[%dma_wait3A_1108, %dma_wait3A_1109] : memref<1000000x32xf32, #tpu.memory_space<hbm>> -> memref<1000000x32xf32, #tpu.memory_space<hbm>>
    tpu.wait_indirect_dma semaphore(%arg12 : memref<!tpu.dma_semaphore, #tpu.memory_space<semaphore_mem>>) src(%dma_wait3A_1110 : memref<1000000x32xf32, #tpu.memory_space<hbm>>) dst(%dma_wait3A_1105 : memref<400x32xf32, #tpu.memory_space<vmem>>)
    %add3A_1111 = arith.constant 20800 : i32
    %add3A_1112 = arith.addi %mul3A_2, %add3A_1111 : i32
    %dma_start3A_1113 = arith.constant 0 : i32
    %dma_start3A_1114 = tpu.memref_slice %arg4[%add3A_1112, %dma_start3A_1113] : memref<819200x32xf32, #tpu.memory_space<hbm>> -> memref<1600x32xf32, #tpu.memory_space<hbm>>
    %dma_start3A_1115 = arith.constant 0 : i32
    %dma_start3A_1116 = tpu.memref_slice %arg4[%add3A_1112, %dma_start3A_1115] : memref<819200x32xf32, #tpu.memory_space<hbm>> -> memref<1600x32xf32, #tpu.memory_space<hbm>>
    tpu.enqueue_dma source(%arg8 : memref<1600x32xf32, #tpu.memory_space<vmem>>) target(%dma_start3A_1116 : memref<1600x32xf32, #tpu.memory_space<hbm>>) target_semaphore(%arg14 : memref<!tpu.dma_semaphore, #tpu.memory_space<semaphore_mem>>)
    %add3A_1117 = arith.constant 24000 : i32
    %add3A_1118 = arith.addi %mul3A_2, %add3A_1117 : i32
    %dma_start3A_1119 = tpu.memref_slice %arg3[%add3A_1118] : memref<819200xi32, #tpu.memory_space<hbm>> -> memref<1600xi32, #tpu.memory_space<hbm>>
    %dma_start3A_1120 = tpu.memref_slice %arg3[%add3A_1118] : memref<819200xi32, #tpu.memory_space<hbm>> -> memref<1600xi32, #tpu.memory_space<hbm>>
    tpu.enqueue_dma source(%dma_start3A_1120 : memref<1600xi32, #tpu.memory_space<hbm>>) target(%arg6 : memref<1600xi32, #tpu.memory_space<vmem>>) target_semaphore(%arg10 : memref<!tpu.dma_semaphore, #tpu.memory_space<semaphore_mem>>)
    %dma_wait3A_1121 = tpu.memref_slice %arg3[%add3A_1038] : memref<819200xi32, #tpu.memory_space<hbm>> -> memref<1600xi32, #tpu.memory_space<hbm>>
    %dma_wait3A_1122 = tpu.memref_slice %arg3[%add3A_1038] : memref<819200xi32, #tpu.memory_space<hbm>> -> memref<1600xi32, #tpu.memory_space<hbm>>
    tpu.wait_dma2 semaphore(%arg9 : memref<!tpu.dma_semaphore, #tpu.memory_space<semaphore_mem>>) src(%dma_wait3A_1122 : memref<1600xi32, #tpu.memory_space<hbm>>) dst(%arg5 : memref<1600xi32, #tpu.memory_space<vmem>>)
    %dma_wait3A_1123 = arith.constant 0 : i32
    %dma_wait3A_1124 = tpu.memref_slice %arg4[%add3A_1032, %dma_wait3A_1123] : memref<819200x32xf32, #tpu.memory_space<hbm>> -> memref<1600x32xf32, #tpu.memory_space<hbm>>
    %dma_wait3A_1125 = arith.constant 0 : i32
    %dma_wait3A_1126 = tpu.memref_slice %arg4[%add3A_1032, %dma_wait3A_1125] : memref<819200x32xf32, #tpu.memory_space<hbm>> -> memref<1600x32xf32, #tpu.memory_space<hbm>>
    tpu.wait_dma2 semaphore(%arg13 : memref<!tpu.dma_semaphore, #tpu.memory_space<semaphore_mem>>) src(%arg7 : memref<1600x32xf32, #tpu.memory_space<vmem>>) dst(%dma_wait3A_1126 : memref<1600x32xf32, #tpu.memory_space<hbm>>)
    %dma_start3A_1127 = arith.constant 0 : i32
    %dma_start3A_1128 = arith.constant 0 : i32
    %dma_start3A_1129 = tpu.memref_slice %arg7[%dma_start3A_1127, %dma_start3A_1128] : memref<1600x32xf32, #tpu.memory_space<vmem>> -> memref<400x32xf32, #tpu.memory_space<vmem>>
    %dma_start3A_1130 = arith.constant 0 : i32
    %dma_start3A_1131 = tpu.memref_slice %arg5[%dma_start3A_1130] : memref<1600xi32, #tpu.memory_space<vmem>> -> memref<400xi32, #tpu.memory_space<vmem>>
    %dma_start3A_1132 = arith.constant 0 : i32
    %dma_start3A_1133 = arith.constant 0 : i32
    %dma_start3A_1134 = tpu.memref_slice %arg2[%dma_start3A_1132, %dma_start3A_1133] : memref<1000000x32xf32, #tpu.memory_space<hbm>> -> memref<1000000x32xf32, #tpu.memory_space<hbm>>
    tpu.enqueue_indirect_dma source(%dma_start3A_1134 : memref<1000000x32xf32, #tpu.memory_space<hbm>>) target(%dma_start3A_1129 : memref<400x32xf32, #tpu.memory_space<vmem>>) offsets(%dma_start3A_1131 : memref<400xi32, #tpu.memory_space<vmem>>) semaphore(%arg11 : memref<!tpu.dma_semaphore, #tpu.memory_space<semaphore_mem>>)
    %dma_start3A_1135 = arith.constant 400 : i32
    %dma_start3A_1136 = arith.constant 0 : i32
    %dma_start3A_1137 = tpu.memref_slice %arg7[%dma_start3A_1135, %dma_start3A_1136] : memref<1600x32xf32, #tpu.memory_space<vmem>> -> memref<400x32xf32, #tpu.memory_space<vmem>>
    %dma_start3A_1138 = arith.constant 400 : i32
    %dma_start3A_1139 = tpu.memref_slice %arg5[%dma_start3A_1138] : memref<1600xi32, #tpu.memory_space<vmem>> -> memref<400xi32, #tpu.memory_space<vmem>>
    %dma_start3A_1140 = arith.constant 0 : i32
    %dma_start3A_1141 = arith.constant 0 : i32
    %dma_start3A_1142 = tpu.memref_slice %arg2[%dma_start3A_1140, %dma_start3A_1141] : memref<1000000x32xf32, #tpu.memory_space<hbm>> -> memref<1000000x32xf32, #tpu.memory_space<hbm>>
    tpu.enqueue_indirect_dma source(%dma_start3A_1142 : memref<1000000x32xf32, #tpu.memory_space<hbm>>) target(%dma_start3A_1137 : memref<400x32xf32, #tpu.memory_space<vmem>>) offsets(%dma_start3A_1139 : memref<400xi32, #tpu.memory_space<vmem>>) semaphore(%arg11 : memref<!tpu.dma_semaphore, #tpu.memory_space<semaphore_mem>>)
    %dma_start3A_1143 = arith.constant 800 : i32
    %dma_start3A_1144 = arith.constant 0 : i32
    %dma_start3A_1145 = tpu.memref_slice %arg7[%dma_start3A_1143, %dma_start3A_1144] : memref<1600x32xf32, #tpu.memory_space<vmem>> -> memref<400x32xf32, #tpu.memory_space<vmem>>
    %dma_start3A_1146 = arith.constant 800 : i32
    %dma_start3A_1147 = tpu.memref_slice %arg5[%dma_start3A_1146] : memref<1600xi32, #tpu.memory_space<vmem>> -> memref<400xi32, #tpu.memory_space<vmem>>
    %dma_start3A_1148 = arith.constant 0 : i32
    %dma_start3A_1149 = arith.constant 0 : i32
    %dma_start3A_1150 = tpu.memref_slice %arg2[%dma_start3A_1148, %dma_start3A_1149] : memref<1000000x32xf32, #tpu.memory_space<hbm>> -> memref<1000000x32xf32, #tpu.memory_space<hbm>>
    tpu.enqueue_indirect_dma source(%dma_start3A_1150 : memref<1000000x32xf32, #tpu.memory_space<hbm>>) target(%dma_start3A_1145 : memref<400x32xf32, #tpu.memory_space<vmem>>) offsets(%dma_start3A_1147 : memref<400xi32, #tpu.memory_space<vmem>>) semaphore(%arg11 : memref<!tpu.dma_semaphore, #tpu.memory_space<semaphore_mem>>)
    %dma_start3A_1151 = arith.constant 1200 : i32
    %dma_start3A_1152 = arith.constant 0 : i32
    %dma_start3A_1153 = tpu.memref_slice %arg7[%dma_start3A_1151, %dma_start3A_1152] : memref<1600x32xf32, #tpu.memory_space<vmem>> -> memref<400x32xf32, #tpu.memory_space<vmem>>
    %dma_start3A_1154 = arith.constant 1200 : i32
    %dma_start3A_1155 = tpu.memref_slice %arg5[%dma_start3A_1154] : memref<1600xi32, #tpu.memory_space<vmem>> -> memref<400xi32, #tpu.memory_space<vmem>>
    %dma_start3A_1156 = arith.constant 0 : i32
    %dma_start3A_1157 = arith.constant 0 : i32
    %dma_start3A_1158 = tpu.memref_slice %arg2[%dma_start3A_1156, %dma_start3A_1157] : memref<1000000x32xf32, #tpu.memory_space<hbm>> -> memref<1000000x32xf32, #tpu.memory_space<hbm>>
    tpu.enqueue_indirect_dma source(%dma_start3A_1158 : memref<1000000x32xf32, #tpu.memory_space<hbm>>) target(%dma_start3A_1153 : memref<400x32xf32, #tpu.memory_space<vmem>>) offsets(%dma_start3A_1155 : memref<400xi32, #tpu.memory_space<vmem>>) semaphore(%arg11 : memref<!tpu.dma_semaphore, #tpu.memory_space<semaphore_mem>>)
    %dma_wait3A_1159 = arith.constant 0 : i32
    %dma_wait3A_1160 = arith.constant 0 : i32
    %dma_wait3A_1161 = tpu.memref_slice %arg7[%dma_wait3A_1159, %dma_wait3A_1160] : memref<1600x32xf32, #tpu.memory_space<vmem>> -> memref<400x32xf32, #tpu.memory_space<vmem>>
    %dma_wait3A_1162 = arith.constant 0 : i32
    %dma_wait3A_1163 = tpu.memref_slice %arg5[%dma_wait3A_1162] : memref<1600xi32, #tpu.memory_space<vmem>> -> memref<400xi32, #tpu.memory_space<vmem>>
    %dma_wait3A_1164 = arith.constant 0 : i32
    %dma_wait3A_1165 = arith.constant 0 : i32
    %dma_wait3A_1166 = tpu.memref_slice %arg2[%dma_wait3A_1164, %dma_wait3A_1165] : memref<1000000x32xf32, #tpu.memory_space<hbm>> -> memref<1000000x32xf32, #tpu.memory_space<hbm>>
    tpu.wait_indirect_dma semaphore(%arg11 : memref<!tpu.dma_semaphore, #tpu.memory_space<semaphore_mem>>) src(%dma_wait3A_1166 : memref<1000000x32xf32, #tpu.memory_space<hbm>>) dst(%dma_wait3A_1161 : memref<400x32xf32, #tpu.memory_space<vmem>>)
    %dma_wait3A_1167 = arith.constant 400 : i32
    %dma_wait3A_1168 = arith.constant 0 : i32
    %dma_wait3A_1169 = tpu.memref_slice %arg7[%dma_wait3A_1167, %dma_wait3A_1168] : memref<1600x32xf32, #tpu.memory_space<vmem>> -> memref<400x32xf32, #tpu.memory_space<vmem>>
    %dma_wait3A_1170 = arith.constant 400 : i32
    %dma_wait3A_1171 = tpu.memref_slice %arg5[%dma_wait3A_1170] : memref<1600xi32, #tpu.memory_space<vmem>> -> memref<400xi32, #tpu.memory_space<vmem>>
    %dma_wait3A_1172 = arith.constant 0 : i32
    %dma_wait3A_1173 = arith.constant 0 : i32
    %dma_wait3A_1174 = tpu.memref_slice %arg2[%dma_wait3A_1172, %dma_wait3A_1173] : memref<1000000x32xf32, #tpu.memory_space<hbm>> -> memref<1000000x32xf32, #tpu.memory_space<hbm>>
    tpu.wait_indirect_dma semaphore(%arg11 : memref<!tpu.dma_semaphore, #tpu.memory_space<semaphore_mem>>) src(%dma_wait3A_1174 : memref<1000000x32xf32, #tpu.memory_space<hbm>>) dst(%dma_wait3A_1169 : memref<400x32xf32, #tpu.memory_space<vmem>>)
    %dma_wait3A_1175 = arith.constant 800 : i32
    %dma_wait3A_1176 = arith.constant 0 : i32
    %dma_wait3A_1177 = tpu.memref_slice %arg7[%dma_wait3A_1175, %dma_wait3A_1176] : memref<1600x32xf32, #tpu.memory_space<vmem>> -> memref<400x32xf32, #tpu.memory_space<vmem>>
    %dma_wait3A_1178 = arith.constant 800 : i32
    %dma_wait3A_1179 = tpu.memref_slice %arg5[%dma_wait3A_1178] : memref<1600xi32, #tpu.memory_space<vmem>> -> memref<400xi32, #tpu.memory_space<vmem>>
    %dma_wait3A_1180 = arith.constant 0 : i32
    %dma_wait3A_1181 = arith.constant 0 : i32
    %dma_wait3A_1182 = tpu.memref_slice %arg2[%dma_wait3A_1180, %dma_wait3A_1181] : memref<1000000x32xf32, #tpu.memory_space<hbm>> -> memref<1000000x32xf32, #tpu.memory_space<hbm>>
    tpu.wait_indirect_dma semaphore(%arg11 : memref<!tpu.dma_semaphore, #tpu.memory_space<semaphore_mem>>) src(%dma_wait3A_1182 : memref<1000000x32xf32, #tpu.memory_space<hbm>>) dst(%dma_wait3A_1177 : memref<400x32xf32, #tpu.memory_space<vmem>>)
    %dma_wait3A_1183 = arith.constant 1200 : i32
    %dma_wait3A_1184 = arith.constant 0 : i32
    %dma_wait3A_1185 = tpu.memref_slice %arg7[%dma_wait3A_1183, %dma_wait3A_1184] : memref<1600x32xf32, #tpu.memory_space<vmem>> -> memref<400x32xf32, #tpu.memory_space<vmem>>
    %dma_wait3A_1186 = arith.constant 1200 : i32
    %dma_wait3A_1187 = tpu.memref_slice %arg5[%dma_wait3A_1186] : memref<1600xi32, #tpu.memory_space<vmem>> -> memref<400xi32, #tpu.memory_space<vmem>>
    %dma_wait3A_1188 = arith.constant 0 : i32
    %dma_wait3A_1189 = arith.constant 0 : i32
    %dma_wait3A_1190 = tpu.memref_slice %arg2[%dma_wait3A_1188, %dma_wait3A_1189] : memref<1000000x32xf32, #tpu.memory_space<hbm>> -> memref<1000000x32xf32, #tpu.memory_space<hbm>>
    tpu.wait_indirect_dma semaphore(%arg11 : memref<!tpu.dma_semaphore, #tpu.memory_space<semaphore_mem>>) src(%dma_wait3A_1190 : memref<1000000x32xf32, #tpu.memory_space<hbm>>) dst(%dma_wait3A_1185 : memref<400x32xf32, #tpu.memory_space<vmem>>)
    %add3A_1191 = arith.constant 22400 : i32
    %add3A_1192 = arith.addi %mul3A_2, %add3A_1191 : i32
    %dma_start3A_1193 = arith.constant 0 : i32
    %dma_start3A_1194 = tpu.memref_slice %arg4[%add3A_1192, %dma_start3A_1193] : memref<819200x32xf32, #tpu.memory_space<hbm>> -> memref<1600x32xf32, #tpu.memory_space<hbm>>
    %dma_start3A_1195 = arith.constant 0 : i32
    %dma_start3A_1196 = tpu.memref_slice %arg4[%add3A_1192, %dma_start3A_1195] : memref<819200x32xf32, #tpu.memory_space<hbm>> -> memref<1600x32xf32, #tpu.memory_space<hbm>>
    tpu.enqueue_dma source(%arg7 : memref<1600x32xf32, #tpu.memory_space<vmem>>) target(%dma_start3A_1196 : memref<1600x32xf32, #tpu.memory_space<hbm>>) target_semaphore(%arg13 : memref<!tpu.dma_semaphore, #tpu.memory_space<semaphore_mem>>)
    %dma_wait3A_1197 = tpu.memref_slice %arg3[%add3A_1118] : memref<819200xi32, #tpu.memory_space<hbm>> -> memref<1600xi32, #tpu.memory_space<hbm>>
    %dma_wait3A_1198 = tpu.memref_slice %arg3[%add3A_1118] : memref<819200xi32, #tpu.memory_space<hbm>> -> memref<1600xi32, #tpu.memory_space<hbm>>
    tpu.wait_dma2 semaphore(%arg10 : memref<!tpu.dma_semaphore, #tpu.memory_space<semaphore_mem>>) src(%dma_wait3A_1198 : memref<1600xi32, #tpu.memory_space<hbm>>) dst(%arg6 : memref<1600xi32, #tpu.memory_space<vmem>>)
    %dma_wait3A_1199 = arith.constant 0 : i32
    %dma_wait3A_1200 = tpu.memref_slice %arg4[%add3A_1112, %dma_wait3A_1199] : memref<819200x32xf32, #tpu.memory_space<hbm>> -> memref<1600x32xf32, #tpu.memory_space<hbm>>
    %dma_wait3A_1201 = arith.constant 0 : i32
    %dma_wait3A_1202 = tpu.memref_slice %arg4[%add3A_1112, %dma_wait3A_1201] : memref<819200x32xf32, #tpu.memory_space<hbm>> -> memref<1600x32xf32, #tpu.memory_space<hbm>>
    tpu.wait_dma2 semaphore(%arg14 : memref<!tpu.dma_semaphore, #tpu.memory_space<semaphore_mem>>) src(%arg8 : memref<1600x32xf32, #tpu.memory_space<vmem>>) dst(%dma_wait3A_1202 : memref<1600x32xf32, #tpu.memory_space<hbm>>)
    %dma_start3A_1203 = arith.constant 0 : i32
    %dma_start3A_1204 = arith.constant 0 : i32
    %dma_start3A_1205 = tpu.memref_slice %arg8[%dma_start3A_1203, %dma_start3A_1204] : memref<1600x32xf32, #tpu.memory_space<vmem>> -> memref<400x32xf32, #tpu.memory_space<vmem>>
    %dma_start3A_1206 = arith.constant 0 : i32
    %dma_start3A_1207 = tpu.memref_slice %arg6[%dma_start3A_1206] : memref<1600xi32, #tpu.memory_space<vmem>> -> memref<400xi32, #tpu.memory_space<vmem>>
    %dma_start3A_1208 = arith.constant 0 : i32
    %dma_start3A_1209 = arith.constant 0 : i32
    %dma_start3A_1210 = tpu.memref_slice %arg2[%dma_start3A_1208, %dma_start3A_1209] : memref<1000000x32xf32, #tpu.memory_space<hbm>> -> memref<1000000x32xf32, #tpu.memory_space<hbm>>
    tpu.enqueue_indirect_dma source(%dma_start3A_1210 : memref<1000000x32xf32, #tpu.memory_space<hbm>>) target(%dma_start3A_1205 : memref<400x32xf32, #tpu.memory_space<vmem>>) offsets(%dma_start3A_1207 : memref<400xi32, #tpu.memory_space<vmem>>) semaphore(%arg12 : memref<!tpu.dma_semaphore, #tpu.memory_space<semaphore_mem>>)
    %dma_start3A_1211 = arith.constant 400 : i32
    %dma_start3A_1212 = arith.constant 0 : i32
    %dma_start3A_1213 = tpu.memref_slice %arg8[%dma_start3A_1211, %dma_start3A_1212] : memref<1600x32xf32, #tpu.memory_space<vmem>> -> memref<400x32xf32, #tpu.memory_space<vmem>>
    %dma_start3A_1214 = arith.constant 400 : i32
    %dma_start3A_1215 = tpu.memref_slice %arg6[%dma_start3A_1214] : memref<1600xi32, #tpu.memory_space<vmem>> -> memref<400xi32, #tpu.memory_space<vmem>>
    %dma_start3A_1216 = arith.constant 0 : i32
    %dma_start3A_1217 = arith.constant 0 : i32
    %dma_start3A_1218 = tpu.memref_slice %arg2[%dma_start3A_1216, %dma_start3A_1217] : memref<1000000x32xf32, #tpu.memory_space<hbm>> -> memref<1000000x32xf32, #tpu.memory_space<hbm>>
    tpu.enqueue_indirect_dma source(%dma_start3A_1218 : memref<1000000x32xf32, #tpu.memory_space<hbm>>) target(%dma_start3A_1213 : memref<400x32xf32, #tpu.memory_space<vmem>>) offsets(%dma_start3A_1215 : memref<400xi32, #tpu.memory_space<vmem>>) semaphore(%arg12 : memref<!tpu.dma_semaphore, #tpu.memory_space<semaphore_mem>>)
    %dma_start3A_1219 = arith.constant 800 : i32
    %dma_start3A_1220 = arith.constant 0 : i32
    %dma_start3A_1221 = tpu.memref_slice %arg8[%dma_start3A_1219, %dma_start3A_1220] : memref<1600x32xf32, #tpu.memory_space<vmem>> -> memref<400x32xf32, #tpu.memory_space<vmem>>
    %dma_start3A_1222 = arith.constant 800 : i32
    %dma_start3A_1223 = tpu.memref_slice %arg6[%dma_start3A_1222] : memref<1600xi32, #tpu.memory_space<vmem>> -> memref<400xi32, #tpu.memory_space<vmem>>
    %dma_start3A_1224 = arith.constant 0 : i32
    %dma_start3A_1225 = arith.constant 0 : i32
    %dma_start3A_1226 = tpu.memref_slice %arg2[%dma_start3A_1224, %dma_start3A_1225] : memref<1000000x32xf32, #tpu.memory_space<hbm>> -> memref<1000000x32xf32, #tpu.memory_space<hbm>>
    tpu.enqueue_indirect_dma source(%dma_start3A_1226 : memref<1000000x32xf32, #tpu.memory_space<hbm>>) target(%dma_start3A_1221 : memref<400x32xf32, #tpu.memory_space<vmem>>) offsets(%dma_start3A_1223 : memref<400xi32, #tpu.memory_space<vmem>>) semaphore(%arg12 : memref<!tpu.dma_semaphore, #tpu.memory_space<semaphore_mem>>)
    %dma_start3A_1227 = arith.constant 1200 : i32
    %dma_start3A_1228 = arith.constant 0 : i32
    %dma_start3A_1229 = tpu.memref_slice %arg8[%dma_start3A_1227, %dma_start3A_1228] : memref<1600x32xf32, #tpu.memory_space<vmem>> -> memref<400x32xf32, #tpu.memory_space<vmem>>
    %dma_start3A_1230 = arith.constant 1200 : i32
    %dma_start3A_1231 = tpu.memref_slice %arg6[%dma_start3A_1230] : memref<1600xi32, #tpu.memory_space<vmem>> -> memref<400xi32, #tpu.memory_space<vmem>>
    %dma_start3A_1232 = arith.constant 0 : i32
    %dma_start3A_1233 = arith.constant 0 : i32
    %dma_start3A_1234 = tpu.memref_slice %arg2[%dma_start3A_1232, %dma_start3A_1233] : memref<1000000x32xf32, #tpu.memory_space<hbm>> -> memref<1000000x32xf32, #tpu.memory_space<hbm>>
    tpu.enqueue_indirect_dma source(%dma_start3A_1234 : memref<1000000x32xf32, #tpu.memory_space<hbm>>) target(%dma_start3A_1229 : memref<400x32xf32, #tpu.memory_space<vmem>>) offsets(%dma_start3A_1231 : memref<400xi32, #tpu.memory_space<vmem>>) semaphore(%arg12 : memref<!tpu.dma_semaphore, #tpu.memory_space<semaphore_mem>>)
    %dma_wait3A_1235 = arith.constant 0 : i32
    %dma_wait3A_1236 = arith.constant 0 : i32
    %dma_wait3A_1237 = tpu.memref_slice %arg8[%dma_wait3A_1235, %dma_wait3A_1236] : memref<1600x32xf32, #tpu.memory_space<vmem>> -> memref<400x32xf32, #tpu.memory_space<vmem>>
    %dma_wait3A_1238 = arith.constant 0 : i32
    %dma_wait3A_1239 = tpu.memref_slice %arg6[%dma_wait3A_1238] : memref<1600xi32, #tpu.memory_space<vmem>> -> memref<400xi32, #tpu.memory_space<vmem>>
    %dma_wait3A_1240 = arith.constant 0 : i32
    %dma_wait3A_1241 = arith.constant 0 : i32
    %dma_wait3A_1242 = tpu.memref_slice %arg2[%dma_wait3A_1240, %dma_wait3A_1241] : memref<1000000x32xf32, #tpu.memory_space<hbm>> -> memref<1000000x32xf32, #tpu.memory_space<hbm>>
    tpu.wait_indirect_dma semaphore(%arg12 : memref<!tpu.dma_semaphore, #tpu.memory_space<semaphore_mem>>) src(%dma_wait3A_1242 : memref<1000000x32xf32, #tpu.memory_space<hbm>>) dst(%dma_wait3A_1237 : memref<400x32xf32, #tpu.memory_space<vmem>>)
    %dma_wait3A_1243 = arith.constant 400 : i32
    %dma_wait3A_1244 = arith.constant 0 : i32
    %dma_wait3A_1245 = tpu.memref_slice %arg8[%dma_wait3A_1243, %dma_wait3A_1244] : memref<1600x32xf32, #tpu.memory_space<vmem>> -> memref<400x32xf32, #tpu.memory_space<vmem>>
    %dma_wait3A_1246 = arith.constant 400 : i32
    %dma_wait3A_1247 = tpu.memref_slice %arg6[%dma_wait3A_1246] : memref<1600xi32, #tpu.memory_space<vmem>> -> memref<400xi32, #tpu.memory_space<vmem>>
    %dma_wait3A_1248 = arith.constant 0 : i32
    %dma_wait3A_1249 = arith.constant 0 : i32
    %dma_wait3A_1250 = tpu.memref_slice %arg2[%dma_wait3A_1248, %dma_wait3A_1249] : memref<1000000x32xf32, #tpu.memory_space<hbm>> -> memref<1000000x32xf32, #tpu.memory_space<hbm>>
    tpu.wait_indirect_dma semaphore(%arg12 : memref<!tpu.dma_semaphore, #tpu.memory_space<semaphore_mem>>) src(%dma_wait3A_1250 : memref<1000000x32xf32, #tpu.memory_space<hbm>>) dst(%dma_wait3A_1245 : memref<400x32xf32, #tpu.memory_space<vmem>>)
    %dma_wait3A_1251 = arith.constant 800 : i32
    %dma_wait3A_1252 = arith.constant 0 : i32
    %dma_wait3A_1253 = tpu.memref_slice %arg8[%dma_wait3A_1251, %dma_wait3A_1252] : memref<1600x32xf32, #tpu.memory_space<vmem>> -> memref<400x32xf32, #tpu.memory_space<vmem>>
    %dma_wait3A_1254 = arith.constant 800 : i32
    %dma_wait3A_1255 = tpu.memref_slice %arg6[%dma_wait3A_1254] : memref<1600xi32, #tpu.memory_space<vmem>> -> memref<400xi32, #tpu.memory_space<vmem>>
    %dma_wait3A_1256 = arith.constant 0 : i32
    %dma_wait3A_1257 = arith.constant 0 : i32
    %dma_wait3A_1258 = tpu.memref_slice %arg2[%dma_wait3A_1256, %dma_wait3A_1257] : memref<1000000x32xf32, #tpu.memory_space<hbm>> -> memref<1000000x32xf32, #tpu.memory_space<hbm>>
    tpu.wait_indirect_dma semaphore(%arg12 : memref<!tpu.dma_semaphore, #tpu.memory_space<semaphore_mem>>) src(%dma_wait3A_1258 : memref<1000000x32xf32, #tpu.memory_space<hbm>>) dst(%dma_wait3A_1253 : memref<400x32xf32, #tpu.memory_space<vmem>>)
    %dma_wait3A_1259 = arith.constant 1200 : i32
    %dma_wait3A_1260 = arith.constant 0 : i32
    %dma_wait3A_1261 = tpu.memref_slice %arg8[%dma_wait3A_1259, %dma_wait3A_1260] : memref<1600x32xf32, #tpu.memory_space<vmem>> -> memref<400x32xf32, #tpu.memory_space<vmem>>
    %dma_wait3A_1262 = arith.constant 1200 : i32
    %dma_wait3A_1263 = tpu.memref_slice %arg6[%dma_wait3A_1262] : memref<1600xi32, #tpu.memory_space<vmem>> -> memref<400xi32, #tpu.memory_space<vmem>>
    %dma_wait3A_1264 = arith.constant 0 : i32
    %dma_wait3A_1265 = arith.constant 0 : i32
    %dma_wait3A_1266 = tpu.memref_slice %arg2[%dma_wait3A_1264, %dma_wait3A_1265] : memref<1000000x32xf32, #tpu.memory_space<hbm>> -> memref<1000000x32xf32, #tpu.memory_space<hbm>>
    tpu.wait_indirect_dma semaphore(%arg12 : memref<!tpu.dma_semaphore, #tpu.memory_space<semaphore_mem>>) src(%dma_wait3A_1266 : memref<1000000x32xf32, #tpu.memory_space<hbm>>) dst(%dma_wait3A_1261 : memref<400x32xf32, #tpu.memory_space<vmem>>)
    %add3A_1267 = arith.constant 24000 : i32
    %add3A_1268 = arith.addi %mul3A_2, %add3A_1267 : i32
    %dma_start3A_1269 = arith.constant 0 : i32
    %dma_start3A_1270 = tpu.memref_slice %arg4[%add3A_1268, %dma_start3A_1269] : memref<819200x32xf32, #tpu.memory_space<hbm>> -> memref<1600x32xf32, #tpu.memory_space<hbm>>
    %dma_start3A_1271 = arith.constant 0 : i32
    %dma_start3A_1272 = tpu.memref_slice %arg4[%add3A_1268, %dma_start3A_1271] : memref<819200x32xf32, #tpu.memory_space<hbm>> -> memref<1600x32xf32, #tpu.memory_space<hbm>>
    tpu.enqueue_dma source(%arg8 : memref<1600x32xf32, #tpu.memory_space<vmem>>) target(%dma_start3A_1272 : memref<1600x32xf32, #tpu.memory_space<hbm>>) target_semaphore(%arg14 : memref<!tpu.dma_semaphore, #tpu.memory_space<semaphore_mem>>)
    %dma_wait3A_1273 = arith.constant 0 : i32
    %dma_wait3A_1274 = tpu.memref_slice %arg4[%add3A_1192, %dma_wait3A_1273] : memref<819200x32xf32, #tpu.memory_space<hbm>> -> memref<1600x32xf32, #tpu.memory_space<hbm>>
    %dma_wait3A_1275 = arith.constant 0 : i32
    %dma_wait3A_1276 = tpu.memref_slice %arg4[%add3A_1192, %dma_wait3A_1275] : memref<819200x32xf32, #tpu.memory_space<hbm>> -> memref<1600x32xf32, #tpu.memory_space<hbm>>
    tpu.wait_dma2 semaphore(%arg13 : memref<!tpu.dma_semaphore, #tpu.memory_space<semaphore_mem>>) src(%arg7 : memref<1600x32xf32, #tpu.memory_space<vmem>>) dst(%dma_wait3A_1276 : memref<1600x32xf32, #tpu.memory_space<hbm>>)
    %dma_wait3A_1277 = arith.constant 0 : i32
    %dma_wait3A_1278 = tpu.memref_slice %arg4[%add3A_1268, %dma_wait3A_1277] : memref<819200x32xf32, #tpu.memory_space<hbm>> -> memref<1600x32xf32, #tpu.memory_space<hbm>>
    %dma_wait3A_1279 = arith.constant 0 : i32
    %dma_wait3A_1280 = tpu.memref_slice %arg4[%add3A_1268, %dma_wait3A_1279] : memref<819200x32xf32, #tpu.memory_space<hbm>> -> memref<1600x32xf32, #tpu.memory_space<hbm>>
    tpu.wait_dma2 semaphore(%arg14 : memref<!tpu.dma_semaphore, #tpu.memory_space<semaphore_mem>>) src(%arg8 : memref<1600x32xf32, #tpu.memory_space<vmem>>) dst(%dma_wait3A_1280 : memref<1600x32xf32, #tpu.memory_space<hbm>>)
    return
  }
}

</mosaic_0001>

<sc_bundles>
// kernel: kernel.3.cloned.1.call-start
scs
__scs_entry_jumppad:
0x0: {  	(pc) =	sbr.rel $0x88, $3  }
0x1: {  	(tag) =	ssettag $0x0;
	lr =	simm.s32 $0x1  }
0x2: {  	[smem:$0x3F9F] =	sst lr;
	_ =	strace $0xD0000000  }
0x3: {  	_ = 	snop  }
0x4: {  	_ = 	snop  }
0x5: {  	_ = 	snop  }
0x6: {  	_ = 	snop  }
0x7: {  	_ = 	snop  }
__scs_overlays_trampoline_lowered:
0x8: {  	[smem:$0x3FAE] =	sst s0  }
0x9: {  	[smem:$0x3FAF] =	sst s1  }
0xa: {  	[smem:$0x3FB0] =	sst s2  }
0xb: {  	[smem:$0x3FB1] =	sst s3  }
0xc: {  	[smem:$0x3FB2] =	sst s4  }
0xd: {  	[smem:$0x3FB3] =	sst s5  }
0xe: {  	[smem:$0x3FB4] =	sst s6  }
0xf: {  	[smem:$0x3FB5] =	sst s7  }
0x10: {  	[smem:$0x3FB6] =	sst s8  }
0x11: {  	[smem:$0x3FB7] =	sst s9;
	s0 =	simm.s32 @!p0 $0x0  }
0x12: {  	s1 =	sld [smem:$0x3F9D];
	s0 =	simm.s32 @p0 $0x1  }
0x13: {  	[smem:$0x3FB8] =	sst s0;
	s0 =	simm.s32 @!p1 $0x0  }
0x14: {  	s2 =	sld [smem:$0x3F9C];
	s0 =	simm.s32 @p1 $0x1  }
0x15: {  	[smem:$0x3FB9] =	sst s0;
	s0 =	simm.s32 @!p2 $0x0  }
0x16: {  	s3 =	sld [smem:$0x3FDB];
	s0 =	simm.s32 @p2 $0x1  }
0x17: {  	s4 =	simm.s32 $0x1BF5;
	[smem:$0x3FBB] =	sst s0  }
0x18: {  	s0 =	sld [smem:$0x3F9E];
	_ =	swait.ge [sflag:s4], $0x0  }
0x19: {  	s7 =	sld [smem:$0x3F9F]  }
0x1a: {  	s8 =	sadd.s32 $0xFFFFE003, lr  }
0x1b: {  	s9 =	sadd.s32 $0xFFFFFEF7, lr;
	s5 =	simm.s32 $0xFFFFFFFF;
	p2 =	slt.u32 s8, $0xFFFFF086  }
0x1c: {  	p1 =	slt.u32 s9, $0xF7A;
	s5 =	simm.s32 @!p2 $0x0  }
0x1d: {  	s5 =	simm.s32 @p1 $0x1;
	p0 =	seq.s32 s7, s2  }
0x1e: {  	s7 =	smul.u32 @!p0 $0xF7A, s2;
	p2 =	seq.s32 @!p0 s5, $0x0  }
0x1f: {  	s9 =	smul.u32 $0xF7A, s1;
	s8 =	simm.s32 @!p0 $0x1BF5;
	p2 =	por !p2, p0  }
0x20: {  	[sflag:s8] =	ssyncset.s32 @!p0 $0xFFFFF086;
	s6 =	sadd.s32 @!p0 s3, s7;
	s7 =	simm.s32 @!p0 $0x108  }
0x21: {  	s3 =	sadd.s32 s3, s9;
	s6 =	sadd.s32 @!p0 $0x88, s6;
	s7 =	simm.s32 @p2 $0x1082  }
0x22: {  	[simem:s7], [sflag:s8] =	dma.local @!p0 [hbm:s6], $0xF7A  }
0x23: {  	s9 =	sor.u32 $0xD0000000, s2;
	s6 =	simm.s32 $0x108;
	_ =	swait.ge @!p0 [sflag:s8], $0x0  }
0x24: {  	s3 =	sadd.s32 $0x88, s3;
	s6 =	simm.s32 @!p1 $0x1082;
	[sflag:s4] =	ssyncset.s32 $0xFFFFF086  }
0x25: {  	[simem:s6], [sflag:s4] =	dma.local [hbm:s3], $0xF7A  }
0x26: {  	[smem:$0x3F9F] =	sst s1;
	(tag) =	ssettag s2;
	_ =	strace s9  }
0x27: {  	s1 =	sld [smem:$0x3FAF]  }
0x28: {  	s2 =	sld [smem:$0x3FB0]  }
0x29: {  	s4 =	sld [smem:$0x3FB2]  }
0x2a: {  	p0 =	seq.s32 s5, $0x0;
	s5 =	sld [smem:$0x3FB3]  }
0x2b: {  	s6 =	sld [smem:$0x3FB4]  }
0x2c: {  	s7 =	sld [smem:$0x3FB5]  }
0x2d: {  	s3 =	simm.s32 $0x108;
	s8 =	sld [smem:$0x3FB6]  }
0x2e: {  	s3 =	simm.s32 @!p0 $0x1082;
	s9 =	sld [smem:$0x3FB7]  }
0x2f: {  	lr =	sadd.s32 s0, s3;
	s0 =	sld [smem:$0x3FAE]  }
0x30: {  	s3 =	sld [smem:$0x3FB1]  }
0x31: {  	[smem:$0x3FBA] =	sst s10  }
0x32: {  	s10 =	sld [smem:$0x3FB8];
	_ =	sdelay $0x3  }
0x33: {  	p0 =	seq.s32 s10, $0x1;
	s10 =	sld [smem:$0x3FBA];
	_ =	sdelay $0x3  }
0x34: {  	[smem:$0x3FBA] =	sst s10  }
0x35: {  	s10 =	sld [smem:$0x3FB9];
	_ =	sdelay $0x3  }
0x36: {  	p1 =	seq.s32 s10, $0x1;
	s10 =	sld [smem:$0x3FBA];
	_ =	sdelay $0x3  }
0x37: {  	[smem:$0x3FBA] =	sst s10  }
0x38: {  	s10 =	sld [smem:$0x3FBB]  }
0x39: {  	_ = 	snop;
	(pc) =	sbr.ind lr, $3  }
0x3a: {  	_ = 	snop  }
0x3b: {  	_ = 	snop  }
0x3c: {  	p2 =	seq.s32 s10, $0x1;
	s10 =	sld [smem:$0x3FBA]  }
0x3d: {  	_ =	shalt  }
0x3e: {  	_ =	shalt  }
0x3f: {  	_ =	shalt  }
0x40: {  	_ =	shalt  }
0x41: {  	_ =	shalt  }
0x42: {  	_ =	shalt  }
0x43: {  	_ =	shalt  }
0x44: {  	_ =	shalt  }
0x45: {  	_ =	shalt  }
0x46: {  	_ =	shalt  }
0x47: {  	_ =	shalt  }
0x48: {  	_ =	shalt  }
0x49: {  	_ =	shalt  }
0x4a: {  	_ =	shalt  }
0x4b: {  	_ =	shalt  }
0x4c: {  	_ =	shalt  }
0x4d: {  	_ =	shalt  }
0x4e: {  	_ =	shalt  }
0x4f: {  	_ =	shalt  }
0x50: {  	_ =	shalt  }
0x51: {  	_ =	shalt  }
0x52: {  	_ =	shalt  }
0x53: {  	_ =	shalt  }
0x54: {  	_ =	shalt  }
0x55: {  	_ =	shalt  }
0x56: {  	_ =	shalt  }
0x57: {  	_ =	shalt  }
0x58: {  	_ =	shalt  }
0x59: {  	_ =	shalt  }
0x5a: {  	_ =	shalt  }
0x5b: {  	_ =	shalt  }
0x5c: {  	_ =	shalt  }
0x5d: {  	_ =	shalt  }
0x5e: {  	_ =	shalt  }
0x5f: {  	_ =	shalt  }
0x60: {  	_ =	shalt  }
0x61: {  	_ =	shalt  }
0x62: {  	_ =	shalt  }
0x63: {  	_ =	shalt  }
0x64: {  	_ =	shalt  }
0x65: {  	_ =	shalt  }
0x66: {  	_ =	shalt  }
0x67: {  	_ =	shalt  }
0x68: {  	_ =	shalt  }
0x69: {  	_ =	shalt  }
0x6a: {  	_ =	shalt  }
0x6b: {  	_ =	shalt  }
0x6c: {  	_ =	shalt  }
0x6d: {  	_ =	shalt  }
0x6e: {  	_ =	shalt  }
0x6f: {  	_ =	shalt  }
0x70: {  	_ =	shalt  }
0x71: {  	_ =	shalt  }
0x72: {  	_ =	shalt  }
0x73: {  	_ =	shalt  }
0x74: {  	_ =	shalt  }
0x75: {  	_ =	shalt  }
0x76: {  	_ =	shalt  }
0x77: {  	_ =	shalt  }
0x78: {  	_ =	shalt  }
0x79: {  	_ =	shalt  }
0x7a: {  	_ =	shalt  }
0x7b: {  	_ =	shalt  }
0x7c: {  	_ =	shalt  }
0x7d: {  	_ =	shalt  }
0x7e: {  	_ =	shalt  }
0x7f: {  	_ =	shalt  }
0x80: {  	_ =	shalt  }
0x81: {  	_ =	shalt  }
0x82: {  	_ =	shalt  }
0x83: {  	_ =	shalt  }
0x84: {  	_ =	shalt  }
0x85: {  	_ =	shalt  }
0x86: {  	_ =	shalt  }
0x87: {  	_ =	shalt  }
.Lfunc_end0:
.L_simem_size_0:
called_computation.2_lowered:
.L_overlay_start_0:
0x88: {  	s2 =	sld [smem:$0x3FD9]  }
0x89: {  	s3 =	sld [smem:$0x3FFE];
	_ =	sdelay $0x1  }
0x8a: {  	s1 =	srdreg.scid  }
0x8b: {  	s0 =	sand.u32 $0x1, s1  }
0x8c: {  	s17 =	sshll.u32 s0, $0xA;
	s2 =	sadd.s32 s3, s2  }
0x8d: {  	s2 =	sadd.s32 s2, s17  }
0x8e: {  	[smem:$0x3FC6] =	sst s2  }
0x8f: {  	_ = 	snop  }
0x90: {  	s2 =	sld [smem:$0x3FD0];
	(tm) =	ssettm $0x1  }
0x91: {  	s18 =	sld [smem:$0x3FFB];
	_ =	sdelay $0x3  }
0x92: {  	_ =	strace s18  }
0x93: {  	s3 =	sld [smem:$0x3FFC];
	_ =	sdelay $0x3  }
0x94: {  	_ =	strace s3  }
0x95: {  	s3 =	sld [smem:$0x3FFD];
	_ =	sdelay $0x3  }
0x96: {  	_ =	strace s3  }
0x97: {  	_ =	strace $0x8FFFFFFF  }
0x98: {  	s19 =	sld [smem:$0x3FDB];
	_ =	sdelay $0x1  }
0x99: {  	s4 =	simm.s32 $_scs_section_size  }
0x9a: {  	s5 =	simm.s32 $_size__tile_overlayer_lowered;
	s6 =	simm.s32 $_tile_overlayer_lowered  }
0x9b: {  	s22 =	simm.s32 $0x1BFF;
	s21 =	sshll.u32 s6, $0x1;
	s3 =	sadd.s32 s4, s19  }
0x9c: {  	s7 =	simm.s32 $0x0;
	s20 =	sshll.u32 s5, $0x1;
	s5 =	sadd.s32 s21, s3  }
0x9d: {  	[timem:s7], [sflag:s22] =	dma.local [hbm:s5], s20  }
0x9e: {  	_ =	swait.ge [sflag:s22], s20  }
0x9f: {  	s4 =	ssub.s32 $0x0, s20;
	[sflag:s22] =	ssyncset.done $0x0  }
0xa0: {  	[sflag:s22] =	ssyncadd.s32 s4;
	_ =	sdelay $0x1  }
0xa1: {  	s23 =	simm.s32 $0x1B8B  }
0xa2: {  	_ =	swait.ge [sflag:s23], $0x1  }
0xa3: {  	[sflag:s23] =	ssyncset.done $0x0  }
0xa4: {  	s25 =	simm.s32 $0x1B8E;
	s24 =	sld [smem:$0x3FFE];
	[sflag:s23] =	ssyncadd.s32 $0xFFFFFFFF  }
0xa5: {  	s26 =	simm.s32 $execute0_lowered;
	[smem:$0x3FD2] =	sst s25  }
0xa6: {  	s5 =	sshll.u32 s26, $0x1;
	_ =	strace $0x80000046;
	[dreg:$0x1] =	wrdreg $0xFFFFFFFF  }
0xa7: {  	s28 =	simm.s32 $_size_execute0_lowered;
	s3 =	sadd.s32 s3, s5;
	[dreg:$0x0] =	wrdreg $0x0  }
0xa8: {  	s5 =	sshll.u32 s28, $0x1;
	[dreg:$0x2] =	wrdreg s3  }
0xa9: {  	[dreg:$0x3] =	wrdreg s5  }
0xaa: {  	[dreg:$0x4] =	wrdreg $0xC0  }
0xab: {  	_ =	task [dreg:s7], $0x5FFFF  }
0xac: {  	[dreg:$0x1] =	wrdreg $0xFFFFFFFF  }
0xad: {  	[dreg:$0x0] =	wrdreg $0x60  }
0xae: {  	[dreg:$0x2] =	wrdreg s24  }
0xaf: {  	[dreg:$0x3] =	wrdreg s2  }
0xb0: {  	[dreg:$0x4] =	wrdreg $0x9  }
0xb1: {  	_ =	task.clear_ibuf [dreg:s7], $0x5FFFF;
	_ =	strace $0x90000046  }
0xb2: {  	s29 =	simm.s32 $0x9;
	_ =	strace $0x80000048  }
0xb3: {  	_ =	swait.ge [sflag:s29], $0x1  }
0xb4: {  	[sflag:s29] =	ssyncadd.s32 $0xFFFFFFFF  }
0xb5: {  	_ =	strace $0x90000048  }
0xb6: {  	_ =	sfence  }
0xb7: {  	s30 =	sld [smem:$0x0];
	_ =	sdelay $0x2  }
0xb8: {  	s31 =	sshll.u32 s1, $0xD;
	s1 =	sshrl.u32 s1, $0x2  }
0xb9: {  	s3 =	sand.u32 $0x4000, s31;
	s1 =	sadd.s32 s1, s30  }
0xba: {  	s0 =	sor.u32 s3, s0;
	s1 =	sshll.u32 s1, $0x11  }
0xbb: {  	s0 =	sor.u32 s1, s0  }
0xbc: {  	s0 =	sadd.s32 $0x8F2B, s0  }
0xbd: {  	[sflag:s0] =	ssyncadd.remote.s32 $0x1  }
0xbe: {  	_ =	sfence.sel $0xFFFF  }
0xbf: {  	[dreg:$0x0] =	wrdreg $0xFFFFFFFF;
	(pc) =	sbr.abs _section_cstart, $3  }
0xc0: {  	[dreg:$0x1] =	wrdreg $0xFFFFFFFF  }
0xc1: {  	_ =	task.clear_ibuf [dreg:s7], $0x2FFFF;
	_ =	strace $0x9FFFFFFF  }
0xc2: {  	(tm) =	ssettm $0x7FFFFFFF  }
0xc3: {  	_ =	shalt  }
tec
execute0_lowered:
.L_overlay_start_1:
0x0: {  	(tag) =	ssettag $0x1  }
0x1: {  	s0 =	rddreg [dreg:$0x0];
	s2 =	srdreg.scid  }
0x2: {  	s3 =	stileid.u32;
	s1 =	rddreg [dreg:$0x1]  }
0x3: {  	s28 =	simm.s32 $0x1;
	s6 =	sand.u32 $0x1, s2;
	s3 =	sshll.u32 s3, $0x1  }
0x4: {  	s29 =	simm.s32 $0xA280;
	p0 =	por $0x0, $0x0;
	s3 =	sor.u32 s6, s3  }
0x5: {  	s2 =	simm.s32 $0x0;
	s4 =	sadd.s32 $0xE00, s0;
	s5 =	smul.u32 $0x6400, s3  }
0x6: {  	[smem:$0x7FF] =	sst s2;
	s6 =	ssub.s32 $0x2, s6;
	s3 =	smul.u32 $0x19000, s3  }
0x7: {  	_ =	strace $0x80000047;
	s7 =	sshrl.u32 s5, $0x3;
	s8 =	sadd.s32 $0x640, s5  }
0x8: {  	s18 =	sadd.s32 $0xC80, s5;
	s3 =	sadd.s32 s1, s3;
	s23 =	sadd.s32 $0x12C0, s5  }
0x9: {  	s26 =	sadd.s32 $0x1900, s5;
	s14 =	sadd.s32 $0x1F40, s5;
	s7 =	sadd.s32 s4, s7  }
0xa: {  	s9 =	sshrl.u32 s8, $0x3;
	s19 =	sshrl.u32 s18, $0x3;
	[dreg:$0x5] =	wrdreg s3  }
0xb: {  	s21 =	sshll.u32 s8, $0x2;
	s24 =	sshrl.u32 s23, $0x3;
	s25 =	sshll.u32 s18, $0x2  }
0xc: {  	s11 =	sshrl.u32 s26, $0x3;
	[dreg:$0x3] =	wrdreg s7;
	s17 =	sadd.s32 s4, s9  }
0xd: {  	s15 =	sshrl.u32 s14, $0x3;
	s20 =	sadd.s32 s4, s19;
	[dreg:$0x4] =	wrdreg s17  }
0xe: {  	s16 =	sshll.u32 s26, $0x2;
	s22 =	sadd.s32 s1, s21;
	[dreg:$0x6] =	wrdreg s20  }
0xf: {  	s3 =	sadd.s32 s4, s24;
	s10 =	sadd.s32 s1, s25;
	[dreg:$0x7] =	wrdreg s22  }
0x10: {  	s12 =	sadd.s32 s4, s11;
	s7 =	sshll.u32 s23, $0x2;
	[dreg:$0x8] =	wrdreg s3  }
0x11: {  	s18 =	sadd.s32 s1, s16;
	s21 =	sadd.s32 $0x2BC0, s5;
	[dreg:$0x9] =	wrdreg s10  }
0x12: {  	s24 =	sadd.s32 $0x3200, s5;
	s16 =	sadd.s32 $0x3E80, s5;
	[dreg:$0xa] =	wrdreg s12  }
0x13: {  	s13 =	sadd.s32 s1, s7;
	s3 =	sadd.s32 s4, s15;
	s17 =	sadd.s32 $0x2580, s5  }
0x14: {  	[dreg:$0xd] =	wrdreg s18;
	s7 =	sshll.u32 s14, $0x2;
	s22 =	sshrl.u32 s21, $0x3  }
0x15: {  	s26 =	sshrl.u32 s24, $0x3;
	s11 =	sshll.u32 s21, $0x2;
	s15 =	sshll.u32 s24, $0x2  }
0x16: {  	s18 =	sshrl.u32 s16, $0x3;
	s21 =	sadd.s32 $0x44C0, s5;
	[dreg:$0xb] =	wrdreg s13  }
0x17: {  	s9 =	sshll.u32 s16, $0x2;
	[dreg:$0xc] =	wrdreg s3;
	s19 =	sshrl.u32 s17, $0x3  }
0x18: {  	s7 =	sadd.s32 s1, s7;
	s3 =	sadd.s32 $0xF43200, s0;
	s0 =	sadd.s32 s4, s22  }
0x19: {  	s23 =	sshll.u32 s17, $0x2;
	s10 =	sadd.s32 s4, s26;
	s12 =	sadd.s32 s1, s11  }
0x1a: {  	s13 =	sadd.s32 $0x3840, s5;
	s17 =	sadd.s32 s1, s15;
	[dreg:$0xf] =	wrdreg s7  }
0x1b: {  	s22 =	sshrl.u32 s6, $0x1;
	s24 =	sadd.s32 s1, s9;
	[dreg:$0x10] =	wrdreg s0  }
0x1c: {  	s11 =	sadd.s32 $0x5140, s5;
	s20 =	sadd.s32 s4, s19;
	[dreg:$0x12] =	wrdreg s10  }
0x1d: {  	s25 =	sadd.s32 s1, s23;
	[dreg:$0x13] =	wrdreg s12;
	s14 =	sshrl.u32 s13, $0x3  }
0x1e: {  	[dreg:$0x15] =	wrdreg s17;
	s19 =	sadd.s32 s4, s18;
	s7 =	sshll.u32 s13, $0x2  }
0x1f: {  	s23 =	sshrl.u32 s21, $0x3;
	s10 =	sadd.s32 $0x4B00, s5;
	[dreg:$0x19] =	wrdreg s24  }
0x20: {  	s6 =	ssub.s32 s6, s22;
	s12 =	sshrl.u32 s11, $0x3;
	[dreg:$0xe] =	wrdreg s20  }
0x21: {  	s16 =	sshll.u32 s11, $0x2;
	s24 =	simm.s32 $0x320;
	[dreg:$0x11] =	wrdreg s25  }
0x22: {  	s11 =	simm.s32 $0x4;
	s0 =	sadd.s32 s4, s14;
	[dreg:$0x16] =	wrdreg s19  }
0x23: {  	s20 =	sadd.s32 s1, s7;
	s25 =	sshrl.u32 s10, $0x3;
	s7 =	sshll.u32 s21, $0x2  }
0x24: {  	s13 =	sshll.u32 s10, $0x2;
	s14 =	sadd.s32 $0x5780, s5;
	s5 =	sadd.s32 $0x5DC0, s5  }
0x25: {  	s21 =	sadd.s32 s1, s16;
	s16 =	simm.s32 $0x2;
	[dreg:$0x14] =	wrdreg s0  }
0x26: {  	s10 =	simm.s32 $0x5;
	[dreg:$0x17] =	wrdreg s20;
	s0 =	sadd.s32 s4, s23  }
0x27: {  	s26 =	sadd.s32 s4, s25;
	s9 =	sadd.s32 s1, s7;
	s8 =	sadd.s32 s1, s13  }
0x28: {  	s15 =	sshrl.u32 s14, $0x3;
	s17 =	sshrl.u32 s5, $0x3;
	s18 =	sshll.u32 s14, $0x2  }
0x29: {  	s19 =	sshll.u32 s5, $0x2;
	s20 =	smax.u32 s6, $0x1;
	s7 =	simm.s32 $0x640  }
0x2a: {  	s6 =	simm.s32 $0x190;
	s23 =	simm.s32 $0x3E80;
	[dreg:$0x18] =	wrdreg s0  }
0x2b: {  	s25 =	simm.s32 $0x7080;
	s5 =	simm.s32 $0xD480;
	[dreg:$0x1a] =	wrdreg s26  }
0x2c: {  	s13 =	simm.s32 $0x7D0;
	s14 =	simm.s32 $0x10680;
	[dreg:$0x1b] =	wrdreg s9  }
0x2d: {  	s0 =	sadd.s32 s4, s12;
	s30 =	sadd.s32 s4, s15;
	p1 =	sne.s32 s20, $0x1  }
.Ltmp0:
0x2e: {  	s22 =	sadd.s32 s4, s17;
	s4 =	sadd.s32 s1, s18;
	(pc) =	sbr.rel @!p1 .LBB2_4-.Ltmp0, $4  }
0x2f: {  	s31 =	sadd.s32 s1, s19;
	s12 =	simm.s32 $0xC80;
	s26 =	simm.s32 $0x4B0  }
0x30: {  	s19 =	simm.s32 $0x3;
	s15 =	simm.s32 $0x960;
	s1 =	sadd.s32 $0xFFFFFFFF, s20  }
0x31: {  	s17 =	simm.s32 $0x13880;
	s18 =	simm.s32 $0xAF0;
	[dreg:$0x1c] =	wrdreg s0  }
0x32: {  	s20 =	simm.s32 $0x16A80;
	s9 =	simm.s32 $0x6;
	s0 =	rddreg [dreg:$0x3]  }
0x33: {  	[dreg:$0x1f] =	wrdreg s1  }
0x34: {  	[tilespmem:s2], [sflag:$0x1] =	stream.linear.gather [hbm4b:s0+s2], $0x640, $0x38;
	[tilespmem:$0x19C80] =	vst v63  }
0x35: {  	s1 =	rddreg [dreg:$0x4]  }
0x36: {  	[tilespmem:s7], [sflag:$0x2] =	stream.linear.gather [hbm4b:s1+s2], $0x640, $0x38;
	[tilespmem:$0x19C80] =	vst v63  }
0x37: {  	_ =	swait.ge [sflag:s28], $0x640  }
0x38: {  	[sflag:s28] =	ssyncset.done $0x0  }
0x39: {  	[sflag:s28] =	ssyncadd.s32 $0xFFFFF9C0  }
0x3a: {  	[tilespmem:s12], [sflag:$0x3] =	stream.indirect.gather [hbm4b:s3+s6], $0x20, s2, s6, $0xb8;
	[tilespmem:$0x19C80] =	vst v63  }
0x3b: {  	_ = 	snop  }
0x3c: {  	[tilespmem:s23], [sflag:$0x3] =	stream.indirect.gather [hbm4b:s3+s6], $0x20, s6, s6, $0xb8;
	[tilespmem:$0x19C80] =	vst v63  }
0x3d: {  	_ = 	snop  }
0x3e: {  	[tilespmem:s25], [sflag:$0x3] =	stream.indirect.gather [hbm4b:s3+s6], $0x20, s24, s6, $0xb8;
	[tilespmem:$0x19C80] =	vst v63  }
0x3f: {  	_ = 	snop  }
0x40: {  	[tilespmem:s29], [sflag:$0x3] =	stream.indirect.gather [hbm4b:s3+s6], $0x20, s26, s6, $0xb8;
	[tilespmem:$0x19C80] =	vst v63  }
0x41: {  	_ =	swait.ge [sflag:s19], $0x3200  }
0x42: {  	[sflag:s19] =	ssyncset.done $0x0  }
0x43: {  	[sflag:s19] =	ssyncadd.s32 $0xFFFFCE00  }
0x44: {  	_ =	swait.ge [sflag:s19], $0x3200  }
0x45: {  	[sflag:s19] =	ssyncset.done $0x0  }
0x46: {  	[sflag:s19] =	ssyncadd.s32 $0xFFFFCE00  }
0x47: {  	_ =	swait.ge [sflag:s19], $0x3200  }
0x48: {  	[sflag:s19] =	ssyncset.done $0x0  }
0x49: {  	[sflag:s19] =	ssyncadd.s32 $0xFFFFCE00  }
0x4a: {  	_ =	swait.ge [sflag:s19], $0x3200  }
0x4b: {  	[sflag:s19] =	ssyncset.done $0x0  }
0x4c: {  	s0 =	rddreg [dreg:$0x5];
	[sflag:s19] =	ssyncadd.s32 $0xFFFFCE00  }
0x4d: {  	[hbm4b:s0+s2] =	stream.linear.scatter [tilespmem:s12], [sflag:$0x5], $0xC800, $0x38;
	[tilespmem:$0x19C80] =	vst v63  }
0x4e: {  	s1 =	rddreg [dreg:$0x6]  }
0x4f: {  	[tilespmem:s2], [sflag:$0x1] =	stream.linear.gather [hbm4b:s1+s2], $0x640, $0x38;
	[tilespmem:$0x19C80] =	vst v63  }
0x50: {  	_ =	swait.ge [sflag:s16], $0x640  }
0x51: {  	[sflag:s16] =	ssyncset.done $0x0  }
0x52: {  	[sflag:s16] =	ssyncadd.s32 $0xFFFFF9C0  }
0x53: {  	[tilespmem:s5], [sflag:$0x4] =	stream.indirect.gather [hbm4b:s3+s6], $0x20, s7, s6, $0xb8;
	[tilespmem:$0x19C80] =	vst v63  }
0x54: {  	_ = 	snop  }
0x55: {  	[tilespmem:s14], [sflag:$0x4] =	stream.indirect.gather [hbm4b:s3+s6], $0x20, s13, s6, $0xb8;
	[tilespmem:$0x19C80] =	vst v63  }
0x56: {  	_ = 	snop  }
0x57: {  	[tilespmem:s17], [sflag:$0x4] =	stream.indirect.gather [hbm4b:s3+s6], $0x20, s15, s6, $0xb8;
	[tilespmem:$0x19C80] =	vst v63  }
0x58: {  	_ = 	snop  }
0x59: {  	[tilespmem:s20], [sflag:$0x4] =	stream.indirect.gather [hbm4b:s3+s6], $0x20, s18, s6, $0xb8;
	[tilespmem:$0x19C80] =	vst v63  }
0x5a: {  	_ =	swait.ge [sflag:s11], $0x3200  }
0x5b: {  	[sflag:s11] =	ssyncset.done $0x0  }
0x5c: {  	[sflag:s11] =	ssyncadd.s32 $0xFFFFCE00  }
0x5d: {  	_ =	swait.ge [sflag:s11], $0x3200  }
0x5e: {  	[sflag:s11] =	ssyncset.done $0x0  }
0x5f: {  	[sflag:s11] =	ssyncadd.s32 $0xFFFFCE00  }
0x60: {  	_ =	swait.ge [sflag:s11], $0x3200  }
0x61: {  	[sflag:s11] =	ssyncset.done $0x0  }
0x62: {  	[sflag:s11] =	ssyncadd.s32 $0xFFFFCE00  }
0x63: {  	_ =	swait.ge [sflag:s11], $0x3200  }
0x64: {  	[sflag:s11] =	ssyncset.done $0x0  }
0x65: {  	s0 =	rddreg [dreg:$0x7];
	[sflag:s11] =	ssyncadd.s32 $0xFFFFCE00  }
0x66: {  	[hbm4b:s0+s2] =	stream.linear.scatter [tilespmem:s5], [sflag:$0x6], $0xC800, $0x38;
	[tilespmem:$0x19C80] =	vst v63  }
0x67: {  	s1 =	rddreg [dreg:$0x8]  }
0x68: {  	[tilespmem:s7], [sflag:$0x2] =	stream.linear.gather [hbm4b:s1+s2], $0x640, $0x38;
	[tilespmem:$0x19C80] =	vst v63  }
0x69: {  	_ =	swait.ge [sflag:s28], $0x640  }
0x6a: {  	[sflag:s28] =	ssyncset.done $0x0  }
0x6b: {  	[sflag:s28] =	ssyncadd.s32 $0xFFFFF9C0  }
0x6c: {  	_ =	swait.ge [sflag:s10], $0xC800  }
0x6d: {  	[sflag:s10] =	ssyncset.done $0x0  }
0x6e: {  	[sflag:s10] =	ssyncadd.s32 $0xFFFF3800  }
0x6f: {  	[tilespmem:s12], [sflag:$0x3] =	stream.indirect.gather [hbm4b:s3+s6], $0x20, s2, s6, $0xb8;
	[tilespmem:$0x19C80] =	vst v63  }
0x70: {  	_ = 	snop  }
0x71: {  	[tilespmem:s23], [sflag:$0x3] =	stream.indirect.gather [hbm4b:s3+s6], $0x20, s6, s6, $0xb8;
	[tilespmem:$0x19C80] =	vst v63  }
0x72: {  	_ = 	snop  }
0x73: {  	[tilespmem:s25], [sflag:$0x3] =	stream.indirect.gather [hbm4b:s3+s6], $0x20, s24, s6, $0xb8;
	[tilespmem:$0x19C80] =	vst v63  }
0x74: {  	_ = 	snop  }
0x75: {  	[tilespmem:s29], [sflag:$0x3] =	stream.indirect.gather [hbm4b:s3+s6], $0x20, s26, s6, $0xb8;
	[tilespmem:$0x19C80] =	vst v63  }
0x76: {  	_ =	swait.ge [sflag:s19], $0x3200  }
0x77: {  	[sflag:s19] =	ssyncset.done $0x0  }
0x78: {  	[sflag:s19] =	ssyncadd.s32 $0xFFFFCE00  }
0x79: {  	_ =	swait.ge [sflag:s19], $0x3200  }
0x7a: {  	[sflag:s19] =	ssyncset.done $0x0  }
0x7b: {  	[sflag:s19] =	ssyncadd.s32 $0xFFFFCE00  }
0x7c: {  	_ =	swait.ge [sflag:s19], $0x3200  }
0x7d: {  	[sflag:s19] =	ssyncset.done $0x0  }
0x7e: {  	[sflag:s19] =	ssyncadd.s32 $0xFFFFCE00  }
0x7f: {  	_ =	swait.ge [sflag:s19], $0x3200  }
0x80: {  	[sflag:s19] =	ssyncset.done $0x0  }
0x81: {  	s0 =	rddreg [dreg:$0x9];
	[sflag:s19] =	ssyncadd.s32 $0xFFFFCE00  }
0x82: {  	[hbm4b:s0+s2] =	stream.linear.scatter [tilespmem:s12], [sflag:$0x5], $0xC800, $0x38;
	[tilespmem:$0x19C80] =	vst v63  }
0x83: {  	s1 =	rddreg [dreg:$0xa]  }
0x84: {  	[tilespmem:s2], [sflag:$0x1] =	stream.linear.gather [hbm4b:s1+s2], $0x640, $0x38;
	[tilespmem:$0x19C80] =	vst v63  }
0x85: {  	_ =	swait.ge [sflag:s16], $0x640  }
0x86: {  	[sflag:s16] =	ssyncset.done $0x0  }
0x87: {  	[sflag:s16] =	ssyncadd.s32 $0xFFFFF9C0  }
0x88: {  	_ =	swait.ge [sflag:s9], $0xC800  }
0x89: {  	[sflag:s9] =	ssyncset.done $0x0  }
0x8a: {  	[sflag:s9] =	ssyncadd.s32 $0xFFFF3800  }
0x8b: {  	[tilespmem:s5], [sflag:$0x4] =	stream.indirect.gather [hbm4b:s3+s6], $0x20, s7, s6, $0xb8;
	[tilespmem:$0x19C80] =	vst v63  }
0x8c: {  	_ = 	snop  }
0x8d: {  	[tilespmem:s14], [sflag:$0x4] =	stream.indirect.gather [hbm4b:s3+s6], $0x20, s13, s6, $0xb8;
	[tilespmem:$0x19C80] =	vst v63  }
0x8e: {  	_ = 	snop  }
0x8f: {  	[tilespmem:s17], [sflag:$0x4] =	stream.indirect.gather [hbm4b:s3+s6], $0x20, s15, s6, $0xb8;
	[tilespmem:$0x19C80] =	vst v63  }
0x90: {  	_ = 	snop  }
0x91: {  	[tilespmem:s20], [sflag:$0x4] =	stream.indirect.gather [hbm4b:s3+s6], $0x20, s18, s6, $0xb8;
	[tilespmem:$0x19C80] =	vst v63  }
0x92: {  	_ =	swait.ge [sflag:s11], $0x3200  }
0x93: {  	[sflag:s11] =	ssyncset.done $0x0  }
0x94: {  	[sflag:s11] =	ssyncadd.s32 $0xFFFFCE00  }
0x95: {  	_ =	swait.ge [sflag:s11], $0x3200  }
0x96: {  	[sflag:s11] =	ssyncset.done $0x0  }
0x97: {  	[sflag:s11] =	ssyncadd.s32 $0xFFFFCE00  }
0x98: {  	_ =	swait.ge [sflag:s11], $0x3200  }
0x99: {  	[sflag:s11] =	ssyncset.done $0x0  }
0x9a: {  	[sflag:s11] =	ssyncadd.s32 $0xFFFFCE00  }
0x9b: {  	_ =	swait.ge [sflag:s11], $0x3200  }
0x9c: {  	[sflag:s11] =	ssyncset.done $0x0  }
0x9d: {  	s0 =	rddreg [dreg:$0xb];
	[sflag:s11] =	ssyncadd.s32 $0xFFFFCE00  }
0x9e: {  	[hbm4b:s0+s2] =	stream.linear.scatter [tilespmem:s5], [sflag:$0x6], $0xC800, $0x38;
	[tilespmem:$0x19C80] =	vst v63  }
0x9f: {  	s1 =	rddreg [dreg:$0xc]  }
0xa0: {  	[tilespmem:s7], [sflag:$0x2] =	stream.linear.gather [hbm4b:s1+s2], $0x640, $0x38;
	[tilespmem:$0x19C80] =	vst v63  }
0xa1: {  	_ =	swait.ge [sflag:s28], $0x640  }
0xa2: {  	[sflag:s28] =	ssyncset.done $0x0  }
0xa3: {  	[sflag:s28] =	ssyncadd.s32 $0xFFFFF9C0  }
0xa4: {  	_ =	swait.ge [sflag:s10], $0xC800  }
0xa5: {  	[sflag:s10] =	ssyncset.done $0x0  }
0xa6: {  	[sflag:s10] =	ssyncadd.s32 $0xFFFF3800  }
0xa7: {  	[tilespmem:s12], [sflag:$0x3] =	stream.indirect.gather [hbm4b:s3+s6], $0x20, s2, s6, $0xb8;
	[tilespmem:$0x19C80] =	vst v63  }
0xa8: {  	_ = 	snop  }
0xa9: {  	[tilespmem:s23], [sflag:$0x3] =	stream.indirect.gather [hbm4b:s3+s6], $0x20, s6, s6, $0xb8;
	[tilespmem:$0x19C80] =	vst v63  }
0xaa: {  	_ = 	snop  }
0xab: {  	[tilespmem:s25], [sflag:$0x3] =	stream.indirect.gather [hbm4b:s3+s6], $0x20, s24, s6, $0xb8;
	[tilespmem:$0x19C80] =	vst v63  }
0xac: {  	_ = 	snop  }
0xad: {  	[tilespmem:s29], [sflag:$0x3] =	stream.indirect.gather [hbm4b:s3+s6], $0x20, s26, s6, $0xb8;
	[tilespmem:$0x19C80] =	vst v63  }
0xae: {  	_ =	swait.ge [sflag:s19], $0x3200  }
0xaf: {  	[sflag:s19] =	ssyncset.done $0x0  }
0xb0: {  	[sflag:s19] =	ssyncadd.s32 $0xFFFFCE00  }
0xb1: {  	_ =	swait.ge [sflag:s19], $0x3200  }
0xb2: {  	[sflag:s19] =	ssyncset.done $0x0  }
0xb3: {  	[sflag:s19] =	ssyncadd.s32 $0xFFFFCE00  }
0xb4: {  	_ =	swait.ge [sflag:s19], $0x3200  }
0xb5: {  	[sflag:s19] =	ssyncset.done $0x0  }
0xb6: {  	[sflag:s19] =	ssyncadd.s32 $0xFFFFCE00  }
0xb7: {  	_ =	swait.ge [sflag:s19], $0x3200  }
0xb8: {  	[sflag:s19] =	ssyncset.done $0x0  }
0xb9: {  	s0 =	rddreg [dreg:$0xd];
	[sflag:s19] =	ssyncadd.s32 $0xFFFFCE00  }
0xba: {  	[hbm4b:s0+s2] =	stream.linear.scatter [tilespmem:s12], [sflag:$0x5], $0xC800, $0x38;
	[tilespmem:$0x19C80] =	vst v63  }
0xbb: {  	s1 =	rddreg [dreg:$0xe]  }
0xbc: {  	[tilespmem:s2], [sflag:$0x1] =	stream.linear.gather [hbm4b:s1+s2], $0x640, $0x38;
	[tilespmem:$0x19C80] =	vst v63  }
0xbd: {  	_ =	swait.ge [sflag:s16], $0x640  }
0xbe: {  	[sflag:s16] =	ssyncset.done $0x0  }
0xbf: {  	[sflag:s16] =	ssyncadd.s32 $0xFFFFF9C0  }
0xc0: {  	_ =	swait.ge [sflag:s9], $0xC800  }
0xc1: {  	[sflag:s9] =	ssyncset.done $0x0  }
0xc2: {  	[sflag:s9] =	ssyncadd.s32 $0xFFFF3800  }
0xc3: {  	[tilespmem:s5], [sflag:$0x4] =	stream.indirect.gather [hbm4b:s3+s6], $0x20, s7, s6, $0xb8;
	[tilespmem:$0x19C80] =	vst v63  }
0xc4: {  	_ = 	snop  }
0xc5: {  	[tilespmem:s14], [sflag:$0x4] =	stream.indirect.gather [hbm4b:s3+s6], $0x20, s13, s6, $0xb8;
	[tilespmem:$0x19C80] =	vst v63  }
0xc6: {  	_ = 	snop  }
0xc7: {  	[tilespmem:s17], [sflag:$0x4] =	stream.indirect.gather [hbm4b:s3+s6], $0x20, s15, s6, $0xb8;
	[tilespmem:$0x19C80] =	vst v63  }
0xc8: {  	_ = 	snop  }
0xc9: {  	[tilespmem:s20], [sflag:$0x4] =	stream.indirect.gather [hbm4b:s3+s6], $0x20, s18, s6, $0xb8;
	[tilespmem:$0x19C80] =	vst v63  }
0xca: {  	_ =	swait.ge [sflag:s11], $0x3200  }
0xcb: {  	[sflag:s11] =	ssyncset.done $0x0  }
0xcc: {  	[sflag:s11] =	ssyncadd.s32 $0xFFFFCE00  }
0xcd: {  	_ =	swait.ge [sflag:s11], $0x3200  }
0xce: {  	[sflag:s11] =	ssyncset.done $0x0  }
0xcf: {  	[sflag:s11] =	ssyncadd.s32 $0xFFFFCE00  }
0xd0: {  	_ =	swait.ge [sflag:s11], $0x3200  }
0xd1: {  	[sflag:s11] =	ssyncset.done $0x0  }
0xd2: {  	[sflag:s11] =	ssyncadd.s32 $0xFFFFCE00  }
0xd3: {  	_ =	swait.ge [sflag:s11], $0x3200  }
0xd4: {  	[sflag:s11] =	ssyncset.done $0x0  }
0xd5: {  	s0 =	rddreg [dreg:$0xf];
	[sflag:s11] =	ssyncadd.s32 $0xFFFFCE00  }
0xd6: {  	[hbm4b:s0+s2] =	stream.linear.scatter [tilespmem:s5], [sflag:$0x6], $0xC800, $0x38;
	[tilespmem:$0x19C80] =	vst v63  }
0xd7: {  	s1 =	rddreg [dreg:$0x10]  }
0xd8: {  	[tilespmem:s7], [sflag:$0x2] =	stream.linear.gather [hbm4b:s1+s2], $0x640, $0x38;
	[tilespmem:$0x19C80] =	vst v63  }
0xd9: {  	_ =	swait.ge [sflag:s28], $0x640  }
0xda: {  	[sflag:s28] =	ssyncset.done $0x0  }
0xdb: {  	[sflag:s28] =	ssyncadd.s32 $0xFFFFF9C0  }
0xdc: {  	_ =	swait.ge [sflag:s10], $0xC800  }
0xdd: {  	[sflag:s10] =	ssyncset.done $0x0  }
0xde: {  	[sflag:s10] =	ssyncadd.s32 $0xFFFF3800  }
0xdf: {  	[tilespmem:s12], [sflag:$0x3] =	stream.indirect.gather [hbm4b:s3+s6], $0x20, s2, s6, $0xb8;
	[tilespmem:$0x19C80] =	vst v63  }
0xe0: {  	_ = 	snop  }
0xe1: {  	[tilespmem:s23], [sflag:$0x3] =	stream.indirect.gather [hbm4b:s3+s6], $0x20, s6, s6, $0xb8;
	[tilespmem:$0x19C80] =	vst v63  }
0xe2: {  	_ = 	snop  }
0xe3: {  	[tilespmem:s25], [sflag:$0x3] =	stream.indirect.gather [hbm4b:s3+s6], $0x20, s24, s6, $0xb8;
	[tilespmem:$0x19C80] =	vst v63  }
0xe4: {  	_ = 	snop  }
0xe5: {  	[tilespmem:s29], [sflag:$0x3] =	stream.indirect.gather [hbm4b:s3+s6], $0x20, s26, s6, $0xb8;
	[tilespmem:$0x19C80] =	vst v63  }
0xe6: {  	_ =	swait.ge [sflag:s19], $0x3200  }
0xe7: {  	[sflag:s19] =	ssyncset.done $0x0  }
0xe8: {  	[sflag:s19] =	ssyncadd.s32 $0xFFFFCE00  }
0xe9: {  	_ =	swait.ge [sflag:s19], $0x3200  }
0xea: {  	[sflag:s19] =	ssyncset.done $0x0  }
0xeb: {  	[sflag:s19] =	ssyncadd.s32 $0xFFFFCE00  }
0xec: {  	_ =	swait.ge [sflag:s19], $0x3200  }
0xed: {  	[sflag:s19] =	ssyncset.done $0x0  }
0xee: {  	[sflag:s19] =	ssyncadd.s32 $0xFFFFCE00  }
0xef: {  	_ =	swait.ge [sflag:s19], $0x3200  }
0xf0: {  	[sflag:s19] =	ssyncset.done $0x0  }
0xf1: {  	s0 =	rddreg [dreg:$0x11];
	[sflag:s19] =	ssyncadd.s32 $0xFFFFCE00  }
0xf2: {  	[hbm4b:s0+s2] =	stream.linear.scatter [tilespmem:s12], [sflag:$0x5], $0xC800, $0x38;
	[tilespmem:$0x19C80] =	vst v63  }
0xf3: {  	s1 =	rddreg [dreg:$0x12]  }
0xf4: {  	[tilespmem:s2], [sflag:$0x1] =	stream.linear.gather [hbm4b:s1+s2], $0x640, $0x38;
	[tilespmem:$0x19C80] =	vst v63  }
0xf5: {  	_ =	swait.ge [sflag:s16], $0x640  }
0xf6: {  	[sflag:s16] =	ssyncset.done $0x0  }
0xf7: {  	[sflag:s16] =	ssyncadd.s32 $0xFFFFF9C0  }
0xf8: {  	_ =	swait.ge [sflag:s9], $0xC800  }
0xf9: {  	[sflag:s9] =	ssyncset.done $0x0  }
0xfa: {  	[sflag:s9] =	ssyncadd.s32 $0xFFFF3800  }
0xfb: {  	[tilespmem:s5], [sflag:$0x4] =	stream.indirect.gather [hbm4b:s3+s6], $0x20, s7, s6, $0xb8;
	[tilespmem:$0x19C80] =	vst v63  }
0xfc: {  	_ = 	snop  }
0xfd: {  	[tilespmem:s14], [sflag:$0x4] =	stream.indirect.gather [hbm4b:s3+s6], $0x20, s13, s6, $0xb8;
	[tilespmem:$0x19C80] =	vst v63  }
0xfe: {  	_ = 	snop  }
0xff: {  	[tilespmem:s17], [sflag:$0x4] =	stream.indirect.gather [hbm4b:s3+s6], $0x20, s15, s6, $0xb8;
	[tilespmem:$0x19C80] =	vst v63  }
0x100: {  	_ = 	snop  }
0x101: {  	[tilespmem:s20], [sflag:$0x4] =	stream.indirect.gather [hbm4b:s3+s6], $0x20, s18, s6, $0xb8;
	[tilespmem:$0x19C80] =	vst v63  }
0x102: {  	_ =	swait.ge [sflag:s11], $0x3200  }
0x103: {  	[sflag:s11] =	ssyncset.done $0x0  }
0x104: {  	[sflag:s11] =	ssyncadd.s32 $0xFFFFCE00  }
0x105: {  	_ =	swait.ge [sflag:s11], $0x3200  }
0x106: {  	[sflag:s11] =	ssyncset.done $0x0  }
0x107: {  	[sflag:s11] =	ssyncadd.s32 $0xFFFFCE00  }
0x108: {  	_ =	swait.ge [sflag:s11], $0x3200  }
0x109: {  	[sflag:s11] =	ssyncset.done $0x0  }
0x10a: {  	[sflag:s11] =	ssyncadd.s32 $0xFFFFCE00  }
0x10b: {  	_ =	swait.ge [sflag:s11], $0x3200  }
0x10c: {  	[sflag:s11] =	ssyncset.done $0x0  }
0x10d: {  	s0 =	rddreg [dreg:$0x13];
	[sflag:s11] =	ssyncadd.s32 $0xFFFFCE00  }
0x10e: {  	[hbm4b:s0+s2] =	stream.linear.scatter [tilespmem:s5], [sflag:$0x6], $0xC800, $0x38;
	[tilespmem:$0x19C80] =	vst v63  }
0x10f: {  	s1 =	rddreg [dreg:$0x14]  }
0x110: {  	[tilespmem:s7], [sflag:$0x2] =	stream.linear.gather [hbm4b:s1+s2], $0x640, $0x38;
	[tilespmem:$0x19C80] =	vst v63  }
0x111: {  	_ =	swait.ge [sflag:s28], $0x640  }
0x112: {  	[sflag:s28] =	ssyncset.done $0x0  }
0x113: {  	[sflag:s28] =	ssyncadd.s32 $0xFFFFF9C0  }
0x114: {  	_ =	swait.ge [sflag:s10], $0xC800  }
0x115: {  	[sflag:s10] =	ssyncset.done $0x0  }
0x116: {  	[sflag:s10] =	ssyncadd.s32 $0xFFFF3800  }
0x117: {  	[tilespmem:s12], [sflag:$0x3] =	stream.indirect.gather [hbm4b:s3+s6], $0x20, s2, s6, $0xb8;
	[tilespmem:$0x19C80] =	vst v63  }
0x118: {  	_ = 	snop  }
0x119: {  	[tilespmem:s23], [sflag:$0x3] =	stream.indirect.gather [hbm4b:s3+s6], $0x20, s6, s6, $0xb8;
	[tilespmem:$0x19C80] =	vst v63  }
0x11a: {  	_ = 	snop  }
0x11b: {  	[tilespmem:s25], [sflag:$0x3] =	stream.indirect.gather [hbm4b:s3+s6], $0x20, s24, s6, $0xb8;
	[tilespmem:$0x19C80] =	vst v63  }
0x11c: {  	_ = 	snop  }
0x11d: {  	[tilespmem:s29], [sflag:$0x3] =	stream.indirect.gather [hbm4b:s3+s6], $0x20, s26, s6, $0xb8;
	[tilespmem:$0x19C80] =	vst v63  }
0x11e: {  	_ =	swait.ge [sflag:s19], $0x3200  }
0x11f: {  	[sflag:s19] =	ssyncset.done $0x0  }
0x120: {  	[sflag:s19] =	ssyncadd.s32 $0xFFFFCE00  }
0x121: {  	_ =	swait.ge [sflag:s19], $0x3200  }
0x122: {  	[sflag:s19] =	ssyncset.done $0x0  }
0x123: {  	[sflag:s19] =	ssyncadd.s32 $0xFFFFCE00  }
0x124: {  	_ =	swait.ge [sflag:s19], $0x3200  }
0x125: {  	[sflag:s19] =	ssyncset.done $0x0  }
0x126: {  	[sflag:s19] =	ssyncadd.s32 $0xFFFFCE00  }
0x127: {  	_ =	swait.ge [sflag:s19], $0x3200  }
0x128: {  	[sflag:s19] =	ssyncset.done $0x0  }
0x129: {  	s0 =	rddreg [dreg:$0x15];
	[sflag:s19] =	ssyncadd.s32 $0xFFFFCE00  }
0x12a: {  	[hbm4b:s0+s2] =	stream.linear.scatter [tilespmem:s12], [sflag:$0x5], $0xC800, $0x38;
	[tilespmem:$0x19C80] =	vst v63  }
0x12b: {  	s1 =	rddreg [dreg:$0x16]  }
0x12c: {  	[tilespmem:s2], [sflag:$0x1] =	stream.linear.gather [hbm4b:s1+s2], $0x640, $0x38;
	[tilespmem:$0x19C80] =	vst v63  }
0x12d: {  	_ =	swait.ge [sflag:s16], $0x640  }
0x12e: {  	[sflag:s16] =	ssyncset.done $0x0  }
0x12f: {  	[sflag:s16] =	ssyncadd.s32 $0xFFFFF9C0  }
0x130: {  	_ =	swait.ge [sflag:s9], $0xC800  }
0x131: {  	[sflag:s9] =	ssyncset.done $0x0  }
0x132: {  	[sflag:s9] =	ssyncadd.s32 $0xFFFF3800  }
0x133: {  	[tilespmem:s5], [sflag:$0x4] =	stream.indirect.gather [hbm4b:s3+s6], $0x20, s7, s6, $0xb8;
	[tilespmem:$0x19C80] =	vst v63  }
0x134: {  	_ = 	snop  }
0x135: {  	[tilespmem:s14], [sflag:$0x4] =	stream.indirect.gather [hbm4b:s3+s6], $0x20, s13, s6, $0xb8;
	[tilespmem:$0x19C80] =	vst v63  }
0x136: {  	_ = 	snop  }
0x137: {  	[tilespmem:s17], [sflag:$0x4] =	stream.indirect.gather [hbm4b:s3+s6], $0x20, s15, s6, $0xb8;
	[tilespmem:$0x19C80] =	vst v63  }
0x138: {  	_ = 	snop  }
0x139: {  	[tilespmem:s20], [sflag:$0x4] =	stream.indirect.gather [hbm4b:s3+s6], $0x20, s18, s6, $0xb8;
	[tilespmem:$0x19C80] =	vst v63  }
0x13a: {  	_ =	swait.ge [sflag:s11], $0x3200  }
0x13b: {  	[sflag:s11] =	ssyncset.done $0x0  }
0x13c: {  	[sflag:s11] =	ssyncadd.s32 $0xFFFFCE00  }
0x13d: {  	_ =	swait.ge [sflag:s11], $0x3200  }
0x13e: {  	[sflag:s11] =	ssyncset.done $0x0  }
0x13f: {  	[sflag:s11] =	ssyncadd.s32 $0xFFFFCE00  }
0x140: {  	_ =	swait.ge [sflag:s11], $0x3200  }
0x141: {  	[sflag:s11] =	ssyncset.done $0x0  }
0x142: {  	[sflag:s11] =	ssyncadd.s32 $0xFFFFCE00  }
0x143: {  	_ =	swait.ge [sflag:s11], $0x3200  }
0x144: {  	[sflag:s11] =	ssyncset.done $0x0  }
0x145: {  	s0 =	rddreg [dreg:$0x17];
	[sflag:s11] =	ssyncadd.s32 $0xFFFFCE00  }
0x146: {  	[hbm4b:s0+s2] =	stream.linear.scatter [tilespmem:s5], [sflag:$0x6], $0xC800, $0x38;
	[tilespmem:$0x19C80] =	vst v63  }
0x147: {  	s1 =	rddreg [dreg:$0x18]  }
0x148: {  	[tilespmem:s7], [sflag:$0x2] =	stream.linear.gather [hbm4b:s1+s2], $0x640, $0x38;
	[tilespmem:$0x19C80] =	vst v63  }
0x149: {  	_ =	swait.ge [sflag:s28], $0x640  }
0x14a: {  	[sflag:s28] =	ssyncset.done $0x0  }
0x14b: {  	[sflag:s28] =	ssyncadd.s32 $0xFFFFF9C0  }
0x14c: {  	_ =	swait.ge [sflag:s10], $0xC800  }
0x14d: {  	[sflag:s10] =	ssyncset.done $0x0  }
0x14e: {  	[sflag:s10] =	ssyncadd.s32 $0xFFFF3800  }
0x14f: {  	[tilespmem:s12], [sflag:$0x3] =	stream.indirect.gather [hbm4b:s3+s6], $0x20, s2, s6, $0xb8;
	[tilespmem:$0x19C80] =	vst v63  }
0x150: {  	_ = 	snop  }
0x151: {  	[tilespmem:s23], [sflag:$0x3] =	stream.indirect.gather [hbm4b:s3+s6], $0x20, s6, s6, $0xb8;
	[tilespmem:$0x19C80] =	vst v63  }
0x152: {  	_ = 	snop  }
0x153: {  	[tilespmem:s25], [sflag:$0x3] =	stream.indirect.gather [hbm4b:s3+s6], $0x20, s24, s6, $0xb8;
	[tilespmem:$0x19C80] =	vst v63  }
0x154: {  	_ = 	snop  }
0x155: {  	[tilespmem:s29], [sflag:$0x3] =	stream.indirect.gather [hbm4b:s3+s6], $0x20, s26, s6, $0xb8;
	[tilespmem:$0x19C80] =	vst v63  }
0x156: {  	_ =	swait.ge [sflag:s19], $0x3200  }
0x157: {  	[sflag:s19] =	ssyncset.done $0x0  }
0x158: {  	[sflag:s19] =	ssyncadd.s32 $0xFFFFCE00  }
0x159: {  	_ =	swait.ge [sflag:s19], $0x3200  }
0x15a: {  	[sflag:s19] =	ssyncset.done $0x0  }
0x15b: {  	[sflag:s19] =	ssyncadd.s32 $0xFFFFCE00  }
0x15c: {  	_ =	swait.ge [sflag:s19], $0x3200  }
0x15d: {  	[sflag:s19] =	ssyncset.done $0x0  }
0x15e: {  	[sflag:s19] =	ssyncadd.s32 $0xFFFFCE00  }
0x15f: {  	_ =	swait.ge [sflag:s19], $0x3200  }
0x160: {  	[sflag:s19] =	ssyncset.done $0x0  }
0x161: {  	s0 =	rddreg [dreg:$0x19];
	[sflag:s19] =	ssyncadd.s32 $0xFFFFCE00  }
0x162: {  	[hbm4b:s0+s2] =	stream.linear.scatter [tilespmem:s12], [sflag:$0x5], $0xC800, $0x38;
	[tilespmem:$0x19C80] =	vst v63  }
0x163: {  	s1 =	rddreg [dreg:$0x1a]  }
0x164: {  	[tilespmem:s2], [sflag:$0x1] =	stream.linear.gather [hbm4b:s1+s2], $0x640, $0x38;
	[tilespmem:$0x19C80] =	vst v63  }
0x165: {  	_ =	swait.ge [sflag:s16], $0x640  }
0x166: {  	[sflag:s16] =	ssyncset.done $0x0  }
0x167: {  	[sflag:s16] =	ssyncadd.s32 $0xFFFFF9C0  }
0x168: {  	_ =	swait.ge [sflag:s9], $0xC800  }
0x169: {  	[sflag:s9] =	ssyncset.done $0x0  }
0x16a: {  	[sflag:s9] =	ssyncadd.s32 $0xFFFF3800  }
0x16b: {  	[tilespmem:s5], [sflag:$0x4] =	stream.indirect.gather [hbm4b:s3+s6], $0x20, s7, s6, $0xb8;
	[tilespmem:$0x19C80] =	vst v63  }
0x16c: {  	_ = 	snop  }
0x16d: {  	[tilespmem:s14], [sflag:$0x4] =	stream.indirect.gather [hbm4b:s3+s6], $0x20, s13, s6, $0xb8;
	[tilespmem:$0x19C80] =	vst v63  }
0x16e: {  	_ = 	snop  }
0x16f: {  	[tilespmem:s17], [sflag:$0x4] =	stream.indirect.gather [hbm4b:s3+s6], $0x20, s15, s6, $0xb8;
	[tilespmem:$0x19C80] =	vst v63  }
0x170: {  	_ = 	snop  }
0x171: {  	[tilespmem:s20], [sflag:$0x4] =	stream.indirect.gather [hbm4b:s3+s6], $0x20, s18, s6, $0xb8;
	[tilespmem:$0x19C80] =	vst v63  }
0x172: {  	_ =	swait.ge [sflag:s11], $0x3200  }
0x173: {  	[sflag:s11] =	ssyncset.done $0x0  }
0x174: {  	[sflag:s11] =	ssyncadd.s32 $0xFFFFCE00  }
0x175: {  	_ =	swait.ge [sflag:s11], $0x3200  }
0x176: {  	[sflag:s11] =	ssyncset.done $0x0  }
0x177: {  	[sflag:s11] =	ssyncadd.s32 $0xFFFFCE00  }
0x178: {  	_ =	swait.ge [sflag:s11], $0x3200  }
0x179: {  	[sflag:s11] =	ssyncset.done $0x0  }
0x17a: {  	[sflag:s11] =	ssyncadd.s32 $0xFFFFCE00  }
0x17b: {  	_ =	swait.ge [sflag:s11], $0x3200  }
0x17c: {  	[sflag:s11] =	ssyncset.done $0x0  }
0x17d: {  	s0 =	rddreg [dreg:$0x1b];
	[sflag:s11] =	ssyncadd.s32 $0xFFFFCE00  }
0x17e: {  	[hbm4b:s0+s2] =	stream.linear.scatter [tilespmem:s5], [sflag:$0x6], $0xC800, $0x38;
	[tilespmem:$0x19C80] =	vst v63  }
0x17f: {  	s1 =	rddreg [dreg:$0x1c]  }
0x180: {  	[tilespmem:s7], [sflag:$0x2] =	stream.linear.gather [hbm4b:s1+s2], $0x640, $0x38;
	[tilespmem:$0x19C80] =	vst v63  }
0x181: {  	_ =	swait.ge [sflag:s28], $0x640  }
0x182: {  	[sflag:s28] =	ssyncset.done $0x0  }
0x183: {  	[sflag:s28] =	ssyncadd.s32 $0xFFFFF9C0  }
0x184: {  	_ =	swait.ge [sflag:s10], $0xC800  }
0x185: {  	[sflag:s10] =	ssyncset.done $0x0  }
0x186: {  	[sflag:s10] =	ssyncadd.s32 $0xFFFF3800  }
0x187: {  	[tilespmem:s12], [sflag:$0x3] =	stream.indirect.gather [hbm4b:s3+s6], $0x20, s2, s6, $0xb8;
	[tilespmem:$0x19C80] =	vst v63  }
0x188: {  	_ = 	snop  }
0x189: {  	[tilespmem:s23], [sflag:$0x3] =	stream.indirect.gather [hbm4b:s3+s6], $0x20, s6, s6, $0xb8;
	[tilespmem:$0x19C80] =	vst v63  }
0x18a: {  	_ = 	snop  }
0x18b: {  	[tilespmem:s25], [sflag:$0x3] =	stream.indirect.gather [hbm4b:s3+s6], $0x20, s24, s6, $0xb8;
	[tilespmem:$0x19C80] =	vst v63  }
0x18c: {  	_ = 	snop  }
0x18d: {  	[tilespmem:s29], [sflag:$0x3] =	stream.indirect.gather [hbm4b:s3+s6], $0x20, s26, s6, $0xb8;
	[tilespmem:$0x19C80] =	vst v63  }
0x18e: {  	_ =	swait.ge [sflag:s19], $0x3200  }
0x18f: {  	[sflag:s19] =	ssyncset.done $0x0  }
0x190: {  	[sflag:s19] =	ssyncadd.s32 $0xFFFFCE00  }
0x191: {  	_ =	swait.ge [sflag:s19], $0x3200  }
0x192: {  	[sflag:s19] =	ssyncset.done $0x0  }
0x193: {  	[sflag:s19] =	ssyncadd.s32 $0xFFFFCE00  }
0x194: {  	_ =	swait.ge [sflag:s19], $0x3200  }
0x195: {  	[sflag:s19] =	ssyncset.done $0x0  }
0x196: {  	[sflag:s19] =	ssyncadd.s32 $0xFFFFCE00  }
0x197: {  	_ =	swait.ge [sflag:s19], $0x3200  }
0x198: {  	[sflag:s19] =	ssyncset.done $0x0  }
0x199: {  	[sflag:s19] =	ssyncadd.s32 $0xFFFFCE00  }
0x19a: {  	[hbm4b:s8+s2] =	stream.linear.scatter [tilespmem:s12], [sflag:$0x5], $0xC800, $0x38;
	[tilespmem:$0x19C80] =	vst v63  }
0x19b: {  	_ = 	snop  }
0x19c: {  	[tilespmem:s2], [sflag:$0x1] =	stream.linear.gather [hbm4b:s30+s2], $0x640, $0x38;
	[tilespmem:$0x19C80] =	vst v63  }
0x19d: {  	_ =	swait.ge [sflag:s16], $0x640  }
0x19e: {  	[sflag:s16] =	ssyncset.done $0x0  }
0x19f: {  	[sflag:s16] =	ssyncadd.s32 $0xFFFFF9C0  }
0x1a0: {  	_ =	swait.ge [sflag:s9], $0xC800  }
0x1a1: {  	[sflag:s9] =	ssyncset.done $0x0  }
0x1a2: {  	[sflag:s9] =	ssyncadd.s32 $0xFFFF3800  }
0x1a3: {  	[tilespmem:s5], [sflag:$0x4] =	stream.indirect.gather [hbm4b:s3+s6], $0x20, s7, s6, $0xb8;
	[tilespmem:$0x19C80] =	vst v63  }
0x1a4: {  	_ = 	snop  }
0x1a5: {  	[tilespmem:s14], [sflag:$0x4] =	stream.indirect.gather [hbm4b:s3+s6], $0x20, s13, s6, $0xb8;
	[tilespmem:$0x19C80] =	vst v63  }
0x1a6: {  	_ = 	snop  }
0x1a7: {  	[tilespmem:s17], [sflag:$0x4] =	stream.indirect.gather [hbm4b:s3+s6], $0x20, s15, s6, $0xb8;
	[tilespmem:$0x19C80] =	vst v63  }
0x1a8: {  	_ = 	snop  }
0x1a9: {  	[tilespmem:s20], [sflag:$0x4] =	stream.indirect.gather [hbm4b:s3+s6], $0x20, s18, s6, $0xb8;
	[tilespmem:$0x19C80] =	vst v63  }
0x1aa: {  	_ =	swait.ge [sflag:s11], $0x3200  }
0x1ab: {  	[sflag:s11] =	ssyncset.done $0x0  }
0x1ac: {  	[sflag:s11] =	ssyncadd.s32 $0xFFFFCE00  }
0x1ad: {  	_ =	swait.ge [sflag:s11], $0x3200  }
0x1ae: {  	[sflag:s11] =	ssyncset.done $0x0  }
0x1af: {  	[sflag:s11] =	ssyncadd.s32 $0xFFFFCE00  }
0x1b0: {  	_ =	swait.ge [sflag:s11], $0x3200  }
0x1b1: {  	[sflag:s11] =	ssyncset.done $0x0  }
0x1b2: {  	[sflag:s11] =	ssyncadd.s32 $0xFFFFCE00  }
0x1b3: {  	_ =	swait.ge [sflag:s11], $0x3200  }
0x1b4: {  	[sflag:s11] =	ssyncset.done $0x0  }
0x1b5: {  	[sflag:s11] =	ssyncadd.s32 $0xFFFFCE00  }
0x1b6: {  	[hbm4b:s21+s2] =	stream.linear.scatter [tilespmem:s5], [sflag:$0x6], $0xC800, $0x38;
	[tilespmem:$0x19C80] =	vst v63  }
0x1b7: {  	_ = 	snop  }
0x1b8: {  	[tilespmem:s7], [sflag:$0x2] =	stream.linear.gather [hbm4b:s22+s2], $0x640, $0x38;
	[tilespmem:$0x19C80] =	vst v63  }
0x1b9: {  	_ =	swait.ge [sflag:s28], $0x640  }
0x1ba: {  	[sflag:s28] =	ssyncset.done $0x0  }
0x1bb: {  	[sflag:s28] =	ssyncadd.s32 $0xFFFFF9C0  }
0x1bc: {  	_ =	swait.ge [sflag:s10], $0xC800  }
0x1bd: {  	[sflag:s10] =	ssyncset.done $0x0  }
0x1be: {  	[sflag:s10] =	ssyncadd.s32 $0xFFFF3800  }
0x1bf: {  	[tilespmem:s12], [sflag:$0x3] =	stream.indirect.gather [hbm4b:s3+s6], $0x20, s2, s6, $0xb8;
	[tilespmem:$0x19C80] =	vst v63  }
0x1c0: {  	_ = 	snop  }
0x1c1: {  	[tilespmem:s23], [sflag:$0x3] =	stream.indirect.gather [hbm4b:s3+s6], $0x20, s6, s6, $0xb8;
	[tilespmem:$0x19C80] =	vst v63  }
0x1c2: {  	_ = 	snop  }
0x1c3: {  	[tilespmem:s25], [sflag:$0x3] =	stream.indirect.gather [hbm4b:s3+s6], $0x20, s24, s6, $0xb8;
	[tilespmem:$0x19C80] =	vst v63  }
0x1c4: {  	_ = 	snop  }
0x1c5: {  	[tilespmem:s29], [sflag:$0x3] =	stream.indirect.gather [hbm4b:s3+s6], $0x20, s26, s6, $0xb8;
	[tilespmem:$0x19C80] =	vst v63  }
0x1c6: {  	_ =	swait.ge [sflag:s19], $0x3200  }
0x1c7: {  	[sflag:s19] =	ssyncset.done $0x0  }
0x1c8: {  	[sflag:s19] =	ssyncadd.s32 $0xFFFFCE00  }
0x1c9: {  	_ =	swait.ge [sflag:s19], $0x3200  }
0x1ca: {  	[sflag:s19] =	ssyncset.done $0x0  }
0x1cb: {  	[sflag:s19] =	ssyncadd.s32 $0xFFFFCE00  }
0x1cc: {  	_ =	swait.ge [sflag:s19], $0x3200  }
0x1cd: {  	[sflag:s19] =	ssyncset.done $0x0  }
0x1ce: {  	[sflag:s19] =	ssyncadd.s32 $0xFFFFCE00  }
0x1cf: {  	_ =	swait.ge [sflag:s19], $0x3200  }
0x1d0: {  	[sflag:s19] =	ssyncset.done $0x0  }
0x1d1: {  	[sflag:s19] =	ssyncadd.s32 $0xFFFFCE00  }
0x1d2: {  	[hbm4b:s4+s2] =	stream.linear.scatter [tilespmem:s12], [sflag:$0x5], $0xC800, $0x38;
	[tilespmem:$0x19C80] =	vst v63  }
0x1d3: {  	_ =	swait.ge [sflag:s16], $0x640  }
0x1d4: {  	[sflag:s16] =	ssyncset.done $0x0  }
0x1d5: {  	[sflag:s16] =	ssyncadd.s32 $0xFFFFF9C0  }
0x1d6: {  	_ =	swait.ge [sflag:s9], $0xC800  }
0x1d7: {  	[sflag:s9] =	ssyncset.done $0x0  }
0x1d8: {  	[sflag:s9] =	ssyncadd.s32 $0xFFFF3800  }
0x1d9: {  	[tilespmem:s5], [sflag:$0x4] =	stream.indirect.gather [hbm4b:s3+s6], $0x20, s7, s6, $0xb8;
	[tilespmem:$0x19C80] =	vst v63  }
0x1da: {  	_ = 	snop  }
0x1db: {  	[tilespmem:s14], [sflag:$0x4] =	stream.indirect.gather [hbm4b:s3+s6], $0x20, s13, s6, $0xb8;
	[tilespmem:$0x19C80] =	vst v63  }
0x1dc: {  	_ = 	snop  }
0x1dd: {  	[tilespmem:s17], [sflag:$0x4] =	stream.indirect.gather [hbm4b:s3+s6], $0x20, s15, s6, $0xb8;
	[tilespmem:$0x19C80] =	vst v63  }
0x1de: {  	_ = 	snop  }
0x1df: {  	[tilespmem:s20], [sflag:$0x4] =	stream.indirect.gather [hbm4b:s3+s6], $0x20, s18, s6, $0xb8;
	[tilespmem:$0x19C80] =	vst v63  }
0x1e0: {  	_ =	swait.ge [sflag:s11], $0x3200  }
0x1e1: {  	[sflag:s11] =	ssyncset.done $0x0  }
0x1e2: {  	[sflag:s11] =	ssyncadd.s32 $0xFFFFCE00  }
0x1e3: {  	_ =	swait.ge [sflag:s11], $0x3200  }
0x1e4: {  	[sflag:s11] =	ssyncset.done $0x0  }
0x1e5: {  	[sflag:s11] =	ssyncadd.s32 $0xFFFFCE00  }
0x1e6: {  	_ =	swait.ge [sflag:s11], $0x3200  }
0x1e7: {  	[sflag:s11] =	ssyncset.done $0x0  }
0x1e8: {  	[sflag:s11] =	ssyncadd.s32 $0xFFFFCE00  }
0x1e9: {  	_ =	swait.ge [sflag:s11], $0x3200  }
0x1ea: {  	[sflag:s11] =	ssyncset.done $0x0  }
0x1eb: {  	[sflag:s11] =	ssyncadd.s32 $0xFFFFCE00  }
0x1ec: {  	[hbm4b:s31+s2] =	stream.linear.scatter [tilespmem:s5], [sflag:$0x6], $0xC800, $0x38;
	[tilespmem:$0x19C80] =	vst v63  }
0x1ed: {  	_ =	swait.ge [sflag:s10], $0xC800  }
0x1ee: {  	s1 =	rddreg [dreg:$0x1f]  }
0x1ef: {  	p1 =	sne.s32 s1, $0x1  }
.Ltmp1:
0x1f0: {  	[sflag:s10] =	ssyncset.done $0x0;
	(pc) =	sbr.rel @!p1 .LBB2_4-.Ltmp1, $4  }
0x1f1: {  	[sflag:s10] =	ssyncadd.s32 $0xFFFF3800  }
0x1f2: {  	_ =	swait.ge [sflag:s9], $0xC800;
	[dreg:$0x1d] =	wrdreg s30  }
0x1f3: {  	p0 =	por $0x1, $0x1;
	[dreg:$0x1e] =	wrdreg s8  }
0x1f4: {  	s1 =	sadd.s32 $0xFFFFFFFF, s1;
	s0 =	rddreg [dreg:$0x3];
	[sflag:s9] =	ssyncset.done $0x0  }
0x1f5: {  	s13 =	simm.s32 $0x7D0  }
.LBB2_3:
0x1f6: {  	[sflag:s9] =	ssyncadd.s32 $0xFFFF3800;
	s12 =	simm.s32 $0x640;
	s30 =	smov.u32 s22  }
0x1f7: {  	[tilespmem:s2], [sflag:$0x1] =	stream.linear.gather [hbm4b:s0+s2], $0x640, $0x38;
	[tilespmem:$0x19C80] =	vst v63  }
0x1f8: {  	s22 =	smov.u32 s21;
	s21 =	smov.u32 s4;
	s4 =	rddreg [dreg:$0x4]  }
0x1f9: {  	[tilespmem:s12], [sflag:$0x2] =	stream.linear.gather [hbm4b:s4+s2], $0x640, $0x38;
	[tilespmem:$0x19C80] =	vst v63  }
0x1fa: {  	_ =	swait.ge [sflag:s28], $0x640  }
0x1fb: {  	[sflag:s28] =	ssyncset.done $0x0  }
0x1fc: {  	s8 =	simm.s32 $0xC80;
	[sflag:s28] =	ssyncadd.s32 $0xFFFFF9C0  }
0x1fd: {  	[tilespmem:s8], [sflag:$0x3] =	stream.indirect.gather [hbm4b:s3+s6], $0x20, s2, s6, $0xb8;
	[tilespmem:$0x19C80] =	vst v63  }
0x1fe: {  	s24 =	simm.s32 $0x3E80  }
0x1ff: {  	[tilespmem:s24], [sflag:$0x3] =	stream.indirect.gather [hbm4b:s3+s6], $0x20, s6, s6, $0xb8;
	[tilespmem:$0x19C80] =	vst v63  }
0x200: {  	s26 =	simm.s32 $0x7080;
	s25 =	simm.s32 $0x320  }
0x201: {  	[tilespmem:s26], [sflag:$0x3] =	stream.indirect.gather [hbm4b:s3+s6], $0x20, s25, s6, $0xb8;
	[tilespmem:$0x19C80] =	vst v63  }
0x202: {  	s5 =	simm.s32 $0xA280;
	s29 =	simm.s32 $0x4B0  }
0x203: {  	[tilespmem:s5], [sflag:$0x3] =	stream.indirect.gather [hbm4b:s3+s6], $0x20, s29, s6, $0xb8;
	[tilespmem:$0x19C80] =	vst v63  }
0x204: {  	_ =	swait.ge [sflag:s19], $0x3200  }
0x205: {  	[sflag:s19] =	ssyncset.done $0x0  }
0x206: {  	[sflag:s19] =	ssyncadd.s32 $0xFFFFCE00  }
0x207: {  	_ =	swait.ge [sflag:s19], $0x3200  }
0x208: {  	[sflag:s19] =	ssyncset.done $0x0  }
0x209: {  	[sflag:s19] =	ssyncadd.s32 $0xFFFFCE00  }
0x20a: {  	_ =	swait.ge [sflag:s19], $0x3200  }
0x20b: {  	[sflag:s19] =	ssyncset.done $0x0  }
0x20c: {  	[sflag:s19] =	ssyncadd.s32 $0xFFFFCE00  }
0x20d: {  	_ =	swait.ge [sflag:s19], $0x3200  }
0x20e: {  	[sflag:s19] =	ssyncset.done $0x0  }
0x20f: {  	s0 =	rddreg [dreg:$0x5];
	[sflag:s19] =	ssyncadd.s32 $0xFFFFCE00  }
0x210: {  	[hbm4b:s0+s2] =	stream.linear.scatter [tilespmem:s8], [sflag:$0x5], $0xC800, $0x38;
	[tilespmem:$0x19C80] =	vst v63  }
0x211: {  	s4 =	rddreg [dreg:$0x6]  }
0x212: {  	[tilespmem:s2], [sflag:$0x1] =	stream.linear.gather [hbm4b:s4+s2], $0x640, $0x38;
	[tilespmem:$0x19C80] =	vst v63  }
0x213: {  	_ =	swait.ge [sflag:s16], $0x640  }
0x214: {  	[sflag:s16] =	ssyncset.done $0x0  }
0x215: {  	s7 =	simm.s32 $0xD480;
	[sflag:s16] =	ssyncadd.s32 $0xFFFFF9C0  }
0x216: {  	[tilespmem:s7], [sflag:$0x4] =	stream.indirect.gather [hbm4b:s3+s6], $0x20, s12, s6, $0xb8;
	[tilespmem:$0x19C80] =	vst v63  }
0x217: {  	s15 =	simm.s32 $0x10680;
	s14 =	simm.s32 $0x7D0  }
0x218: {  	[tilespmem:s15], [sflag:$0x4] =	stream.indirect.gather [hbm4b:s3+s6], $0x20, s14, s6, $0xb8;
	[tilespmem:$0x19C80] =	vst v63  }
0x219: {  	s18 =	simm.s32 $0x13880;
	s17 =	simm.s32 $0x960  }
0x21a: {  	[tilespmem:s18], [sflag:$0x4] =	stream.indirect.gather [hbm4b:s3+s6], $0x20, s17, s6, $0xb8;
	[tilespmem:$0x19C80] =	vst v63  }
0x21b: {  	s23 =	simm.s32 $0x16A80;
	s20 =	simm.s32 $0xAF0  }
0x21c: {  	[tilespmem:s23], [sflag:$0x4] =	stream.indirect.gather [hbm4b:s3+s6], $0x20, s20, s6, $0xb8;
	[tilespmem:$0x19C80] =	vst v63  }
0x21d: {  	_ =	swait.ge [sflag:s11], $0x3200  }
0x21e: {  	[sflag:s11] =	ssyncset.done $0x0  }
0x21f: {  	[sflag:s11] =	ssyncadd.s32 $0xFFFFCE00  }
0x220: {  	_ =	swait.ge [sflag:s11], $0x3200  }
0x221: {  	[sflag:s11] =	ssyncset.done $0x0  }
0x222: {  	[sflag:s11] =	ssyncadd.s32 $0xFFFFCE00  }
0x223: {  	_ =	swait.ge [sflag:s11], $0x3200  }
0x224: {  	[sflag:s11] =	ssyncset.done $0x0  }
0x225: {  	[sflag:s11] =	ssyncadd.s32 $0xFFFFCE00  }
0x226: {  	_ =	swait.ge [sflag:s11], $0x3200  }
0x227: {  	[sflag:s11] =	ssyncset.done $0x0  }
0x228: {  	s4 =	rddreg [dreg:$0x7];
	[sflag:s11] =	ssyncadd.s32 $0xFFFFCE00  }
0x229: {  	[hbm4b:s4+s2] =	stream.linear.scatter [tilespmem:s7], [sflag:$0x6], $0xC800, $0x38;
	[tilespmem:$0x19C80] =	vst v63  }
0x22a: {  	s8 =	rddreg [dreg:$0x8];
	s7 =	simm.s32 $0x640  }
0x22b: {  	[tilespmem:s7], [sflag:$0x2] =	stream.linear.gather [hbm4b:s8+s2], $0x640, $0x38;
	[tilespmem:$0x19C80] =	vst v63  }
0x22c: {  	_ =	swait.ge [sflag:s28], $0x640  }
0x22d: {  	[sflag:s28] =	ssyncset.done $0x0  }
0x22e: {  	[sflag:s28] =	ssyncadd.s32 $0xFFFFF9C0  }
0x22f: {  	_ =	swait.ge [sflag:s10], $0xC800  }
0x230: {  	[sflag:s10] =	ssyncset.done $0x0  }
0x231: {  	s12 =	simm.s32 $0xC80;
	[sflag:s10] =	ssyncadd.s32 $0xFFFF3800  }
0x232: {  	[tilespmem:s12], [sflag:$0x3] =	stream.indirect.gather [hbm4b:s3+s6], $0x20, s2, s6, $0xb8;
	[tilespmem:$0x19C80] =	vst v63  }
0x233: {  	_ = 	snop  }
0x234: {  	[tilespmem:s24], [sflag:$0x3] =	stream.indirect.gather [hbm4b:s3+s6], $0x20, s6, s6, $0xb8;
	[tilespmem:$0x19C80] =	vst v63  }
0x235: {  	_ = 	snop  }
0x236: {  	[tilespmem:s26], [sflag:$0x3] =	stream.indirect.gather [hbm4b:s3+s6], $0x20, s25, s6, $0xb8;
	[tilespmem:$0x19C80] =	vst v63  }
0x237: {  	_ = 	snop  }
0x238: {  	[tilespmem:s5], [sflag:$0x3] =	stream.indirect.gather [hbm4b:s3+s6], $0x20, s29, s6, $0xb8;
	[tilespmem:$0x19C80] =	vst v63  }
0x239: {  	_ =	swait.ge [sflag:s19], $0x3200  }
0x23a: {  	[sflag:s19] =	ssyncset.done $0x0  }
0x23b: {  	[sflag:s19] =	ssyncadd.s32 $0xFFFFCE00  }
0x23c: {  	_ =	swait.ge [sflag:s19], $0x3200  }
0x23d: {  	[sflag:s19] =	ssyncset.done $0x0  }
0x23e: {  	[sflag:s19] =	ssyncadd.s32 $0xFFFFCE00  }
0x23f: {  	_ =	swait.ge [sflag:s19], $0x3200  }
0x240: {  	[sflag:s19] =	ssyncset.done $0x0  }
0x241: {  	[sflag:s19] =	ssyncadd.s32 $0xFFFFCE00  }
0x242: {  	_ =	swait.ge [sflag:s19], $0x3200  }
0x243: {  	[sflag:s19] =	ssyncset.done $0x0  }
0x244: {  	s4 =	rddreg [dreg:$0x9];
	[sflag:s19] =	ssyncadd.s32 $0xFFFFCE00  }
0x245: {  	[hbm4b:s4+s2] =	stream.linear.scatter [tilespmem:s12], [sflag:$0x5], $0xC800, $0x38;
	[tilespmem:$0x19C80] =	vst v63  }
0x246: {  	s8 =	rddreg [dreg:$0xa]  }
0x247: {  	[tilespmem:s2], [sflag:$0x1] =	stream.linear.gather [hbm4b:s8+s2], $0x640, $0x38;
	[tilespmem:$0x19C80] =	vst v63  }
0x248: {  	_ =	swait.ge [sflag:s16], $0x640  }
0x249: {  	[sflag:s16] =	ssyncset.done $0x0  }
0x24a: {  	[sflag:s16] =	ssyncadd.s32 $0xFFFFF9C0  }
0x24b: {  	_ =	swait.ge [sflag:s9], $0xC800  }
0x24c: {  	[sflag:s9] =	ssyncset.done $0x0  }
0x24d: {  	s5 =	simm.s32 $0xD480;
	[sflag:s9] =	ssyncadd.s32 $0xFFFF3800  }
0x24e: {  	[tilespmem:s5], [sflag:$0x4] =	stream.indirect.gather [hbm4b:s3+s6], $0x20, s7, s6, $0xb8;
	[tilespmem:$0x19C80] =	vst v63  }
0x24f: {  	_ = 	snop  }
0x250: {  	[tilespmem:s15], [sflag:$0x4] =	stream.indirect.gather [hbm4b:s3+s6], $0x20, s14, s6, $0xb8;
	[tilespmem:$0x19C80] =	vst v63  }
0x251: {  	_ = 	snop  }
0x252: {  	[tilespmem:s18], [sflag:$0x4] =	stream.indirect.gather [hbm4b:s3+s6], $0x20, s17, s6, $0xb8;
	[tilespmem:$0x19C80] =	vst v63  }
0x253: {  	_ = 	snop  }
0x254: {  	[tilespmem:s23], [sflag:$0x4] =	stream.indirect.gather [hbm4b:s3+s6], $0x20, s20, s6, $0xb8;
	[tilespmem:$0x19C80] =	vst v63  }
0x255: {  	_ =	swait.ge [sflag:s11], $0x3200  }
0x256: {  	[sflag:s11] =	ssyncset.done $0x0  }
0x257: {  	[sflag:s11] =	ssyncadd.s32 $0xFFFFCE00  }
0x258: {  	_ =	swait.ge [sflag:s11], $0x3200  }
0x259: {  	[sflag:s11] =	ssyncset.done $0x0  }
0x25a: {  	[sflag:s11] =	ssyncadd.s32 $0xFFFFCE00  }
0x25b: {  	_ =	swait.ge [sflag:s11], $0x3200  }
0x25c: {  	[sflag:s11] =	ssyncset.done $0x0  }
0x25d: {  	[sflag:s11] =	ssyncadd.s32 $0xFFFFCE00  }
0x25e: {  	_ =	swait.ge [sflag:s11], $0x3200  }
0x25f: {  	[sflag:s11] =	ssyncset.done $0x0  }
0x260: {  	s4 =	rddreg [dreg:$0xb];
	[sflag:s11] =	ssyncadd.s32 $0xFFFFCE00  }
0x261: {  	[hbm4b:s4+s2] =	stream.linear.scatter [tilespmem:s5], [sflag:$0x6], $0xC800, $0x38;
	[tilespmem:$0x19C80] =	vst v63  }
0x262: {  	s8 =	rddreg [dreg:$0xc]  }
0x263: {  	[tilespmem:s7], [sflag:$0x2] =	stream.linear.gather [hbm4b:s8+s2], $0x640, $0x38;
	[tilespmem:$0x19C80] =	vst v63  }
0x264: {  	_ =	swait.ge [sflag:s28], $0x640  }
0x265: {  	[sflag:s28] =	ssyncset.done $0x0  }
0x266: {  	[sflag:s28] =	ssyncadd.s32 $0xFFFFF9C0  }
0x267: {  	_ =	swait.ge [sflag:s10], $0xC800  }
0x268: {  	[sflag:s10] =	ssyncset.done $0x0  }
0x269: {  	[sflag:s10] =	ssyncadd.s32 $0xFFFF3800  }
0x26a: {  	[tilespmem:s12], [sflag:$0x3] =	stream.indirect.gather [hbm4b:s3+s6], $0x20, s2, s6, $0xb8;
	[tilespmem:$0x19C80] =	vst v63  }
0x26b: {  	_ = 	snop  }
0x26c: {  	[tilespmem:s24], [sflag:$0x3] =	stream.indirect.gather [hbm4b:s3+s6], $0x20, s6, s6, $0xb8;
	[tilespmem:$0x19C80] =	vst v63  }
0x26d: {  	_ = 	snop  }
0x26e: {  	[tilespmem:s26], [sflag:$0x3] =	stream.indirect.gather [hbm4b:s3+s6], $0x20, s25, s6, $0xb8;
	[tilespmem:$0x19C80] =	vst v63  }
0x26f: {  	s29 =	simm.s32 $0xA280;
	s26 =	simm.s32 $0x4B0  }
0x270: {  	[tilespmem:s29], [sflag:$0x3] =	stream.indirect.gather [hbm4b:s3+s6], $0x20, s26, s6, $0xb8;
	[tilespmem:$0x19C80] =	vst v63  }
0x271: {  	_ =	swait.ge [sflag:s19], $0x3200  }
0x272: {  	[sflag:s19] =	ssyncset.done $0x0  }
0x273: {  	[sflag:s19] =	ssyncadd.s32 $0xFFFFCE00  }
0x274: {  	_ =	swait.ge [sflag:s19], $0x3200  }
0x275: {  	[sflag:s19] =	ssyncset.done $0x0  }
0x276: {  	[sflag:s19] =	ssyncadd.s32 $0xFFFFCE00  }
0x277: {  	_ =	swait.ge [sflag:s19], $0x3200  }
0x278: {  	[sflag:s19] =	ssyncset.done $0x0  }
0x279: {  	[sflag:s19] =	ssyncadd.s32 $0xFFFFCE00  }
0x27a: {  	_ =	swait.ge [sflag:s19], $0x3200  }
0x27b: {  	[sflag:s19] =	ssyncset.done $0x0  }
0x27c: {  	s4 =	rddreg [dreg:$0xd];
	[sflag:s19] =	ssyncadd.s32 $0xFFFFCE00  }
0x27d: {  	[hbm4b:s4+s2] =	stream.linear.scatter [tilespmem:s12], [sflag:$0x5], $0xC800, $0x38;
	[tilespmem:$0x19C80] =	vst v63  }
0x27e: {  	s8 =	rddreg [dreg:$0xe]  }
0x27f: {  	[tilespmem:s2], [sflag:$0x1] =	stream.linear.gather [hbm4b:s8+s2], $0x640, $0x38;
	[tilespmem:$0x19C80] =	vst v63  }
0x280: {  	_ =	swait.ge [sflag:s16], $0x640  }
0x281: {  	[sflag:s16] =	ssyncset.done $0x0  }
0x282: {  	[sflag:s16] =	ssyncadd.s32 $0xFFFFF9C0  }
0x283: {  	_ =	swait.ge [sflag:s9], $0xC800  }
0x284: {  	[sflag:s9] =	ssyncset.done $0x0  }
0x285: {  	[sflag:s9] =	ssyncadd.s32 $0xFFFF3800  }
0x286: {  	[tilespmem:s5], [sflag:$0x4] =	stream.indirect.gather [hbm4b:s3+s6], $0x20, s7, s6, $0xb8;
	[tilespmem:$0x19C80] =	vst v63  }
0x287: {  	_ = 	snop  }
0x288: {  	[tilespmem:s15], [sflag:$0x4] =	stream.indirect.gather [hbm4b:s3+s6], $0x20, s14, s6, $0xb8;
	[tilespmem:$0x19C80] =	vst v63  }
0x289: {  	_ = 	snop  }
0x28a: {  	[tilespmem:s18], [sflag:$0x4] =	stream.indirect.gather [hbm4b:s3+s6], $0x20, s17, s6, $0xb8;
	[tilespmem:$0x19C80] =	vst v63  }
0x28b: {  	_ = 	snop  }
0x28c: {  	[tilespmem:s23], [sflag:$0x4] =	stream.indirect.gather [hbm4b:s3+s6], $0x20, s20, s6, $0xb8;
	[tilespmem:$0x19C80] =	vst v63  }
0x28d: {  	_ =	swait.ge [sflag:s11], $0x3200  }
0x28e: {  	[sflag:s11] =	ssyncset.done $0x0  }
0x28f: {  	[sflag:s11] =	ssyncadd.s32 $0xFFFFCE00  }
0x290: {  	_ =	swait.ge [sflag:s11], $0x3200  }
0x291: {  	[sflag:s11] =	ssyncset.done $0x0  }
0x292: {  	[sflag:s11] =	ssyncadd.s32 $0xFFFFCE00  }
0x293: {  	_ =	swait.ge [sflag:s11], $0x3200  }
0x294: {  	[sflag:s11] =	ssyncset.done $0x0  }
0x295: {  	[sflag:s11] =	ssyncadd.s32 $0xFFFFCE00  }
0x296: {  	_ =	swait.ge [sflag:s11], $0x3200  }
0x297: {  	[sflag:s11] =	ssyncset.done $0x0  }
0x298: {  	s4 =	rddreg [dreg:$0xf];
	[sflag:s11] =	ssyncadd.s32 $0xFFFFCE00  }
0x299: {  	[hbm4b:s4+s2] =	stream.linear.scatter [tilespmem:s5], [sflag:$0x6], $0xC800, $0x38;
	[tilespmem:$0x19C80] =	vst v63  }
0x29a: {  	s8 =	rddreg [dreg:$0x10]  }
0x29b: {  	[tilespmem:s7], [sflag:$0x2] =	stream.linear.gather [hbm4b:s8+s2], $0x640, $0x38;
	[tilespmem:$0x19C80] =	vst v63  }
0x29c: {  	_ =	swait.ge [sflag:s28], $0x640  }
0x29d: {  	[sflag:s28] =	ssyncset.done $0x0  }
0x29e: {  	[sflag:s28] =	ssyncadd.s32 $0xFFFFF9C0  }
0x29f: {  	_ =	swait.ge [sflag:s10], $0xC800  }
0x2a0: {  	[sflag:s10] =	ssyncset.done $0x0  }
0x2a1: {  	[sflag:s10] =	ssyncadd.s32 $0xFFFF3800  }
0x2a2: {  	[tilespmem:s12], [sflag:$0x3] =	stream.indirect.gather [hbm4b:s3+s6], $0x20, s2, s6, $0xb8;
	[tilespmem:$0x19C80] =	vst v63  }
0x2a3: {  	_ = 	snop  }
0x2a4: {  	[tilespmem:s24], [sflag:$0x3] =	stream.indirect.gather [hbm4b:s3+s6], $0x20, s6, s6, $0xb8;
	[tilespmem:$0x19C80] =	vst v63  }
0x2a5: {  	s25 =	simm.s32 $0x7080;
	s24 =	simm.s32 $0x320  }
0x2a6: {  	[tilespmem:s25], [sflag:$0x3] =	stream.indirect.gather [hbm4b:s3+s6], $0x20, s24, s6, $0xb8;
	[tilespmem:$0x19C80] =	vst v63  }
0x2a7: {  	_ = 	snop  }
0x2a8: {  	[tilespmem:s29], [sflag:$0x3] =	stream.indirect.gather [hbm4b:s3+s6], $0x20, s26, s6, $0xb8;
	[tilespmem:$0x19C80] =	vst v63  }
0x2a9: {  	_ =	swait.ge [sflag:s19], $0x3200  }
0x2aa: {  	[sflag:s19] =	ssyncset.done $0x0  }
0x2ab: {  	[sflag:s19] =	ssyncadd.s32 $0xFFFFCE00  }
0x2ac: {  	_ =	swait.ge [sflag:s19], $0x3200  }
0x2ad: {  	[sflag:s19] =	ssyncset.done $0x0  }
0x2ae: {  	[sflag:s19] =	ssyncadd.s32 $0xFFFFCE00  }
0x2af: {  	_ =	swait.ge [sflag:s19], $0x3200  }
0x2b0: {  	[sflag:s19] =	ssyncset.done $0x0  }
0x2b1: {  	[sflag:s19] =	ssyncadd.s32 $0xFFFFCE00  }
0x2b2: {  	_ =	swait.ge [sflag:s19], $0x3200  }
0x2b3: {  	[sflag:s19] =	ssyncset.done $0x0  }
0x2b4: {  	s4 =	rddreg [dreg:$0x11];
	[sflag:s19] =	ssyncadd.s32 $0xFFFFCE00  }
0x2b5: {  	[hbm4b:s4+s2] =	stream.linear.scatter [tilespmem:s12], [sflag:$0x5], $0xC800, $0x38;
	[tilespmem:$0x19C80] =	vst v63  }
0x2b6: {  	s8 =	rddreg [dreg:$0x12]  }
0x2b7: {  	[tilespmem:s2], [sflag:$0x1] =	stream.linear.gather [hbm4b:s8+s2], $0x640, $0x38;
	[tilespmem:$0x19C80] =	vst v63  }
0x2b8: {  	_ =	swait.ge [sflag:s16], $0x640  }
0x2b9: {  	[sflag:s16] =	ssyncset.done $0x0  }
0x2ba: {  	[sflag:s16] =	ssyncadd.s32 $0xFFFFF9C0  }
0x2bb: {  	_ =	swait.ge [sflag:s9], $0xC800  }
0x2bc: {  	[sflag:s9] =	ssyncset.done $0x0  }
0x2bd: {  	[sflag:s9] =	ssyncadd.s32 $0xFFFF3800  }
0x2be: {  	[tilespmem:s5], [sflag:$0x4] =	stream.indirect.gather [hbm4b:s3+s6], $0x20, s7, s6, $0xb8;
	[tilespmem:$0x19C80] =	vst v63  }
0x2bf: {  	_ = 	snop  }
0x2c0: {  	[tilespmem:s15], [sflag:$0x4] =	stream.indirect.gather [hbm4b:s3+s6], $0x20, s14, s6, $0xb8;
	[tilespmem:$0x19C80] =	vst v63  }
0x2c1: {  	_ = 	snop  }
0x2c2: {  	[tilespmem:s18], [sflag:$0x4] =	stream.indirect.gather [hbm4b:s3+s6], $0x20, s17, s6, $0xb8;
	[tilespmem:$0x19C80] =	vst v63  }
0x2c3: {  	_ = 	snop  }
0x2c4: {  	[tilespmem:s23], [sflag:$0x4] =	stream.indirect.gather [hbm4b:s3+s6], $0x20, s20, s6, $0xb8;
	[tilespmem:$0x19C80] =	vst v63  }
0x2c5: {  	_ =	swait.ge [sflag:s11], $0x3200  }
0x2c6: {  	[sflag:s11] =	ssyncset.done $0x0  }
0x2c7: {  	[sflag:s11] =	ssyncadd.s32 $0xFFFFCE00  }
0x2c8: {  	_ =	swait.ge [sflag:s11], $0x3200  }
0x2c9: {  	[sflag:s11] =	ssyncset.done $0x0  }
0x2ca: {  	[sflag:s11] =	ssyncadd.s32 $0xFFFFCE00  }
0x2cb: {  	_ =	swait.ge [sflag:s11], $0x3200  }
0x2cc: {  	[sflag:s11] =	ssyncset.done $0x0  }
0x2cd: {  	[sflag:s11] =	ssyncadd.s32 $0xFFFFCE00  }
0x2ce: {  	_ =	swait.ge [sflag:s11], $0x3200  }
0x2cf: {  	[sflag:s11] =	ssyncset.done $0x0  }
0x2d0: {  	s4 =	rddreg [dreg:$0x13];
	[sflag:s11] =	ssyncadd.s32 $0xFFFFCE00  }
0x2d1: {  	[hbm4b:s4+s2] =	stream.linear.scatter [tilespmem:s5], [sflag:$0x6], $0xC800, $0x38;
	[tilespmem:$0x19C80] =	vst v63  }
0x2d2: {  	s8 =	rddreg [dreg:$0x14]  }
0x2d3: {  	[tilespmem:s7], [sflag:$0x2] =	stream.linear.gather [hbm4b:s8+s2], $0x640, $0x38;
	[tilespmem:$0x19C80] =	vst v63  }
0x2d4: {  	_ =	swait.ge [sflag:s28], $0x640  }
0x2d5: {  	[sflag:s28] =	ssyncset.done $0x0  }
0x2d6: {  	[sflag:s28] =	ssyncadd.s32 $0xFFFFF9C0  }
0x2d7: {  	_ =	swait.ge [sflag:s10], $0xC800  }
0x2d8: {  	[sflag:s10] =	ssyncset.done $0x0  }
0x2d9: {  	[sflag:s10] =	ssyncadd.s32 $0xFFFF3800  }
0x2da: {  	[tilespmem:s12], [sflag:$0x3] =	stream.indirect.gather [hbm4b:s3+s6], $0x20, s2, s6, $0xb8;
	[tilespmem:$0x19C80] =	vst v63  }
0x2db: {  	s23 =	simm.s32 $0x3E80  }
0x2dc: {  	[tilespmem:s23], [sflag:$0x3] =	stream.indirect.gather [hbm4b:s3+s6], $0x20, s6, s6, $0xb8;
	[tilespmem:$0x19C80] =	vst v63  }
0x2dd: {  	_ = 	snop  }
0x2de: {  	[tilespmem:s25], [sflag:$0x3] =	stream.indirect.gather [hbm4b:s3+s6], $0x20, s24, s6, $0xb8;
	[tilespmem:$0x19C80] =	vst v63  }
0x2df: {  	_ = 	snop  }
0x2e0: {  	[tilespmem:s29], [sflag:$0x3] =	stream.indirect.gather [hbm4b:s3+s6], $0x20, s26, s6, $0xb8;
	[tilespmem:$0x19C80] =	vst v63  }
0x2e1: {  	_ =	swait.ge [sflag:s19], $0x3200  }
0x2e2: {  	[sflag:s19] =	ssyncset.done $0x0  }
0x2e3: {  	[sflag:s19] =	ssyncadd.s32 $0xFFFFCE00  }
0x2e4: {  	_ =	swait.ge [sflag:s19], $0x3200  }
0x2e5: {  	[sflag:s19] =	ssyncset.done $0x0  }
0x2e6: {  	[sflag:s19] =	ssyncadd.s32 $0xFFFFCE00  }
0x2e7: {  	_ =	swait.ge [sflag:s19], $0x3200  }
0x2e8: {  	[sflag:s19] =	ssyncset.done $0x0  }
0x2e9: {  	[sflag:s19] =	ssyncadd.s32 $0xFFFFCE00  }
0x2ea: {  	_ =	swait.ge [sflag:s19], $0x3200  }
0x2eb: {  	[sflag:s19] =	ssyncset.done $0x0  }
0x2ec: {  	s4 =	rddreg [dreg:$0x15];
	[sflag:s19] =	ssyncadd.s32 $0xFFFFCE00  }
0x2ed: {  	[hbm4b:s4+s2] =	stream.linear.scatter [tilespmem:s12], [sflag:$0x5], $0xC800, $0x38;
	[tilespmem:$0x19C80] =	vst v63  }
0x2ee: {  	s8 =	rddreg [dreg:$0x16]  }
0x2ef: {  	[tilespmem:s2], [sflag:$0x1] =	stream.linear.gather [hbm4b:s8+s2], $0x640, $0x38;
	[tilespmem:$0x19C80] =	vst v63  }
0x2f0: {  	_ =	swait.ge [sflag:s16], $0x640  }
0x2f1: {  	[sflag:s16] =	ssyncset.done $0x0  }
0x2f2: {  	[sflag:s16] =	ssyncadd.s32 $0xFFFFF9C0  }
0x2f3: {  	_ =	swait.ge [sflag:s9], $0xC800  }
0x2f4: {  	[sflag:s9] =	ssyncset.done $0x0  }
0x2f5: {  	[sflag:s9] =	ssyncadd.s32 $0xFFFF3800  }
0x2f6: {  	[tilespmem:s5], [sflag:$0x4] =	stream.indirect.gather [hbm4b:s3+s6], $0x20, s7, s6, $0xb8;
	[tilespmem:$0x19C80] =	vst v63  }
0x2f7: {  	_ = 	snop  }
0x2f8: {  	[tilespmem:s15], [sflag:$0x4] =	stream.indirect.gather [hbm4b:s3+s6], $0x20, s14, s6, $0xb8;
	[tilespmem:$0x19C80] =	vst v63  }
0x2f9: {  	_ = 	snop  }
0x2fa: {  	[tilespmem:s18], [sflag:$0x4] =	stream.indirect.gather [hbm4b:s3+s6], $0x20, s17, s6, $0xb8;
	[tilespmem:$0x19C80] =	vst v63  }
0x2fb: {  	s20 =	simm.s32 $0x16A80;
	s18 =	simm.s32 $0xAF0  }
0x2fc: {  	[tilespmem:s20], [sflag:$0x4] =	stream.indirect.gather [hbm4b:s3+s6], $0x20, s18, s6, $0xb8;
	[tilespmem:$0x19C80] =	vst v63  }
0x2fd: {  	_ =	swait.ge [sflag:s11], $0x3200  }
0x2fe: {  	[sflag:s11] =	ssyncset.done $0x0  }
0x2ff: {  	[sflag:s11] =	ssyncadd.s32 $0xFFFFCE00  }
0x300: {  	_ =	swait.ge [sflag:s11], $0x3200  }
0x301: {  	[sflag:s11] =	ssyncset.done $0x0  }
0x302: {  	[sflag:s11] =	ssyncadd.s32 $0xFFFFCE00  }
0x303: {  	_ =	swait.ge [sflag:s11], $0x3200  }
0x304: {  	[sflag:s11] =	ssyncset.done $0x0  }
0x305: {  	[sflag:s11] =	ssyncadd.s32 $0xFFFFCE00  }
0x306: {  	_ =	swait.ge [sflag:s11], $0x3200  }
0x307: {  	[sflag:s11] =	ssyncset.done $0x0  }
0x308: {  	s4 =	rddreg [dreg:$0x17];
	[sflag:s11] =	ssyncadd.s32 $0xFFFFCE00  }
0x309: {  	[hbm4b:s4+s2] =	stream.linear.scatter [tilespmem:s5], [sflag:$0x6], $0xC800, $0x38;
	[tilespmem:$0x19C80] =	vst v63  }
0x30a: {  	s8 =	rddreg [dreg:$0x18]  }
0x30b: {  	[tilespmem:s7], [sflag:$0x2] =	stream.linear.gather [hbm4b:s8+s2], $0x640, $0x38;
	[tilespmem:$0x19C80] =	vst v63  }
0x30c: {  	_ =	swait.ge [sflag:s28], $0x640  }
0x30d: {  	[sflag:s28] =	ssyncset.done $0x0  }
0x30e: {  	[sflag:s28] =	ssyncadd.s32 $0xFFFFF9C0  }
0x30f: {  	_ =	swait.ge [sflag:s10], $0xC800  }
0x310: {  	[sflag:s10] =	ssyncset.done $0x0  }
0x311: {  	[sflag:s10] =	ssyncadd.s32 $0xFFFF3800  }
0x312: {  	[tilespmem:s12], [sflag:$0x3] =	stream.indirect.gather [hbm4b:s3+s6], $0x20, s2, s6, $0xb8;
	[tilespmem:$0x19C80] =	vst v63  }
0x313: {  	_ = 	snop  }
0x314: {  	[tilespmem:s23], [sflag:$0x3] =	stream.indirect.gather [hbm4b:s3+s6], $0x20, s6, s6, $0xb8;
	[tilespmem:$0x19C80] =	vst v63  }
0x315: {  	_ = 	snop  }
0x316: {  	[tilespmem:s25], [sflag:$0x3] =	stream.indirect.gather [hbm4b:s3+s6], $0x20, s24, s6, $0xb8;
	[tilespmem:$0x19C80] =	vst v63  }
0x317: {  	_ = 	snop  }
0x318: {  	[tilespmem:s29], [sflag:$0x3] =	stream.indirect.gather [hbm4b:s3+s6], $0x20, s26, s6, $0xb8;
	[tilespmem:$0x19C80] =	vst v63  }
0x319: {  	_ =	swait.ge [sflag:s19], $0x3200  }
0x31a: {  	[sflag:s19] =	ssyncset.done $0x0  }
0x31b: {  	[sflag:s19] =	ssyncadd.s32 $0xFFFFCE00  }
0x31c: {  	_ =	swait.ge [sflag:s19], $0x3200  }
0x31d: {  	[sflag:s19] =	ssyncset.done $0x0  }
0x31e: {  	[sflag:s19] =	ssyncadd.s32 $0xFFFFCE00  }
0x31f: {  	_ =	swait.ge [sflag:s19], $0x3200  }
0x320: {  	[sflag:s19] =	ssyncset.done $0x0  }
0x321: {  	[sflag:s19] =	ssyncadd.s32 $0xFFFFCE00  }
0x322: {  	_ =	swait.ge [sflag:s19], $0x3200  }
0x323: {  	[sflag:s19] =	ssyncset.done $0x0  }
0x324: {  	s4 =	rddreg [dreg:$0x19];
	[sflag:s19] =	ssyncadd.s32 $0xFFFFCE00  }
0x325: {  	[hbm4b:s4+s2] =	stream.linear.scatter [tilespmem:s12], [sflag:$0x5], $0xC800, $0x38;
	[tilespmem:$0x19C80] =	vst v63  }
0x326: {  	s8 =	rddreg [dreg:$0x1a]  }
0x327: {  	[tilespmem:s2], [sflag:$0x1] =	stream.linear.gather [hbm4b:s8+s2], $0x640, $0x38;
	[tilespmem:$0x19C80] =	vst v63  }
0x328: {  	_ =	swait.ge [sflag:s16], $0x640  }
0x329: {  	[sflag:s16] =	ssyncset.done $0x0  }
0x32a: {  	[sflag:s16] =	ssyncadd.s32 $0xFFFFF9C0  }
0x32b: {  	_ =	swait.ge [sflag:s9], $0xC800  }
0x32c: {  	[sflag:s9] =	ssyncset.done $0x0  }
0x32d: {  	[sflag:s9] =	ssyncadd.s32 $0xFFFF3800  }
0x32e: {  	[tilespmem:s5], [sflag:$0x4] =	stream.indirect.gather [hbm4b:s3+s6], $0x20, s7, s6, $0xb8;
	[tilespmem:$0x19C80] =	vst v63  }
0x32f: {  	_ = 	snop  }
0x330: {  	[tilespmem:s15], [sflag:$0x4] =	stream.indirect.gather [hbm4b:s3+s6], $0x20, s14, s6, $0xb8;
	[tilespmem:$0x19C80] =	vst v63  }
0x331: {  	s17 =	simm.s32 $0x13880;
	s15 =	simm.s32 $0x960  }
0x332: {  	[tilespmem:s17], [sflag:$0x4] =	stream.indirect.gather [hbm4b:s3+s6], $0x20, s15, s6, $0xb8;
	[tilespmem:$0x19C80] =	vst v63  }
0x333: {  	_ = 	snop  }
0x334: {  	[tilespmem:s20], [sflag:$0x4] =	stream.indirect.gather [hbm4b:s3+s6], $0x20, s18, s6, $0xb8;
	[tilespmem:$0x19C80] =	vst v63  }
0x335: {  	_ =	swait.ge [sflag:s11], $0x3200  }
0x336: {  	[sflag:s11] =	ssyncset.done $0x0  }
0x337: {  	[sflag:s11] =	ssyncadd.s32 $0xFFFFCE00  }
0x338: {  	_ =	swait.ge [sflag:s11], $0x3200  }
0x339: {  	[sflag:s11] =	ssyncset.done $0x0  }
0x33a: {  	[sflag:s11] =	ssyncadd.s32 $0xFFFFCE00  }
0x33b: {  	_ =	swait.ge [sflag:s11], $0x3200  }
0x33c: {  	[sflag:s11] =	ssyncset.done $0x0  }
0x33d: {  	[sflag:s11] =	ssyncadd.s32 $0xFFFFCE00  }
0x33e: {  	_ =	swait.ge [sflag:s11], $0x3200  }
0x33f: {  	[sflag:s11] =	ssyncset.done $0x0  }
0x340: {  	s4 =	rddreg [dreg:$0x1b];
	[sflag:s11] =	ssyncadd.s32 $0xFFFFCE00  }
0x341: {  	[hbm4b:s4+s2] =	stream.linear.scatter [tilespmem:s5], [sflag:$0x6], $0xC800, $0x38;
	[tilespmem:$0x19C80] =	vst v63  }
0x342: {  	s8 =	rddreg [dreg:$0x1c];
	s4 =	smov.u32 s21  }
0x343: {  	s21 =	smov.u32 s22;
	s22 =	smov.u32 s30;
	s30 =	rddreg [dreg:$0x1d]  }
0x344: {  	[tilespmem:s7], [sflag:$0x2] =	stream.linear.gather [hbm4b:s8+s2], $0x640, $0x38;
	[tilespmem:$0x19C80] =	vst v63  }
0x345: {  	s8 =	rddreg [dreg:$0x1e];
	_ =	swait.ge [sflag:s28], $0x640  }
0x346: {  	[sflag:s28] =	ssyncset.done $0x0  }
0x347: {  	[sflag:s28] =	ssyncadd.s32 $0xFFFFF9C0  }
0x348: {  	_ =	swait.ge [sflag:s10], $0xC800  }
0x349: {  	[sflag:s10] =	ssyncset.done $0x0  }
0x34a: {  	[sflag:s10] =	ssyncadd.s32 $0xFFFF3800  }
0x34b: {  	[tilespmem:s12], [sflag:$0x3] =	stream.indirect.gather [hbm4b:s3+s6], $0x20, s2, s6, $0xb8;
	[tilespmem:$0x19C80] =	vst v63  }
0x34c: {  	_ = 	snop  }
0x34d: {  	[tilespmem:s23], [sflag:$0x3] =	stream.indirect.gather [hbm4b:s3+s6], $0x20, s6, s6, $0xb8;
	[tilespmem:$0x19C80] =	vst v63  }
0x34e: {  	_ = 	snop  }
0x34f: {  	[tilespmem:s25], [sflag:$0x3] =	stream.indirect.gather [hbm4b:s3+s6], $0x20, s24, s6, $0xb8;
	[tilespmem:$0x19C80] =	vst v63  }
0x350: {  	_ = 	snop  }
0x351: {  	[tilespmem:s29], [sflag:$0x3] =	stream.indirect.gather [hbm4b:s3+s6], $0x20, s26, s6, $0xb8;
	[tilespmem:$0x19C80] =	vst v63  }
0x352: {  	_ =	swait.ge [sflag:s19], $0x3200  }
0x353: {  	[sflag:s19] =	ssyncset.done $0x0  }
0x354: {  	[sflag:s19] =	ssyncadd.s32 $0xFFFFCE00  }
0x355: {  	_ =	swait.ge [sflag:s19], $0x3200  }
0x356: {  	[sflag:s19] =	ssyncset.done $0x0  }
0x357: {  	[sflag:s19] =	ssyncadd.s32 $0xFFFFCE00  }
0x358: {  	_ =	swait.ge [sflag:s19], $0x3200  }
0x359: {  	[sflag:s19] =	ssyncset.done $0x0  }
0x35a: {  	[sflag:s19] =	ssyncadd.s32 $0xFFFFCE00  }
0x35b: {  	_ =	swait.ge [sflag:s19], $0x3200  }
0x35c: {  	[sflag:s19] =	ssyncset.done $0x0  }
0x35d: {  	[sflag:s19] =	ssyncadd.s32 $0xFFFFCE00  }
0x35e: {  	[hbm4b:s8+s2] =	stream.linear.scatter [tilespmem:s12], [sflag:$0x5], $0xC800, $0x38;
	[tilespmem:$0x19C80] =	vst v63  }
0x35f: {  	_ = 	snop  }
0x360: {  	[tilespmem:s2], [sflag:$0x1] =	stream.linear.gather [hbm4b:s30+s2], $0x640, $0x38;
	[tilespmem:$0x19C80] =	vst v63  }
0x361: {  	_ =	swait.ge [sflag:s16], $0x640  }
0x362: {  	[sflag:s16] =	ssyncset.done $0x0  }
0x363: {  	[sflag:s16] =	ssyncadd.s32 $0xFFFFF9C0  }
0x364: {  	_ =	swait.ge [sflag:s9], $0xC800  }
0x365: {  	[sflag:s9] =	ssyncset.done $0x0  }
0x366: {  	[sflag:s9] =	ssyncadd.s32 $0xFFFF3800  }
0x367: {  	[tilespmem:s5], [sflag:$0x4] =	stream.indirect.gather [hbm4b:s3+s6], $0x20, s7, s6, $0xb8;
	[tilespmem:$0x19C80] =	vst v63  }
0x368: {  	s14 =	simm.s32 $0x10680  }
0x369: {  	[tilespmem:s14], [sflag:$0x4] =	stream.indirect.gather [hbm4b:s3+s6], $0x20, s13, s6, $0xb8;
	[tilespmem:$0x19C80] =	vst v63  }
0x36a: {  	_ = 	snop  }
0x36b: {  	[tilespmem:s17], [sflag:$0x4] =	stream.indirect.gather [hbm4b:s3+s6], $0x20, s15, s6, $0xb8;
	[tilespmem:$0x19C80] =	vst v63  }
0x36c: {  	_ = 	snop  }
0x36d: {  	[tilespmem:s20], [sflag:$0x4] =	stream.indirect.gather [hbm4b:s3+s6], $0x20, s18, s6, $0xb8;
	[tilespmem:$0x19C80] =	vst v63  }
0x36e: {  	_ =	swait.ge [sflag:s11], $0x3200  }
0x36f: {  	[sflag:s11] =	ssyncset.done $0x0  }
0x370: {  	[sflag:s11] =	ssyncadd.s32 $0xFFFFCE00  }
0x371: {  	_ =	swait.ge [sflag:s11], $0x3200  }
0x372: {  	[sflag:s11] =	ssyncset.done $0x0  }
0x373: {  	[sflag:s11] =	ssyncadd.s32 $0xFFFFCE00  }
0x374: {  	_ =	swait.ge [sflag:s11], $0x3200  }
0x375: {  	[sflag:s11] =	ssyncset.done $0x0  }
0x376: {  	[sflag:s11] =	ssyncadd.s32 $0xFFFFCE00  }
0x377: {  	_ =	swait.ge [sflag:s11], $0x3200  }
0x378: {  	[sflag:s11] =	ssyncset.done $0x0  }
0x379: {  	[sflag:s11] =	ssyncadd.s32 $0xFFFFCE00  }
0x37a: {  	[hbm4b:s21+s2] =	stream.linear.scatter [tilespmem:s5], [sflag:$0x6], $0xC800, $0x38;
	[tilespmem:$0x19C80] =	vst v63  }
0x37b: {  	_ = 	snop  }
0x37c: {  	[tilespmem:s7], [sflag:$0x2] =	stream.linear.gather [hbm4b:s22+s2], $0x640, $0x38;
	[tilespmem:$0x19C80] =	vst v63  }
0x37d: {  	_ =	swait.ge [sflag:s28], $0x640  }
0x37e: {  	[sflag:s28] =	ssyncset.done $0x0  }
0x37f: {  	[sflag:s28] =	ssyncadd.s32 $0xFFFFF9C0  }
0x380: {  	_ =	swait.ge [sflag:s10], $0xC800  }
0x381: {  	[sflag:s10] =	ssyncset.done $0x0  }
0x382: {  	[sflag:s10] =	ssyncadd.s32 $0xFFFF3800  }
0x383: {  	[tilespmem:s12], [sflag:$0x3] =	stream.indirect.gather [hbm4b:s3+s6], $0x20, s2, s6, $0xb8;
	[tilespmem:$0x19C80] =	vst v63  }
0x384: {  	_ = 	snop  }
0x385: {  	[tilespmem:s23], [sflag:$0x3] =	stream.indirect.gather [hbm4b:s3+s6], $0x20, s6, s6, $0xb8;
	[tilespmem:$0x19C80] =	vst v63  }
0x386: {  	_ = 	snop  }
0x387: {  	[tilespmem:s25], [sflag:$0x3] =	stream.indirect.gather [hbm4b:s3+s6], $0x20, s24, s6, $0xb8;
	[tilespmem:$0x19C80] =	vst v63  }
0x388: {  	_ = 	snop  }
0x389: {  	[tilespmem:s29], [sflag:$0x3] =	stream.indirect.gather [hbm4b:s3+s6], $0x20, s26, s6, $0xb8;
	[tilespmem:$0x19C80] =	vst v63  }
0x38a: {  	_ =	swait.ge [sflag:s19], $0x3200  }
0x38b: {  	[sflag:s19] =	ssyncset.done $0x0  }
0x38c: {  	[sflag:s19] =	ssyncadd.s32 $0xFFFFCE00  }
0x38d: {  	_ =	swait.ge [sflag:s19], $0x3200  }
0x38e: {  	[sflag:s19] =	ssyncset.done $0x0  }
0x38f: {  	[sflag:s19] =	ssyncadd.s32 $0xFFFFCE00  }
0x390: {  	_ =	swait.ge [sflag:s19], $0x3200  }
0x391: {  	[sflag:s19] =	ssyncset.done $0x0  }
0x392: {  	[sflag:s19] =	ssyncadd.s32 $0xFFFFCE00  }
0x393: {  	_ =	swait.ge [sflag:s19], $0x3200  }
0x394: {  	[sflag:s19] =	ssyncset.done $0x0  }
0x395: {  	[sflag:s19] =	ssyncadd.s32 $0xFFFFCE00  }
0x396: {  	[hbm4b:s4+s2] =	stream.linear.scatter [tilespmem:s12], [sflag:$0x5], $0xC800, $0x38;
	[tilespmem:$0x19C80] =	vst v63  }
0x397: {  	_ =	swait.ge [sflag:s16], $0x640  }
0x398: {  	[sflag:s16] =	ssyncset.done $0x0  }
0x399: {  	[sflag:s16] =	ssyncadd.s32 $0xFFFFF9C0  }
0x39a: {  	_ =	swait.ge [sflag:s9], $0xC800  }
0x39b: {  	[sflag:s9] =	ssyncset.done $0x0  }
0x39c: {  	[sflag:s9] =	ssyncadd.s32 $0xFFFF3800  }
0x39d: {  	[tilespmem:s5], [sflag:$0x4] =	stream.indirect.gather [hbm4b:s3+s6], $0x20, s7, s6, $0xb8;
	[tilespmem:$0x19C80] =	vst v63  }
0x39e: {  	_ = 	snop  }
0x39f: {  	[tilespmem:s14], [sflag:$0x4] =	stream.indirect.gather [hbm4b:s3+s6], $0x20, s13, s6, $0xb8;
	[tilespmem:$0x19C80] =	vst v63  }
0x3a0: {  	_ = 	snop  }
0x3a1: {  	[tilespmem:s17], [sflag:$0x4] =	stream.indirect.gather [hbm4b:s3+s6], $0x20, s15, s6, $0xb8;
	[tilespmem:$0x19C80] =	vst v63  }
0x3a2: {  	_ = 	snop  }
0x3a3: {  	[tilespmem:s20], [sflag:$0x4] =	stream.indirect.gather [hbm4b:s3+s6], $0x20, s18, s6, $0xb8;
	[tilespmem:$0x19C80] =	vst v63  }
0x3a4: {  	_ =	swait.ge [sflag:s11], $0x3200  }
0x3a5: {  	[sflag:s11] =	ssyncset.done $0x0  }
0x3a6: {  	[sflag:s11] =	ssyncadd.s32 $0xFFFFCE00  }
0x3a7: {  	_ =	swait.ge [sflag:s11], $0x3200  }
0x3a8: {  	[sflag:s11] =	ssyncset.done $0x0  }
0x3a9: {  	[sflag:s11] =	ssyncadd.s32 $0xFFFFCE00  }
0x3aa: {  	_ =	swait.ge [sflag:s11], $0x3200  }
0x3ab: {  	[sflag:s11] =	ssyncset.done $0x0  }
0x3ac: {  	[sflag:s11] =	ssyncadd.s32 $0xFFFFCE00  }
0x3ad: {  	_ =	swait.ge [sflag:s11], $0x3200  }
0x3ae: {  	[sflag:s11] =	ssyncset.done $0x0  }
0x3af: {  	p1 =	sne.s32 s1, $0x1;
	[sflag:s11] =	ssyncadd.s32 $0xFFFFCE00  }
0x3b0: {  	[hbm4b:s31+s2] =	stream.linear.scatter [tilespmem:s5], [sflag:$0x6], $0xC800, $0x38;
	[tilespmem:$0x19C80] =	vst v63  }
.Ltmp2:
0x3b1: {  	_ =	swait.ge [sflag:s10], $0xC800;
	(pc) =	sbr.rel @p1 .LBB2_3-.Ltmp2, $4  }
0x3b2: {  	[sflag:s10] =	ssyncset.done $0x0  }
0x3b3: {  	[sflag:s10] =	ssyncadd.s32 $0xFFFF3800  }
0x3b4: {  	_ =	swait.ge [sflag:s9], $0xC800  }
0x3b5: {  	s1 =	sadd.s32 $0xFFFFFFFF, s1;
	s0 =	rddreg [dreg:$0x3];
	[sflag:s9] =	ssyncset.done $0x0  }
.LBB2_4:
0x3b6: {  	[sflag:s9] =	ssyncadd.s32 @p0 $0xFFFF3800  }
0x3b7: {  	[tilespmem:s2], [sflag:$0x1] =	stream.linear.gather [hbm4b:s0+s2], $0x640, $0x38;
	[tilespmem:$0x19C80] =	vst v63  }
0x3b8: {  	s1 =	rddreg [dreg:$0x4]  }
0x3b9: {  	[tilespmem:s7], [sflag:$0x2] =	stream.linear.gather [hbm4b:s1+s2], $0x640, $0x38;
	[tilespmem:$0x19C80] =	vst v63  }
0x3ba: {  	_ =	swait.ge [sflag:s28], $0x640  }
0x3bb: {  	[sflag:s28] =	ssyncset.done $0x0  }
0x3bc: {  	[sflag:s28] =	ssyncadd.s32 $0xFFFFF9C0  }
0x3bd: {  	[tilespmem:s12], [sflag:$0x3] =	stream.indirect.gather [hbm4b:s3+s6], $0x20, s2, s6, $0xb8;
	[tilespmem:$0x19C80] =	vst v63  }
0x3be: {  	_ = 	snop  }
0x3bf: {  	[tilespmem:s23], [sflag:$0x3] =	stream.indirect.gather [hbm4b:s3+s6], $0x20, s6, s6, $0xb8;
	[tilespmem:$0x19C80] =	vst v63  }
0x3c0: {  	_ = 	snop  }
0x3c1: {  	[tilespmem:s25], [sflag:$0x3] =	stream.indirect.gather [hbm4b:s3+s6], $0x20, s24, s6, $0xb8;
	[tilespmem:$0x19C80] =	vst v63  }
0x3c2: {  	_ = 	snop  }
0x3c3: {  	[tilespmem:s29], [sflag:$0x3] =	stream.indirect.gather [hbm4b:s3+s6], $0x20, s26, s6, $0xb8;
	[tilespmem:$0x19C80] =	vst v63  }
0x3c4: {  	_ =	swait.ge [sflag:s19], $0x3200  }
0x3c5: {  	[sflag:s19] =	ssyncset.done $0x0  }
0x3c6: {  	[sflag:s19] =	ssyncadd.s32 $0xFFFFCE00  }
0x3c7: {  	_ =	swait.ge [sflag:s19], $0x3200  }
0x3c8: {  	[sflag:s19] =	ssyncset.done $0x0  }
0x3c9: {  	[sflag:s19] =	ssyncadd.s32 $0xFFFFCE00  }
0x3ca: {  	_ =	swait.ge [sflag:s19], $0x3200  }
0x3cb: {  	[sflag:s19] =	ssyncset.done $0x0  }
0x3cc: {  	[sflag:s19] =	ssyncadd.s32 $0xFFFFCE00  }
0x3cd: {  	_ =	swait.ge [sflag:s19], $0x3200  }
0x3ce: {  	[sflag:s19] =	ssyncset.done $0x0  }
0x3cf: {  	s0 =	rddreg [dreg:$0x5];
	[sflag:s19] =	ssyncadd.s32 $0xFFFFCE00  }
0x3d0: {  	[hbm4b:s0+s2] =	stream.linear.scatter [tilespmem:s12], [sflag:$0x5], $0xC800, $0x38;
	[tilespmem:$0x19C80] =	vst v63  }
0x3d1: {  	s1 =	rddreg [dreg:$0x6]  }
0x3d2: {  	[tilespmem:s2], [sflag:$0x1] =	stream.linear.gather [hbm4b:s1+s2], $0x640, $0x38;
	[tilespmem:$0x19C80] =	vst v63  }
0x3d3: {  	_ =	swait.ge [sflag:s16], $0x640  }
0x3d4: {  	[sflag:s16] =	ssyncset.done $0x0  }
0x3d5: {  	[sflag:s16] =	ssyncadd.s32 $0xFFFFF9C0  }
0x3d6: {  	[tilespmem:s5], [sflag:$0x4] =	stream.indirect.gather [hbm4b:s3+s6], $0x20, s7, s6, $0xb8;
	[tilespmem:$0x19C80] =	vst v63  }
0x3d7: {  	_ = 	snop  }
0x3d8: {  	[tilespmem:s14], [sflag:$0x4] =	stream.indirect.gather [hbm4b:s3+s6], $0x20, s13, s6, $0xb8;
	[tilespmem:$0x19C80] =	vst v63  }
0x3d9: {  	_ = 	snop  }
0x3da: {  	[tilespmem:s17], [sflag:$0x4] =	stream.indirect.gather [hbm4b:s3+s6], $0x20, s15, s6, $0xb8;
	[tilespmem:$0x19C80] =	vst v63  }
0x3db: {  	_ = 	snop  }
0x3dc: {  	[tilespmem:s20], [sflag:$0x4] =	stream.indirect.gather [hbm4b:s3+s6], $0x20, s18, s6, $0xb8;
	[tilespmem:$0x19C80] =	vst v63  }
0x3dd: {  	_ =	swait.ge [sflag:s11], $0x3200  }
0x3de: {  	[sflag:s11] =	ssyncset.done $0x0  }
0x3df: {  	[sflag:s11] =	ssyncadd.s32 $0xFFFFCE00  }
0x3e0: {  	_ =	swait.ge [sflag:s11], $0x3200  }
0x3e1: {  	[sflag:s11] =	ssyncset.done $0x0  }
0x3e2: {  	[sflag:s11] =	ssyncadd.s32 $0xFFFFCE00  }
0x3e3: {  	_ =	swait.ge [sflag:s11], $0x3200  }
0x3e4: {  	[sflag:s11] =	ssyncset.done $0x0  }
0x3e5: {  	[sflag:s11] =	ssyncadd.s32 $0xFFFFCE00  }
0x3e6: {  	_ =	swait.ge [sflag:s11], $0x3200  }
0x3e7: {  	[sflag:s11] =	ssyncset.done $0x0  }
0x3e8: {  	s0 =	rddreg [dreg:$0x7];
	[sflag:s11] =	ssyncadd.s32 $0xFFFFCE00  }
0x3e9: {  	[hbm4b:s0+s2] =	stream.linear.scatter [tilespmem:s5], [sflag:$0x6], $0xC800, $0x38;
	[tilespmem:$0x19C80] =	vst v63  }
0x3ea: {  	s1 =	rddreg [dreg:$0x8]  }
0x3eb: {  	[tilespmem:s7], [sflag:$0x2] =	stream.linear.gather [hbm4b:s1+s2], $0x640, $0x38;
	[tilespmem:$0x19C80] =	vst v63  }
0x3ec: {  	_ =	swait.ge [sflag:s28], $0x640  }
0x3ed: {  	[sflag:s28] =	ssyncset.done $0x0  }
0x3ee: {  	[sflag:s28] =	ssyncadd.s32 $0xFFFFF9C0  }
0x3ef: {  	_ =	swait.ge [sflag:s10], $0xC800  }
0x3f0: {  	[sflag:s10] =	ssyncset.done $0x0  }
0x3f1: {  	[sflag:s10] =	ssyncadd.s32 $0xFFFF3800  }
0x3f2: {  	[tilespmem:s12], [sflag:$0x3] =	stream.indirect.gather [hbm4b:s3+s6], $0x20, s2, s6, $0xb8;
	[tilespmem:$0x19C80] =	vst v63  }
0x3f3: {  	_ = 	snop  }
0x3f4: {  	[tilespmem:s23], [sflag:$0x3] =	stream.indirect.gather [hbm4b:s3+s6], $0x20, s6, s6, $0xb8;
	[tilespmem:$0x19C80] =	vst v63  }
0x3f5: {  	_ = 	snop  }
0x3f6: {  	[tilespmem:s25], [sflag:$0x3] =	stream.indirect.gather [hbm4b:s3+s6], $0x20, s24, s6, $0xb8;
	[tilespmem:$0x19C80] =	vst v63  }
0x3f7: {  	_ = 	snop  }
0x3f8: {  	[tilespmem:s29], [sflag:$0x3] =	stream.indirect.gather [hbm4b:s3+s6], $0x20, s26, s6, $0xb8;
	[tilespmem:$0x19C80] =	vst v63  }
0x3f9: {  	_ =	swait.ge [sflag:s19], $0x3200  }
0x3fa: {  	[sflag:s19] =	ssyncset.done $0x0  }
0x3fb: {  	[sflag:s19] =	ssyncadd.s32 $0xFFFFCE00  }
0x3fc: {  	_ =	swait.ge [sflag:s19], $0x3200  }
0x3fd: {  	[sflag:s19] =	ssyncset.done $0x0  }
0x3fe: {  	[sflag:s19] =	ssyncadd.s32 $0xFFFFCE00  }
0x3ff: {  	_ =	swait.ge [sflag:s19], $0x3200  }
0x400: {  	[sflag:s19] =	ssyncset.done $0x0  }
0x401: {  	[sflag:s19] =	ssyncadd.s32 $0xFFFFCE00  }
0x402: {  	_ =	swait.ge [sflag:s19], $0x3200  }
0x403: {  	[sflag:s19] =	ssyncset.done $0x0  }
0x404: {  	s0 =	rddreg [dreg:$0x9];
	[sflag:s19] =	ssyncadd.s32 $0xFFFFCE00  }
0x405: {  	[hbm4b:s0+s2] =	stream.linear.scatter [tilespmem:s12], [sflag:$0x5], $0xC800, $0x38;
	[tilespmem:$0x19C80] =	vst v63  }
0x406: {  	s1 =	rddreg [dreg:$0xa]  }
0x407: {  	[tilespmem:s2], [sflag:$0x1] =	stream.linear.gather [hbm4b:s1+s2], $0x640, $0x38;
	[tilespmem:$0x19C80] =	vst v63  }
0x408: {  	_ =	swait.ge [sflag:s16], $0x640  }
0x409: {  	[sflag:s16] =	ssyncset.done $0x0  }
0x40a: {  	[sflag:s16] =	ssyncadd.s32 $0xFFFFF9C0  }
0x40b: {  	_ =	swait.ge [sflag:s9], $0xC800  }
0x40c: {  	[sflag:s9] =	ssyncset.done $0x0  }
0x40d: {  	[sflag:s9] =	ssyncadd.s32 $0xFFFF3800  }
0x40e: {  	[tilespmem:s5], [sflag:$0x4] =	stream.indirect.gather [hbm4b:s3+s6], $0x20, s7, s6, $0xb8;
	[tilespmem:$0x19C80] =	vst v63  }
0x40f: {  	_ = 	snop  }
0x410: {  	[tilespmem:s14], [sflag:$0x4] =	stream.indirect.gather [hbm4b:s3+s6], $0x20, s13, s6, $0xb8;
	[tilespmem:$0x19C80] =	vst v63  }
0x411: {  	_ = 	snop  }
0x412: {  	[tilespmem:s17], [sflag:$0x4] =	stream.indirect.gather [hbm4b:s3+s6], $0x20, s15, s6, $0xb8;
	[tilespmem:$0x19C80] =	vst v63  }
0x413: {  	_ = 	snop  }
0x414: {  	[tilespmem:s20], [sflag:$0x4] =	stream.indirect.gather [hbm4b:s3+s6], $0x20, s18, s6, $0xb8;
	[tilespmem:$0x19C80] =	vst v63  }
0x415: {  	_ =	swait.ge [sflag:s11], $0x3200  }
0x416: {  	[sflag:s11] =	ssyncset.done $0x0  }
0x417: {  	[sflag:s11] =	ssyncadd.s32 $0xFFFFCE00  }
0x418: {  	_ =	swait.ge [sflag:s11], $0x3200  }
0x419: {  	[sflag:s11] =	ssyncset.done $0x0  }
0x41a: {  	[sflag:s11] =	ssyncadd.s32 $0xFFFFCE00  }
0x41b: {  	_ =	swait.ge [sflag:s11], $0x3200  }
0x41c: {  	[sflag:s11] =	ssyncset.done $0x0  }
0x41d: {  	[sflag:s11] =	ssyncadd.s32 $0xFFFFCE00  }
0x41e: {  	_ =	swait.ge [sflag:s11], $0x3200  }
0x41f: {  	[sflag:s11] =	ssyncset.done $0x0  }
0x420: {  	s0 =	rddreg [dreg:$0xb];
	[sflag:s11] =	ssyncadd.s32 $0xFFFFCE00  }
0x421: {  	[hbm4b:s0+s2] =	stream.linear.scatter [tilespmem:s5], [sflag:$0x6], $0xC800, $0x38;
	[tilespmem:$0x19C80] =	vst v63  }
0x422: {  	s1 =	rddreg [dreg:$0xc]  }
0x423: {  	[tilespmem:s7], [sflag:$0x2] =	stream.linear.gather [hbm4b:s1+s2], $0x640, $0x38;
	[tilespmem:$0x19C80] =	vst v63  }
0x424: {  	_ =	swait.ge [sflag:s28], $0x640  }
0x425: {  	[sflag:s28] =	ssyncset.done $0x0  }
0x426: {  	[sflag:s28] =	ssyncadd.s32 $0xFFFFF9C0  }
0x427: {  	_ =	swait.ge [sflag:s10], $0xC800  }
0x428: {  	[sflag:s10] =	ssyncset.done $0x0  }
0x429: {  	[sflag:s10] =	ssyncadd.s32 $0xFFFF3800  }
0x42a: {  	[tilespmem:s12], [sflag:$0x3] =	stream.indirect.gather [hbm4b:s3+s6], $0x20, s2, s6, $0xb8;
	[tilespmem:$0x19C80] =	vst v63  }
0x42b: {  	_ = 	snop  }
0x42c: {  	[tilespmem:s23], [sflag:$0x3] =	stream.indirect.gather [hbm4b:s3+s6], $0x20, s6, s6, $0xb8;
	[tilespmem:$0x19C80] =	vst v63  }
0x42d: {  	_ = 	snop  }
0x42e: {  	[tilespmem:s25], [sflag:$0x3] =	stream.indirect.gather [hbm4b:s3+s6], $0x20, s24, s6, $0xb8;
	[tilespmem:$0x19C80] =	vst v63  }
0x42f: {  	_ = 	snop  }
0x430: {  	[tilespmem:s29], [sflag:$0x3] =	stream.indirect.gather [hbm4b:s3+s6], $0x20, s26, s6, $0xb8;
	[tilespmem:$0x19C80] =	vst v63  }
0x431: {  	_ =	swait.ge [sflag:s19], $0x3200  }
0x432: {  	[sflag:s19] =	ssyncset.done $0x0  }
0x433: {  	[sflag:s19] =	ssyncadd.s32 $0xFFFFCE00  }
0x434: {  	_ =	swait.ge [sflag:s19], $0x3200  }
0x435: {  	[sflag:s19] =	ssyncset.done $0x0  }
0x436: {  	[sflag:s19] =	ssyncadd.s32 $0xFFFFCE00  }
0x437: {  	_ =	swait.ge [sflag:s19], $0x3200  }
0x438: {  	[sflag:s19] =	ssyncset.done $0x0  }
0x439: {  	[sflag:s19] =	ssyncadd.s32 $0xFFFFCE00  }
0x43a: {  	_ =	swait.ge [sflag:s19], $0x3200  }
0x43b: {  	[sflag:s19] =	ssyncset.done $0x0  }
0x43c: {  	s0 =	rddreg [dreg:$0xd];
	[sflag:s19] =	ssyncadd.s32 $0xFFFFCE00  }
0x43d: {  	[hbm4b:s0+s2] =	stream.linear.scatter [tilespmem:s12], [sflag:$0x5], $0xC800, $0x38;
	[tilespmem:$0x19C80] =	vst v63  }
0x43e: {  	s1 =	rddreg [dreg:$0xe]  }
0x43f: {  	[tilespmem:s2], [sflag:$0x1] =	stream.linear.gather [hbm4b:s1+s2], $0x640, $0x38;
	[tilespmem:$0x19C80] =	vst v63  }
0x440: {  	_ =	swait.ge [sflag:s16], $0x640  }
0x441: {  	[sflag:s16] =	ssyncset.done $0x0  }
0x442: {  	[sflag:s16] =	ssyncadd.s32 $0xFFFFF9C0  }
0x443: {  	_ =	swait.ge [sflag:s9], $0xC800  }
0x444: {  	[sflag:s9] =	ssyncset.done $0x0  }
0x445: {  	[sflag:s9] =	ssyncadd.s32 $0xFFFF3800  }
0x446: {  	[tilespmem:s5], [sflag:$0x4] =	stream.indirect.gather [hbm4b:s3+s6], $0x20, s7, s6, $0xb8;
	[tilespmem:$0x19C80] =	vst v63  }
0x447: {  	_ = 	snop  }
0x448: {  	[tilespmem:s14], [sflag:$0x4] =	stream.indirect.gather [hbm4b:s3+s6], $0x20, s13, s6, $0xb8;
	[tilespmem:$0x19C80] =	vst v63  }
0x449: {  	_ = 	snop  }
0x44a: {  	[tilespmem:s17], [sflag:$0x4] =	stream.indirect.gather [hbm4b:s3+s6], $0x20, s15, s6, $0xb8;
	[tilespmem:$0x19C80] =	vst v63  }
0x44b: {  	_ = 	snop  }
0x44c: {  	[tilespmem:s20], [sflag:$0x4] =	stream.indirect.gather [hbm4b:s3+s6], $0x20, s18, s6, $0xb8;
	[tilespmem:$0x19C80] =	vst v63  }
0x44d: {  	_ =	swait.ge [sflag:s11], $0x3200  }
0x44e: {  	[sflag:s11] =	ssyncset.done $0x0  }
0x44f: {  	[sflag:s11] =	ssyncadd.s32 $0xFFFFCE00  }
0x450: {  	_ =	swait.ge [sflag:s11], $0x3200  }
0x451: {  	[sflag:s11] =	ssyncset.done $0x0  }
0x452: {  	[sflag:s11] =	ssyncadd.s32 $0xFFFFCE00  }
0x453: {  	_ =	swait.ge [sflag:s11], $0x3200  }
0x454: {  	[sflag:s11] =	ssyncset.done $0x0  }
0x455: {  	[sflag:s11] =	ssyncadd.s32 $0xFFFFCE00  }
0x456: {  	_ =	swait.ge [sflag:s11], $0x3200  }
0x457: {  	[sflag:s11] =	ssyncset.done $0x0  }
0x458: {  	s0 =	rddreg [dreg:$0xf];
	[sflag:s11] =	ssyncadd.s32 $0xFFFFCE00  }
0x459: {  	[hbm4b:s0+s2] =	stream.linear.scatter [tilespmem:s5], [sflag:$0x6], $0xC800, $0x38;
	[tilespmem:$0x19C80] =	vst v63  }
0x45a: {  	s1 =	rddreg [dreg:$0x10]  }
0x45b: {  	[tilespmem:s7], [sflag:$0x2] =	stream.linear.gather [hbm4b:s1+s2], $0x640, $0x38;
	[tilespmem:$0x19C80] =	vst v63  }
0x45c: {  	_ =	swait.ge [sflag:s28], $0x640  }
0x45d: {  	[sflag:s28] =	ssyncset.done $0x0  }
0x45e: {  	[sflag:s28] =	ssyncadd.s32 $0xFFFFF9C0  }
0x45f: {  	_ =	swait.ge [sflag:s10], $0xC800  }
0x460: {  	[sflag:s10] =	ssyncset.done $0x0  }
0x461: {  	[sflag:s10] =	ssyncadd.s32 $0xFFFF3800  }
0x462: {  	[tilespmem:s12], [sflag:$0x3] =	stream.indirect.gather [hbm4b:s3+s6], $0x20, s2, s6, $0xb8;
	[tilespmem:$0x19C80] =	vst v63  }
0x463: {  	_ = 	snop  }
0x464: {  	[tilespmem:s23], [sflag:$0x3] =	stream.indirect.gather [hbm4b:s3+s6], $0x20, s6, s6, $0xb8;
	[tilespmem:$0x19C80] =	vst v63  }
0x465: {  	_ = 	snop  }
0x466: {  	[tilespmem:s25], [sflag:$0x3] =	stream.indirect.gather [hbm4b:s3+s6], $0x20, s24, s6, $0xb8;
	[tilespmem:$0x19C80] =	vst v63  }
0x467: {  	_ = 	snop  }
0x468: {  	[tilespmem:s29], [sflag:$0x3] =	stream.indirect.gather [hbm4b:s3+s6], $0x20, s26, s6, $0xb8;
	[tilespmem:$0x19C80] =	vst v63  }
0x469: {  	_ =	swait.ge [sflag:s19], $0x3200  }
0x46a: {  	[sflag:s19] =	ssyncset.done $0x0  }
0x46b: {  	[sflag:s19] =	ssyncadd.s32 $0xFFFFCE00  }
0x46c: {  	_ =	swait.ge [sflag:s19], $0x3200  }
0x46d: {  	[sflag:s19] =	ssyncset.done $0x0  }
0x46e: {  	[sflag:s19] =	ssyncadd.s32 $0xFFFFCE00  }
0x46f: {  	_ =	swait.ge [sflag:s19], $0x3200  }
0x470: {  	[sflag:s19] =	ssyncset.done $0x0  }
0x471: {  	[sflag:s19] =	ssyncadd.s32 $0xFFFFCE00  }
0x472: {  	_ =	swait.ge [sflag:s19], $0x3200  }
0x473: {  	[sflag:s19] =	ssyncset.done $0x0  }
0x474: {  	s0 =	rddreg [dreg:$0x11];
	[sflag:s19] =	ssyncadd.s32 $0xFFFFCE00  }
0x475: {  	[hbm4b:s0+s2] =	stream.linear.scatter [tilespmem:s12], [sflag:$0x5], $0xC800, $0x38;
	[tilespmem:$0x19C80] =	vst v63  }
0x476: {  	s1 =	rddreg [dreg:$0x12]  }
0x477: {  	[tilespmem:s2], [sflag:$0x1] =	stream.linear.gather [hbm4b:s1+s2], $0x640, $0x38;
	[tilespmem:$0x19C80] =	vst v63  }
0x478: {  	_ =	swait.ge [sflag:s16], $0x640  }
0x479: {  	[sflag:s16] =	ssyncset.done $0x0  }
0x47a: {  	[sflag:s16] =	ssyncadd.s32 $0xFFFFF9C0  }
0x47b: {  	_ =	swait.ge [sflag:s9], $0xC800  }
0x47c: {  	[sflag:s9] =	ssyncset.done $0x0  }
0x47d: {  	[sflag:s9] =	ssyncadd.s32 $0xFFFF3800  }
0x47e: {  	[tilespmem:s5], [sflag:$0x4] =	stream.indirect.gather [hbm4b:s3+s6], $0x20, s7, s6, $0xb8;
	[tilespmem:$0x19C80] =	vst v63  }
0x47f: {  	_ = 	snop  }
0x480: {  	[tilespmem:s14], [sflag:$0x4] =	stream.indirect.gather [hbm4b:s3+s6], $0x20, s13, s6, $0xb8;
	[tilespmem:$0x19C80] =	vst v63  }
0x481: {  	_ = 	snop  }
0x482: {  	[tilespmem:s17], [sflag:$0x4] =	stream.indirect.gather [hbm4b:s3+s6], $0x20, s15, s6, $0xb8;
	[tilespmem:$0x19C80] =	vst v63  }
0x483: {  	_ = 	snop  }
0x484: {  	[tilespmem:s20], [sflag:$0x4] =	stream.indirect.gather [hbm4b:s3+s6], $0x20, s18, s6, $0xb8;
	[tilespmem:$0x19C80] =	vst v63  }
0x485: {  	_ =	swait.ge [sflag:s11], $0x3200  }
0x486: {  	[sflag:s11] =	ssyncset.done $0x0  }
0x487: {  	[sflag:s11] =	ssyncadd.s32 $0xFFFFCE00  }
0x488: {  	_ =	swait.ge [sflag:s11], $0x3200  }
0x489: {  	[sflag:s11] =	ssyncset.done $0x0  }
0x48a: {  	[sflag:s11] =	ssyncadd.s32 $0xFFFFCE00  }
0x48b: {  	_ =	swait.ge [sflag:s11], $0x3200  }
0x48c: {  	[sflag:s11] =	ssyncset.done $0x0  }
0x48d: {  	[sflag:s11] =	ssyncadd.s32 $0xFFFFCE00  }
0x48e: {  	_ =	swait.ge [sflag:s11], $0x3200  }
0x48f: {  	[sflag:s11] =	ssyncset.done $0x0  }
0x490: {  	s0 =	rddreg [dreg:$0x13];
	[sflag:s11] =	ssyncadd.s32 $0xFFFFCE00  }
0x491: {  	[hbm4b:s0+s2] =	stream.linear.scatter [tilespmem:s5], [sflag:$0x6], $0xC800, $0x38;
	[tilespmem:$0x19C80] =	vst v63  }
0x492: {  	s1 =	rddreg [dreg:$0x14]  }
0x493: {  	[tilespmem:s7], [sflag:$0x2] =	stream.linear.gather [hbm4b:s1+s2], $0x640, $0x38;
	[tilespmem:$0x19C80] =	vst v63  }
0x494: {  	_ =	swait.ge [sflag:s28], $0x640  }
0x495: {  	[sflag:s28] =	ssyncset.done $0x0  }
0x496: {  	[sflag:s28] =	ssyncadd.s32 $0xFFFFF9C0  }
0x497: {  	_ =	swait.ge [sflag:s10], $0xC800  }
0x498: {  	[sflag:s10] =	ssyncset.done $0x0  }
0x499: {  	[sflag:s10] =	ssyncadd.s32 $0xFFFF3800  }
0x49a: {  	[tilespmem:s12], [sflag:$0x3] =	stream.indirect.gather [hbm4b:s3+s6], $0x20, s2, s6, $0xb8;
	[tilespmem:$0x19C80] =	vst v63  }
0x49b: {  	_ = 	snop  }
0x49c: {  	[tilespmem:s23], [sflag:$0x3] =	stream.indirect.gather [hbm4b:s3+s6], $0x20, s6, s6, $0xb8;
	[tilespmem:$0x19C80] =	vst v63  }
0x49d: {  	_ = 	snop  }
0x49e: {  	[tilespmem:s25], [sflag:$0x3] =	stream.indirect.gather [hbm4b:s3+s6], $0x20, s24, s6, $0xb8;
	[tilespmem:$0x19C80] =	vst v63  }
0x49f: {  	_ = 	snop  }
0x4a0: {  	[tilespmem:s29], [sflag:$0x3] =	stream.indirect.gather [hbm4b:s3+s6], $0x20, s26, s6, $0xb8;
	[tilespmem:$0x19C80] =	vst v63  }
0x4a1: {  	_ =	swait.ge [sflag:s19], $0x3200  }
0x4a2: {  	[sflag:s19] =	ssyncset.done $0x0  }
0x4a3: {  	[sflag:s19] =	ssyncadd.s32 $0xFFFFCE00  }
0x4a4: {  	_ =	swait.ge [sflag:s19], $0x3200  }
0x4a5: {  	[sflag:s19] =	ssyncset.done $0x0  }
0x4a6: {  	[sflag:s19] =	ssyncadd.s32 $0xFFFFCE00  }
0x4a7: {  	_ =	swait.ge [sflag:s19], $0x3200  }
0x4a8: {  	[sflag:s19] =	ssyncset.done $0x0  }
0x4a9: {  	[sflag:s19] =	ssyncadd.s32 $0xFFFFCE00  }
0x4aa: {  	_ =	swait.ge [sflag:s19], $0x3200  }
0x4ab: {  	[sflag:s19] =	ssyncset.done $0x0  }
0x4ac: {  	s0 =	rddreg [dreg:$0x15];
	[sflag:s19] =	ssyncadd.s32 $0xFFFFCE00  }
0x4ad: {  	[hbm4b:s0+s2] =	stream.linear.scatter [tilespmem:s12], [sflag:$0x5], $0xC800, $0x38;
	[tilespmem:$0x19C80] =	vst v63  }
0x4ae: {  	s1 =	rddreg [dreg:$0x16]  }
0x4af: {  	[tilespmem:s2], [sflag:$0x1] =	stream.linear.gather [hbm4b:s1+s2], $0x640, $0x38;
	[tilespmem:$0x19C80] =	vst v63  }
0x4b0: {  	_ =	swait.ge [sflag:s16], $0x640  }
0x4b1: {  	[sflag:s16] =	ssyncset.done $0x0  }
0x4b2: {  	[sflag:s16] =	ssyncadd.s32 $0xFFFFF9C0  }
0x4b3: {  	_ =	swait.ge [sflag:s9], $0xC800  }
0x4b4: {  	[sflag:s9] =	ssyncset.done $0x0  }
0x4b5: {  	[sflag:s9] =	ssyncadd.s32 $0xFFFF3800  }
0x4b6: {  	[tilespmem:s5], [sflag:$0x4] =	stream.indirect.gather [hbm4b:s3+s6], $0x20, s7, s6, $0xb8;
	[tilespmem:$0x19C80] =	vst v63  }
0x4b7: {  	_ = 	snop  }
0x4b8: {  	[tilespmem:s14], [sflag:$0x4] =	stream.indirect.gather [hbm4b:s3+s6], $0x20, s13, s6, $0xb8;
	[tilespmem:$0x19C80] =	vst v63  }
0x4b9: {  	_ = 	snop  }
0x4ba: {  	[tilespmem:s17], [sflag:$0x4] =	stream.indirect.gather [hbm4b:s3+s6], $0x20, s15, s6, $0xb8;
	[tilespmem:$0x19C80] =	vst v63  }
0x4bb: {  	_ = 	snop  }
0x4bc: {  	[tilespmem:s20], [sflag:$0x4] =	stream.indirect.gather [hbm4b:s3+s6], $0x20, s18, s6, $0xb8;
	[tilespmem:$0x19C80] =	vst v63  }
0x4bd: {  	_ =	swait.ge [sflag:s11], $0x3200  }
0x4be: {  	[sflag:s11] =	ssyncset.done $0x0  }
0x4bf: {  	[sflag:s11] =	ssyncadd.s32 $0xFFFFCE00  }
0x4c0: {  	_ =	swait.ge [sflag:s11], $0x3200  }
0x4c1: {  	[sflag:s11] =	ssyncset.done $0x0  }
0x4c2: {  	[sflag:s11] =	ssyncadd.s32 $0xFFFFCE00  }
0x4c3: {  	_ =	swait.ge [sflag:s11], $0x3200  }
0x4c4: {  	[sflag:s11] =	ssyncset.done $0x0  }
0x4c5: {  	[sflag:s11] =	ssyncadd.s32 $0xFFFFCE00  }
0x4c6: {  	_ =	swait.ge [sflag:s11], $0x3200  }
0x4c7: {  	[sflag:s11] =	ssyncset.done $0x0  }
0x4c8: {  	s0 =	rddreg [dreg:$0x17];
	[sflag:s11] =	ssyncadd.s32 $0xFFFFCE00  }
0x4c9: {  	[hbm4b:s0+s2] =	stream.linear.scatter [tilespmem:s5], [sflag:$0x6], $0xC800, $0x38;
	[tilespmem:$0x19C80] =	vst v63  }
0x4ca: {  	s1 =	rddreg [dreg:$0x18]  }
0x4cb: {  	[tilespmem:s7], [sflag:$0x2] =	stream.linear.gather [hbm4b:s1+s2], $0x640, $0x38;
	[tilespmem:$0x19C80] =	vst v63  }
0x4cc: {  	_ =	swait.ge [sflag:s28], $0x640  }
0x4cd: {  	[sflag:s28] =	ssyncset.done $0x0  }
0x4ce: {  	[sflag:s28] =	ssyncadd.s32 $0xFFFFF9C0  }
0x4cf: {  	_ =	swait.ge [sflag:s10], $0xC800  }
0x4d0: {  	[sflag:s10] =	ssyncset.done $0x0  }
0x4d1: {  	[sflag:s10] =	ssyncadd.s32 $0xFFFF3800  }
0x4d2: {  	[tilespmem:s12], [sflag:$0x3] =	stream.indirect.gather [hbm4b:s3+s6], $0x20, s2, s6, $0xb8;
	[tilespmem:$0x19C80] =	vst v63  }
0x4d3: {  	_ = 	snop  }
0x4d4: {  	[tilespmem:s23], [sflag:$0x3] =	stream.indirect.gather [hbm4b:s3+s6], $0x20, s6, s6, $0xb8;
	[tilespmem:$0x19C80] =	vst v63  }
0x4d5: {  	_ = 	snop  }
0x4d6: {  	[tilespmem:s25], [sflag:$0x3] =	stream.indirect.gather [hbm4b:s3+s6], $0x20, s24, s6, $0xb8;
	[tilespmem:$0x19C80] =	vst v63  }
0x4d7: {  	_ = 	snop  }
0x4d8: {  	[tilespmem:s29], [sflag:$0x3] =	stream.indirect.gather [hbm4b:s3+s6], $0x20, s26, s6, $0xb8;
	[tilespmem:$0x19C80] =	vst v63  }
0x4d9: {  	_ =	swait.ge [sflag:s19], $0x3200  }
0x4da: {  	[sflag:s19] =	ssyncset.done $0x0  }
0x4db: {  	[sflag:s19] =	ssyncadd.s32 $0xFFFFCE00  }
0x4dc: {  	_ =	swait.ge [sflag:s19], $0x3200  }
0x4dd: {  	[sflag:s19] =	ssyncset.done $0x0  }
0x4de: {  	[sflag:s19] =	ssyncadd.s32 $0xFFFFCE00  }
0x4df: {  	_ =	swait.ge [sflag:s19], $0x3200  }
0x4e0: {  	[sflag:s19] =	ssyncset.done $0x0  }
0x4e1: {  	[sflag:s19] =	ssyncadd.s32 $0xFFFFCE00  }
0x4e2: {  	_ =	swait.ge [sflag:s19], $0x3200  }
0x4e3: {  	[sflag:s19] =	ssyncset.done $0x0  }
0x4e4: {  	s0 =	rddreg [dreg:$0x19];
	[sflag:s19] =	ssyncadd.s32 $0xFFFFCE00  }
0x4e5: {  	[hbm4b:s0+s2] =	stream.linear.scatter [tilespmem:s12], [sflag:$0x5], $0xC800, $0x38;
	[tilespmem:$0x19C80] =	vst v63  }
0x4e6: {  	s1 =	rddreg [dreg:$0x1a]  }
0x4e7: {  	[tilespmem:s2], [sflag:$0x1] =	stream.linear.gather [hbm4b:s1+s2], $0x640, $0x38;
	[tilespmem:$0x19C80] =	vst v63  }
0x4e8: {  	_ =	swait.ge [sflag:s16], $0x640  }
0x4e9: {  	[sflag:s16] =	ssyncset.done $0x0  }
0x4ea: {  	[sflag:s16] =	ssyncadd.s32 $0xFFFFF9C0  }
0x4eb: {  	_ =	swait.ge [sflag:s9], $0xC800  }
0x4ec: {  	[sflag:s9] =	ssyncset.done $0x0  }
0x4ed: {  	[sflag:s9] =	ssyncadd.s32 $0xFFFF3800  }
0x4ee: {  	[tilespmem:s5], [sflag:$0x4] =	stream.indirect.gather [hbm4b:s3+s6], $0x20, s7, s6, $0xb8;
	[tilespmem:$0x19C80] =	vst v63  }
0x4ef: {  	_ = 	snop  }
0x4f0: {  	[tilespmem:s14], [sflag:$0x4] =	stream.indirect.gather [hbm4b:s3+s6], $0x20, s13, s6, $0xb8;
	[tilespmem:$0x19C80] =	vst v63  }
0x4f1: {  	_ = 	snop  }
0x4f2: {  	[tilespmem:s17], [sflag:$0x4] =	stream.indirect.gather [hbm4b:s3+s6], $0x20, s15, s6, $0xb8;
	[tilespmem:$0x19C80] =	vst v63  }
0x4f3: {  	_ = 	snop  }
0x4f4: {  	[tilespmem:s20], [sflag:$0x4] =	stream.indirect.gather [hbm4b:s3+s6], $0x20, s18, s6, $0xb8;
	[tilespmem:$0x19C80] =	vst v63  }
0x4f5: {  	_ =	swait.ge [sflag:s11], $0x3200  }
0x4f6: {  	[sflag:s11] =	ssyncset.done $0x0  }
0x4f7: {  	[sflag:s11] =	ssyncadd.s32 $0xFFFFCE00  }
0x4f8: {  	_ =	swait.ge [sflag:s11], $0x3200  }
0x4f9: {  	[sflag:s11] =	ssyncset.done $0x0  }
0x4fa: {  	[sflag:s11] =	ssyncadd.s32 $0xFFFFCE00  }
0x4fb: {  	_ =	swait.ge [sflag:s11], $0x3200  }
0x4fc: {  	[sflag:s11] =	ssyncset.done $0x0  }
0x4fd: {  	[sflag:s11] =	ssyncadd.s32 $0xFFFFCE00  }
0x4fe: {  	_ =	swait.ge [sflag:s11], $0x3200  }
0x4ff: {  	[sflag:s11] =	ssyncset.done $0x0  }
0x500: {  	s0 =	rddreg [dreg:$0x1b];
	[sflag:s11] =	ssyncadd.s32 $0xFFFFCE00  }
0x501: {  	[hbm4b:s0+s2] =	stream.linear.scatter [tilespmem:s5], [sflag:$0x6], $0xC800, $0x38;
	[tilespmem:$0x19C80] =	vst v63  }
0x502: {  	s1 =	rddreg [dreg:$0x1c]  }
0x503: {  	[tilespmem:s7], [sflag:$0x2] =	stream.linear.gather [hbm4b:s1+s2], $0x640, $0x38;
	[tilespmem:$0x19C80] =	vst v63  }
0x504: {  	_ =	swait.ge [sflag:s28], $0x640  }
0x505: {  	[sflag:s28] =	ssyncset.done $0x0  }
0x506: {  	[sflag:s28] =	ssyncadd.s32 $0xFFFFF9C0  }
0x507: {  	_ =	swait.ge [sflag:s10], $0xC800  }
0x508: {  	[sflag:s10] =	ssyncset.done $0x0  }
0x509: {  	[sflag:s10] =	ssyncadd.s32 $0xFFFF3800  }
0x50a: {  	[tilespmem:s12], [sflag:$0x3] =	stream.indirect.gather [hbm4b:s3+s6], $0x20, s2, s6, $0xb8;
	[tilespmem:$0x19C80] =	vst v63  }
0x50b: {  	_ = 	snop  }
0x50c: {  	[tilespmem:s23], [sflag:$0x3] =	stream.indirect.gather [hbm4b:s3+s6], $0x20, s6, s6, $0xb8;
	[tilespmem:$0x19C80] =	vst v63  }
0x50d: {  	_ = 	snop  }
0x50e: {  	[tilespmem:s25], [sflag:$0x3] =	stream.indirect.gather [hbm4b:s3+s6], $0x20, s24, s6, $0xb8;
	[tilespmem:$0x19C80] =	vst v63  }
0x50f: {  	_ = 	snop  }
0x510: {  	[tilespmem:s29], [sflag:$0x3] =	stream.indirect.gather [hbm4b:s3+s6], $0x20, s26, s6, $0xb8;
	[tilespmem:$0x19C80] =	vst v63  }
0x511: {  	_ =	swait.ge [sflag:s19], $0x3200  }
0x512: {  	[sflag:s19] =	ssyncset.done $0x0  }
0x513: {  	[sflag:s19] =	ssyncadd.s32 $0xFFFFCE00  }
0x514: {  	_ =	swait.ge [sflag:s19], $0x3200  }
0x515: {  	[sflag:s19] =	ssyncset.done $0x0  }
0x516: {  	[sflag:s19] =	ssyncadd.s32 $0xFFFFCE00  }
0x517: {  	_ =	swait.ge [sflag:s19], $0x3200  }
0x518: {  	[sflag:s19] =	ssyncset.done $0x0  }
0x519: {  	[sflag:s19] =	ssyncadd.s32 $0xFFFFCE00  }
0x51a: {  	_ =	swait.ge [sflag:s19], $0x3200  }
0x51b: {  	[sflag:s19] =	ssyncset.done $0x0  }
0x51c: {  	[sflag:s19] =	ssyncadd.s32 $0xFFFFCE00  }
0x51d: {  	[hbm4b:s8+s2] =	stream.linear.scatter [tilespmem:s12], [sflag:$0x5], $0xC800, $0x38;
	[tilespmem:$0x19C80] =	vst v63  }
0x51e: {  	_ = 	snop  }
0x51f: {  	[tilespmem:s2], [sflag:$0x1] =	stream.linear.gather [hbm4b:s30+s2], $0x640, $0x38;
	[tilespmem:$0x19C80] =	vst v63  }
0x520: {  	_ =	swait.ge [sflag:s16], $0x640  }
0x521: {  	[sflag:s16] =	ssyncset.done $0x0  }
0x522: {  	[sflag:s16] =	ssyncadd.s32 $0xFFFFF9C0  }
0x523: {  	_ =	swait.ge [sflag:s9], $0xC800  }
0x524: {  	[sflag:s9] =	ssyncset.done $0x0  }
0x525: {  	[sflag:s9] =	ssyncadd.s32 $0xFFFF3800  }
0x526: {  	[tilespmem:s5], [sflag:$0x4] =	stream.indirect.gather [hbm4b:s3+s6], $0x20, s7, s6, $0xb8;
	[tilespmem:$0x19C80] =	vst v63  }
0x527: {  	_ = 	snop  }
0x528: {  	[tilespmem:s14], [sflag:$0x4] =	stream.indirect.gather [hbm4b:s3+s6], $0x20, s13, s6, $0xb8;
	[tilespmem:$0x19C80] =	vst v63  }
0x529: {  	_ = 	snop  }
0x52a: {  	[tilespmem:s17], [sflag:$0x4] =	stream.indirect.gather [hbm4b:s3+s6], $0x20, s15, s6, $0xb8;
	[tilespmem:$0x19C80] =	vst v63  }
0x52b: {  	_ = 	snop  }
0x52c: {  	[tilespmem:s20], [sflag:$0x4] =	stream.indirect.gather [hbm4b:s3+s6], $0x20, s18, s6, $0xb8;
	[tilespmem:$0x19C80] =	vst v63  }
0x52d: {  	_ =	swait.ge [sflag:s11], $0x3200  }
0x52e: {  	[sflag:s11] =	ssyncset.done $0x0  }
0x52f: {  	[sflag:s11] =	ssyncadd.s32 $0xFFFFCE00  }
0x530: {  	_ =	swait.ge [sflag:s11], $0x3200  }
0x531: {  	[sflag:s11] =	ssyncset.done $0x0  }
0x532: {  	[sflag:s11] =	ssyncadd.s32 $0xFFFFCE00  }
0x533: {  	_ =	swait.ge [sflag:s11], $0x3200  }
0x534: {  	[sflag:s11] =	ssyncset.done $0x0  }
0x535: {  	[sflag:s11] =	ssyncadd.s32 $0xFFFFCE00  }
0x536: {  	_ =	swait.ge [sflag:s11], $0x3200  }
0x537: {  	[sflag:s11] =	ssyncset.done $0x0  }
0x538: {  	[sflag:s11] =	ssyncadd.s32 $0xFFFFCE00  }
0x539: {  	[hbm4b:s21+s2] =	stream.linear.scatter [tilespmem:s5], [sflag:$0x6], $0xC800, $0x38;
	[tilespmem:$0x19C80] =	vst v63  }
0x53a: {  	_ = 	snop  }
0x53b: {  	[tilespmem:s7], [sflag:$0x2] =	stream.linear.gather [hbm4b:s22+s2], $0x640, $0x38;
	[tilespmem:$0x19C80] =	vst v63  }
0x53c: {  	_ =	swait.ge [sflag:s28], $0x640  }
0x53d: {  	[sflag:s28] =	ssyncset.done $0x0  }
0x53e: {  	[sflag:s28] =	ssyncadd.s32 $0xFFFFF9C0  }
0x53f: {  	_ =	swait.ge [sflag:s10], $0xC800  }
0x540: {  	[sflag:s10] =	ssyncset.done $0x0  }
0x541: {  	[sflag:s10] =	ssyncadd.s32 $0xFFFF3800  }
0x542: {  	[tilespmem:s12], [sflag:$0x3] =	stream.indirect.gather [hbm4b:s3+s6], $0x20, s2, s6, $0xb8;
	[tilespmem:$0x19C80] =	vst v63  }
0x543: {  	_ = 	snop  }
0x544: {  	[tilespmem:s23], [sflag:$0x3] =	stream.indirect.gather [hbm4b:s3+s6], $0x20, s6, s6, $0xb8;
	[tilespmem:$0x19C80] =	vst v63  }
0x545: {  	_ = 	snop  }
0x546: {  	[tilespmem:s25], [sflag:$0x3] =	stream.indirect.gather [hbm4b:s3+s6], $0x20, s24, s6, $0xb8;
	[tilespmem:$0x19C80] =	vst v63  }
0x547: {  	_ = 	snop  }
0x548: {  	[tilespmem:s29], [sflag:$0x3] =	stream.indirect.gather [hbm4b:s3+s6], $0x20, s26, s6, $0xb8;
	[tilespmem:$0x19C80] =	vst v63  }
0x549: {  	_ =	swait.ge [sflag:s19], $0x3200  }
0x54a: {  	[sflag:s19] =	ssyncset.done $0x0  }
0x54b: {  	[sflag:s19] =	ssyncadd.s32 $0xFFFFCE00  }
0x54c: {  	_ =	swait.ge [sflag:s19], $0x3200  }
0x54d: {  	[sflag:s19] =	ssyncset.done $0x0  }
0x54e: {  	[sflag:s19] =	ssyncadd.s32 $0xFFFFCE00  }
0x54f: {  	_ =	swait.ge [sflag:s19], $0x3200  }
0x550: {  	[sflag:s19] =	ssyncset.done $0x0  }
0x551: {  	[sflag:s19] =	ssyncadd.s32 $0xFFFFCE00  }
0x552: {  	_ =	swait.ge [sflag:s19], $0x3200  }
0x553: {  	[sflag:s19] =	ssyncset.done $0x0  }
0x554: {  	[sflag:s19] =	ssyncadd.s32 $0xFFFFCE00  }
0x555: {  	[hbm4b:s4+s2] =	stream.linear.scatter [tilespmem:s12], [sflag:$0x5], $0xC800, $0x38;
	[tilespmem:$0x19C80] =	vst v63  }
0x556: {  	_ =	swait.ge [sflag:s16], $0x640  }
0x557: {  	[sflag:s16] =	ssyncset.done $0x0  }
0x558: {  	[sflag:s16] =	ssyncadd.s32 $0xFFFFF9C0  }
0x559: {  	_ =	swait.ge [sflag:s9], $0xC800  }
0x55a: {  	[sflag:s9] =	ssyncset.done $0x0  }
0x55b: {  	[sflag:s9] =	ssyncadd.s32 $0xFFFF3800  }
0x55c: {  	[tilespmem:s5], [sflag:$0x4] =	stream.indirect.gather [hbm4b:s3+s6], $0x20, s7, s6, $0xb8;
	[tilespmem:$0x19C80] =	vst v63  }
0x55d: {  	_ = 	snop  }
0x55e: {  	[tilespmem:s14], [sflag:$0x4] =	stream.indirect.gather [hbm4b:s3+s6], $0x20, s13, s6, $0xb8;
	[tilespmem:$0x19C80] =	vst v63  }
0x55f: {  	_ = 	snop  }
0x560: {  	[tilespmem:s17], [sflag:$0x4] =	stream.indirect.gather [hbm4b:s3+s6], $0x20, s15, s6, $0xb8;
	[tilespmem:$0x19C80] =	vst v63  }
0x561: {  	_ = 	snop  }
0x562: {  	[tilespmem:s20], [sflag:$0x4] =	stream.indirect.gather [hbm4b:s3+s6], $0x20, s18, s6, $0xb8;
	[tilespmem:$0x19C80] =	vst v63  }
0x563: {  	_ =	swait.ge [sflag:s11], $0x3200  }
0x564: {  	[sflag:s11] =	ssyncset.done $0x0  }
0x565: {  	[sflag:s11] =	ssyncadd.s32 $0xFFFFCE00  }
0x566: {  	_ =	swait.ge [sflag:s11], $0x3200  }
0x567: {  	[sflag:s11] =	ssyncset.done $0x0  }
0x568: {  	[sflag:s11] =	ssyncadd.s32 $0xFFFFCE00  }
0x569: {  	_ =	swait.ge [sflag:s11], $0x3200  }
0x56a: {  	[sflag:s11] =	ssyncset.done $0x0  }
0x56b: {  	[sflag:s11] =	ssyncadd.s32 $0xFFFFCE00  }
0x56c: {  	_ =	swait.ge [sflag:s11], $0x3200  }
0x56d: {  	[sflag:s11] =	ssyncset.done $0x0  }
0x56e: {  	[sflag:s11] =	ssyncadd.s32 $0xFFFFCE00  }
0x56f: {  	[hbm4b:s31+s2] =	stream.linear.scatter [tilespmem:s5], [sflag:$0x6], $0xC800, $0x38;
	[tilespmem:$0x19C80] =	vst v63  }
0x570: {  	_ =	swait.ge [sflag:s10], $0xC800  }
0x571: {  	[sflag:s10] =	ssyncset.done $0x0  }
0x572: {  	[sflag:s10] =	ssyncadd.s32 $0xFFFF3800  }
0x573: {  	_ =	swait.ge [sflag:s9], $0xC800  }
0x574: {  	[sflag:s9] =	ssyncset.done $0x0  }
0x575: {  	[sflag:s9] =	ssyncadd.s32 $0xFFFF3800  }
0x576: {  	_ =	sfence.sel $0x180000  }
0x577: {  	[bflag:$0x0] =	sbarrier.arrive $0xFFFF  }
0x578: {  	_ =	strace $0x90000047  }
0x579: {  	s31 =	stileid.u32;
	[bflag:$0x2] =	sbarrier.arrive $0xFFFF  }
0x57a: {  	p0 =	sne.s32 s31, $0x0;
	s0 =	rddreg [dreg:$0x2]  }
0x57b: {  	s0 =	sadd.s32 @!p0 $0x100000, s0  }
0x57c: {  	[sflag:s0] =	ssyncadd.tile.s32 @!p0 $0x1;
	_ =	shalt  }
.Lfunc_end2:
_tile_overlayer_lowered:
.L_overlay_start_2:
0x57d: {  	(tag) =	ssettag $0x2  }
0x57e: {  	s0 =	rddreg [dreg:$0x0];
	s2 =	stileid.u32  }
0x57f: {  	s1 =	rddreg [dreg:$0x1];
	p0 =	sne.s32 s2, $0x0  }
0x580: {  	s3 =	rddreg [dreg:$0x2];
	[bflag:$0x3] =	sbarrier.arrive $0xFFFF;
	s2 =	simm.s32 @!p0 $0x1C07  }
0x581: {  	[timem:s3], [sflag:s2] =	dma.local @!p0 [hbm:s0], s1  }
0x582: {  	s0 =	simm.s32 @!p0 $0x7  }
0x583: {  	_ =	swait.ge @!p0 [sflag:s0], s1  }
0x584: {  	s1 =	ssub.s32 @!p0 $0x0, s1;
	[sflag:s0] =	ssyncset.done @!p0 $0x0  }
0x585: {  	[sflag:s0] =	ssyncadd.s32 @!p0 s1  }
0x586: {  	[bflag:$0x3] =	sbarrier.arrive $0xFFFF  }
0x587: {  	_ =	shalt  }

// kernel: sparse-core-data-format-call.1.cloned.1.call-start
scs
called_computation.1_lowered:
.L_overlay_start_0:
0x0: {  	s2 =	sld [smem:$0x3FD9]  }
0x1: {  	s3 =	sld [smem:$0x3FFE];
	_ =	sdelay $0x1  }
0x2: {  	s1 =	srdreg.scid  }
0x3: {  	s0 =	sand.u32 $0x1, s1  }
0x4: {  	s18 =	sshll.u32 s0, $0xA;
	s2 =	sadd.s32 s3, s2  }
0x5: {  	s2 =	sadd.s32 s2, s18  }
0x6: {  	[smem:$0x3FC6] =	sst s2  }
0x7: {  	_ = 	snop  }
0x8: {  	s2 =	sld [smem:$0x3FD0];
	(tm) =	ssettm $0x1  }
0x9: {  	s19 =	sld [smem:$0x3FFB];
	_ =	sdelay $0x3  }
0xa: {  	_ =	strace s19  }
0xb: {  	s3 =	sld [smem:$0x3FFC];
	_ =	sdelay $0x3  }
0xc: {  	_ =	strace s3  }
0xd: {  	s3 =	sld [smem:$0x3FFD];
	_ =	sdelay $0x3  }
0xe: {  	_ =	strace s3  }
0xf: {  	_ =	strace $0x8FFFFFFF  }
0x10: {  	s20 =	sld [smem:$0x3FDB];
	_ =	sdelay $0x1  }
0x11: {  	s4 =	simm.s32 $_scs_section_size  }
0x12: {  	s5 =	simm.s32 $_size__tile_overlayer_lowered;
	s6 =	simm.s32 $_tile_overlayer_lowered  }
0x13: {  	s23 =	simm.s32 $0x1BFF;
	s22 =	sshll.u32 s6, $0x1;
	s3 =	sadd.s32 s4, s20  }
0x14: {  	s7 =	simm.s32 $0x0;
	s21 =	sshll.u32 s5, $0x1;
	s5 =	sadd.s32 s22, s3  }
0x15: {  	[timem:s7], [sflag:s23] =	dma.local [hbm:s5], s21  }
0x16: {  	_ =	swait.ge [sflag:s23], s21  }
0x17: {  	s4 =	ssub.s32 $0x0, s21;
	[sflag:s23] =	ssyncset.done $0x0  }
0x18: {  	[sflag:s23] =	ssyncadd.s32 s4;
	_ =	sdelay $0x1  }
0x19: {  	s24 =	simm.s32 $0x1B8B  }
0x1a: {  	_ =	swait.ge [sflag:s24], $0x1  }
0x1b: {  	[sflag:s24] =	ssyncset.done $0x0  }
0x1c: {  	s26 =	simm.s32 $0x1B8E;
	s25 =	sld [smem:$0x3FFE];
	[sflag:s24] =	ssyncadd.s32 $0xFFFFFFFF  }
0x1d: {  	s27 =	simm.s32 $execute0_lowered;
	[smem:$0x3FD2] =	sst s26  }
0x1e: {  	s5 =	sshll.u32 s27, $0x1;
	_ =	strace $0x80000049;
	[dreg:$0x1] =	wrdreg $0xFFFFFFFF  }
0x1f: {  	s28 =	simm.s32 $_size_execute0_lowered;
	s3 =	sadd.s32 s3, s5;
	[dreg:$0x0] =	wrdreg $0x0  }
0x20: {  	s5 =	sshll.u32 s28, $0x1;
	[dreg:$0x2] =	wrdreg s3  }
0x21: {  	[dreg:$0x3] =	wrdreg s5  }
0x22: {  	[dreg:$0x4] =	wrdreg $0xC0  }
0x23: {  	_ =	task [dreg:s7], $0x5FFFF  }
0x24: {  	[dreg:$0x1] =	wrdreg $0xFFFFFFFF  }
0x25: {  	[dreg:$0x0] =	wrdreg $0x60  }
0x26: {  	[dreg:$0x2] =	wrdreg s25  }
0x27: {  	[dreg:$0x3] =	wrdreg s2  }
0x28: {  	[dreg:$0x4] =	wrdreg $0x9  }
0x29: {  	_ =	task.clear_ibuf [dreg:s7], $0x5FFFF;
	_ =	strace $0x90000049  }
0x2a: {  	s29 =	simm.s32 $0x9;
	_ =	strace $0x8000004B  }
0x2b: {  	_ =	swait.ge [sflag:s29], $0x1  }
0x2c: {  	[sflag:s29] =	ssyncadd.s32 $0xFFFFFFFF  }
0x2d: {  	_ =	strace $0x9000004B  }
0x2e: {  	_ =	sfence  }
0x2f: {  	s30 =	sld [smem:$0x0];
	_ =	sdelay $0x2  }
0x30: {  	s31 =	sshll.u32 s1, $0xD;
	s1 =	sshrl.u32 s1, $0x2  }
0x31: {  	s3 =	sand.u32 $0x4000, s31;
	s1 =	sadd.s32 s1, s30  }
0x32: {  	s0 =	sor.u32 s3, s0;
	s1 =	sshll.u32 s1, $0x11  }
0x33: {  	s0 =	sor.u32 s1, s0  }
0x34: {  	s0 =	sadd.s32 $0x8F2B, s0  }
0x35: {  	[sflag:s0] =	ssyncadd.remote.s32 $0x1  }
0x36: {  	_ =	sfence.sel $0xFFFF  }
0x37: {  	[dreg:$0x0] =	wrdreg $0xFFFFFFFF;
	(pc) =	sbr.abs _section_cstart, $3  }
0x38: {  	[dreg:$0x1] =	wrdreg $0xFFFFFFFF  }
0x39: {  	_ =	task.clear_ibuf [dreg:s7], $0x2FFFF;
	_ =	strace $0x9FFFFFFF  }
0x3a: {  	(tm) =	ssettm $0x7FFFFFFF  }
0x3b: {  	_ =	shalt  }
tec
execute0_lowered:
.L_overlay_start_1:
0x0: {  	(tag) =	ssettag $0x1  }
0x1: {  	s0 =	srdreg.scid  }
0x2: {  	s1 =	sshll.u32 s0, $0x4  }
0x3: {  	s4 =	rddreg [dreg:$0x0];
	s0 =	stileid.u32;
	s1 =	sand.u32 $0x10, s1  }
0x4: {  	s2 =	rddreg [dreg:$0x1];
	s7 =	simm.s32 $0x1;
	s1 =	sor.u32 s0, s1  }
0x5: {  	s8 =	simm.s32 $0x2;
	s11 =	simm.s32 $0x0;
	s3 =	sshll.u32 s1, $0x7  }
0x6: {  	s10 =	simm.s32 $0x0;
	s4 =	sadd.s32 $0xE00, s4;
	s6 =	ssub.s32 $0xC8000, s3  }
.Ltmp0:
0x7: {  	s1 =	rddreg [dreg:$0x2];
	s5 =	sand.u32 $0xF80, s6;
	(pc) =	sbr.rel .LBB1_1-.Ltmp0, $4  }
0x8: {  	_ =	strace $0x8000004A;
	s9 =	smov.u32 s3;
	p0 =	sne.s32 s5, $0x0  }
0x9: {  	s6 =	sshrl.u32 s6, $0xC;
	s5 =	simm.s32 $0x1;
	s7 =	simm.s32 @!p0 $0x0  }
0xa: {  	[sflag:s5] =	ssyncpa.u1 $0x0;
	p0 =	por $0x0, $0x0;
	s6 =	sadd.s32 s7, s6  }
0xb: {  	[sflag:s8] =	ssyncpa.u1 $0x0;
	s8 =	simm.s32 $0x640000;
	s7 =	sadd.s32 $0x1, s6  }
.LBB1_4:
0xc: {  	s14 =	sshll.u32 s11, $0x3  }
0xd: {  	s30 =	sand.u32 $0x7F, s11;
	s15 =	sand.u32 $0xFFFFFC00, s14  }
0xe: {  	s11 =	sor.u32 s30, s15  }
0xf: {  	s15 =	smulhi.u32 $0x51EB851F, s11  }
0x10: {  	s14 =	smulhi.u32 $0x51EB851F, s14  }
0x11: {  	s15 =	sshrl.u32 s15, $0x12  }
0x12: {  	s14 =	sshrl.u32 s14, $0x12;
	s15 =	smul.u32 $0xC8000, s15  }
0x13: {  	s14 =	sand.u32 $0x1F, s14  }
0x14: {  	s14 =	smul.u32 $0x19000, s14;
	s11 =	ssub.s32 s11, s15  }
0x15: {  	s15 =	sand.u32 $0x7, s11  }
0x16: {  	s14 =	sadd.s32 s2, s14;
	s11 =	sshrl.u32 s11, $0x3;
	s15 =	sshll.u32 s15, $0x12  }
0x17: {  	[tilespmem:s13+$0x0 ss:$0x81] =	vst.msk $0xffff, v0;
	s11 =	sadd.s32 s11, s14;
	s31 =	sor.u32 $0x400, s15  }
0x18: {  	[hbm4b:s11+s31] =	stream.strided.scatter [tilespmem:s12], [sflag:$0x2], $0x1000, s8, s31, $0x20;
	[tilespmem:$0x4040] =	vst v63  }
.LBB1_5:
0x19: {  	s13 =	sadd.s32 $0x1000, s9  }
0x1a: {  	p2 =	sgt.s32 s13, $0xC7FFF  }
0x1b: {  	s13 =	smov.u32 @p2 s3;
	p2 =	sne.s32 s10, s7  }
.Ltmp1:
0x1c: {  	p1 =	slt.u32 s10, $0x2;
	(pc) =	sbr.rel @!p2 .LBB1_6-.Ltmp1, $4  }
0x1d: {  	s12 =	simm.s32 @!p1 $0x2  }
0x1e: {  	s14 =	sadd.s32 $0x1, s10;
	_ =	swait.ge @!p1 [sflag:s12], $0x1000  }
0x1f: {  	s11 =	smov.u32 s9;
	p0 =	por !p0, !p0;
	[sflag:s12] =	ssyncset.done @!p1 $0x0  }
0x20: {  	s10 =	smov.u32 s14;
	s9 =	smov.u32 s13;
	[sflag:s12] =	ssyncadd.s32 @!p1 $0xFFFFF000  }
.LBB1_1:
0x21: {  	p1 =	sge.u32 s10, s6  }
0x22: {  	s12 =	sand.u32 @!p1 $0x1FFFFFF, s9  }
0x23: {  	s13 =	smulhi.u32 @!p1 $0x147AE15, s12;
	_ =	sdelay $0x1  }
0x24: {  	s13 =	sshrl.u32 @!p1 s13, $0xC  }
0x25: {  	s13 =	smul.u32 @!p1 $0xC8000, s13;
	_ =	sdelay $0x1  }
0x26: {  	s31 =	sadd.s32 $0xFFFFFFFF, s10;
	s14 =	sxor.u32 @!p1 $0xFFFFFFFF, s10;
	s12 =	ssub.s32 @!p1 s12, s13  }
0x27: {  	s15 =	simm.s32 @!p1 $0x80;
	s14 =	sshll.u32 @!p1 s14, $0xC;
	s12 =	sshll.u32 @!p1 s12, $0x4  }
0x28: {  	s13 =	sand.u32 @!p1 $0x1000, s14;
	s14 =	simm.s32 @!p1 $0x20;
	s12 =	sadd.s32 @!p1 s4, s12  }
0x29: {  	[tilespmem:s13], [sflag:$0x1] =	stream.strided.gather @!p1 [hbm4b:s12+s14], $0x1000, s15, s14, $0x38;
	[tilespmem:$0x4040] =	vst v63  }
0x2a: {  	p1 =	sge.u32 s31, s6  }
.Ltmp2:
0x2b: {  	_ = 	snop;
	(pc) =	sbr.rel @p1 .LBB1_5-.Ltmp2, $1  }
0x2c: {  	_ =	sdelay $0x3  }
0x2d: {  	s12 =	simm.s32 $0x1  }
0x2e: {  	_ =	swait.ge [sflag:s5], $0x1000;
	s12 =	simm.s32 @!p0 $0x0  }
0x2f: {  	[sflag:s5] =	ssyncset.done $0x0;
	s13 =	sshll.u32 s12, $0xC  }
0x30: {  	[sflag:s5] =	ssyncadd.s32 $0xFFFFF000;
	s16 =	sor.u32 $0x10, s13  }
0x31: {  	s12 =	smul.u32 $0x4080, s12;
	v1 =	vld [tilespmem:s16+$0x0]  }
0x32: {  	s30 =	sand.u32 $0x1, s10;
	v0 =	vld [tilespmem:s16+$0xFFFFFFF0]  }
0x33: {  	s13 =	smul.u32 $0x4080, s30;
	s12 =	sshrl.u32 s12, $0x2  }
0x34: {  	s14 =	sor.u32 $0x2000, s12  }
0x35: {  	s31 =	sshrl.u32 s13, $0x2;
	s13 =	sadd.s32 $0x0, s14  }
0x36: {  	s15 =	simm.s32 $0x4;
	s16 =	sadd.s32 $0x20, s16;
	s12 =	sor.u32 $0x2000, s31;
	[tilespmem:s13+$0x810 ss:$0x81] =	vst.msk $0xffff, v1  }
.LBB1_3:
0x37: {  	v1 =	vld [tilespmem:s16+$0x0];
	p1 =	sne.s32 s15, $0x1FC;
	[tilespmem:s13+$0x0 ss:$0x81] =	vst.msk $0xffff, v0;
	s13 =	smov.u32 s15;
	s15 =	sadd.s32 $0x4, s15  }
.Ltmp3:
0x38: {  	v0 =	vld [tilespmem:s16+$0xFFFFFFF0];
	(pc) =	sbr.rel @p1 .LBB1_3-.Ltmp3, $4  }
0x39: {  	_ = 	snop  }
0x3a: {  	s13 =	sshra.s32 s13, $0x2  }
0x3b: {  	s13 =	sadd.s32 s13, s14  }
0x3c: {  	s16 =	sadd.s32 $0x20, s16;
	[tilespmem:s13+$0x810 ss:$0x81] =	vst.msk $0xffff, v1  }
.Ltmp4:
0x3d: {  	_ = 	snop;
	(pc) =	sbr.rel .LBB1_4-.Ltmp4, $1  }
0x3e: {  	_ =	sdelay $0x3  }
.LBB1_6:
0x3f: {  	_ =	sfence.sel $0x180000  }
0x40: {  	s2 =	simm.s32 $0x1;
	[bflag:$0x0] =	sbarrier.arrive $0xFFFF  }
0x41: {  	s31 =	simm.s32 $0x2;
	[sflag:s2] =	ssyncpa.u1 $0x1  }
0x42: {  	[sflag:s31] =	ssyncpa.u1 $0x1  }
0x43: {  	p0 =	sne.s32 s0, $0x0;
	_ =	strace $0x9000004A  }
0x44: {  	s0 =	sadd.s32 @!p0 $0x100000, s1;
	[bflag:$0x2] =	sbarrier.arrive $0xFFFF  }
0x45: {  	[sflag:s0] =	ssyncadd.tile.s32 @!p0 $0x1;
	_ =	shalt  }
.Lfunc_end1:
_tile_overlayer_lowered:
.L_overlay_start_2:
0x46: {  	(tag) =	ssettag $0x2  }
0x47: {  	s0 =	rddreg [dreg:$0x0];
	s2 =	stileid.u32  }
0x48: {  	s1 =	rddreg [dreg:$0x1];
	p0 =	sne.s32 s2, $0x0  }
0x49: {  	s3 =	rddreg [dreg:$0x2];
	[bflag:$0x3] =	sbarrier.arrive $0xFFFF;
	s2 =	simm.s32 @!p0 $0x1C01  }
0x4a: {  	[timem:s3], [sflag:s2] =	dma.local @!p0 [hbm:s0], s1  }
0x4b: {  	s0 =	simm.s32 @!p0 $0x1  }
0x4c: {  	_ =	swait.ge @!p0 [sflag:s0], s1  }
0x4d: {  	s1 =	ssub.s32 @!p0 $0x0, s1;
	[sflag:s0] =	ssyncset.done @!p0 $0x0  }
0x4e: {  	[sflag:s0] =	ssyncadd.s32 @!p0 s1  }
0x4f: {  	[bflag:$0x3] =	sbarrier.arrive $0xFFFF  }
0x50: {  	_ =	shalt  }

// kernel: sparse-core-data-format-call.cloned.1.call-start
scs
called_computation_lowered:
.L_overlay_start_0:
0x0: {  	s2 =	sld [smem:$0x3FD9]  }
0x1: {  	s3 =	sld [smem:$0x3FFE];
	_ =	sdelay $0x1  }
0x2: {  	s1 =	srdreg.scid  }
0x3: {  	s0 =	sand.u32 $0x1, s1  }
0x4: {  	s18 =	sshll.u32 s0, $0xA;
	s2 =	sadd.s32 s3, s2  }
0x5: {  	s2 =	sadd.s32 s2, s18  }
0x6: {  	[smem:$0x3FC6] =	sst s2  }
0x7: {  	_ = 	snop  }
0x8: {  	s2 =	sld [smem:$0x3FD0];
	(tm) =	ssettm $0x1  }
0x9: {  	s19 =	sld [smem:$0x3FFB];
	_ =	sdelay $0x3  }
0xa: {  	_ =	strace s19  }
0xb: {  	s3 =	sld [smem:$0x3FFC];
	_ =	sdelay $0x3  }
0xc: {  	_ =	strace s3  }
0xd: {  	s3 =	sld [smem:$0x3FFD];
	_ =	sdelay $0x3  }
0xe: {  	_ =	strace s3  }
0xf: {  	_ =	strace $0x8FFFFFFF  }
0x10: {  	s20 =	sld [smem:$0x3FDB];
	_ =	sdelay $0x1  }
0x11: {  	s4 =	simm.s32 $_scs_section_size  }
0x12: {  	s5 =	simm.s32 $_size__tile_overlayer_lowered;
	s6 =	simm.s32 $_tile_overlayer_lowered  }
0x13: {  	s23 =	simm.s32 $0x1BFF;
	s22 =	sshll.u32 s6, $0x1;
	s3 =	sadd.s32 s4, s20  }
0x14: {  	s7 =	simm.s32 $0x0;
	s21 =	sshll.u32 s5, $0x1;
	s5 =	sadd.s32 s22, s3  }
0x15: {  	[timem:s7], [sflag:s23] =	dma.local [hbm:s5], s21  }
0x16: {  	_ =	swait.ge [sflag:s23], s21  }
0x17: {  	s4 =	ssub.s32 $0x0, s21;
	[sflag:s23] =	ssyncset.done $0x0  }
0x18: {  	[sflag:s23] =	ssyncadd.s32 s4;
	_ =	sdelay $0x1  }
0x19: {  	s24 =	simm.s32 $0x1B8B  }
0x1a: {  	_ =	swait.ge [sflag:s24], $0x1  }
0x1b: {  	[sflag:s24] =	ssyncset.done $0x0  }
0x1c: {  	s26 =	simm.s32 $0x1B8E;
	s25 =	sld [smem:$0x3FFE];
	[sflag:s24] =	ssyncadd.s32 $0xFFFFFFFF  }
0x1d: {  	s27 =	simm.s32 $execute0_lowered;
	[smem:$0x3FD2] =	sst s26  }
0x1e: {  	s5 =	sshll.u32 s27, $0x1;
	_ =	strace $0x8000004C;
	[dreg:$0x1] =	wrdreg $0xFFFFFFFF  }
0x1f: {  	s28 =	simm.s32 $_size_execute0_lowered;
	s3 =	sadd.s32 s3, s5;
	[dreg:$0x0] =	wrdreg $0x0  }
0x20: {  	s5 =	sshll.u32 s28, $0x1;
	[dreg:$0x2] =	wrdreg s3  }
0x21: {  	[dreg:$0x3] =	wrdreg s5  }
0x22: {  	[dreg:$0x4] =	wrdreg $0xC0  }
0x23: {  	_ =	task [dreg:s7], $0x5FFFF  }
0x24: {  	[dreg:$0x1] =	wrdreg $0xFFFFFFFF  }
0x25: {  	[dreg:$0x0] =	wrdreg $0x60  }
0x26: {  	[dreg:$0x2] =	wrdreg s25  }
0x27: {  	[dreg:$0x3] =	wrdreg s2  }
0x28: {  	[dreg:$0x4] =	wrdreg $0x9  }
0x29: {  	_ =	task.clear_ibuf [dreg:s7], $0x5FFFF;
	_ =	strace $0x9000004C  }
0x2a: {  	s29 =	simm.s32 $0x9;
	_ =	strace $0x8000004E  }
0x2b: {  	_ =	swait.ge [sflag:s29], $0x1  }
0x2c: {  	[sflag:s29] =	ssyncadd.s32 $0xFFFFFFFF  }
0x2d: {  	_ =	strace $0x9000004E  }
0x2e: {  	_ =	sfence  }
0x2f: {  	s30 =	sld [smem:$0x0];
	_ =	sdelay $0x2  }
0x30: {  	s31 =	sshll.u32 s1, $0xD;
	s1 =	sshrl.u32 s1, $0x2  }
0x31: {  	s3 =	sand.u32 $0x4000, s31;
	s1 =	sadd.s32 s1, s30  }
0x32: {  	s0 =	sor.u32 s3, s0;
	s1 =	sshll.u32 s1, $0x11  }
0x33: {  	s0 =	sor.u32 s1, s0  }
0x34: {  	s0 =	sadd.s32 $0x8F2B, s0  }
0x35: {  	[sflag:s0] =	ssyncadd.remote.s32 $0x1  }
0x36: {  	_ =	sfence.sel $0xFFFF  }
0x37: {  	[dreg:$0x0] =	wrdreg $0xFFFFFFFF;
	(pc) =	sbr.abs _section_cstart, $3  }
0x38: {  	[dreg:$0x1] =	wrdreg $0xFFFFFFFF  }
0x39: {  	_ =	task.clear_ibuf [dreg:s7], $0x2FFFF;
	_ =	strace $0x9FFFFFFF  }
0x3a: {  	(tm) =	ssettm $0x7FFFFFFF  }
0x3b: {  	_ =	shalt  }
tec
execute0_lowered:
.L_overlay_start_1:
0x0: {  	(tag) =	ssettag $0x1  }
0x1: {  	s8 =	rddreg [dreg:$0x0]  }
0x2: {  	s2 =	rddreg [dreg:$0x1];
	s1 =	stileid.u32  }
0x3: {  	s4 =	srdreg.scid;
	s0 =	rddreg [dreg:$0x2];
	_ =	strace $0x8000004D  }
0x4: {  	s9 =	simm.s32 $0x1;
	s31 =	simm.s32 $0x2;
	s16 =	simm.s32 $0x0  }
0x5: {  	s17 =	simm.s32 $0x0;
	s11 =	simm.s32 $0x0;
	s12 =	simm.s32 $0x0  }
0x6: {  	s15 =	simm.s32 $0x0;
	s3 =	sshll.u32 s1, $0x1;
	s4 =	sshll.u32 s4, $0x7  }
0x7: {  	s4 =	sand.u32 $0x80, s4;
	s5 =	ssub.s32 $0x20, s3;
	s14 =	smov.u32 s3  }
0x8: {  	s6 =	sshrl.u32 s5, $0x5;
	s5 =	sand.u32 $0x1E, s5;
	s7 =	ssub.s32 $0x4000, s4  }
0x9: {  	p0 =	sne.s32 s5, $0x0;
	s30 =	sshrl.u32 s7, $0x7;
	s7 =	sshrl.u32 s7, $0x8  }
.Ltmp0:
0xa: {  	s9 =	simm.s32 @!p0 $0x0;
	s10 =	sand.u32 $0x1, s30;
	(pc) =	sbr.rel .LBB1_1-.Ltmp0, $4  }
0xb: {  	s5 =	simm.s32 $0x1;
	s6 =	sadd.s32 s9, s6;
	s7 =	sadd.s32 s7, s10  }
0xc: {  	s13 =	smov.u32 s4;
	[sflag:s5] =	ssyncpa.u1 $0x0;
	s6 =	smul.u32 s6, s7  }
0xd: {  	p0 =	por $0x0, $0x0;
	[sflag:s31] =	ssyncpa.u1 $0x0;
	s10 =	simm.s32 $0x80000  }
0xe: {  	s7 =	sadd.s32 $0xE00, s8;
	s8 =	sadd.s32 $0x40E00, s8;
	s9 =	sadd.s32 $0x1, s6  }
.LBB1_7:
0xf: {  	p1 =	slt.u32 s15, $0x2  }
0x10: {  	s19 =	smov.u32 s17;
	p2 =	sgt.s32 @!p1 s17, $0x1E;
	s18 =	sshra.s32 @!p1 s17, $0x1F  }
0x11: {  	p3 =	sgt.s32 @!p1 s16, $0x3F80;
	s20 =	sshra.s32 @!p1 s16, $0x1F;
	p2 =	por !p2, p1  }
0x12: {  	s17 =	sand.u32 @!p1 s18, s17;
	p3 =	por !p3, p1;
	s18 =	smov.u32 s16  }
0x13: {  	s16 =	sand.u32 @!p1 s20, s16;
	s19 =	simm.s32 @p2 $0x1E;
	s18 =	simm.s32 @p3 $0x3F80  }
0x14: {  	s20 =	smov.u32 s14;
	s17 =	ssub.s32 @!p1 s19, s17;
	s16 =	ssub.s32 @!p1 s18, s16  }
0x15: {  	s18 =	sadd.s32 @!p1 $0xFFFFFFE2, s17;
	s17 =	ssub.s32 @!p1 $0x20, s17;
	s19 =	sadd.s32 @!p1 $0xFFFFC080, s16  }
0x16: {  	p2 =	sgt.s32 @!p1 s18, $0x1;
	s17 =	smul.u32 @!p1 $0x32, s17;
	p3 =	sgt.s32 @!p1 s19, $0x7F  }
0x17: {  	s16 =	ssub.s32 @!p1 $0x4000, s16;
	p2 =	por !p2, p1;
	p3 =	por !p3, p1  }
0x18: {  	s18 =	sadd.s32 $0x100, s13;
	s17 =	simm.s32 @!p2 $0x0;
	s16 =	simm.s32 @!p3 $0x0  }
0x19: {  	p2 =	sgt.s32 s18, $0x3FFF;
	s16 =	smul.u32 @!p1 s16, s17;
	s17 =	sadd.s32 $0x20, s14  }
0x1a: {  	s20 =	smov.u32 @p2 s17  }
0x1b: {  	s18 =	smov.u32 @p2 s4;
	p2 =	sgt.s32 s20, $0x1F  }
0x1c: {  	s20 =	smov.u32 @p2 s3;
	p2 =	sne.s32 s15, s9  }
.Ltmp1:
0x1d: {  	p0 =	por !p0, !p0;
	s19 =	simm.s32 @!p1 $0x2;
	(pc) =	sbr.rel @!p2 .LBB1_8-.Ltmp1, $4  }
0x1e: {  	s17 =	smov.u32 s12;
	s12 =	smov.u32 s14;
	s16 =	sand.u32 @!p1 $0x3FFFFFFE, s16  }
0x1f: {  	_ =	swait.ge @!p1 [sflag:s19], s16;
	s21 =	ssub.s32 @!p1 $0x0, s16;
	s16 =	smov.u32 s11  }
0x20: {  	s15 =	sadd.s32 $0x1, s15;
	s11 =	smov.u32 s13;
	[sflag:s19] =	ssyncset.done @!p1 $0x0  }
0x21: {  	s13 =	smov.u32 s18;
	s14 =	smov.u32 s20;
	[sflag:s19] =	ssyncadd.s32 @!p1 s21  }
.LBB1_1:
0x22: {  	p1 =	sge.u32 s15, s6  }
0x23: {  	s18 =	sxor.u32 @!p1 $0xFFFFFFFF, s15;
	s19 =	sshll.u32 @!p1 s14, $0x12  }
0x24: {  	s20 =	sshll.u32 @!p1 s13, $0x4;
	s22 =	simm.s32 @!p1 $0x40;
	s23 =	simm.s32 @!p1 $0x80  }
0x25: {  	s18 =	sshll.u32 @!p1 s18, $0xE;
	s20 =	sand.u32 @!p1 $0x3FFF0, s20;
	s21 =	sadd.s32 @!p1 s7, s19  }
0x26: {  	s19 =	sadd.s32 @!p1 s19, s8;
	s18 =	sand.u32 @!p1 $0x4000, s18;
	s21 =	sadd.s32 @!p1 s20, s21  }
0x27: {  	[tilespmem:s18], [sflag:$0x1] =	stream.strided.gather @!p1 [hbm4b:s21+s22], $0x2000, s23, s22, $0x38;
	[tilespmem:$0x10100] =	vst v63  }
0x28: {  	s31 =	sadd.s32 $0xFFFFFFFF, s15;
	s19 =	sadd.s32 @!p1 s20, s19;
	s18 =	sor.u32 @!p1 $0x2000, s18  }
0x29: {  	[tilespmem:s18], [sflag:$0x1] =	stream.strided.gather @!p1 [hbm4b:s19+s22], $0x2000, s23, s22, $0x38;
	[tilespmem:$0x10100] =	vst v63  }
0x2a: {  	p1 =	sge.u32 s31, s6  }
.Ltmp2:
0x2b: {  	_ = 	snop;
	(pc) =	sbr.rel @p1 .LBB1_7-.Ltmp2, $1  }
0x2c: {  	_ =	sdelay $0x3  }
0x2d: {  	s18 =	simm.s32 $0x1;
	s20 =	sand.u32 $0x1, s15  }
0x2e: {  	_ =	swait.ge [sflag:s5], $0x4000;
	s18 =	simm.s32 @!p0 $0x0;
	s20 =	smul.u32 $0x10200, s20  }
0x2f: {  	p2 =	por $0x1, $0x1;
	[sflag:s5] =	ssyncset.done $0x0;
	s19 =	smul.u32 $0x10200, s18  }
0x30: {  	s21 =	sshll.u32 s18, $0x10;
	[sflag:s5] =	ssyncadd.s32 $0xFFFFC000;
	s30 =	sshrl.u32 s20, $0x2  }
0x31: {  	s31 =	sshrl.u32 s21, $0x2;
	s21 =	simm.s32 $0x0;
	s19 =	sshrl.u32 s19, $0x2  }
0x32: {  	s18 =	sor.u32 $0x8000, s30;
	s20 =	sadd.s32 $0x20, s31;
	s19 =	sor.u32 $0x8000, s19  }
.LBB1_3:
0x33: {  	s22 =	sshll.u32 s21, $0xD  }
0x34: {  	s22 =	sand.u32 $0x3FFFE000, s22  }
0x35: {  	s24 =	sadd.s32 s22, s20  }
0x36: {  	s31 =	smul.u32 $0x204, s21;
	v3 =	vld [tilespmem:s24+$0x10]  }
0x37: {  	v1 =	vld [tilespmem:s24+$0xFFFFFFF0]  }
0x38: {  	s21 =	sshra.s32 s31, $0x2;
	v0 =	vld [tilespmem:s24+$0x0]  }
0x39: {  	s21 =	sadd.s32 s21, s19;
	v2 =	vld [tilespmem:s24+$0xFFFFFFE0]  }
0x3a: {  	s22 =	sadd.s32 $0x0, s21  }
0x3b: {  	p1 =	por p2, p2;
	s23 =	simm.s32 $0x4;
	s24 =	sadd.s32 $0x40, s24;
	[tilespmem:s22+$0x3060 ss:$0x102] =	vst.msk $0xffff, v3  }
.LBB1_4:
0x3c: {  	v3 =	vld [tilespmem:s24+$0x10];
	p2 =	sne.s32 s23, $0x1FC;
	[tilespmem:s22+$0x1020 ss:$0x102] =	vst.msk $0xffff, v1;
	s25 =	smov.u32 s23;
	s23 =	sadd.s32 $0x4, s23  }
.Ltmp3:
0x3d: {  	v1 =	vld [tilespmem:s24+$0xFFFFFFF0];
	[tilespmem:s22+$0x2040 ss:$0x102] =	vst.msk $0xffff, v0;
	(pc) =	sbr.rel @p2 .LBB1_4-.Ltmp3, $4  }
0x3e: {  	v0 =	vld [tilespmem:s24+$0x0];
	[tilespmem:s22+$0x0 ss:$0x102] =	vst.msk $0xffff, v2  }
0x3f: {  	s22 =	sshra.s32 s25, $0x2;
	v2 =	vld [tilespmem:s24+$0xFFFFFFE0]  }
0x40: {  	s22 =	sadd.s32 s22, s21  }
0x41: {  	s24 =	sadd.s32 $0x40, s24;
	[tilespmem:s22+$0x3060 ss:$0x102] =	vst.msk $0xffff, v3  }
.Ltmp4:
0x42: {  	(pc) =	sbr.rel @p1 .LBB1_3-.Ltmp4, $4  }
0x43: {  	_ = 	snop  }
0x44: {  	[tilespmem:s22+$0x1020 ss:$0x102] =	vst.msk $0xffff, v1  }
0x45: {  	[tilespmem:s22+$0x2040 ss:$0x102] =	vst.msk $0xffff, v0  }
0x46: {  	s21 =	simm.s32 $0x1;
	p2 =	por $0x0, $0x0;
	[tilespmem:s22+$0x0 ss:$0x102] =	vst.msk $0xffff, v2  }
0x47: {  	s19 =	sand.u32 $0x78, s11;
	p1 =	sgt.s32 s12, $0x1E;
	s20 =	smov.u32 s12  }
0x48: {  	s21 =	sshra.s32 s12, $0x1F;
	s22 =	sshll.u32 s12, $0xE;
	s23 =	sshll.u32 s11, $0x3  }
0x49: {  	s30 =	sshra.s32 s11, $0x1F;
	s25 =	sshll.u32 s12, $0x7;
	s20 =	simm.s32 @!p1 $0x1E  }
0x4a: {  	s21 =	sand.u32 s21, s12;
	s22 =	sand.u32 $0x60000, s22;
	p1 =	sgt.s32 s11, $0x3F80  }
0x4b: {  	s25 =	sand.u32 $0x380, s25;
	s20 =	ssub.s32 s20, s21;
	s21 =	smov.u32 s11  }
0x4c: {  	s22 =	sadd.s32 s22, s23;
	s24 =	sadd.s32 $0xFFFFFFE2, s20;
	s21 =	simm.s32 @!p1 $0x3F80  }
0x4d: {  	s20 =	ssub.s32 $0x20, s20;
	p1 =	sgt.s32 s24, $0x1;
	s24 =	sand.u32 s30, s11  }
0x4e: {  	s23 =	sand.u32 $0x3C00, s23;
	s20 =	smul.u32 $0x32, s20;
	s21 =	ssub.s32 s21, s24  }
0x4f: {  	s19 =	sor.u32 s25, s19;
	s22 =	sand.u32 $0x7C000, s22;
	s24 =	sadd.s32 $0xFFFFC080, s21  }
0x50: {  	s20 =	simm.s32 @p1 $0x0;
	s21 =	ssub.s32 $0x4000, s21;
	p1 =	sgt.s32 s24, $0x7F  }
.Ltmp5:
0x51: {  	s19 =	sor.u32 s23, s19;
	s21 =	simm.s32 @p1 $0x0;
	(pc) =	sbr.rel .LBB1_7-.Ltmp5, $4  }
0x52: {  	s31 =	sand.u32 $0x7, s11;
	s19 =	sor.u32 s22, s19;
	s20 =	smul.u32 s21, s20  }
0x53: {  	s19 =	sshrl.u32 s19, $0x3;
	s21 =	sshll.u32 s31, $0x12  }
0x54: {  	s19 =	sadd.s32 s2, s19;
	s21 =	sor.u32 $0x100, s21;
	s20 =	sand.u32 $0x3FFFFFFE, s20  }
0x55: {  	[hbm4b:s19+s21] =	stream.strided.scatter [tilespmem:s18], [sflag:$0x2], s20, s10, s21, $0x20;
	[tilespmem:$0x10100] =	vst v63  }
.LBB1_8:
0x56: {  	_ =	sfence.sel $0x180000  }
0x57: {  	s2 =	simm.s32 $0x1;
	[bflag:$0x0] =	sbarrier.arrive $0xFFFF  }
0x58: {  	s31 =	simm.s32 $0x2;
	[sflag:s2] =	ssyncpa.u1 $0x1  }
0x59: {  	[sflag:s31] =	ssyncpa.u1 $0x1  }
0x5a: {  	p0 =	sne.s32 s1, $0x0;
	_ =	strace $0x9000004D  }
0x5b: {  	s0 =	sadd.s32 @!p0 $0x100000, s0;
	[bflag:$0x2] =	sbarrier.arrive $0xFFFF  }
0x5c: {  	[sflag:s0] =	ssyncadd.tile.s32 @!p0 $0x1;
	_ =	shalt  }
.Lfunc_end1:
_tile_overlayer_lowered:
.L_overlay_start_2:
0x5d: {  	(tag) =	ssettag $0x2  }
0x5e: {  	s0 =	rddreg [dreg:$0x0];
	s2 =	stileid.u32  }
0x5f: {  	s1 =	rddreg [dreg:$0x1];
	p0 =	sne.s32 s2, $0x0  }
0x60: {  	s3 =	rddreg [dreg:$0x2];
	[bflag:$0x3] =	sbarrier.arrive $0xFFFF;
	s2 =	simm.s32 @!p0 $0x1C01  }
0x61: {  	[timem:s3], [sflag:s2] =	dma.local @!p0 [hbm:s0], s1  }
0x62: {  	s0 =	simm.s32 @!p0 $0x1  }
0x63: {  	_ =	swait.ge @!p0 [sflag:s0], s1  }
0x64: {  	s1 =	ssub.s32 @!p0 $0x0, s1;
	[sflag:s0] =	ssyncset.done @!p0 $0x0  }
0x65: {  	[sflag:s0] =	ssyncadd.s32 @!p0 s1  }
0x66: {  	[bflag:$0x3] =	sbarrier.arrive $0xFFFF  }
0x67: {  	_ =	shalt  }

</sc_bundles>
